<compile_context>
chip_gen: v7x
topology: tpu7x:2x2x1
jax: 0.10.2.dev20260603
libtpu: 0.0.44.dev20260713+nightly
codegen_flags: <defaults>
</compile_context>

<pallas_src>
import functools

import jax
import jax.numpy as jnp
from jax import lax
from jax.experimental import pallas as pl
from jax.experimental.pallas import tpu as pltpu
from jax.experimental.pallas import tpu_sc as plsc

CLS = 1000
CBINS = 1024
FEAT = 64
N = 1_000_000

NC, NS, L = 2, 16, 16
NW = NC * NS

Q = 31_264
QL = N - (NW - 1) * Q

BLK = 320
NBLK = N // BLK
GPB = BLK // L
NSLOT = 2 * ((NBLK + 2 * NW - 1) // (2 * NW))
PAIRS = NSLOT // 2

_mesh = plsc.VectorSubcoreMesh(core_axis_name="c", subcore_axis_name="s")
_params = pltpu.CompilerParams(needs_layout_passes=False)


@functools.partial(
    pl.kernel,
    out_type=jax.ShapeDtypeStruct((NW, CBINS), jnp.float32),
    mesh=_mesh,
    scratch_types=[
        pltpu.VMEM((Q,), jnp.float32),
        pltpu.VMEM((L * CBINS,), jnp.float32),
        pltpu.VMEM((CBINS,), jnp.float32),
    ],
    compiler_params=_params,
)
def _hist_kernel(lbl_hbm, out_hbm, lbl_v, h_v, cnt_v):
    c = lax.axis_index("c")
    s = lax.axis_index("s")
    wid = s * NC + c

    zeros = jnp.zeros((L,), jnp.float32)

    def zero_body(j, _):
        h_v[pl.ds(j * L, L)] = zeros
        return 0

    lax.fori_loop(0, (L * CBINS) // L, zero_body, 0)

    @pl.when(wid < NW - 1)
    def _():
        pltpu.sync_copy(lbl_hbm.at[pl.ds(wid * Q, Q)], lbl_v)

    @pl.when(wid == NW - 1)
    def _():
        pltpu.sync_copy(lbl_hbm.at[pl.ds((NW - 1) * Q, QL)],
                        lbl_v.at[pl.ds(0, QL)])

    rows = lax.iota(jnp.int32, L) * CBINS
    ones = jnp.ones((L,), jnp.float32)
    ng = jnp.where(wid < NW - 1, Q // L, QL // L)

    def scat_body(g, _):
        lv = lbl_v[pl.ds(g * L, L)].astype(jnp.int32)
        plsc.addupdate_scatter(h_v, [rows + lv], ones)
        return 0

    lax.fori_loop(0, ng, scat_body, 0)

    def red_body(j, _):
        acc = h_v[pl.ds(j * L, L)]
        for r in range(1, L):
            acc = acc + h_v[pl.ds(r * CBINS + j * L, L)]
        cnt_v[pl.ds(j * L, L)] = acc
        return 0

    lax.fori_loop(0, CBINS // L, red_body, 0)
    pltpu.sync_copy(cnt_v, out_hbm.at[wid])


@functools.partial(
    pl.kernel,
    out_type=jax.ShapeDtypeStruct((NW, L), jnp.float32),
    mesh=_mesh,
    scratch_types=[
        pltpu.VMEM((CLS * FEAT,), jnp.float32),
        pltpu.VMEM((8 * CBINS,), jnp.float32),
        pltpu.VMEM((CBINS,), jnp.float32),
        pltpu.VMEM((BLK * FEAT,), jnp.float32),
        pltpu.VMEM((BLK * FEAT,), jnp.float32),
        pltpu.VMEM((BLK,), jnp.float32),
        pltpu.VMEM((BLK,), jnp.float32),
        pltpu.VMEM((L,), jnp.float32),
        pltpu.VMEM((L * FEAT,), jnp.int32),
        pltpu.SemaphoreType.DMA,
        pltpu.SemaphoreType.DMA,
    ],
    compiler_params=_params,
)
def _loss_kernel(data_hbm, lbl_hbm, cen_hbm, cnt_hbm, out_hbm,
                 cen_v, c8_v, cnt_v, dat0_v, dat1_v, lb0_v, lb1_v, res_v,
                 tbl_v, sem0, sem1):
    c = lax.axis_index("c")
    s = lax.axis_index("s")
    wid = s * NC + c

    pltpu.sync_copy(cen_hbm, cen_v)

    for chunk in range(NW // 8):
        pltpu.sync_copy(cnt_hbm.at[pl.ds(chunk * 8 * CBINS, 8 * CBINS)], c8_v)

        def comb_body(j, _, first=(chunk == 0)):
            acc = c8_v[pl.ds(j * L, L)]
            for w in range(1, 8):
                acc = acc + c8_v[pl.ds(w * CBINS + j * L, L)]
            if first:
                cnt_v[pl.ds(j * L, L)] = acc
            else:
                cnt_v[pl.ds(j * L, L)] = cnt_v[pl.ds(j * L, L)] + acc
            return 0

        lax.fori_loop(0, CBINS // L, comb_body, 0)

    siota = lax.iota(jnp.int32, L)
    riota = siota * FEAT
    for f in range(FEAT):
        tbl_v[pl.ds(f * L, L)] = riota + ((siota + f) & (FEAT - 1))
    half = jnp.float32(0.5)
    three_half = jnp.float32(1.5)
    nblk = jnp.int32(NBLK)

    bufs = ((dat0_v, lb0_v, sem0), (dat1_v, lb1_v, sem1))

    def dma_start(slot, buf):
        dat_v, lb_v, sem = bufs[buf]
        b = jnp.minimum(wid + slot * NW, nblk - 1)
        row0 = b * BLK
        pltpu.async_copy(data_hbm.at[pl.ds(row0 * FEAT, BLK * FEAT)],
                         dat_v, sem)
        pltpu.async_copy(lbl_hbm.at[pl.ds(row0, BLK)], lb_v, sem)

    def dma_wait(buf):
        dat_v, lb_v, sem = bufs[buf]
        pltpu.make_async_copy(data_hbm.at[pl.ds(0, BLK * FEAT)], dat_v,
                              sem).wait()
        pltpu.make_async_copy(lbl_hbm.at[pl.ds(0, BLK)], lb_v, sem).wait()

    def compute(slot, buf, lsum):
        dat_v, lb_v, _ = bufs[buf]
        valid = (wid + slot * NW) < nblk

        def grp_body(g, ls):
            lva = lb_v[pl.ds((2 * g) * L, L)].astype(jnp.int32)
            lvb = lb_v[pl.ds((2 * g + 1) * L, L)].astype(jnp.int32)
            lva = jnp.minimum(jnp.maximum(lva, 0), CLS - 1)
            lvb = jnp.minimum(jnp.maximum(lvb, 0), CLS - 1)
            cwa = plsc.load_gather(cnt_v, [lva])
            cwb = plsc.load_gather(cnt_v, [lvb])
            cda = (lva * FEAT) - riota
            cdb = (lvb * FEAT) - riota
            dat_a = dat_v.at[pl.ds((2 * g) * (L * FEAT), L * FEAT)]
            dat_b = dat_v.at[pl.ds((2 * g + 1) * (L * FEAT), L * FEAT)]
            acca = jnp.zeros((L,), jnp.float32)
            accb = jnp.zeros((L,), jnp.float32)

            def feat_chunk(q, accs):
                a, b = accs
                for fi in range(16):
                    dix = tbl_v[pl.ds(q * (16 * L) + fi * L, L)]
                    dva = plsc.load_gather(dat_a, [dix])
                    cva = plsc.load_gather(cen_v, [dix + cda])
                    ta = dva - cva
                    a = a + ta * ta
                    dvb = plsc.load_gather(dat_b, [dix])
                    cvb = plsc.load_gather(cen_v, [dix + cdb])
                    tb = dvb - cvb
                    b = b + tb * tb
                return (a, b)

            acca, accb = lax.fori_loop(0, FEAT // 16, feat_chunk,
                                       (acca, accb))

            def finish(acc, cw):
                x = jnp.maximum(acc, jnp.float32(1e-30))
                i = plsc.bitcast(x, jnp.int32)
                i = jnp.int32(0x5F3759DF) - lax.shift_right_logical(i, 1)
                y = plsc.bitcast(i, jnp.float32)
                for _ in range(3):
                    y = y * (three_half - half * x * y * y)
                dist = jnp.where(acc > 0.0, x * y, jnp.float32(0.0))
                return jnp.where(valid, dist / cw, jnp.float32(0.0))

            return ls + finish(acca, cwa) + finish(accb, cwb)

        return lax.fori_loop(0, GPB // 2, grp_body, lsum)

    dma_start(jnp.int32(0), 0)

    def pair_body(p, lsum):
        s0 = 2 * p
        dma_start(s0 + 1, 1)
        dma_wait(0)
        lsum = compute(s0, 0, lsum)
        dma_start(s0 + 2, 0)
        dma_wait(1)
        lsum = compute(s0 + 1, 1, lsum)
        return lsum

    lsum = lax.fori_loop(0, PAIRS, pair_body,
                         jnp.zeros((L,), jnp.float32))
    dma_wait(0)
    res_v[...] = lsum
    pltpu.sync_copy(res_v, out_hbm.at[wid])


def kernel(data, label, center):
    counts = _hist_kernel(label)
    parts = _loss_kernel(data.reshape(-1), label, center.reshape(-1),
                         counts.reshape(-1))
    return jnp.sum(parts)

# --- scband reference (transcript-rebuilt; emitter-appended) ---
"""Pipeline reference for scband-my-center-loss-31550829756575 (READ-ONLY COPY).

The authoritative reference and input builder live on the scoring server;
editing this copy changes nothing except your own understanding.
"""

import jax, jax.numpy as jnp
import numpy as np

CLS_NUM = 1000
FEAT = 64
N = 1000000


def setup_inputs(seed: int = 0) -> dict:
    key = jax.random.key(seed)
    k1, k2, k3 = jax.random.split(key, 3)
    data = jax.random.normal(k1, (N, FEAT), dtype=jnp.float32)
    # torch.histc requires float labels; values are integers in [0, CLS_NUM)
    label = jax.random.randint(k2, (N,), 0, CLS_NUM).astype(jnp.float32)
    # nn.Parameter(torch.randn(cls_num, feature_num))
    center = jax.random.normal(k3, (CLS_NUM, FEAT), dtype=jnp.float32)
    return {"data": data, "label": label, "center": center}


def reference(data, label, center):
    idx = label.astype(jnp.int32)
    # center_exp = torch.index_select(center, 0, label.long())
    center_exp = jnp.take(center, idx, axis=0)
    # count = torch.histc(label, bins=cls_num, min=0, max=cls_num-1)
    # integer labels in [0, cls_num) map exactly to bincount
    count = jnp.bincount(idx, length=CLS_NUM).astype(jnp.float32)
    # count_exp = torch.index_select(count, 0, label.long())
    count_exp = jnp.take(count, idx, axis=0)
    # sum( sqrt(sum((data - center_exp)^2, dim=1)) / count_exp )
    dist = jnp.sqrt(jnp.sum(jnp.power(data - center_exp, 2), axis=1))
    loss = jnp.sum(dist / count_exp)
    return loss

if __name__ == "__main__":
    import jax
    _d = setup_inputs()
    print(jax.jit(kernel)(*tuple(_d.values())))

</pallas_src>

<mosaic_0001>
#map = affine_map<(d0, d1) -> (0)>
#map1 = affine_map<(d0, d1) -> (0, 0)>
module attributes {stable_mosaic.version = 14 : i64} {
  func.func @_loss_kernel(%arg0: i32, %arg1: i32, %arg2: memref<64000000xf32, #tpu.memory_space<hbm>>, %arg3: memref<1000000xf32, #tpu.memory_space<hbm>>, %arg4: memref<64000xf32, #tpu.memory_space<hbm>>, %arg5: memref<32768xf32, #tpu.memory_space<hbm>>, %arg6: memref<32x16xf32, #tpu.memory_space<hbm>>, %arg7: memref<64000xf32, #tpu.memory_space<vmem>>, %arg8: memref<8192xf32, #tpu.memory_space<vmem>>, %arg9: memref<1024xf32, #tpu.memory_space<vmem>>, %arg10: memref<20480xf32, #tpu.memory_space<vmem>>, %arg11: memref<20480xf32, #tpu.memory_space<vmem>>, %arg12: memref<320xf32, #tpu.memory_space<vmem>>, %arg13: memref<320xf32, #tpu.memory_space<vmem>>, %arg14: memref<16xf32, #tpu.memory_space<vmem>>, %arg15: memref<1024xi32, #tpu.memory_space<vmem>>, %arg16: memref<!tpu.dma_semaphore, #tpu.memory_space<semaphore_mem>>, %arg17: memref<!tpu.dma_semaphore, #tpu.memory_space<semaphore_mem>>) attributes {dimension_semantics = [#tpu.dimension_semantics<core_parallel>, #tpu.dimension_semantics<subcore_parallel>], iteration_bounds = array<i64: 2, 16>, scalar_prefetch = 0 : i64, scratch_operands = 11 : i64, tpu.core_type = #tpu.core_type<sc_vector_subcore>, window_params = [{transform_indices = #map}, {transform_indices = #map}, {transform_indices = #map}, {transform_indices = #map}, {transform_indices = #map1}]} {
    %mul3A = arith.constant 2 : i32
    %mul3A_0 = arith.muli %arg1, %mul3A : i32
    %add3A = arith.addi %mul3A_0, %arg0 : i32
    "tpu.region"() ({
      %run_scoped3A = tpu.sem_alloc : memref<!tpu.dma_semaphore, #tpu.memory_space<semaphore_mem>>
      tpu.enqueue_dma source(%arg4 : memref<64000xf32, #tpu.memory_space<hbm>>) target(%arg7 : memref<64000xf32, #tpu.memory_space<vmem>>) target_semaphore(%run_scoped3A : memref<!tpu.dma_semaphore, #tpu.memory_space<semaphore_mem>>)
      tpu.wait_dma2 semaphore(%run_scoped3A : memref<!tpu.dma_semaphore, #tpu.memory_space<semaphore_mem>>) src(%arg4 : memref<64000xf32, #tpu.memory_space<hbm>>) dst(%arg7 : memref<64000xf32, #tpu.memory_space<vmem>>)
      tpu.yield
    }) : () -> ()
    "tpu.region"() ({
      %run_scoped3A = tpu.sem_alloc : memref<!tpu.dma_semaphore, #tpu.memory_space<semaphore_mem>>
      %dma_start3A_637 = arith.constant 0 : i32
      %dma_start3A_638 = tpu.memref_slice %arg5[%dma_start3A_637] : memref<32768xf32, #tpu.memory_space<hbm>> -> memref<8192xf32, #tpu.memory_space<hbm>>
      %dma_start3A_639 = arith.constant 0 : i32
      %dma_start3A_640 = tpu.memref_slice %arg5[%dma_start3A_639] : memref<32768xf32, #tpu.memory_space<hbm>> -> memref<8192xf32, #tpu.memory_space<hbm>>
      tpu.enqueue_dma source(%dma_start3A_640 : memref<8192xf32, #tpu.memory_space<hbm>>) target(%arg8 : memref<8192xf32, #tpu.memory_space<vmem>>) target_semaphore(%run_scoped3A : memref<!tpu.dma_semaphore, #tpu.memory_space<semaphore_mem>>)
      %dma_wait3A_641 = arith.constant 0 : i32
      %dma_wait3A_642 = tpu.memref_slice %arg5[%dma_wait3A_641] : memref<32768xf32, #tpu.memory_space<hbm>> -> memref<8192xf32, #tpu.memory_space<hbm>>
      %dma_wait3A_643 = arith.constant 0 : i32
      %dma_wait3A_644 = tpu.memref_slice %arg5[%dma_wait3A_643] : memref<32768xf32, #tpu.memory_space<hbm>> -> memref<8192xf32, #tpu.memory_space<hbm>>
      tpu.wait_dma2 semaphore(%run_scoped3A : memref<!tpu.dma_semaphore, #tpu.memory_space<semaphore_mem>>) src(%dma_wait3A_644 : memref<8192xf32, #tpu.memory_space<hbm>>) dst(%arg8 : memref<8192xf32, #tpu.memory_space<vmem>>)
      tpu.yield
    }) : () -> ()
    %scan3A = arith.constant 0 : i32
    %scan3A_1 = arith.constant 0 : i32
    %scan3A_2 = arith.constant 64 : i32
    %scan3A_3 = arith.addi %scan3A_1, %scan3A_2 : i32
    %scan3A_4 = arith.constant 1 : i32
    %scan3A_5 = scf.for %scan3A_637 = %scan3A_1 to %scan3A_3 step %scan3A_4 iter_args(%scan3A_638 = %scan3A) -> (i32)  : i32 {
      %mul3A_639 = arith.constant 16 : i32
      %mul3A_640 = arith.muli %scan3A_637, %mul3A_639 : i32
      %get3A = arith.index_cast %mul3A_640 : i32 to index
      %get3A_641 = tpu.vector_load %arg8[%get3A] {strides = array<i32>} : memref<8192xf32, #tpu.memory_space<vmem>>, vector<16xf32>,
      %mul3A_642 = arith.constant 16 : i32
      %mul3A_643 = arith.muli %scan3A_637, %mul3A_642 : i32
      %add3A_644 = arith.constant 1024 : i32
      %add3A_645 = arith.addi %add3A_644, %mul3A_643 : i32
      %get3A_646 = arith.index_cast %add3A_645 : i32 to index
      %get3A_647 = tpu.vector_load %arg8[%get3A_646] {strides = array<i32>} : memref<8192xf32, #tpu.memory_space<vmem>>, vector<16xf32>,
      %add3A_648 = arith.addf %get3A_641, %get3A_647 : vector<16xf32>
      %mul3A_649 = arith.constant 16 : i32
      %mul3A_650 = arith.muli %scan3A_637, %mul3A_649 : i32
      %add3A_651 = arith.constant 2048 : i32
      %add3A_652 = arith.addi %add3A_651, %mul3A_650 : i32
      %get3A_653 = arith.index_cast %add3A_652 : i32 to index
      %get3A_654 = tpu.vector_load %arg8[%get3A_653] {strides = array<i32>} : memref<8192xf32, #tpu.memory_space<vmem>>, vector<16xf32>,
      %add3A_655 = arith.addf %add3A_648, %get3A_654 : vector<16xf32>
      %mul3A_656 = arith.constant 16 : i32
      %mul3A_657 = arith.muli %scan3A_637, %mul3A_656 : i32
      %add3A_658 = arith.constant 3072 : i32
      %add3A_659 = arith.addi %add3A_658, %mul3A_657 : i32
      %get3A_660 = arith.index_cast %add3A_659 : i32 to index
      %get3A_661 = tpu.vector_load %arg8[%get3A_660] {strides = array<i32>} : memref<8192xf32, #tpu.memory_space<vmem>>, vector<16xf32>,
      %add3A_662 = arith.addf %add3A_655, %get3A_661 : vector<16xf32>
      %mul3A_663 = arith.constant 16 : i32
      %mul3A_664 = arith.muli %scan3A_637, %mul3A_663 : i32
      %add3A_665 = arith.constant 4096 : i32
      %add3A_666 = arith.addi %add3A_665, %mul3A_664 : i32
      %get3A_667 = arith.index_cast %add3A_666 : i32 to index
      %get3A_668 = tpu.vector_load %arg8[%get3A_667] {strides = array<i32>} : memref<8192xf32, #tpu.memory_space<vmem>>, vector<16xf32>,
      %add3A_669 = arith.addf %add3A_662, %get3A_668 : vector<16xf32>
      %mul3A_670 = arith.constant 16 : i32
      %mul3A_671 = arith.muli %scan3A_637, %mul3A_670 : i32
      %add3A_672 = arith.constant 5120 : i32
      %add3A_673 = arith.addi %add3A_672, %mul3A_671 : i32
      %get3A_674 = arith.index_cast %add3A_673 : i32 to index
      %get3A_675 = tpu.vector_load %arg8[%get3A_674] {strides = array<i32>} : memref<8192xf32, #tpu.memory_space<vmem>>, vector<16xf32>,
      %add3A_676 = arith.addf %add3A_669, %get3A_675 : vector<16xf32>
      %mul3A_677 = arith.constant 16 : i32
      %mul3A_678 = arith.muli %scan3A_637, %mul3A_677 : i32
      %add3A_679 = arith.constant 6144 : i32
      %add3A_680 = arith.addi %add3A_679, %mul3A_678 : i32
      %get3A_681 = arith.index_cast %add3A_680 : i32 to index
      %get3A_682 = tpu.vector_load %arg8[%get3A_681] {strides = array<i32>} : memref<8192xf32, #tpu.memory_space<vmem>>, vector<16xf32>,
      %add3A_683 = arith.addf %add3A_676, %get3A_682 : vector<16xf32>
      %mul3A_684 = arith.constant 16 : i32
      %mul3A_685 = arith.muli %scan3A_637, %mul3A_684 : i32
      %add3A_686 = arith.constant 7168 : i32
      %add3A_687 = arith.addi %add3A_686, %mul3A_685 : i32
      %get3A_688 = arith.index_cast %add3A_687 : i32 to index
      %get3A_689 = tpu.vector_load %arg8[%get3A_688] {strides = array<i32>} : memref<8192xf32, #tpu.memory_space<vmem>>, vector<16xf32>,
      %add3A_690 = arith.addf %add3A_683, %get3A_689 : vector<16xf32>
      %mul3A_691 = arith.constant 16 : i32
      %mul3A_692 = arith.muli %scan3A_637, %mul3A_691 : i32
      %swap3A_693 = arith.index_cast %mul3A_692 : i32 to index
      %swap3A_694 = tpu.vector_load %arg9[%swap3A_693] {strides = array<i32>} : memref<1024xf32, #tpu.memory_space<vmem>>, vector<16xf32>,
      tpu.vector_store %arg9[%swap3A_693], %add3A_690 {strides = array<i32>} : memref<1024xf32, #tpu.memory_space<vmem>>, vector<16xf32>,
      %scan3A_695 = arith.constant 0 : i32
      scf.yield %scan3A_695 : i32
    }
    %scan3A_6 = arith.constant 64 : i32
    "tpu.region"() ({
      %run_scoped3A = tpu.sem_alloc : memref<!tpu.dma_semaphore, #tpu.memory_space<semaphore_mem>>
      %dma_start3A_637 = arith.constant 8192 : i32
      %dma_start3A_638 = tpu.memref_slice %arg5[%dma_start3A_637] : memref<32768xf32, #tpu.memory_space<hbm>> -> memref<8192xf32, #tpu.memory_space<hbm>>
      %dma_start3A_639 = arith.constant 8192 : i32
      %dma_start3A_640 = tpu.memref_slice %arg5[%dma_start3A_639] : memref<32768xf32, #tpu.memory_space<hbm>> -> memref<8192xf32, #tpu.memory_space<hbm>>
      tpu.enqueue_dma source(%dma_start3A_640 : memref<8192xf32, #tpu.memory_space<hbm>>) target(%arg8 : memref<8192xf32, #tpu.memory_space<vmem>>) target_semaphore(%run_scoped3A : memref<!tpu.dma_semaphore, #tpu.memory_space<semaphore_mem>>)
      %dma_wait3A_641 = arith.constant 8192 : i32
      %dma_wait3A_642 = tpu.memref_slice %arg5[%dma_wait3A_641] : memref<32768xf32, #tpu.memory_space<hbm>> -> memref<8192xf32, #tpu.memory_space<hbm>>
      %dma_wait3A_643 = arith.constant 8192 : i32
      %dma_wait3A_644 = tpu.memref_slice %arg5[%dma_wait3A_643] : memref<32768xf32, #tpu.memory_space<hbm>> -> memref<8192xf32, #tpu.memory_space<hbm>>
      tpu.wait_dma2 semaphore(%run_scoped3A : memref<!tpu.dma_semaphore, #tpu.memory_space<semaphore_mem>>) src(%dma_wait3A_644 : memref<8192xf32, #tpu.memory_space<hbm>>) dst(%arg8 : memref<8192xf32, #tpu.memory_space<vmem>>)
      tpu.yield
    }) : () -> ()
    %scan3A_7 = arith.constant 0 : i32
    %scan3A_8 = arith.constant 0 : i32
    %scan3A_9 = arith.constant 64 : i32
    %scan3A_10 = arith.addi %scan3A_8, %scan3A_9 : i32
    %scan3A_11 = arith.constant 1 : i32
    %scan3A_12 = scf.for %scan3A_637 = %scan3A_8 to %scan3A_10 step %scan3A_11 iter_args(%scan3A_638 = %scan3A_7) -> (i32)  : i32 {
      %mul3A_639 = arith.constant 16 : i32
      %mul3A_640 = arith.muli %scan3A_637, %mul3A_639 : i32
      %get3A = arith.index_cast %mul3A_640 : i32 to index
      %get3A_641 = tpu.vector_load %arg8[%get3A] {strides = array<i32>} : memref<8192xf32, #tpu.memory_space<vmem>>, vector<16xf32>,
      %mul3A_642 = arith.constant 16 : i32
      %mul3A_643 = arith.muli %scan3A_637, %mul3A_642 : i32
      %add3A_644 = arith.constant 1024 : i32
      %add3A_645 = arith.addi %add3A_644, %mul3A_643 : i32
      %get3A_646 = arith.index_cast %add3A_645 : i32 to index
      %get3A_647 = tpu.vector_load %arg8[%get3A_646] {strides = array<i32>} : memref<8192xf32, #tpu.memory_space<vmem>>, vector<16xf32>,
      %add3A_648 = arith.addf %get3A_641, %get3A_647 : vector<16xf32>
      %mul3A_649 = arith.constant 16 : i32
      %mul3A_650 = arith.muli %scan3A_637, %mul3A_649 : i32
      %add3A_651 = arith.constant 2048 : i32
      %add3A_652 = arith.addi %add3A_651, %mul3A_650 : i32
      %get3A_653 = arith.index_cast %add3A_652 : i32 to index
      %get3A_654 = tpu.vector_load %arg8[%get3A_653] {strides = array<i32>} : memref<8192xf32, #tpu.memory_space<vmem>>, vector<16xf32>,
      %add3A_655 = arith.addf %add3A_648, %get3A_654 : vector<16xf32>
      %mul3A_656 = arith.constant 16 : i32
      %mul3A_657 = arith.muli %scan3A_637, %mul3A_656 : i32
      %add3A_658 = arith.constant 3072 : i32
      %add3A_659 = arith.addi %add3A_658, %mul3A_657 : i32
      %get3A_660 = arith.index_cast %add3A_659 : i32 to index
      %get3A_661 = tpu.vector_load %arg8[%get3A_660] {strides = array<i32>} : memref<8192xf32, #tpu.memory_space<vmem>>, vector<16xf32>,
      %add3A_662 = arith.addf %add3A_655, %get3A_661 : vector<16xf32>
      %mul3A_663 = arith.constant 16 : i32
      %mul3A_664 = arith.muli %scan3A_637, %mul3A_663 : i32
      %add3A_665 = arith.constant 4096 : i32
      %add3A_666 = arith.addi %add3A_665, %mul3A_664 : i32
      %get3A_667 = arith.index_cast %add3A_666 : i32 to index
      %get3A_668 = tpu.vector_load %arg8[%get3A_667] {strides = array<i32>} : memref<8192xf32, #tpu.memory_space<vmem>>, vector<16xf32>,
      %add3A_669 = arith.addf %add3A_662, %get3A_668 : vector<16xf32>
      %mul3A_670 = arith.constant 16 : i32
      %mul3A_671 = arith.muli %scan3A_637, %mul3A_670 : i32
      %add3A_672 = arith.constant 5120 : i32
      %add3A_673 = arith.addi %add3A_672, %mul3A_671 : i32
      %get3A_674 = arith.index_cast %add3A_673 : i32 to index
      %get3A_675 = tpu.vector_load %arg8[%get3A_674] {strides = array<i32>} : memref<8192xf32, #tpu.memory_space<vmem>>, vector<16xf32>,
      %add3A_676 = arith.addf %add3A_669, %get3A_675 : vector<16xf32>
      %mul3A_677 = arith.constant 16 : i32
      %mul3A_678 = arith.muli %scan3A_637, %mul3A_677 : i32
      %add3A_679 = arith.constant 6144 : i32
      %add3A_680 = arith.addi %add3A_679, %mul3A_678 : i32
      %get3A_681 = arith.index_cast %add3A_680 : i32 to index
      %get3A_682 = tpu.vector_load %arg8[%get3A_681] {strides = array<i32>} : memref<8192xf32, #tpu.memory_space<vmem>>, vector<16xf32>,
      %add3A_683 = arith.addf %add3A_676, %get3A_682 : vector<16xf32>
      %mul3A_684 = arith.constant 16 : i32
      %mul3A_685 = arith.muli %scan3A_637, %mul3A_684 : i32
      %add3A_686 = arith.constant 7168 : i32
      %add3A_687 = arith.addi %add3A_686, %mul3A_685 : i32
      %get3A_688 = arith.index_cast %add3A_687 : i32 to index
      %get3A_689 = tpu.vector_load %arg8[%get3A_688] {strides = array<i32>} : memref<8192xf32, #tpu.memory_space<vmem>>, vector<16xf32>,
      %add3A_690 = arith.addf %add3A_683, %get3A_689 : vector<16xf32>
      %mul3A_691 = arith.constant 16 : i32
      %mul3A_692 = arith.muli %scan3A_637, %mul3A_691 : i32
      %get3A_693 = arith.index_cast %mul3A_692 : i32 to index
      %get3A_694 = tpu.vector_load %arg9[%get3A_693] {strides = array<i32>} : memref<1024xf32, #tpu.memory_space<vmem>>, vector<16xf32>,
      %add3A_695 = arith.addf %get3A_694, %add3A_690 : vector<16xf32>
      %mul3A_696 = arith.constant 16 : i32
      %mul3A_697 = arith.muli %scan3A_637, %mul3A_696 : i32
      %swap3A_698 = arith.index_cast %mul3A_697 : i32 to index
      %swap3A_699 = tpu.vector_load %arg9[%swap3A_698] {strides = array<i32>} : memref<1024xf32, #tpu.memory_space<vmem>>, vector<16xf32>,
      tpu.vector_store %arg9[%swap3A_698], %add3A_695 {strides = array<i32>} : memref<1024xf32, #tpu.memory_space<vmem>>, vector<16xf32>,
      %scan3A_700 = arith.constant 0 : i32
      scf.yield %scan3A_700 : i32
    }
    %scan3A_13 = arith.constant 64 : i32
    "tpu.region"() ({
      %run_scoped3A = tpu.sem_alloc : memref<!tpu.dma_semaphore, #tpu.memory_space<semaphore_mem>>
      %dma_start3A_637 = arith.constant 16384 : i32
      %dma_start3A_638 = tpu.memref_slice %arg5[%dma_start3A_637] : memref<32768xf32, #tpu.memory_space<hbm>> -> memref<8192xf32, #tpu.memory_space<hbm>>
      %dma_start3A_639 = arith.constant 16384 : i32
      %dma_start3A_640 = tpu.memref_slice %arg5[%dma_start3A_639] : memref<32768xf32, #tpu.memory_space<hbm>> -> memref<8192xf32, #tpu.memory_space<hbm>>
      tpu.enqueue_dma source(%dma_start3A_640 : memref<8192xf32, #tpu.memory_space<hbm>>) target(%arg8 : memref<8192xf32, #tpu.memory_space<vmem>>) target_semaphore(%run_scoped3A : memref<!tpu.dma_semaphore, #tpu.memory_space<semaphore_mem>>)
      %dma_wait3A_641 = arith.constant 16384 : i32
      %dma_wait3A_642 = tpu.memref_slice %arg5[%dma_wait3A_641] : memref<32768xf32, #tpu.memory_space<hbm>> -> memref<8192xf32, #tpu.memory_space<hbm>>
      %dma_wait3A_643 = arith.constant 16384 : i32
      %dma_wait3A_644 = tpu.memref_slice %arg5[%dma_wait3A_643] : memref<32768xf32, #tpu.memory_space<hbm>> -> memref<8192xf32, #tpu.memory_space<hbm>>
      tpu.wait_dma2 semaphore(%run_scoped3A : memref<!tpu.dma_semaphore, #tpu.memory_space<semaphore_mem>>) src(%dma_wait3A_644 : memref<8192xf32, #tpu.memory_space<hbm>>) dst(%arg8 : memref<8192xf32, #tpu.memory_space<vmem>>)
      tpu.yield
    }) : () -> ()
    %scan3A_14 = arith.constant 0 : i32
    %scan3A_15 = arith.constant 0 : i32
    %scan3A_16 = arith.constant 64 : i32
    %scan3A_17 = arith.addi %scan3A_15, %scan3A_16 : i32
    %scan3A_18 = arith.constant 1 : i32
    %scan3A_19 = scf.for %scan3A_637 = %scan3A_15 to %scan3A_17 step %scan3A_18 iter_args(%scan3A_638 = %scan3A_14) -> (i32)  : i32 {
      %mul3A_639 = arith.constant 16 : i32
      %mul3A_640 = arith.muli %scan3A_637, %mul3A_639 : i32
      %get3A = arith.index_cast %mul3A_640 : i32 to index
      %get3A_641 = tpu.vector_load %arg8[%get3A] {strides = array<i32>} : memref<8192xf32, #tpu.memory_space<vmem>>, vector<16xf32>,
      %mul3A_642 = arith.constant 16 : i32
      %mul3A_643 = arith.muli %scan3A_637, %mul3A_642 : i32
      %add3A_644 = arith.constant 1024 : i32
      %add3A_645 = arith.addi %add3A_644, %mul3A_643 : i32
      %get3A_646 = arith.index_cast %add3A_645 : i32 to index
      %get3A_647 = tpu.vector_load %arg8[%get3A_646] {strides = array<i32>} : memref<8192xf32, #tpu.memory_space<vmem>>, vector<16xf32>,
      %add3A_648 = arith.addf %get3A_641, %get3A_647 : vector<16xf32>
      %mul3A_649 = arith.constant 16 : i32
      %mul3A_650 = arith.muli %scan3A_637, %mul3A_649 : i32
      %add3A_651 = arith.constant 2048 : i32
      %add3A_652 = arith.addi %add3A_651, %mul3A_650 : i32
      %get3A_653 = arith.index_cast %add3A_652 : i32 to index
      %get3A_654 = tpu.vector_load %arg8[%get3A_653] {strides = array<i32>} : memref<8192xf32, #tpu.memory_space<vmem>>, vector<16xf32>,
      %add3A_655 = arith.addf %add3A_648, %get3A_654 : vector<16xf32>
      %mul3A_656 = arith.constant 16 : i32
      %mul3A_657 = arith.muli %scan3A_637, %mul3A_656 : i32
      %add3A_658 = arith.constant 3072 : i32
      %add3A_659 = arith.addi %add3A_658, %mul3A_657 : i32
      %get3A_660 = arith.index_cast %add3A_659 : i32 to index
      %get3A_661 = tpu.vector_load %arg8[%get3A_660] {strides = array<i32>} : memref<8192xf32, #tpu.memory_space<vmem>>, vector<16xf32>,
      %add3A_662 = arith.addf %add3A_655, %get3A_661 : vector<16xf32>
      %mul3A_663 = arith.constant 16 : i32
      %mul3A_664 = arith.muli %scan3A_637, %mul3A_663 : i32
      %add3A_665 = arith.constant 4096 : i32
      %add3A_666 = arith.addi %add3A_665, %mul3A_664 : i32
      %get3A_667 = arith.index_cast %add3A_666 : i32 to index
      %get3A_668 = tpu.vector_load %arg8[%get3A_667] {strides = array<i32>} : memref<8192xf32, #tpu.memory_space<vmem>>, vector<16xf32>,
      %add3A_669 = arith.addf %add3A_662, %get3A_668 : vector<16xf32>
      %mul3A_670 = arith.constant 16 : i32
      %mul3A_671 = arith.muli %scan3A_637, %mul3A_670 : i32
      %add3A_672 = arith.constant 5120 : i32
      %add3A_673 = arith.addi %add3A_672, %mul3A_671 : i32
      %get3A_674 = arith.index_cast %add3A_673 : i32 to index
      %get3A_675 = tpu.vector_load %arg8[%get3A_674] {strides = array<i32>} : memref<8192xf32, #tpu.memory_space<vmem>>, vector<16xf32>,
      %add3A_676 = arith.addf %add3A_669, %get3A_675 : vector<16xf32>
      %mul3A_677 = arith.constant 16 : i32
      %mul3A_678 = arith.muli %scan3A_637, %mul3A_677 : i32
      %add3A_679 = arith.constant 6144 : i32
      %add3A_680 = arith.addi %add3A_679, %mul3A_678 : i32
      %get3A_681 = arith.index_cast %add3A_680 : i32 to index
      %get3A_682 = tpu.vector_load %arg8[%get3A_681] {strides = array<i32>} : memref<8192xf32, #tpu.memory_space<vmem>>, vector<16xf32>,
      %add3A_683 = arith.addf %add3A_676, %get3A_682 : vector<16xf32>
      %mul3A_684 = arith.constant 16 : i32
      %mul3A_685 = arith.muli %scan3A_637, %mul3A_684 : i32
      %add3A_686 = arith.constant 7168 : i32
      %add3A_687 = arith.addi %add3A_686, %mul3A_685 : i32
      %get3A_688 = arith.index_cast %add3A_687 : i32 to index
      %get3A_689 = tpu.vector_load %arg8[%get3A_688] {strides = array<i32>} : memref<8192xf32, #tpu.memory_space<vmem>>, vector<16xf32>,
      %add3A_690 = arith.addf %add3A_683, %get3A_689 : vector<16xf32>
      %mul3A_691 = arith.constant 16 : i32
      %mul3A_692 = arith.muli %scan3A_637, %mul3A_691 : i32
      %get3A_693 = arith.index_cast %mul3A_692 : i32 to index
      %get3A_694 = tpu.vector_load %arg9[%get3A_693] {strides = array<i32>} : memref<1024xf32, #tpu.memory_space<vmem>>, vector<16xf32>,
      %add3A_695 = arith.addf %get3A_694, %add3A_690 : vector<16xf32>
      %mul3A_696 = arith.constant 16 : i32
      %mul3A_697 = arith.muli %scan3A_637, %mul3A_696 : i32
      %swap3A_698 = arith.index_cast %mul3A_697 : i32 to index
      %swap3A_699 = tpu.vector_load %arg9[%swap3A_698] {strides = array<i32>} : memref<1024xf32, #tpu.memory_space<vmem>>, vector<16xf32>,
      tpu.vector_store %arg9[%swap3A_698], %add3A_695 {strides = array<i32>} : memref<1024xf32, #tpu.memory_space<vmem>>, vector<16xf32>,
      %scan3A_700 = arith.constant 0 : i32
      scf.yield %scan3A_700 : i32
    }
    %scan3A_20 = arith.constant 64 : i32
    "tpu.region"() ({
      %run_scoped3A = tpu.sem_alloc : memref<!tpu.dma_semaphore, #tpu.memory_space<semaphore_mem>>
      %dma_start3A_637 = arith.constant 24576 : i32
      %dma_start3A_638 = tpu.memref_slice %arg5[%dma_start3A_637] : memref<32768xf32, #tpu.memory_space<hbm>> -> memref<8192xf32, #tpu.memory_space<hbm>>
      %dma_start3A_639 = arith.constant 24576 : i32
      %dma_start3A_640 = tpu.memref_slice %arg5[%dma_start3A_639] : memref<32768xf32, #tpu.memory_space<hbm>> -> memref<8192xf32, #tpu.memory_space<hbm>>
      tpu.enqueue_dma source(%dma_start3A_640 : memref<8192xf32, #tpu.memory_space<hbm>>) target(%arg8 : memref<8192xf32, #tpu.memory_space<vmem>>) target_semaphore(%run_scoped3A : memref<!tpu.dma_semaphore, #tpu.memory_space<semaphore_mem>>)
      %dma_wait3A_641 = arith.constant 24576 : i32
      %dma_wait3A_642 = tpu.memref_slice %arg5[%dma_wait3A_641] : memref<32768xf32, #tpu.memory_space<hbm>> -> memref<8192xf32, #tpu.memory_space<hbm>>
      %dma_wait3A_643 = arith.constant 24576 : i32
      %dma_wait3A_644 = tpu.memref_slice %arg5[%dma_wait3A_643] : memref<32768xf32, #tpu.memory_space<hbm>> -> memref<8192xf32, #tpu.memory_space<hbm>>
      tpu.wait_dma2 semaphore(%run_scoped3A : memref<!tpu.dma_semaphore, #tpu.memory_space<semaphore_mem>>) src(%dma_wait3A_644 : memref<8192xf32, #tpu.memory_space<hbm>>) dst(%arg8 : memref<8192xf32, #tpu.memory_space<vmem>>)
      tpu.yield
    }) : () -> ()
    %scan3A_21 = arith.constant 0 : i32
    %scan3A_22 = arith.constant 0 : i32
    %scan3A_23 = arith.constant 64 : i32
    %scan3A_24 = arith.addi %scan3A_22, %scan3A_23 : i32
    %scan3A_25 = arith.constant 1 : i32
    %scan3A_26 = scf.for %scan3A_637 = %scan3A_22 to %scan3A_24 step %scan3A_25 iter_args(%scan3A_638 = %scan3A_21) -> (i32)  : i32 {
      %mul3A_639 = arith.constant 16 : i32
      %mul3A_640 = arith.muli %scan3A_637, %mul3A_639 : i32
      %get3A = arith.index_cast %mul3A_640 : i32 to index
      %get3A_641 = tpu.vector_load %arg8[%get3A] {strides = array<i32>} : memref<8192xf32, #tpu.memory_space<vmem>>, vector<16xf32>,
      %mul3A_642 = arith.constant 16 : i32
      %mul3A_643 = arith.muli %scan3A_637, %mul3A_642 : i32
      %add3A_644 = arith.constant 1024 : i32
      %add3A_645 = arith.addi %add3A_644, %mul3A_643 : i32
      %get3A_646 = arith.index_cast %add3A_645 : i32 to index
      %get3A_647 = tpu.vector_load %arg8[%get3A_646] {strides = array<i32>} : memref<8192xf32, #tpu.memory_space<vmem>>, vector<16xf32>,
      %add3A_648 = arith.addf %get3A_641, %get3A_647 : vector<16xf32>
      %mul3A_649 = arith.constant 16 : i32
      %mul3A_650 = arith.muli %scan3A_637, %mul3A_649 : i32
      %add3A_651 = arith.constant 2048 : i32
      %add3A_652 = arith.addi %add3A_651, %mul3A_650 : i32
      %get3A_653 = arith.index_cast %add3A_652 : i32 to index
      %get3A_654 = tpu.vector_load %arg8[%get3A_653] {strides = array<i32>} : memref<8192xf32, #tpu.memory_space<vmem>>, vector<16xf32>,
      %add3A_655 = arith.addf %add3A_648, %get3A_654 : vector<16xf32>
      %mul3A_656 = arith.constant 16 : i32
      %mul3A_657 = arith.muli %scan3A_637, %mul3A_656 : i32
      %add3A_658 = arith.constant 3072 : i32
      %add3A_659 = arith.addi %add3A_658, %mul3A_657 : i32
      %get3A_660 = arith.index_cast %add3A_659 : i32 to index
      %get3A_661 = tpu.vector_load %arg8[%get3A_660] {strides = array<i32>} : memref<8192xf32, #tpu.memory_space<vmem>>, vector<16xf32>,
      %add3A_662 = arith.addf %add3A_655, %get3A_661 : vector<16xf32>
      %mul3A_663 = arith.constant 16 : i32
      %mul3A_664 = arith.muli %scan3A_637, %mul3A_663 : i32
      %add3A_665 = arith.constant 4096 : i32
      %add3A_666 = arith.addi %add3A_665, %mul3A_664 : i32
      %get3A_667 = arith.index_cast %add3A_666 : i32 to index
      %get3A_668 = tpu.vector_load %arg8[%get3A_667] {strides = array<i32>} : memref<8192xf32, #tpu.memory_space<vmem>>, vector<16xf32>,
      %add3A_669 = arith.addf %add3A_662, %get3A_668 : vector<16xf32>
      %mul3A_670 = arith.constant 16 : i32
      %mul3A_671 = arith.muli %scan3A_637, %mul3A_670 : i32
      %add3A_672 = arith.constant 5120 : i32
      %add3A_673 = arith.addi %add3A_672, %mul3A_671 : i32
      %get3A_674 = arith.index_cast %add3A_673 : i32 to index
      %get3A_675 = tpu.vector_load %arg8[%get3A_674] {strides = array<i32>} : memref<8192xf32, #tpu.memory_space<vmem>>, vector<16xf32>,
      %add3A_676 = arith.addf %add3A_669, %get3A_675 : vector<16xf32>
      %mul3A_677 = arith.constant 16 : i32
      %mul3A_678 = arith.muli %scan3A_637, %mul3A_677 : i32
      %add3A_679 = arith.constant 6144 : i32
      %add3A_680 = arith.addi %add3A_679, %mul3A_678 : i32
      %get3A_681 = arith.index_cast %add3A_680 : i32 to index
      %get3A_682 = tpu.vector_load %arg8[%get3A_681] {strides = array<i32>} : memref<8192xf32, #tpu.memory_space<vmem>>, vector<16xf32>,
      %add3A_683 = arith.addf %add3A_676, %get3A_682 : vector<16xf32>
      %mul3A_684 = arith.constant 16 : i32
      %mul3A_685 = arith.muli %scan3A_637, %mul3A_684 : i32
      %add3A_686 = arith.constant 7168 : i32
      %add3A_687 = arith.addi %add3A_686, %mul3A_685 : i32
      %get3A_688 = arith.index_cast %add3A_687 : i32 to index
      %get3A_689 = tpu.vector_load %arg8[%get3A_688] {strides = array<i32>} : memref<8192xf32, #tpu.memory_space<vmem>>, vector<16xf32>,
      %add3A_690 = arith.addf %add3A_683, %get3A_689 : vector<16xf32>
      %mul3A_691 = arith.constant 16 : i32
      %mul3A_692 = arith.muli %scan3A_637, %mul3A_691 : i32
      %get3A_693 = arith.index_cast %mul3A_692 : i32 to index
      %get3A_694 = tpu.vector_load %arg9[%get3A_693] {strides = array<i32>} : memref<1024xf32, #tpu.memory_space<vmem>>, vector<16xf32>,
      %add3A_695 = arith.addf %get3A_694, %add3A_690 : vector<16xf32>
      %mul3A_696 = arith.constant 16 : i32
      %mul3A_697 = arith.muli %scan3A_637, %mul3A_696 : i32
      %swap3A_698 = arith.index_cast %mul3A_697 : i32 to index
      %swap3A_699 = tpu.vector_load %arg9[%swap3A_698] {strides = array<i32>} : memref<1024xf32, #tpu.memory_space<vmem>>, vector<16xf32>,
      tpu.vector_store %arg9[%swap3A_698], %add3A_695 {strides = array<i32>} : memref<1024xf32, #tpu.memory_space<vmem>>, vector<16xf32>,
      %scan3A_700 = arith.constant 0 : i32
      scf.yield %scan3A_700 : i32
    }
    %scan3A_27 = arith.constant 64 : i32
    %iota3A = tpu.iota {dimensions = array<i32: 0>} : vector<16xi32>
    %mul3A_28 = arith.constant 64 : i32
    %mul3A_29 = vector.broadcast %mul3A_28 : i32 to vector<16xi32>
    %mul3A_30 = arith.muli %iota3A, %mul3A_29 : vector<16xi32>
    %add3A_31 = arith.constant 0 : i32
    %add3A_32 = vector.broadcast %add3A_31 : i32 to vector<16xi32>
    %add3A_33 = arith.addi %iota3A, %add3A_32 : vector<16xi32>
    %and3A = arith.constant 63 : i32
    %and3A_34 = vector.broadcast %and3A : i32 to vector<16xi32>
    %and3A_35 = arith.andi %add3A_33, %and3A_34 : vector<16xi32>
    %add3A_36 = arith.addi %mul3A_30, %and3A_35 : vector<16xi32>
    %swap3A = arith.constant 0 : index
    %swap3A_37 = tpu.vector_load %arg15[%swap3A] {strides = array<i32>} : memref<1024xi32, #tpu.memory_space<vmem>>, vector<16xi32>,
    tpu.vector_store %arg15[%swap3A], %add3A_36 {strides = array<i32>} : memref<1024xi32, #tpu.memory_space<vmem>>, vector<16xi32>,
    %add3A_38 = arith.constant 1 : i32
    %add3A_39 = vector.broadcast %add3A_38 : i32 to vector<16xi32>
    %add3A_40 = arith.addi %iota3A, %add3A_39 : vector<16xi32>
    %and3A_41 = arith.constant 63 : i32
    %and3A_42 = vector.broadcast %and3A_41 : i32 to vector<16xi32>
    %and3A_43 = arith.andi %add3A_40, %and3A_42 : vector<16xi32>
    %add3A_44 = arith.addi %mul3A_30, %and3A_43 : vector<16xi32>
    %swap3A_45 = arith.constant 16 : index
    %swap3A_46 = tpu.vector_load %arg15[%swap3A_45] {strides = array<i32>} : memref<1024xi32, #tpu.memory_space<vmem>>, vector<16xi32>,
    tpu.vector_store %arg15[%swap3A_45], %add3A_44 {strides = array<i32>} : memref<1024xi32, #tpu.memory_space<vmem>>, vector<16xi32>,
    %add3A_47 = arith.constant 2 : i32
    %add3A_48 = vector.broadcast %add3A_47 : i32 to vector<16xi32>
    %add3A_49 = arith.addi %iota3A, %add3A_48 : vector<16xi32>
    %and3A_50 = arith.constant 63 : i32
    %and3A_51 = vector.broadcast %and3A_50 : i32 to vector<16xi32>
    %and3A_52 = arith.andi %add3A_49, %and3A_51 : vector<16xi32>
    %add3A_53 = arith.addi %mul3A_30, %and3A_52 : vector<16xi32>
    %swap3A_54 = arith.constant 32 : index
    %swap3A_55 = tpu.vector_load %arg15[%swap3A_54] {strides = array<i32>} : memref<1024xi32, #tpu.memory_space<vmem>>, vector<16xi32>,
    tpu.vector_store %arg15[%swap3A_54], %add3A_53 {strides = array<i32>} : memref<1024xi32, #tpu.memory_space<vmem>>, vector<16xi32>,
    %add3A_56 = arith.constant 3 : i32
    %add3A_57 = vector.broadcast %add3A_56 : i32 to vector<16xi32>
    %add3A_58 = arith.addi %iota3A, %add3A_57 : vector<16xi32>
    %and3A_59 = arith.constant 63 : i32
    %and3A_60 = vector.broadcast %and3A_59 : i32 to vector<16xi32>
    %and3A_61 = arith.andi %add3A_58, %and3A_60 : vector<16xi32>
    %add3A_62 = arith.addi %mul3A_30, %and3A_61 : vector<16xi32>
    %swap3A_63 = arith.constant 48 : index
    %swap3A_64 = tpu.vector_load %arg15[%swap3A_63] {strides = array<i32>} : memref<1024xi32, #tpu.memory_space<vmem>>, vector<16xi32>,
    tpu.vector_store %arg15[%swap3A_63], %add3A_62 {strides = array<i32>} : memref<1024xi32, #tpu.memory_space<vmem>>, vector<16xi32>,
    %add3A_65 = arith.constant 4 : i32
    %add3A_66 = vector.broadcast %add3A_65 : i32 to vector<16xi32>
    %add3A_67 = arith.addi %iota3A, %add3A_66 : vector<16xi32>
    %and3A_68 = arith.constant 63 : i32
    %and3A_69 = vector.broadcast %and3A_68 : i32 to vector<16xi32>
    %and3A_70 = arith.andi %add3A_67, %and3A_69 : vector<16xi32>
    %add3A_71 = arith.addi %mul3A_30, %and3A_70 : vector<16xi32>
    %swap3A_72 = arith.constant 64 : index
    %swap3A_73 = tpu.vector_load %arg15[%swap3A_72] {strides = array<i32>} : memref<1024xi32, #tpu.memory_space<vmem>>, vector<16xi32>,
    tpu.vector_store %arg15[%swap3A_72], %add3A_71 {strides = array<i32>} : memref<1024xi32, #tpu.memory_space<vmem>>, vector<16xi32>,
    %add3A_74 = arith.constant 5 : i32
    %add3A_75 = vector.broadcast %add3A_74 : i32 to vector<16xi32>
    %add3A_76 = arith.addi %iota3A, %add3A_75 : vector<16xi32>
    %and3A_77 = arith.constant 63 : i32
    %and3A_78 = vector.broadcast %and3A_77 : i32 to vector<16xi32>
    %and3A_79 = arith.andi %add3A_76, %and3A_78 : vector<16xi32>
    %add3A_80 = arith.addi %mul3A_30, %and3A_79 : vector<16xi32>
    %swap3A_81 = arith.constant 80 : index
    %swap3A_82 = tpu.vector_load %arg15[%swap3A_81] {strides = array<i32>} : memref<1024xi32, #tpu.memory_space<vmem>>, vector<16xi32>,
    tpu.vector_store %arg15[%swap3A_81], %add3A_80 {strides = array<i32>} : memref<1024xi32, #tpu.memory_space<vmem>>, vector<16xi32>,
    %add3A_83 = arith.constant 6 : i32
    %add3A_84 = vector.broadcast %add3A_83 : i32 to vector<16xi32>
    %add3A_85 = arith.addi %iota3A, %add3A_84 : vector<16xi32>
    %and3A_86 = arith.constant 63 : i32
    %and3A_87 = vector.broadcast %and3A_86 : i32 to vector<16xi32>
    %and3A_88 = arith.andi %add3A_85, %and3A_87 : vector<16xi32>
    %add3A_89 = arith.addi %mul3A_30, %and3A_88 : vector<16xi32>
    %swap3A_90 = arith.constant 96 : index
    %swap3A_91 = tpu.vector_load %arg15[%swap3A_90] {strides = array<i32>} : memref<1024xi32, #tpu.memory_space<vmem>>, vector<16xi32>,
    tpu.vector_store %arg15[%swap3A_90], %add3A_89 {strides = array<i32>} : memref<1024xi32, #tpu.memory_space<vmem>>, vector<16xi32>,
    %add3A_92 = arith.constant 7 : i32
    %add3A_93 = vector.broadcast %add3A_92 : i32 to vector<16xi32>
    %add3A_94 = arith.addi %iota3A, %add3A_93 : vector<16xi32>
    %and3A_95 = arith.constant 63 : i32
    %and3A_96 = vector.broadcast %and3A_95 : i32 to vector<16xi32>
    %and3A_97 = arith.andi %add3A_94, %and3A_96 : vector<16xi32>
    %add3A_98 = arith.addi %mul3A_30, %and3A_97 : vector<16xi32>
    %swap3A_99 = arith.constant 112 : index
    %swap3A_100 = tpu.vector_load %arg15[%swap3A_99] {strides = array<i32>} : memref<1024xi32, #tpu.memory_space<vmem>>, vector<16xi32>,
    tpu.vector_store %arg15[%swap3A_99], %add3A_98 {strides = array<i32>} : memref<1024xi32, #tpu.memory_space<vmem>>, vector<16xi32>,
    %add3A_101 = arith.constant 8 : i32
    %add3A_102 = vector.broadcast %add3A_101 : i32 to vector<16xi32>
    %add3A_103 = arith.addi %iota3A, %add3A_102 : vector<16xi32>
    %and3A_104 = arith.constant 63 : i32
    %and3A_105 = vector.broadcast %and3A_104 : i32 to vector<16xi32>
    %and3A_106 = arith.andi %add3A_103, %and3A_105 : vector<16xi32>
    %add3A_107 = arith.addi %mul3A_30, %and3A_106 : vector<16xi32>
    %swap3A_108 = arith.constant 128 : index
    %swap3A_109 = tpu.vector_load %arg15[%swap3A_108] {strides = array<i32>} : memref<1024xi32, #tpu.memory_space<vmem>>, vector<16xi32>,
    tpu.vector_store %arg15[%swap3A_108], %add3A_107 {strides = array<i32>} : memref<1024xi32, #tpu.memory_space<vmem>>, vector<16xi32>,
    %add3A_110 = arith.constant 9 : i32
    %add3A_111 = vector.broadcast %add3A_110 : i32 to vector<16xi32>
    %add3A_112 = arith.addi %iota3A, %add3A_111 : vector<16xi32>
    %and3A_113 = arith.constant 63 : i32
    %and3A_114 = vector.broadcast %and3A_113 : i32 to vector<16xi32>
    %and3A_115 = arith.andi %add3A_112, %and3A_114 : vector<16xi32>
    %add3A_116 = arith.addi %mul3A_30, %and3A_115 : vector<16xi32>
    %swap3A_117 = arith.constant 144 : index
    %swap3A_118 = tpu.vector_load %arg15[%swap3A_117] {strides = array<i32>} : memref<1024xi32, #tpu.memory_space<vmem>>, vector<16xi32>,
    tpu.vector_store %arg15[%swap3A_117], %add3A_116 {strides = array<i32>} : memref<1024xi32, #tpu.memory_space<vmem>>, vector<16xi32>,
    %add3A_119 = arith.constant 10 : i32
    %add3A_120 = vector.broadcast %add3A_119 : i32 to vector<16xi32>
    %add3A_121 = arith.addi %iota3A, %add3A_120 : vector<16xi32>
    %and3A_122 = arith.constant 63 : i32
    %and3A_123 = vector.broadcast %and3A_122 : i32 to vector<16xi32>
    %and3A_124 = arith.andi %add3A_121, %and3A_123 : vector<16xi32>
    %add3A_125 = arith.addi %mul3A_30, %and3A_124 : vector<16xi32>
    %swap3A_126 = arith.constant 160 : index
    %swap3A_127 = tpu.vector_load %arg15[%swap3A_126] {strides = array<i32>} : memref<1024xi32, #tpu.memory_space<vmem>>, vector<16xi32>,
    tpu.vector_store %arg15[%swap3A_126], %add3A_125 {strides = array<i32>} : memref<1024xi32, #tpu.memory_space<vmem>>, vector<16xi32>,
    %add3A_128 = arith.constant 11 : i32
    %add3A_129 = vector.broadcast %add3A_128 : i32 to vector<16xi32>
    %add3A_130 = arith.addi %iota3A, %add3A_129 : vector<16xi32>
    %and3A_131 = arith.constant 63 : i32
    %and3A_132 = vector.broadcast %and3A_131 : i32 to vector<16xi32>
    %and3A_133 = arith.andi %add3A_130, %and3A_132 : vector<16xi32>
    %add3A_134 = arith.addi %mul3A_30, %and3A_133 : vector<16xi32>
    %swap3A_135 = arith.constant 176 : index
    %swap3A_136 = tpu.vector_load %arg15[%swap3A_135] {strides = array<i32>} : memref<1024xi32, #tpu.memory_space<vmem>>, vector<16xi32>,
    tpu.vector_store %arg15[%swap3A_135], %add3A_134 {strides = array<i32>} : memref<1024xi32, #tpu.memory_space<vmem>>, vector<16xi32>,
    %add3A_137 = arith.constant 12 : i32
    %add3A_138 = vector.broadcast %add3A_137 : i32 to vector<16xi32>
    %add3A_139 = arith.addi %iota3A, %add3A_138 : vector<16xi32>
    %and3A_140 = arith.constant 63 : i32
    %and3A_141 = vector.broadcast %and3A_140 : i32 to vector<16xi32>
    %and3A_142 = arith.andi %add3A_139, %and3A_141 : vector<16xi32>
    %add3A_143 = arith.addi %mul3A_30, %and3A_142 : vector<16xi32>
    %swap3A_144 = arith.constant 192 : index
    %swap3A_145 = tpu.vector_load %arg15[%swap3A_144] {strides = array<i32>} : memref<1024xi32, #tpu.memory_space<vmem>>, vector<16xi32>,
    tpu.vector_store %arg15[%swap3A_144], %add3A_143 {strides = array<i32>} : memref<1024xi32, #tpu.memory_space<vmem>>, vector<16xi32>,
    %add3A_146 = arith.constant 13 : i32
    %add3A_147 = vector.broadcast %add3A_146 : i32 to vector<16xi32>
    %add3A_148 = arith.addi %iota3A, %add3A_147 : vector<16xi32>
    %and3A_149 = arith.constant 63 : i32
    %and3A_150 = vector.broadcast %and3A_149 : i32 to vector<16xi32>
    %and3A_151 = arith.andi %add3A_148, %and3A_150 : vector<16xi32>
    %add3A_152 = arith.addi %mul3A_30, %and3A_151 : vector<16xi32>
    %swap3A_153 = arith.constant 208 : index
    %swap3A_154 = tpu.vector_load %arg15[%swap3A_153] {strides = array<i32>} : memref<1024xi32, #tpu.memory_space<vmem>>, vector<16xi32>,
    tpu.vector_store %arg15[%swap3A_153], %add3A_152 {strides = array<i32>} : memref<1024xi32, #tpu.memory_space<vmem>>, vector<16xi32>,
    %add3A_155 = arith.constant 14 : i32
    %add3A_156 = vector.broadcast %add3A_155 : i32 to vector<16xi32>
    %add3A_157 = arith.addi %iota3A, %add3A_156 : vector<16xi32>
    %and3A_158 = arith.constant 63 : i32
    %and3A_159 = vector.broadcast %and3A_158 : i32 to vector<16xi32>
    %and3A_160 = arith.andi %add3A_157, %and3A_159 : vector<16xi32>
    %add3A_161 = arith.addi %mul3A_30, %and3A_160 : vector<16xi32>
    %swap3A_162 = arith.constant 224 : index
    %swap3A_163 = tpu.vector_load %arg15[%swap3A_162] {strides = array<i32>} : memref<1024xi32, #tpu.memory_space<vmem>>, vector<16xi32>,
    tpu.vector_store %arg15[%swap3A_162], %add3A_161 {strides = array<i32>} : memref<1024xi32, #tpu.memory_space<vmem>>, vector<16xi32>,
    %add3A_164 = arith.constant 15 : i32
    %add3A_165 = vector.broadcast %add3A_164 : i32 to vector<16xi32>
    %add3A_166 = arith.addi %iota3A, %add3A_165 : vector<16xi32>
    %and3A_167 = arith.constant 63 : i32
    %and3A_168 = vector.broadcast %and3A_167 : i32 to vector<16xi32>
    %and3A_169 = arith.andi %add3A_166, %and3A_168 : vector<16xi32>
    %add3A_170 = arith.addi %mul3A_30, %and3A_169 : vector<16xi32>
    %swap3A_171 = arith.constant 240 : index
    %swap3A_172 = tpu.vector_load %arg15[%swap3A_171] {strides = array<i32>} : memref<1024xi32, #tpu.memory_space<vmem>>, vector<16xi32>,
    tpu.vector_store %arg15[%swap3A_171], %add3A_170 {strides = array<i32>} : memref<1024xi32, #tpu.memory_space<vmem>>, vector<16xi32>,
    %add3A_173 = arith.constant 16 : i32
    %add3A_174 = vector.broadcast %add3A_173 : i32 to vector<16xi32>
    %add3A_175 = arith.addi %iota3A, %add3A_174 : vector<16xi32>
    %and3A_176 = arith.constant 63 : i32
    %and3A_177 = vector.broadcast %and3A_176 : i32 to vector<16xi32>
    %and3A_178 = arith.andi %add3A_175, %and3A_177 : vector<16xi32>
    %add3A_179 = arith.addi %mul3A_30, %and3A_178 : vector<16xi32>
    %swap3A_180 = arith.constant 256 : index
    %swap3A_181 = tpu.vector_load %arg15[%swap3A_180] {strides = array<i32>} : memref<1024xi32, #tpu.memory_space<vmem>>, vector<16xi32>,
    tpu.vector_store %arg15[%swap3A_180], %add3A_179 {strides = array<i32>} : memref<1024xi32, #tpu.memory_space<vmem>>, vector<16xi32>,
    %add3A_182 = arith.constant 17 : i32
    %add3A_183 = vector.broadcast %add3A_182 : i32 to vector<16xi32>
    %add3A_184 = arith.addi %iota3A, %add3A_183 : vector<16xi32>
    %and3A_185 = arith.constant 63 : i32
    %and3A_186 = vector.broadcast %and3A_185 : i32 to vector<16xi32>
    %and3A_187 = arith.andi %add3A_184, %and3A_186 : vector<16xi32>
    %add3A_188 = arith.addi %mul3A_30, %and3A_187 : vector<16xi32>
    %swap3A_189 = arith.constant 272 : index
    %swap3A_190 = tpu.vector_load %arg15[%swap3A_189] {strides = array<i32>} : memref<1024xi32, #tpu.memory_space<vmem>>, vector<16xi32>,
    tpu.vector_store %arg15[%swap3A_189], %add3A_188 {strides = array<i32>} : memref<1024xi32, #tpu.memory_space<vmem>>, vector<16xi32>,
    %add3A_191 = arith.constant 18 : i32
    %add3A_192 = vector.broadcast %add3A_191 : i32 to vector<16xi32>
    %add3A_193 = arith.addi %iota3A, %add3A_192 : vector<16xi32>
    %and3A_194 = arith.constant 63 : i32
    %and3A_195 = vector.broadcast %and3A_194 : i32 to vector<16xi32>
    %and3A_196 = arith.andi %add3A_193, %and3A_195 : vector<16xi32>
    %add3A_197 = arith.addi %mul3A_30, %and3A_196 : vector<16xi32>
    %swap3A_198 = arith.constant 288 : index
    %swap3A_199 = tpu.vector_load %arg15[%swap3A_198] {strides = array<i32>} : memref<1024xi32, #tpu.memory_space<vmem>>, vector<16xi32>,
    tpu.vector_store %arg15[%swap3A_198], %add3A_197 {strides = array<i32>} : memref<1024xi32, #tpu.memory_space<vmem>>, vector<16xi32>,
    %add3A_200 = arith.constant 19 : i32
    %add3A_201 = vector.broadcast %add3A_200 : i32 to vector<16xi32>
    %add3A_202 = arith.addi %iota3A, %add3A_201 : vector<16xi32>
    %and3A_203 = arith.constant 63 : i32
    %and3A_204 = vector.broadcast %and3A_203 : i32 to vector<16xi32>
    %and3A_205 = arith.andi %add3A_202, %and3A_204 : vector<16xi32>
    %add3A_206 = arith.addi %mul3A_30, %and3A_205 : vector<16xi32>
    %swap3A_207 = arith.constant 304 : index
    %swap3A_208 = tpu.vector_load %arg15[%swap3A_207] {strides = array<i32>} : memref<1024xi32, #tpu.memory_space<vmem>>, vector<16xi32>,
    tpu.vector_store %arg15[%swap3A_207], %add3A_206 {strides = array<i32>} : memref<1024xi32, #tpu.memory_space<vmem>>, vector<16xi32>,
    %add3A_209 = arith.constant 20 : i32
    %add3A_210 = vector.broadcast %add3A_209 : i32 to vector<16xi32>
    %add3A_211 = arith.addi %iota3A, %add3A_210 : vector<16xi32>
    %and3A_212 = arith.constant 63 : i32
    %and3A_213 = vector.broadcast %and3A_212 : i32 to vector<16xi32>
    %and3A_214 = arith.andi %add3A_211, %and3A_213 : vector<16xi32>
    %add3A_215 = arith.addi %mul3A_30, %and3A_214 : vector<16xi32>
    %swap3A_216 = arith.constant 320 : index
    %swap3A_217 = tpu.vector_load %arg15[%swap3A_216] {strides = array<i32>} : memref<1024xi32, #tpu.memory_space<vmem>>, vector<16xi32>,
    tpu.vector_store %arg15[%swap3A_216], %add3A_215 {strides = array<i32>} : memref<1024xi32, #tpu.memory_space<vmem>>, vector<16xi32>,
    %add3A_218 = arith.constant 21 : i32
    %add3A_219 = vector.broadcast %add3A_218 : i32 to vector<16xi32>
    %add3A_220 = arith.addi %iota3A, %add3A_219 : vector<16xi32>
    %and3A_221 = arith.constant 63 : i32
    %and3A_222 = vector.broadcast %and3A_221 : i32 to vector<16xi32>
    %and3A_223 = arith.andi %add3A_220, %and3A_222 : vector<16xi32>
    %add3A_224 = arith.addi %mul3A_30, %and3A_223 : vector<16xi32>
    %swap3A_225 = arith.constant 336 : index
    %swap3A_226 = tpu.vector_load %arg15[%swap3A_225] {strides = array<i32>} : memref<1024xi32, #tpu.memory_space<vmem>>, vector<16xi32>,
    tpu.vector_store %arg15[%swap3A_225], %add3A_224 {strides = array<i32>} : memref<1024xi32, #tpu.memory_space<vmem>>, vector<16xi32>,
    %add3A_227 = arith.constant 22 : i32
    %add3A_228 = vector.broadcast %add3A_227 : i32 to vector<16xi32>
    %add3A_229 = arith.addi %iota3A, %add3A_228 : vector<16xi32>
    %and3A_230 = arith.constant 63 : i32
    %and3A_231 = vector.broadcast %and3A_230 : i32 to vector<16xi32>
    %and3A_232 = arith.andi %add3A_229, %and3A_231 : vector<16xi32>
    %add3A_233 = arith.addi %mul3A_30, %and3A_232 : vector<16xi32>
    %swap3A_234 = arith.constant 352 : index
    %swap3A_235 = tpu.vector_load %arg15[%swap3A_234] {strides = array<i32>} : memref<1024xi32, #tpu.memory_space<vmem>>, vector<16xi32>,
    tpu.vector_store %arg15[%swap3A_234], %add3A_233 {strides = array<i32>} : memref<1024xi32, #tpu.memory_space<vmem>>, vector<16xi32>,
    %add3A_236 = arith.constant 23 : i32
    %add3A_237 = vector.broadcast %add3A_236 : i32 to vector<16xi32>
    %add3A_238 = arith.addi %iota3A, %add3A_237 : vector<16xi32>
    %and3A_239 = arith.constant 63 : i32
    %and3A_240 = vector.broadcast %and3A_239 : i32 to vector<16xi32>
    %and3A_241 = arith.andi %add3A_238, %and3A_240 : vector<16xi32>
    %add3A_242 = arith.addi %mul3A_30, %and3A_241 : vector<16xi32>
    %swap3A_243 = arith.constant 368 : index
    %swap3A_244 = tpu.vector_load %arg15[%swap3A_243] {strides = array<i32>} : memref<1024xi32, #tpu.memory_space<vmem>>, vector<16xi32>,
    tpu.vector_store %arg15[%swap3A_243], %add3A_242 {strides = array<i32>} : memref<1024xi32, #tpu.memory_space<vmem>>, vector<16xi32>,
    %add3A_245 = arith.constant 24 : i32
    %add3A_246 = vector.broadcast %add3A_245 : i32 to vector<16xi32>
    %add3A_247 = arith.addi %iota3A, %add3A_246 : vector<16xi32>
    %and3A_248 = arith.constant 63 : i32
    %and3A_249 = vector.broadcast %and3A_248 : i32 to vector<16xi32>
    %and3A_250 = arith.andi %add3A_247, %and3A_249 : vector<16xi32>
    %add3A_251 = arith.addi %mul3A_30, %and3A_250 : vector<16xi32>
    %swap3A_252 = arith.constant 384 : index
    %swap3A_253 = tpu.vector_load %arg15[%swap3A_252] {strides = array<i32>} : memref<1024xi32, #tpu.memory_space<vmem>>, vector<16xi32>,
    tpu.vector_store %arg15[%swap3A_252], %add3A_251 {strides = array<i32>} : memref<1024xi32, #tpu.memory_space<vmem>>, vector<16xi32>,
    %add3A_254 = arith.constant 25 : i32
    %add3A_255 = vector.broadcast %add3A_254 : i32 to vector<16xi32>
    %add3A_256 = arith.addi %iota3A, %add3A_255 : vector<16xi32>
    %and3A_257 = arith.constant 63 : i32
    %and3A_258 = vector.broadcast %and3A_257 : i32 to vector<16xi32>
    %and3A_259 = arith.andi %add3A_256, %and3A_258 : vector<16xi32>
    %add3A_260 = arith.addi %mul3A_30, %and3A_259 : vector<16xi32>
    %swap3A_261 = arith.constant 400 : index
    %swap3A_262 = tpu.vector_load %arg15[%swap3A_261] {strides = array<i32>} : memref<1024xi32, #tpu.memory_space<vmem>>, vector<16xi32>,
    tpu.vector_store %arg15[%swap3A_261], %add3A_260 {strides = array<i32>} : memref<1024xi32, #tpu.memory_space<vmem>>, vector<16xi32>,
    %add3A_263 = arith.constant 26 : i32
    %add3A_264 = vector.broadcast %add3A_263 : i32 to vector<16xi32>
    %add3A_265 = arith.addi %iota3A, %add3A_264 : vector<16xi32>
    %and3A_266 = arith.constant 63 : i32
    %and3A_267 = vector.broadcast %and3A_266 : i32 to vector<16xi32>
    %and3A_268 = arith.andi %add3A_265, %and3A_267 : vector<16xi32>
    %add3A_269 = arith.addi %mul3A_30, %and3A_268 : vector<16xi32>
    %swap3A_270 = arith.constant 416 : index
    %swap3A_271 = tpu.vector_load %arg15[%swap3A_270] {strides = array<i32>} : memref<1024xi32, #tpu.memory_space<vmem>>, vector<16xi32>,
    tpu.vector_store %arg15[%swap3A_270], %add3A_269 {strides = array<i32>} : memref<1024xi32, #tpu.memory_space<vmem>>, vector<16xi32>,
    %add3A_272 = arith.constant 27 : i32
    %add3A_273 = vector.broadcast %add3A_272 : i32 to vector<16xi32>
    %add3A_274 = arith.addi %iota3A, %add3A_273 : vector<16xi32>
    %and3A_275 = arith.constant 63 : i32
    %and3A_276 = vector.broadcast %and3A_275 : i32 to vector<16xi32>
    %and3A_277 = arith.andi %add3A_274, %and3A_276 : vector<16xi32>
    %add3A_278 = arith.addi %mul3A_30, %and3A_277 : vector<16xi32>
    %swap3A_279 = arith.constant 432 : index
    %swap3A_280 = tpu.vector_load %arg15[%swap3A_279] {strides = array<i32>} : memref<1024xi32, #tpu.memory_space<vmem>>, vector<16xi32>,
    tpu.vector_store %arg15[%swap3A_279], %add3A_278 {strides = array<i32>} : memref<1024xi32, #tpu.memory_space<vmem>>, vector<16xi32>,
    %add3A_281 = arith.constant 28 : i32
    %add3A_282 = vector.broadcast %add3A_281 : i32 to vector<16xi32>
    %add3A_283 = arith.addi %iota3A, %add3A_282 : vector<16xi32>
    %and3A_284 = arith.constant 63 : i32
    %and3A_285 = vector.broadcast %and3A_284 : i32 to vector<16xi32>
    %and3A_286 = arith.andi %add3A_283, %and3A_285 : vector<16xi32>
    %add3A_287 = arith.addi %mul3A_30, %and3A_286 : vector<16xi32>
    %swap3A_288 = arith.constant 448 : index
    %swap3A_289 = tpu.vector_load %arg15[%swap3A_288] {strides = array<i32>} : memref<1024xi32, #tpu.memory_space<vmem>>, vector<16xi32>,
    tpu.vector_store %arg15[%swap3A_288], %add3A_287 {strides = array<i32>} : memref<1024xi32, #tpu.memory_space<vmem>>, vector<16xi32>,
    %add3A_290 = arith.constant 29 : i32
    %add3A_291 = vector.broadcast %add3A_290 : i32 to vector<16xi32>
    %add3A_292 = arith.addi %iota3A, %add3A_291 : vector<16xi32>
    %and3A_293 = arith.constant 63 : i32
    %and3A_294 = vector.broadcast %and3A_293 : i32 to vector<16xi32>
    %and3A_295 = arith.andi %add3A_292, %and3A_294 : vector<16xi32>
    %add3A_296 = arith.addi %mul3A_30, %and3A_295 : vector<16xi32>
    %swap3A_297 = arith.constant 464 : index
    %swap3A_298 = tpu.vector_load %arg15[%swap3A_297] {strides = array<i32>} : memref<1024xi32, #tpu.memory_space<vmem>>, vector<16xi32>,
    tpu.vector_store %arg15[%swap3A_297], %add3A_296 {strides = array<i32>} : memref<1024xi32, #tpu.memory_space<vmem>>, vector<16xi32>,
    %add3A_299 = arith.constant 30 : i32
    %add3A_300 = vector.broadcast %add3A_299 : i32 to vector<16xi32>
    %add3A_301 = arith.addi %iota3A, %add3A_300 : vector<16xi32>
    %and3A_302 = arith.constant 63 : i32
    %and3A_303 = vector.broadcast %and3A_302 : i32 to vector<16xi32>
    %and3A_304 = arith.andi %add3A_301, %and3A_303 : vector<16xi32>
    %add3A_305 = arith.addi %mul3A_30, %and3A_304 : vector<16xi32>
    %swap3A_306 = arith.constant 480 : index
    %swap3A_307 = tpu.vector_load %arg15[%swap3A_306] {strides = array<i32>} : memref<1024xi32, #tpu.memory_space<vmem>>, vector<16xi32>,
    tpu.vector_store %arg15[%swap3A_306], %add3A_305 {strides = array<i32>} : memref<1024xi32, #tpu.memory_space<vmem>>, vector<16xi32>,
    %add3A_308 = arith.constant 31 : i32
    %add3A_309 = vector.broadcast %add3A_308 : i32 to vector<16xi32>
    %add3A_310 = arith.addi %iota3A, %add3A_309 : vector<16xi32>
    %and3A_311 = arith.constant 63 : i32
    %and3A_312 = vector.broadcast %and3A_311 : i32 to vector<16xi32>
    %and3A_313 = arith.andi %add3A_310, %and3A_312 : vector<16xi32>
    %add3A_314 = arith.addi %mul3A_30, %and3A_313 : vector<16xi32>
    %swap3A_315 = arith.constant 496 : index
    %swap3A_316 = tpu.vector_load %arg15[%swap3A_315] {strides = array<i32>} : memref<1024xi32, #tpu.memory_space<vmem>>, vector<16xi32>,
    tpu.vector_store %arg15[%swap3A_315], %add3A_314 {strides = array<i32>} : memref<1024xi32, #tpu.memory_space<vmem>>, vector<16xi32>,
    %add3A_317 = arith.constant 32 : i32
    %add3A_318 = vector.broadcast %add3A_317 : i32 to vector<16xi32>
    %add3A_319 = arith.addi %iota3A, %add3A_318 : vector<16xi32>
    %and3A_320 = arith.constant 63 : i32
    %and3A_321 = vector.broadcast %and3A_320 : i32 to vector<16xi32>
    %and3A_322 = arith.andi %add3A_319, %and3A_321 : vector<16xi32>
    %add3A_323 = arith.addi %mul3A_30, %and3A_322 : vector<16xi32>
    %swap3A_324 = arith.constant 512 : index
    %swap3A_325 = tpu.vector_load %arg15[%swap3A_324] {strides = array<i32>} : memref<1024xi32, #tpu.memory_space<vmem>>, vector<16xi32>,
    tpu.vector_store %arg15[%swap3A_324], %add3A_323 {strides = array<i32>} : memref<1024xi32, #tpu.memory_space<vmem>>, vector<16xi32>,
    %add3A_326 = arith.constant 33 : i32
    %add3A_327 = vector.broadcast %add3A_326 : i32 to vector<16xi32>
    %add3A_328 = arith.addi %iota3A, %add3A_327 : vector<16xi32>
    %and3A_329 = arith.constant 63 : i32
    %and3A_330 = vector.broadcast %and3A_329 : i32 to vector<16xi32>
    %and3A_331 = arith.andi %add3A_328, %and3A_330 : vector<16xi32>
    %add3A_332 = arith.addi %mul3A_30, %and3A_331 : vector<16xi32>
    %swap3A_333 = arith.constant 528 : index
    %swap3A_334 = tpu.vector_load %arg15[%swap3A_333] {strides = array<i32>} : memref<1024xi32, #tpu.memory_space<vmem>>, vector<16xi32>,
    tpu.vector_store %arg15[%swap3A_333], %add3A_332 {strides = array<i32>} : memref<1024xi32, #tpu.memory_space<vmem>>, vector<16xi32>,
    %add3A_335 = arith.constant 34 : i32
    %add3A_336 = vector.broadcast %add3A_335 : i32 to vector<16xi32>
    %add3A_337 = arith.addi %iota3A, %add3A_336 : vector<16xi32>
    %and3A_338 = arith.constant 63 : i32
    %and3A_339 = vector.broadcast %and3A_338 : i32 to vector<16xi32>
    %and3A_340 = arith.andi %add3A_337, %and3A_339 : vector<16xi32>
    %add3A_341 = arith.addi %mul3A_30, %and3A_340 : vector<16xi32>
    %swap3A_342 = arith.constant 544 : index
    %swap3A_343 = tpu.vector_load %arg15[%swap3A_342] {strides = array<i32>} : memref<1024xi32, #tpu.memory_space<vmem>>, vector<16xi32>,
    tpu.vector_store %arg15[%swap3A_342], %add3A_341 {strides = array<i32>} : memref<1024xi32, #tpu.memory_space<vmem>>, vector<16xi32>,
    %add3A_344 = arith.constant 35 : i32
    %add3A_345 = vector.broadcast %add3A_344 : i32 to vector<16xi32>
    %add3A_346 = arith.addi %iota3A, %add3A_345 : vector<16xi32>
    %and3A_347 = arith.constant 63 : i32
    %and3A_348 = vector.broadcast %and3A_347 : i32 to vector<16xi32>
    %and3A_349 = arith.andi %add3A_346, %and3A_348 : vector<16xi32>
    %add3A_350 = arith.addi %mul3A_30, %and3A_349 : vector<16xi32>
    %swap3A_351 = arith.constant 560 : index
    %swap3A_352 = tpu.vector_load %arg15[%swap3A_351] {strides = array<i32>} : memref<1024xi32, #tpu.memory_space<vmem>>, vector<16xi32>,
    tpu.vector_store %arg15[%swap3A_351], %add3A_350 {strides = array<i32>} : memref<1024xi32, #tpu.memory_space<vmem>>, vector<16xi32>,
    %add3A_353 = arith.constant 36 : i32
    %add3A_354 = vector.broadcast %add3A_353 : i32 to vector<16xi32>
    %add3A_355 = arith.addi %iota3A, %add3A_354 : vector<16xi32>
    %and3A_356 = arith.constant 63 : i32
    %and3A_357 = vector.broadcast %and3A_356 : i32 to vector<16xi32>
    %and3A_358 = arith.andi %add3A_355, %and3A_357 : vector<16xi32>
    %add3A_359 = arith.addi %mul3A_30, %and3A_358 : vector<16xi32>
    %swap3A_360 = arith.constant 576 : index
    %swap3A_361 = tpu.vector_load %arg15[%swap3A_360] {strides = array<i32>} : memref<1024xi32, #tpu.memory_space<vmem>>, vector<16xi32>,
    tpu.vector_store %arg15[%swap3A_360], %add3A_359 {strides = array<i32>} : memref<1024xi32, #tpu.memory_space<vmem>>, vector<16xi32>,
    %add3A_362 = arith.constant 37 : i32
    %add3A_363 = vector.broadcast %add3A_362 : i32 to vector<16xi32>
    %add3A_364 = arith.addi %iota3A, %add3A_363 : vector<16xi32>
    %and3A_365 = arith.constant 63 : i32
    %and3A_366 = vector.broadcast %and3A_365 : i32 to vector<16xi32>
    %and3A_367 = arith.andi %add3A_364, %and3A_366 : vector<16xi32>
    %add3A_368 = arith.addi %mul3A_30, %and3A_367 : vector<16xi32>
    %swap3A_369 = arith.constant 592 : index
    %swap3A_370 = tpu.vector_load %arg15[%swap3A_369] {strides = array<i32>} : memref<1024xi32, #tpu.memory_space<vmem>>, vector<16xi32>,
    tpu.vector_store %arg15[%swap3A_369], %add3A_368 {strides = array<i32>} : memref<1024xi32, #tpu.memory_space<vmem>>, vector<16xi32>,
    %add3A_371 = arith.constant 38 : i32
    %add3A_372 = vector.broadcast %add3A_371 : i32 to vector<16xi32>
    %add3A_373 = arith.addi %iota3A, %add3A_372 : vector<16xi32>
    %and3A_374 = arith.constant 63 : i32
    %and3A_375 = vector.broadcast %and3A_374 : i32 to vector<16xi32>
    %and3A_376 = arith.andi %add3A_373, %and3A_375 : vector<16xi32>
    %add3A_377 = arith.addi %mul3A_30, %and3A_376 : vector<16xi32>
    %swap3A_378 = arith.constant 608 : index
    %swap3A_379 = tpu.vector_load %arg15[%swap3A_378] {strides = array<i32>} : memref<1024xi32, #tpu.memory_space<vmem>>, vector<16xi32>,
    tpu.vector_store %arg15[%swap3A_378], %add3A_377 {strides = array<i32>} : memref<1024xi32, #tpu.memory_space<vmem>>, vector<16xi32>,
    %add3A_380 = arith.constant 39 : i32
    %add3A_381 = vector.broadcast %add3A_380 : i32 to vector<16xi32>
    %add3A_382 = arith.addi %iota3A, %add3A_381 : vector<16xi32>
    %and3A_383 = arith.constant 63 : i32
    %and3A_384 = vector.broadcast %and3A_383 : i32 to vector<16xi32>
    %and3A_385 = arith.andi %add3A_382, %and3A_384 : vector<16xi32>
    %add3A_386 = arith.addi %mul3A_30, %and3A_385 : vector<16xi32>
    %swap3A_387 = arith.constant 624 : index
    %swap3A_388 = tpu.vector_load %arg15[%swap3A_387] {strides = array<i32>} : memref<1024xi32, #tpu.memory_space<vmem>>, vector<16xi32>,
    tpu.vector_store %arg15[%swap3A_387], %add3A_386 {strides = array<i32>} : memref<1024xi32, #tpu.memory_space<vmem>>, vector<16xi32>,
    %add3A_389 = arith.constant 40 : i32
    %add3A_390 = vector.broadcast %add3A_389 : i32 to vector<16xi32>
    %add3A_391 = arith.addi %iota3A, %add3A_390 : vector<16xi32>
    %and3A_392 = arith.constant 63 : i32
    %and3A_393 = vector.broadcast %and3A_392 : i32 to vector<16xi32>
    %and3A_394 = arith.andi %add3A_391, %and3A_393 : vector<16xi32>
    %add3A_395 = arith.addi %mul3A_30, %and3A_394 : vector<16xi32>
    %swap3A_396 = arith.constant 640 : index
    %swap3A_397 = tpu.vector_load %arg15[%swap3A_396] {strides = array<i32>} : memref<1024xi32, #tpu.memory_space<vmem>>, vector<16xi32>,
    tpu.vector_store %arg15[%swap3A_396], %add3A_395 {strides = array<i32>} : memref<1024xi32, #tpu.memory_space<vmem>>, vector<16xi32>,
    %add3A_398 = arith.constant 41 : i32
    %add3A_399 = vector.broadcast %add3A_398 : i32 to vector<16xi32>
    %add3A_400 = arith.addi %iota3A, %add3A_399 : vector<16xi32>
    %and3A_401 = arith.constant 63 : i32
    %and3A_402 = vector.broadcast %and3A_401 : i32 to vector<16xi32>
    %and3A_403 = arith.andi %add3A_400, %and3A_402 : vector<16xi32>
    %add3A_404 = arith.addi %mul3A_30, %and3A_403 : vector<16xi32>
    %swap3A_405 = arith.constant 656 : index
    %swap3A_406 = tpu.vector_load %arg15[%swap3A_405] {strides = array<i32>} : memref<1024xi32, #tpu.memory_space<vmem>>, vector<16xi32>,
    tpu.vector_store %arg15[%swap3A_405], %add3A_404 {strides = array<i32>} : memref<1024xi32, #tpu.memory_space<vmem>>, vector<16xi32>,
    %add3A_407 = arith.constant 42 : i32
    %add3A_408 = vector.broadcast %add3A_407 : i32 to vector<16xi32>
    %add3A_409 = arith.addi %iota3A, %add3A_408 : vector<16xi32>
    %and3A_410 = arith.constant 63 : i32
    %and3A_411 = vector.broadcast %and3A_410 : i32 to vector<16xi32>
    %and3A_412 = arith.andi %add3A_409, %and3A_411 : vector<16xi32>
    %add3A_413 = arith.addi %mul3A_30, %and3A_412 : vector<16xi32>
    %swap3A_414 = arith.constant 672 : index
    %swap3A_415 = tpu.vector_load %arg15[%swap3A_414] {strides = array<i32>} : memref<1024xi32, #tpu.memory_space<vmem>>, vector<16xi32>,
    tpu.vector_store %arg15[%swap3A_414], %add3A_413 {strides = array<i32>} : memref<1024xi32, #tpu.memory_space<vmem>>, vector<16xi32>,
    %add3A_416 = arith.constant 43 : i32
    %add3A_417 = vector.broadcast %add3A_416 : i32 to vector<16xi32>
    %add3A_418 = arith.addi %iota3A, %add3A_417 : vector<16xi32>
    %and3A_419 = arith.constant 63 : i32
    %and3A_420 = vector.broadcast %and3A_419 : i32 to vector<16xi32>
    %and3A_421 = arith.andi %add3A_418, %and3A_420 : vector<16xi32>
    %add3A_422 = arith.addi %mul3A_30, %and3A_421 : vector<16xi32>
    %swap3A_423 = arith.constant 688 : index
    %swap3A_424 = tpu.vector_load %arg15[%swap3A_423] {strides = array<i32>} : memref<1024xi32, #tpu.memory_space<vmem>>, vector<16xi32>,
    tpu.vector_store %arg15[%swap3A_423], %add3A_422 {strides = array<i32>} : memref<1024xi32, #tpu.memory_space<vmem>>, vector<16xi32>,
    %add3A_425 = arith.constant 44 : i32
    %add3A_426 = vector.broadcast %add3A_425 : i32 to vector<16xi32>
    %add3A_427 = arith.addi %iota3A, %add3A_426 : vector<16xi32>
    %and3A_428 = arith.constant 63 : i32
    %and3A_429 = vector.broadcast %and3A_428 : i32 to vector<16xi32>
    %and3A_430 = arith.andi %add3A_427, %and3A_429 : vector<16xi32>
    %add3A_431 = arith.addi %mul3A_30, %and3A_430 : vector<16xi32>
    %swap3A_432 = arith.constant 704 : index
    %swap3A_433 = tpu.vector_load %arg15[%swap3A_432] {strides = array<i32>} : memref<1024xi32, #tpu.memory_space<vmem>>, vector<16xi32>,
    tpu.vector_store %arg15[%swap3A_432], %add3A_431 {strides = array<i32>} : memref<1024xi32, #tpu.memory_space<vmem>>, vector<16xi32>,
    %add3A_434 = arith.constant 45 : i32
    %add3A_435 = vector.broadcast %add3A_434 : i32 to vector<16xi32>
    %add3A_436 = arith.addi %iota3A, %add3A_435 : vector<16xi32>
    %and3A_437 = arith.constant 63 : i32
    %and3A_438 = vector.broadcast %and3A_437 : i32 to vector<16xi32>
    %and3A_439 = arith.andi %add3A_436, %and3A_438 : vector<16xi32>
    %add3A_440 = arith.addi %mul3A_30, %and3A_439 : vector<16xi32>
    %swap3A_441 = arith.constant 720 : index
    %swap3A_442 = tpu.vector_load %arg15[%swap3A_441] {strides = array<i32>} : memref<1024xi32, #tpu.memory_space<vmem>>, vector<16xi32>,
    tpu.vector_store %arg15[%swap3A_441], %add3A_440 {strides = array<i32>} : memref<1024xi32, #tpu.memory_space<vmem>>, vector<16xi32>,
    %add3A_443 = arith.constant 46 : i32
    %add3A_444 = vector.broadcast %add3A_443 : i32 to vector<16xi32>
    %add3A_445 = arith.addi %iota3A, %add3A_444 : vector<16xi32>
    %and3A_446 = arith.constant 63 : i32
    %and3A_447 = vector.broadcast %and3A_446 : i32 to vector<16xi32>
    %and3A_448 = arith.andi %add3A_445, %and3A_447 : vector<16xi32>
    %add3A_449 = arith.addi %mul3A_30, %and3A_448 : vector<16xi32>
    %swap3A_450 = arith.constant 736 : index
    %swap3A_451 = tpu.vector_load %arg15[%swap3A_450] {strides = array<i32>} : memref<1024xi32, #tpu.memory_space<vmem>>, vector<16xi32>,
    tpu.vector_store %arg15[%swap3A_450], %add3A_449 {strides = array<i32>} : memref<1024xi32, #tpu.memory_space<vmem>>, vector<16xi32>,
    %add3A_452 = arith.constant 47 : i32
    %add3A_453 = vector.broadcast %add3A_452 : i32 to vector<16xi32>
    %add3A_454 = arith.addi %iota3A, %add3A_453 : vector<16xi32>
    %and3A_455 = arith.constant 63 : i32
    %and3A_456 = vector.broadcast %and3A_455 : i32 to vector<16xi32>
    %and3A_457 = arith.andi %add3A_454, %and3A_456 : vector<16xi32>
    %add3A_458 = arith.addi %mul3A_30, %and3A_457 : vector<16xi32>
    %swap3A_459 = arith.constant 752 : index
    %swap3A_460 = tpu.vector_load %arg15[%swap3A_459] {strides = array<i32>} : memref<1024xi32, #tpu.memory_space<vmem>>, vector<16xi32>,
    tpu.vector_store %arg15[%swap3A_459], %add3A_458 {strides = array<i32>} : memref<1024xi32, #tpu.memory_space<vmem>>, vector<16xi32>,
    %add3A_461 = arith.constant 48 : i32
    %add3A_462 = vector.broadcast %add3A_461 : i32 to vector<16xi32>
    %add3A_463 = arith.addi %iota3A, %add3A_462 : vector<16xi32>
    %and3A_464 = arith.constant 63 : i32
    %and3A_465 = vector.broadcast %and3A_464 : i32 to vector<16xi32>
    %and3A_466 = arith.andi %add3A_463, %and3A_465 : vector<16xi32>
    %add3A_467 = arith.addi %mul3A_30, %and3A_466 : vector<16xi32>
    %swap3A_468 = arith.constant 768 : index
    %swap3A_469 = tpu.vector_load %arg15[%swap3A_468] {strides = array<i32>} : memref<1024xi32, #tpu.memory_space<vmem>>, vector<16xi32>,
    tpu.vector_store %arg15[%swap3A_468], %add3A_467 {strides = array<i32>} : memref<1024xi32, #tpu.memory_space<vmem>>, vector<16xi32>,
    %add3A_470 = arith.constant 49 : i32
    %add3A_471 = vector.broadcast %add3A_470 : i32 to vector<16xi32>
    %add3A_472 = arith.addi %iota3A, %add3A_471 : vector<16xi32>
    %and3A_473 = arith.constant 63 : i32
    %and3A_474 = vector.broadcast %and3A_473 : i32 to vector<16xi32>
    %and3A_475 = arith.andi %add3A_472, %and3A_474 : vector<16xi32>
    %add3A_476 = arith.addi %mul3A_30, %and3A_475 : vector<16xi32>
    %swap3A_477 = arith.constant 784 : index
    %swap3A_478 = tpu.vector_load %arg15[%swap3A_477] {strides = array<i32>} : memref<1024xi32, #tpu.memory_space<vmem>>, vector<16xi32>,
    tpu.vector_store %arg15[%swap3A_477], %add3A_476 {strides = array<i32>} : memref<1024xi32, #tpu.memory_space<vmem>>, vector<16xi32>,
    %add3A_479 = arith.constant 50 : i32
    %add3A_480 = vector.broadcast %add3A_479 : i32 to vector<16xi32>
    %add3A_481 = arith.addi %iota3A, %add3A_480 : vector<16xi32>
    %and3A_482 = arith.constant 63 : i32
    %and3A_483 = vector.broadcast %and3A_482 : i32 to vector<16xi32>
    %and3A_484 = arith.andi %add3A_481, %and3A_483 : vector<16xi32>
    %add3A_485 = arith.addi %mul3A_30, %and3A_484 : vector<16xi32>
    %swap3A_486 = arith.constant 800 : index
    %swap3A_487 = tpu.vector_load %arg15[%swap3A_486] {strides = array<i32>} : memref<1024xi32, #tpu.memory_space<vmem>>, vector<16xi32>,
    tpu.vector_store %arg15[%swap3A_486], %add3A_485 {strides = array<i32>} : memref<1024xi32, #tpu.memory_space<vmem>>, vector<16xi32>,
    %add3A_488 = arith.constant 51 : i32
    %add3A_489 = vector.broadcast %add3A_488 : i32 to vector<16xi32>
    %add3A_490 = arith.addi %iota3A, %add3A_489 : vector<16xi32>
    %and3A_491 = arith.constant 63 : i32
    %and3A_492 = vector.broadcast %and3A_491 : i32 to vector<16xi32>
    %and3A_493 = arith.andi %add3A_490, %and3A_492 : vector<16xi32>
    %add3A_494 = arith.addi %mul3A_30, %and3A_493 : vector<16xi32>
    %swap3A_495 = arith.constant 816 : index
    %swap3A_496 = tpu.vector_load %arg15[%swap3A_495] {strides = array<i32>} : memref<1024xi32, #tpu.memory_space<vmem>>, vector<16xi32>,
    tpu.vector_store %arg15[%swap3A_495], %add3A_494 {strides = array<i32>} : memref<1024xi32, #tpu.memory_space<vmem>>, vector<16xi32>,
    %add3A_497 = arith.constant 52 : i32
    %add3A_498 = vector.broadcast %add3A_497 : i32 to vector<16xi32>
    %add3A_499 = arith.addi %iota3A, %add3A_498 : vector<16xi32>
    %and3A_500 = arith.constant 63 : i32
    %and3A_501 = vector.broadcast %and3A_500 : i32 to vector<16xi32>
    %and3A_502 = arith.andi %add3A_499, %and3A_501 : vector<16xi32>
    %add3A_503 = arith.addi %mul3A_30, %and3A_502 : vector<16xi32>
    %swap3A_504 = arith.constant 832 : index
    %swap3A_505 = tpu.vector_load %arg15[%swap3A_504] {strides = array<i32>} : memref<1024xi32, #tpu.memory_space<vmem>>, vector<16xi32>,
    tpu.vector_store %arg15[%swap3A_504], %add3A_503 {strides = array<i32>} : memref<1024xi32, #tpu.memory_space<vmem>>, vector<16xi32>,
    %add3A_506 = arith.constant 53 : i32
    %add3A_507 = vector.broadcast %add3A_506 : i32 to vector<16xi32>
    %add3A_508 = arith.addi %iota3A, %add3A_507 : vector<16xi32>
    %and3A_509 = arith.constant 63 : i32
    %and3A_510 = vector.broadcast %and3A_509 : i32 to vector<16xi32>
    %and3A_511 = arith.andi %add3A_508, %and3A_510 : vector<16xi32>
    %add3A_512 = arith.addi %mul3A_30, %and3A_511 : vector<16xi32>
    %swap3A_513 = arith.constant 848 : index
    %swap3A_514 = tpu.vector_load %arg15[%swap3A_513] {strides = array<i32>} : memref<1024xi32, #tpu.memory_space<vmem>>, vector<16xi32>,
    tpu.vector_store %arg15[%swap3A_513], %add3A_512 {strides = array<i32>} : memref<1024xi32, #tpu.memory_space<vmem>>, vector<16xi32>,
    %add3A_515 = arith.constant 54 : i32
    %add3A_516 = vector.broadcast %add3A_515 : i32 to vector<16xi32>
    %add3A_517 = arith.addi %iota3A, %add3A_516 : vector<16xi32>
    %and3A_518 = arith.constant 63 : i32
    %and3A_519 = vector.broadcast %and3A_518 : i32 to vector<16xi32>
    %and3A_520 = arith.andi %add3A_517, %and3A_519 : vector<16xi32>
    %add3A_521 = arith.addi %mul3A_30, %and3A_520 : vector<16xi32>
    %swap3A_522 = arith.constant 864 : index
    %swap3A_523 = tpu.vector_load %arg15[%swap3A_522] {strides = array<i32>} : memref<1024xi32, #tpu.memory_space<vmem>>, vector<16xi32>,
    tpu.vector_store %arg15[%swap3A_522], %add3A_521 {strides = array<i32>} : memref<1024xi32, #tpu.memory_space<vmem>>, vector<16xi32>,
    %add3A_524 = arith.constant 55 : i32
    %add3A_525 = vector.broadcast %add3A_524 : i32 to vector<16xi32>
    %add3A_526 = arith.addi %iota3A, %add3A_525 : vector<16xi32>
    %and3A_527 = arith.constant 63 : i32
    %and3A_528 = vector.broadcast %and3A_527 : i32 to vector<16xi32>
    %and3A_529 = arith.andi %add3A_526, %and3A_528 : vector<16xi32>
    %add3A_530 = arith.addi %mul3A_30, %and3A_529 : vector<16xi32>
    %swap3A_531 = arith.constant 880 : index
    %swap3A_532 = tpu.vector_load %arg15[%swap3A_531] {strides = array<i32>} : memref<1024xi32, #tpu.memory_space<vmem>>, vector<16xi32>,
    tpu.vector_store %arg15[%swap3A_531], %add3A_530 {strides = array<i32>} : memref<1024xi32, #tpu.memory_space<vmem>>, vector<16xi32>,
    %add3A_533 = arith.constant 56 : i32
    %add3A_534 = vector.broadcast %add3A_533 : i32 to vector<16xi32>
    %add3A_535 = arith.addi %iota3A, %add3A_534 : vector<16xi32>
    %and3A_536 = arith.constant 63 : i32
    %and3A_537 = vector.broadcast %and3A_536 : i32 to vector<16xi32>
    %and3A_538 = arith.andi %add3A_535, %and3A_537 : vector<16xi32>
    %add3A_539 = arith.addi %mul3A_30, %and3A_538 : vector<16xi32>
    %swap3A_540 = arith.constant 896 : index
    %swap3A_541 = tpu.vector_load %arg15[%swap3A_540] {strides = array<i32>} : memref<1024xi32, #tpu.memory_space<vmem>>, vector<16xi32>,
    tpu.vector_store %arg15[%swap3A_540], %add3A_539 {strides = array<i32>} : memref<1024xi32, #tpu.memory_space<vmem>>, vector<16xi32>,
    %add3A_542 = arith.constant 57 : i32
    %add3A_543 = vector.broadcast %add3A_542 : i32 to vector<16xi32>
    %add3A_544 = arith.addi %iota3A, %add3A_543 : vector<16xi32>
    %and3A_545 = arith.constant 63 : i32
    %and3A_546 = vector.broadcast %and3A_545 : i32 to vector<16xi32>
    %and3A_547 = arith.andi %add3A_544, %and3A_546 : vector<16xi32>
    %add3A_548 = arith.addi %mul3A_30, %and3A_547 : vector<16xi32>
    %swap3A_549 = arith.constant 912 : index
    %swap3A_550 = tpu.vector_load %arg15[%swap3A_549] {strides = array<i32>} : memref<1024xi32, #tpu.memory_space<vmem>>, vector<16xi32>,
    tpu.vector_store %arg15[%swap3A_549], %add3A_548 {strides = array<i32>} : memref<1024xi32, #tpu.memory_space<vmem>>, vector<16xi32>,
    %add3A_551 = arith.constant 58 : i32
    %add3A_552 = vector.broadcast %add3A_551 : i32 to vector<16xi32>
    %add3A_553 = arith.addi %iota3A, %add3A_552 : vector<16xi32>
    %and3A_554 = arith.constant 63 : i32
    %and3A_555 = vector.broadcast %and3A_554 : i32 to vector<16xi32>
    %and3A_556 = arith.andi %add3A_553, %and3A_555 : vector<16xi32>
    %add3A_557 = arith.addi %mul3A_30, %and3A_556 : vector<16xi32>
    %swap3A_558 = arith.constant 928 : index
    %swap3A_559 = tpu.vector_load %arg15[%swap3A_558] {strides = array<i32>} : memref<1024xi32, #tpu.memory_space<vmem>>, vector<16xi32>,
    tpu.vector_store %arg15[%swap3A_558], %add3A_557 {strides = array<i32>} : memref<1024xi32, #tpu.memory_space<vmem>>, vector<16xi32>,
    %add3A_560 = arith.constant 59 : i32
    %add3A_561 = vector.broadcast %add3A_560 : i32 to vector<16xi32>
    %add3A_562 = arith.addi %iota3A, %add3A_561 : vector<16xi32>
    %and3A_563 = arith.constant 63 : i32
    %and3A_564 = vector.broadcast %and3A_563 : i32 to vector<16xi32>
    %and3A_565 = arith.andi %add3A_562, %and3A_564 : vector<16xi32>
    %add3A_566 = arith.addi %mul3A_30, %and3A_565 : vector<16xi32>
    %swap3A_567 = arith.constant 944 : index
    %swap3A_568 = tpu.vector_load %arg15[%swap3A_567] {strides = array<i32>} : memref<1024xi32, #tpu.memory_space<vmem>>, vector<16xi32>,
    tpu.vector_store %arg15[%swap3A_567], %add3A_566 {strides = array<i32>} : memref<1024xi32, #tpu.memory_space<vmem>>, vector<16xi32>,
    %add3A_569 = arith.constant 60 : i32
    %add3A_570 = vector.broadcast %add3A_569 : i32 to vector<16xi32>
    %add3A_571 = arith.addi %iota3A, %add3A_570 : vector<16xi32>
    %and3A_572 = arith.constant 63 : i32
    %and3A_573 = vector.broadcast %and3A_572 : i32 to vector<16xi32>
    %and3A_574 = arith.andi %add3A_571, %and3A_573 : vector<16xi32>
    %add3A_575 = arith.addi %mul3A_30, %and3A_574 : vector<16xi32>
    %swap3A_576 = arith.constant 960 : index
    %swap3A_577 = tpu.vector_load %arg15[%swap3A_576] {strides = array<i32>} : memref<1024xi32, #tpu.memory_space<vmem>>, vector<16xi32>,
    tpu.vector_store %arg15[%swap3A_576], %add3A_575 {strides = array<i32>} : memref<1024xi32, #tpu.memory_space<vmem>>, vector<16xi32>,
    %add3A_578 = arith.constant 61 : i32
    %add3A_579 = vector.broadcast %add3A_578 : i32 to vector<16xi32>
    %add3A_580 = arith.addi %iota3A, %add3A_579 : vector<16xi32>
    %and3A_581 = arith.constant 63 : i32
    %and3A_582 = vector.broadcast %and3A_581 : i32 to vector<16xi32>
    %and3A_583 = arith.andi %add3A_580, %and3A_582 : vector<16xi32>
    %add3A_584 = arith.addi %mul3A_30, %and3A_583 : vector<16xi32>
    %swap3A_585 = arith.constant 976 : index
    %swap3A_586 = tpu.vector_load %arg15[%swap3A_585] {strides = array<i32>} : memref<1024xi32, #tpu.memory_space<vmem>>, vector<16xi32>,
    tpu.vector_store %arg15[%swap3A_585], %add3A_584 {strides = array<i32>} : memref<1024xi32, #tpu.memory_space<vmem>>, vector<16xi32>,
    %add3A_587 = arith.constant 62 : i32
    %add3A_588 = vector.broadcast %add3A_587 : i32 to vector<16xi32>
    %add3A_589 = arith.addi %iota3A, %add3A_588 : vector<16xi32>
    %and3A_590 = arith.constant 63 : i32
    %and3A_591 = vector.broadcast %and3A_590 : i32 to vector<16xi32>
    %and3A_592 = arith.andi %add3A_589, %and3A_591 : vector<16xi32>
    %add3A_593 = arith.addi %mul3A_30, %and3A_592 : vector<16xi32>
    %swap3A_594 = arith.constant 992 : index
    %swap3A_595 = tpu.vector_load %arg15[%swap3A_594] {strides = array<i32>} : memref<1024xi32, #tpu.memory_space<vmem>>, vector<16xi32>,
    tpu.vector_store %arg15[%swap3A_594], %add3A_593 {strides = array<i32>} : memref<1024xi32, #tpu.memory_space<vmem>>, vector<16xi32>,
    %add3A_596 = arith.constant 63 : i32
    %add3A_597 = vector.broadcast %add3A_596 : i32 to vector<16xi32>
    %add3A_598 = arith.addi %iota3A, %add3A_597 : vector<16xi32>
    %and3A_599 = arith.constant 63 : i32
    %and3A_600 = vector.broadcast %and3A_599 : i32 to vector<16xi32>
    %and3A_601 = arith.andi %add3A_598, %and3A_600 : vector<16xi32>
    %add3A_602 = arith.addi %mul3A_30, %and3A_601 : vector<16xi32>
    %swap3A_603 = arith.constant 1008 : index
    %swap3A_604 = tpu.vector_load %arg15[%swap3A_603] {strides = array<i32>} : memref<1024xi32, #tpu.memory_space<vmem>>, vector<16xi32>,
    tpu.vector_store %arg15[%swap3A_603], %add3A_602 {strides = array<i32>} : memref<1024xi32, #tpu.memory_space<vmem>>, vector<16xi32>,
    %mul3A_605 = arith.constant 0 : i32
    %mul3A_606 = arith.constant 32 : i32
    %mul3A_607 = arith.muli %mul3A_605, %mul3A_606 : i32
    %add3A_608 = arith.addi %add3A, %mul3A_607 : i32
    %sub3A = arith.constant 3125 : i32
    %sub3A_609 = arith.constant 1 : i32
    %sub3A_610 = arith.subi %sub3A, %sub3A_609 : i32
    %min3A = arith.minsi %add3A_608, %sub3A_610 : i32
    %mul3A_611 = arith.constant 320 : i32
    %mul3A_612 = arith.muli %min3A, %mul3A_611 : i32
    %mul3A_613 = arith.constant 64 : i32
    %mul3A_614 = arith.muli %mul3A_612, %mul3A_613 : i32
    %dma_start3A = tpu.memref_slice %arg2[%mul3A_614] : memref<64000000xf32, #tpu.memory_space<hbm>> -> memref<20480xf32, #tpu.memory_space<hbm>>
    %dma_start3A_615 = tpu.memref_slice %arg2[%mul3A_614] : memref<64000000xf32, #tpu.memory_space<hbm>> -> memref<20480xf32, #tpu.memory_space<hbm>>
    tpu.enqueue_dma source(%dma_start3A_615 : memref<20480xf32, #tpu.memory_space<hbm>>) target(%arg10 : memref<20480xf32, #tpu.memory_space<vmem>>) target_semaphore(%arg16 : memref<!tpu.dma_semaphore, #tpu.memory_space<semaphore_mem>>)
    %dma_start3A_616 = tpu.memref_slice %arg3[%mul3A_612] : memref<1000000xf32, #tpu.memory_space<hbm>> -> memref<320xf32, #tpu.memory_space<hbm>>
    %dma_start3A_617 = tpu.memref_slice %arg3[%mul3A_612] : memref<1000000xf32, #tpu.memory_space<hbm>> -> memref<320xf32, #tpu.memory_space<hbm>>
    tpu.enqueue_dma source(%dma_start3A_617 : memref<320xf32, #tpu.memory_space<hbm>>) target(%arg12 : memref<320xf32, #tpu.memory_space<vmem>>) target_semaphore(%arg16 : memref<!tpu.dma_semaphore, #tpu.memory_space<semaphore_mem>>)
    %broadcast_in_dim3A = arith.constant 0.000000e+00 : f32
    %broadcast_in_dim3A_618 = vector.broadcast %broadcast_in_dim3A : f32 to vector<16xf32>
    %scan3A_619 = arith.constant 3125 : i32
    %scan3A_620 = arith.constant 5.000000e-01 : f32
    %scan3A_621 = arith.constant 1.500000e+00 : f32
    %scan3A_622 = arith.constant 0 : i32
    %scan3A_623 = arith.constant 49 : i32
    %scan3A_624 = arith.addi %scan3A_622, %scan3A_623 : i32
    %scan3A_625 = arith.constant 1 : i32
    %scan3A_626 = scf.for %scan3A_637 = %scan3A_622 to %scan3A_624 step %scan3A_625 iter_args(%scan3A_638 = %broadcast_in_dim3A_618) -> (vector<16xf32>)  : i32 {
      %mul3A_639 = arith.constant 2 : i32
      %mul3A_640 = arith.muli %mul3A_639, %scan3A_637 : i32
      %add3A_641 = arith.constant 1 : i32
      %add3A_642 = arith.addi %mul3A_640, %add3A_641 : i32
      %mul3A_643 = arith.constant 32 : i32
      %mul3A_644 = arith.muli %add3A_642, %mul3A_643 : i32
      %add3A_645 = arith.addi %add3A, %mul3A_644 : i32
      %sub3A_646 = arith.constant 1 : i32
      %sub3A_647 = arith.subi %scan3A_619, %sub3A_646 : i32
      %min3A_648 = arith.minsi %add3A_645, %sub3A_647 : i32
      %mul3A_649 = arith.constant 320 : i32
      %mul3A_650 = arith.muli %min3A_648, %mul3A_649 : i32
      %mul3A_651 = arith.constant 64 : i32
      %mul3A_652 = arith.muli %mul3A_650, %mul3A_651 : i32
      %dma_start3A_653 = tpu.memref_slice %arg2[%mul3A_652] : memref<64000000xf32, #tpu.memory_space<hbm>> -> memref<20480xf32, #tpu.memory_space<hbm>>
      %dma_start3A_654 = tpu.memref_slice %arg2[%mul3A_652] : memref<64000000xf32, #tpu.memory_space<hbm>> -> memref<20480xf32, #tpu.memory_space<hbm>>
      tpu.enqueue_dma source(%dma_start3A_654 : memref<20480xf32, #tpu.memory_space<hbm>>) target(%arg11 : memref<20480xf32, #tpu.memory_space<vmem>>) target_semaphore(%arg17 : memref<!tpu.dma_semaphore, #tpu.memory_space<semaphore_mem>>)
      %dma_start3A_655 = tpu.memref_slice %arg3[%mul3A_650] : memref<1000000xf32, #tpu.memory_space<hbm>> -> memref<320xf32, #tpu.memory_space<hbm>>
      %dma_start3A_656 = tpu.memref_slice %arg3[%mul3A_650] : memref<1000000xf32, #tpu.memory_space<hbm>> -> memref<320xf32, #tpu.memory_space<hbm>>
      tpu.enqueue_dma source(%dma_start3A_656 : memref<320xf32, #tpu.memory_space<hbm>>) target(%arg13 : memref<320xf32, #tpu.memory_space<vmem>>) target_semaphore(%arg17 : memref<!tpu.dma_semaphore, #tpu.memory_space<semaphore_mem>>)
      %dma_wait3A_657 = arith.constant 0 : i32
      %dma_wait3A_658 = tpu.memref_slice %arg2[%dma_wait3A_657] : memref<64000000xf32, #tpu.memory_space<hbm>> -> memref<20480xf32, #tpu.memory_space<hbm>>
      %dma_wait3A_659 = arith.constant 0 : i32
      %dma_wait3A_660 = tpu.memref_slice %arg2[%dma_wait3A_659] : memref<64000000xf32, #tpu.memory_space<hbm>> -> memref<20480xf32, #tpu.memory_space<hbm>>
      tpu.wait_dma2 semaphore(%arg16 : memref<!tpu.dma_semaphore, #tpu.memory_space<semaphore_mem>>) src(%dma_wait3A_660 : memref<20480xf32, #tpu.memory_space<hbm>>) dst(%arg10 : memref<20480xf32, #tpu.memory_space<vmem>>)
      %dma_wait3A_661 = arith.constant 0 : i32
      %dma_wait3A_662 = tpu.memref_slice %arg3[%dma_wait3A_661] : memref<1000000xf32, #tpu.memory_space<hbm>> -> memref<320xf32, #tpu.memory_space<hbm>>
      %dma_wait3A_663 = arith.constant 0 : i32
      %dma_wait3A_664 = tpu.memref_slice %arg3[%dma_wait3A_663] : memref<1000000xf32, #tpu.memory_space<hbm>> -> memref<320xf32, #tpu.memory_space<hbm>>
      tpu.wait_dma2 semaphore(%arg16 : memref<!tpu.dma_semaphore, #tpu.memory_space<semaphore_mem>>) src(%dma_wait3A_664 : memref<320xf32, #tpu.memory_space<hbm>>) dst(%arg12 : memref<320xf32, #tpu.memory_space<vmem>>)
      %mul3A_665 = arith.constant 32 : i32
      %mul3A_666 = arith.muli %mul3A_640, %mul3A_665 : i32
      %add3A_667 = arith.addi %add3A, %mul3A_666 : i32
      %lt3A = arith.cmpi slt, %add3A_667, %scan3A_619 : i32
      %scan3A_668 = arith.constant 0 : i32
      %scan3A_669 = arith.constant 10 : i32
      %scan3A_670 = arith.addi %scan3A_668, %scan3A_669 : i32
      %scan3A_671 = arith.constant 1 : i32
      %scan3A_672 = scf.for %scan3A_710 = %scan3A_668 to %scan3A_670 step %scan3A_671 iter_args(%scan3A_711 = %scan3A_638) -> (vector<16xf32>)  : i32 {
        %mul3A_712 = arith.constant 2 : i32
        %mul3A_713 = arith.muli %mul3A_712, %scan3A_710 : i32
        %mul3A_714 = arith.constant 16 : i32
        %mul3A_715 = arith.muli %mul3A_713, %mul3A_714 : i32
        %get3A = arith.index_cast %mul3A_715 : i32 to index
        %get3A_716 = tpu.vector_load %arg12[%get3A] {strides = array<i32>} : memref<320xf32, #tpu.memory_space<vmem>>, vector<16xf32>,
        %convert_element_type3A = arith.fptosi %get3A_716 : vector<16xf32> to vector<16xi32>
        %mul3A_717 = arith.constant 2 : i32
        %mul3A_718 = arith.muli %mul3A_717, %scan3A_710 : i32
        %add3A_719 = arith.constant 1 : i32
        %add3A_720 = arith.addi %mul3A_718, %add3A_719 : i32
        %mul3A_721 = arith.constant 16 : i32
        %mul3A_722 = arith.muli %add3A_720, %mul3A_721 : i32
        %get3A_723 = arith.index_cast %mul3A_722 : i32 to index
        %get3A_724 = tpu.vector_load %arg12[%get3A_723] {strides = array<i32>} : memref<320xf32, #tpu.memory_space<vmem>>, vector<16xf32>,
        %convert_element_type3A_725 = arith.fptosi %get3A_724 : vector<16xf32> to vector<16xi32>
        %max3A = arith.constant 0 : i32
        %max3A_726 = vector.broadcast %max3A : i32 to vector<16xi32>
        %max3A_727 = arith.maxsi %convert_element_type3A, %max3A_726 : vector<16xi32>
        %min3A_728 = arith.constant 999 : i32
        %min3A_729 = vector.broadcast %min3A_728 : i32 to vector<16xi32>
        %min3A_730 = arith.minsi %max3A_727, %min3A_729 : vector<16xi32>
        %max3A_731 = arith.constant 0 : i32
        %max3A_732 = vector.broadcast %max3A_731 : i32 to vector<16xi32>
        %max3A_733 = arith.maxsi %convert_element_type3A_725, %max3A_732 : vector<16xi32>
        %min3A_734 = arith.constant 999 : i32
        %min3A_735 = vector.broadcast %min3A_734 : i32 to vector<16xi32>
        %min3A_736 = arith.minsi %max3A_733, %min3A_735 : vector<16xi32>
        %gather3A = tpu.vector_load_idx %arg9[%min3A_730] : memref<1024xf32, #tpu.memory_space<vmem>>[vector<16xi32>], vector<16xf32>,
        %gather3A_737 = tpu.vector_load_idx %arg9[%min3A_736] : memref<1024xf32, #tpu.memory_space<vmem>>[vector<16xi32>], vector<16xf32>,
        %mul3A_738 = arith.constant 64 : i32
        %mul3A_739 = vector.broadcast %mul3A_738 : i32 to vector<16xi32>
        %mul3A_740 = arith.muli %min3A_730, %mul3A_739 : vector<16xi32>
        %sub3A_741 = arith.subi %mul3A_740, %mul3A_30 : vector<16xi32>
        %mul3A_742 = arith.constant 64 : i32
        %mul3A_743 = vector.broadcast %mul3A_742 : i32 to vector<16xi32>
        %mul3A_744 = arith.muli %min3A_736, %mul3A_743 : vector<16xi32>
        %sub3A_745 = arith.subi %mul3A_744, %mul3A_30 : vector<16xi32>
        %mul3A_746 = arith.constant 2 : i32
        %mul3A_747 = arith.muli %mul3A_746, %scan3A_710 : i32
        %mul3A_748 = arith.constant 1024 : i32
        %mul3A_749 = arith.muli %mul3A_747, %mul3A_748 : i32
        %mul3A_750 = arith.constant 2 : i32
        %mul3A_751 = arith.muli %mul3A_750, %scan3A_710 : i32
        %add3A_752 = arith.constant 1 : i32
        %add3A_753 = arith.addi %mul3A_751, %add3A_752 : i32
        %mul3A_754 = arith.constant 1024 : i32
        %mul3A_755 = arith.muli %add3A_753, %mul3A_754 : i32
        %broadcast_in_dim3A_756 = arith.constant 0.000000e+00 : f32
        %broadcast_in_dim3A_757 = vector.broadcast %broadcast_in_dim3A_756 : f32 to vector<16xf32>
        %broadcast_in_dim3A_758 = arith.constant 0.000000e+00 : f32
        %broadcast_in_dim3A_759 = vector.broadcast %broadcast_in_dim3A_758 : f32 to vector<16xf32>
        %scan3A_760 = arith.constant 0 : i32
        %scan3A_761 = arith.constant 4 : i32
        %scan3A_762 = arith.addi %scan3A_760, %scan3A_761 : i32
        %scan3A_763 = arith.constant 1 : i32
        %scan3A_764:2 = scf.for %scan3A_848 = %scan3A_760 to %scan3A_762 step %scan3A_763 iter_args(%scan3A_849 = %broadcast_in_dim3A_757, %scan3A_850 = %broadcast_in_dim3A_759) -> (vector<16xf32>, vector<16xf32>)  : i32 {
          %mul3A_851 = arith.constant 256 : i32
          %mul3A_852 = arith.muli %scan3A_848, %mul3A_851 : i32
          %add3A_853 = arith.constant 0 : i32
          %add3A_854 = arith.addi %mul3A_852, %add3A_853 : i32
          %get3A_855 = arith.index_cast %add3A_854 : i32 to index
          %get3A_856 = tpu.vector_load %arg15[%get3A_855] {strides = array<i32>} : memref<1024xi32, #tpu.memory_space<vmem>>, vector<16xi32>,
          %gather3A_857 = tpu.memref_slice %arg10[%mul3A_749] : memref<20480xf32, #tpu.memory_space<vmem>> -> memref<1024xf32, #tpu.memory_space<vmem>>
          %gather3A_858 = tpu.vector_load_idx %gather3A_857[%get3A_856] : memref<1024xf32, #tpu.memory_space<vmem>>[vector<16xi32>], vector<16xf32>,
          %add3A_859 = arith.addi %get3A_856, %sub3A_741 : vector<16xi32>
          %gather3A_860 = tpu.vector_load_idx %arg7[%add3A_859] : memref<64000xf32, #tpu.memory_space<vmem>>[vector<16xi32>], vector<16xf32>,
          %sub3A_861 = arith.subf %gather3A_858, %gather3A_860 : vector<16xf32>
          %mul3A_862 = arith.mulf %sub3A_861, %sub3A_861 : vector<16xf32>
          %add3A_863 = arith.addf %scan3A_849, %mul3A_862 : vector<16xf32>
          %gather3A_864 = tpu.memref_slice %arg10[%mul3A_755] : memref<20480xf32, #tpu.memory_space<vmem>> -> memref<1024xf32, #tpu.memory_space<vmem>>
          %gather3A_865 = tpu.vector_load_idx %gather3A_864[%get3A_856] : memref<1024xf32, #tpu.memory_space<vmem>>[vector<16xi32>], vector<16xf32>,
          %add3A_866 = arith.addi %get3A_856, %sub3A_745 : vector<16xi32>
          %gather3A_867 = tpu.vector_load_idx %arg7[%add3A_866] : memref<64000xf32, #tpu.memory_space<vmem>>[vector<16xi32>], vector<16xf32>,
          %sub3A_868 = arith.subf %gather3A_865, %gather3A_867 : vector<16xf32>
          %mul3A_869 = arith.mulf %sub3A_868, %sub3A_868 : vector<16xf32>
          %add3A_870 = arith.addf %scan3A_850, %mul3A_869 : vector<16xf32>
          %mul3A_871 = arith.constant 256 : i32
          %mul3A_872 = arith.muli %scan3A_848, %mul3A_871 : i32
          %add3A_873 = arith.constant 16 : i32
          %add3A_874 = arith.addi %mul3A_872, %add3A_873 : i32
          %get3A_875 = arith.index_cast %add3A_874 : i32 to index
          %get3A_876 = tpu.vector_load %arg15[%get3A_875] {strides = array<i32>} : memref<1024xi32, #tpu.memory_space<vmem>>, vector<16xi32>,
          %gather3A_877 = tpu.memref_slice %arg10[%mul3A_749] : memref<20480xf32, #tpu.memory_space<vmem>> -> memref<1024xf32, #tpu.memory_space<vmem>>
          %gather3A_878 = tpu.vector_load_idx %gather3A_877[%get3A_876] : memref<1024xf32, #tpu.memory_space<vmem>>[vector<16xi32>], vector<16xf32>,
          %add3A_879 = arith.addi %get3A_876, %sub3A_741 : vector<16xi32>
          %gather3A_880 = tpu.vector_load_idx %arg7[%add3A_879] : memref<64000xf32, #tpu.memory_space<vmem>>[vector<16xi32>], vector<16xf32>,
          %sub3A_881 = arith.subf %gather3A_878, %gather3A_880 : vector<16xf32>
          %mul3A_882 = arith.mulf %sub3A_881, %sub3A_881 : vector<16xf32>
          %add3A_883 = arith.addf %add3A_863, %mul3A_882 : vector<16xf32>
          %gather3A_884 = tpu.memref_slice %arg10[%mul3A_755] : memref<20480xf32, #tpu.memory_space<vmem>> -> memref<1024xf32, #tpu.memory_space<vmem>>
          %gather3A_885 = tpu.vector_load_idx %gather3A_884[%get3A_876] : memref<1024xf32, #tpu.memory_space<vmem>>[vector<16xi32>], vector<16xf32>,
          %add3A_886 = arith.addi %get3A_876, %sub3A_745 : vector<16xi32>
          %gather3A_887 = tpu.vector_load_idx %arg7[%add3A_886] : memref<64000xf32, #tpu.memory_space<vmem>>[vector<16xi32>], vector<16xf32>,
          %sub3A_888 = arith.subf %gather3A_885, %gather3A_887 : vector<16xf32>
          %mul3A_889 = arith.mulf %sub3A_888, %sub3A_888 : vector<16xf32>
          %add3A_890 = arith.addf %add3A_870, %mul3A_889 : vector<16xf32>
          %mul3A_891 = arith.constant 256 : i32
          %mul3A_892 = arith.muli %scan3A_848, %mul3A_891 : i32
          %add3A_893 = arith.constant 32 : i32
          %add3A_894 = arith.addi %mul3A_892, %add3A_893 : i32
          %get3A_895 = arith.index_cast %add3A_894 : i32 to index
          %get3A_896 = tpu.vector_load %arg15[%get3A_895] {strides = array<i32>} : memref<1024xi32, #tpu.memory_space<vmem>>, vector<16xi32>,
          %gather3A_897 = tpu.memref_slice %arg10[%mul3A_749] : memref<20480xf32, #tpu.memory_space<vmem>> -> memref<1024xf32, #tpu.memory_space<vmem>>
          %gather3A_898 = tpu.vector_load_idx %gather3A_897[%get3A_896] : memref<1024xf32, #tpu.memory_space<vmem>>[vector<16xi32>], vector<16xf32>,
          %add3A_899 = arith.addi %get3A_896, %sub3A_741 : vector<16xi32>
          %gather3A_900 = tpu.vector_load_idx %arg7[%add3A_899] : memref<64000xf32, #tpu.memory_space<vmem>>[vector<16xi32>], vector<16xf32>,
          %sub3A_901 = arith.subf %gather3A_898, %gather3A_900 : vector<16xf32>
          %mul3A_902 = arith.mulf %sub3A_901, %sub3A_901 : vector<16xf32>
          %add3A_903 = arith.addf %add3A_883, %mul3A_902 : vector<16xf32>
          %gather3A_904 = tpu.memref_slice %arg10[%mul3A_755] : memref<20480xf32, #tpu.memory_space<vmem>> -> memref<1024xf32, #tpu.memory_space<vmem>>
          %gather3A_905 = tpu.vector_load_idx %gather3A_904[%get3A_896] : memref<1024xf32, #tpu.memory_space<vmem>>[vector<16xi32>], vector<16xf32>,
          %add3A_906 = arith.addi %get3A_896, %sub3A_745 : vector<16xi32>
          %gather3A_907 = tpu.vector_load_idx %arg7[%add3A_906] : memref<64000xf32, #tpu.memory_space<vmem>>[vector<16xi32>], vector<16xf32>,
          %sub3A_908 = arith.subf %gather3A_905, %gather3A_907 : vector<16xf32>
          %mul3A_909 = arith.mulf %sub3A_908, %sub3A_908 : vector<16xf32>
          %add3A_910 = arith.addf %add3A_890, %mul3A_909 : vector<16xf32>
          %mul3A_911 = arith.constant 256 : i32
          %mul3A_912 = arith.muli %scan3A_848, %mul3A_911 : i32
          %add3A_913 = arith.constant 48 : i32
          %add3A_914 = arith.addi %mul3A_912, %add3A_913 : i32
          %get3A_915 = arith.index_cast %add3A_914 : i32 to index
          %get3A_916 = tpu.vector_load %arg15[%get3A_915] {strides = array<i32>} : memref<1024xi32, #tpu.memory_space<vmem>>, vector<16xi32>,
          %gather3A_917 = tpu.memref_slice %arg10[%mul3A_749] : memref<20480xf32, #tpu.memory_space<vmem>> -> memref<1024xf32, #tpu.memory_space<vmem>>
          %gather3A_918 = tpu.vector_load_idx %gather3A_917[%get3A_916] : memref<1024xf32, #tpu.memory_space<vmem>>[vector<16xi32>], vector<16xf32>,
          %add3A_919 = arith.addi %get3A_916, %sub3A_741 : vector<16xi32>
          %gather3A_920 = tpu.vector_load_idx %arg7[%add3A_919] : memref<64000xf32, #tpu.memory_space<vmem>>[vector<16xi32>], vector<16xf32>,
          %sub3A_921 = arith.subf %gather3A_918, %gather3A_920 : vector<16xf32>
          %mul3A_922 = arith.mulf %sub3A_921, %sub3A_921 : vector<16xf32>
          %add3A_923 = arith.addf %add3A_903, %mul3A_922 : vector<16xf32>
          %gather3A_924 = tpu.memref_slice %arg10[%mul3A_755] : memref<20480xf32, #tpu.memory_space<vmem>> -> memref<1024xf32, #tpu.memory_space<vmem>>
          %gather3A_925 = tpu.vector_load_idx %gather3A_924[%get3A_916] : memref<1024xf32, #tpu.memory_space<vmem>>[vector<16xi32>], vector<16xf32>,
          %add3A_926 = arith.addi %get3A_916, %sub3A_745 : vector<16xi32>
          %gather3A_927 = tpu.vector_load_idx %arg7[%add3A_926] : memref<64000xf32, #tpu.memory_space<vmem>>[vector<16xi32>], vector<16xf32>,
          %sub3A_928 = arith.subf %gather3A_925, %gather3A_927 : vector<16xf32>
          %mul3A_929 = arith.mulf %sub3A_928, %sub3A_928 : vector<16xf32>
          %add3A_930 = arith.addf %add3A_910, %mul3A_929 : vector<16xf32>
          %mul3A_931 = arith.constant 256 : i32
          %mul3A_932 = arith.muli %scan3A_848, %mul3A_931 : i32
          %add3A_933 = arith.constant 64 : i32
          %add3A_934 = arith.addi %mul3A_932, %add3A_933 : i32
          %get3A_935 = arith.index_cast %add3A_934 : i32 to index
          %get3A_936 = tpu.vector_load %arg15[%get3A_935] {strides = array<i32>} : memref<1024xi32, #tpu.memory_space<vmem>>, vector<16xi32>,
          %gather3A_937 = tpu.memref_slice %arg10[%mul3A_749] : memref<20480xf32, #tpu.memory_space<vmem>> -> memref<1024xf32, #tpu.memory_space<vmem>>
          %gather3A_938 = tpu.vector_load_idx %gather3A_937[%get3A_936] : memref<1024xf32, #tpu.memory_space<vmem>>[vector<16xi32>], vector<16xf32>,
          %add3A_939 = arith.addi %get3A_936, %sub3A_741 : vector<16xi32>
          %gather3A_940 = tpu.vector_load_idx %arg7[%add3A_939] : memref<64000xf32, #tpu.memory_space<vmem>>[vector<16xi32>], vector<16xf32>,
          %sub3A_941 = arith.subf %gather3A_938, %gather3A_940 : vector<16xf32>
          %mul3A_942 = arith.mulf %sub3A_941, %sub3A_941 : vector<16xf32>
          %add3A_943 = arith.addf %add3A_923, %mul3A_942 : vector<16xf32>
          %gather3A_944 = tpu.memref_slice %arg10[%mul3A_755] : memref<20480xf32, #tpu.memory_space<vmem>> -> memref<1024xf32, #tpu.memory_space<vmem>>
          %gather3A_945 = tpu.vector_load_idx %gather3A_944[%get3A_936] : memref<1024xf32, #tpu.memory_space<vmem>>[vector<16xi32>], vector<16xf32>,
          %add3A_946 = arith.addi %get3A_936, %sub3A_745 : vector<16xi32>
          %gather3A_947 = tpu.vector_load_idx %arg7[%add3A_946] : memref<64000xf32, #tpu.memory_space<vmem>>[vector<16xi32>], vector<16xf32>,
          %sub3A_948 = arith.subf %gather3A_945, %gather3A_947 : vector<16xf32>
          %mul3A_949 = arith.mulf %sub3A_948, %sub3A_948 : vector<16xf32>
          %add3A_950 = arith.addf %add3A_930, %mul3A_949 : vector<16xf32>
          %mul3A_951 = arith.constant 256 : i32
          %mul3A_952 = arith.muli %scan3A_848, %mul3A_951 : i32
          %add3A_953 = arith.constant 80 : i32
          %add3A_954 = arith.addi %mul3A_952, %add3A_953 : i32
          %get3A_955 = arith.index_cast %add3A_954 : i32 to index
          %get3A_956 = tpu.vector_load %arg15[%get3A_955] {strides = array<i32>} : memref<1024xi32, #tpu.memory_space<vmem>>, vector<16xi32>,
          %gather3A_957 = tpu.memref_slice %arg10[%mul3A_749] : memref<20480xf32, #tpu.memory_space<vmem>> -> memref<1024xf32, #tpu.memory_space<vmem>>
          %gather3A_958 = tpu.vector_load_idx %gather3A_957[%get3A_956] : memref<1024xf32, #tpu.memory_space<vmem>>[vector<16xi32>], vector<16xf32>,
          %add3A_959 = arith.addi %get3A_956, %sub3A_741 : vector<16xi32>
          %gather3A_960 = tpu.vector_load_idx %arg7[%add3A_959] : memref<64000xf32, #tpu.memory_space<vmem>>[vector<16xi32>], vector<16xf32>,
          %sub3A_961 = arith.subf %gather3A_958, %gather3A_960 : vector<16xf32>
          %mul3A_962 = arith.mulf %sub3A_961, %sub3A_961 : vector<16xf32>
          %add3A_963 = arith.addf %add3A_943, %mul3A_962 : vector<16xf32>
          %gather3A_964 = tpu.memref_slice %arg10[%mul3A_755] : memref<20480xf32, #tpu.memory_space<vmem>> -> memref<1024xf32, #tpu.memory_space<vmem>>
          %gather3A_965 = tpu.vector_load_idx %gather3A_964[%get3A_956] : memref<1024xf32, #tpu.memory_space<vmem>>[vector<16xi32>], vector<16xf32>,
          %add3A_966 = arith.addi %get3A_956, %sub3A_745 : vector<16xi32>
          %gather3A_967 = tpu.vector_load_idx %arg7[%add3A_966] : memref<64000xf32, #tpu.memory_space<vmem>>[vector<16xi32>], vector<16xf32>,
          %sub3A_968 = arith.subf %gather3A_965, %gather3A_967 : vector<16xf32>
          %mul3A_969 = arith.mulf %sub3A_968, %sub3A_968 : vector<16xf32>
          %add3A_970 = arith.addf %add3A_950, %mul3A_969 : vector<16xf32>
          %mul3A_971 = arith.constant 256 : i32
          %mul3A_972 = arith.muli %scan3A_848, %mul3A_971 : i32
          %add3A_973 = arith.constant 96 : i32
          %add3A_974 = arith.addi %mul3A_972, %add3A_973 : i32
          %get3A_975 = arith.index_cast %add3A_974 : i32 to index
          %get3A_976 = tpu.vector_load %arg15[%get3A_975] {strides = array<i32>} : memref<1024xi32, #tpu.memory_space<vmem>>, vector<16xi32>,
          %gather3A_977 = tpu.memref_slice %arg10[%mul3A_749] : memref<20480xf32, #tpu.memory_space<vmem>> -> memref<1024xf32, #tpu.memory_space<vmem>>
          %gather3A_978 = tpu.vector_load_idx %gather3A_977[%get3A_976] : memref<1024xf32, #tpu.memory_space<vmem>>[vector<16xi32>], vector<16xf32>,
          %add3A_979 = arith.addi %get3A_976, %sub3A_741 : vector<16xi32>
          %gather3A_980 = tpu.vector_load_idx %arg7[%add3A_979] : memref<64000xf32, #tpu.memory_space<vmem>>[vector<16xi32>], vector<16xf32>,
          %sub3A_981 = arith.subf %gather3A_978, %gather3A_980 : vector<16xf32>
          %mul3A_982 = arith.mulf %sub3A_981, %sub3A_981 : vector<16xf32>
          %add3A_983 = arith.addf %add3A_963, %mul3A_982 : vector<16xf32>
          %gather3A_984 = tpu.memref_slice %arg10[%mul3A_755] : memref<20480xf32, #tpu.memory_space<vmem>> -> memref<1024xf32, #tpu.memory_space<vmem>>
          %gather3A_985 = tpu.vector_load_idx %gather3A_984[%get3A_976] : memref<1024xf32, #tpu.memory_space<vmem>>[vector<16xi32>], vector<16xf32>,
          %add3A_986 = arith.addi %get3A_976, %sub3A_745 : vector<16xi32>
          %gather3A_987 = tpu.vector_load_idx %arg7[%add3A_986] : memref<64000xf32, #tpu.memory_space<vmem>>[vector<16xi32>], vector<16xf32>,
          %sub3A_988 = arith.subf %gather3A_985, %gather3A_987 : vector<16xf32>
          %mul3A_989 = arith.mulf %sub3A_988, %sub3A_988 : vector<16xf32>
          %add3A_990 = arith.addf %add3A_970, %mul3A_989 : vector<16xf32>
          %mul3A_991 = arith.constant 256 : i32
          %mul3A_992 = arith.muli %scan3A_848, %mul3A_991 : i32
          %add3A_993 = arith.constant 112 : i32
          %add3A_994 = arith.addi %mul3A_992, %add3A_993 : i32
          %get3A_995 = arith.index_cast %add3A_994 : i32 to index
          %get3A_996 = tpu.vector_load %arg15[%get3A_995] {strides = array<i32>} : memref<1024xi32, #tpu.memory_space<vmem>>, vector<16xi32>,
          %gather3A_997 = tpu.memref_slice %arg10[%mul3A_749] : memref<20480xf32, #tpu.memory_space<vmem>> -> memref<1024xf32, #tpu.memory_space<vmem>>
          %gather3A_998 = tpu.vector_load_idx %gather3A_997[%get3A_996] : memref<1024xf32, #tpu.memory_space<vmem>>[vector<16xi32>], vector<16xf32>,
          %add3A_999 = arith.addi %get3A_996, %sub3A_741 : vector<16xi32>
          %gather3A_1000 = tpu.vector_load_idx %arg7[%add3A_999] : memref<64000xf32, #tpu.memory_space<vmem>>[vector<16xi32>], vector<16xf32>,
          %sub3A_1001 = arith.subf %gather3A_998, %gather3A_1000 : vector<16xf32>
          %mul3A_1002 = arith.mulf %sub3A_1001, %sub3A_1001 : vector<16xf32>
          %add3A_1003 = arith.addf %add3A_983, %mul3A_1002 : vector<16xf32>
          %gather3A_1004 = tpu.memref_slice %arg10[%mul3A_755] : memref<20480xf32, #tpu.memory_space<vmem>> -> memref<1024xf32, #tpu.memory_space<vmem>>
          %gather3A_1005 = tpu.vector_load_idx %gather3A_1004[%get3A_996] : memref<1024xf32, #tpu.memory_space<vmem>>[vector<16xi32>], vector<16xf32>,
          %add3A_1006 = arith.addi %get3A_996, %sub3A_745 : vector<16xi32>
          %gather3A_1007 = tpu.vector_load_idx %arg7[%add3A_1006] : memref<64000xf32, #tpu.memory_space<vmem>>[vector<16xi32>], vector<16xf32>,
          %sub3A_1008 = arith.subf %gather3A_1005, %gather3A_1007 : vector<16xf32>
          %mul3A_1009 = arith.mulf %sub3A_1008, %sub3A_1008 : vector<16xf32>
          %add3A_1010 = arith.addf %add3A_990, %mul3A_1009 : vector<16xf32>
          %mul3A_1011 = arith.constant 256 : i32
          %mul3A_1012 = arith.muli %scan3A_848, %mul3A_1011 : i32
          %add3A_1013 = arith.constant 128 : i32
          %add3A_1014 = arith.addi %mul3A_1012, %add3A_1013 : i32
          %get3A_1015 = arith.index_cast %add3A_1014 : i32 to index
          %get3A_1016 = tpu.vector_load %arg15[%get3A_1015] {strides = array<i32>} : memref<1024xi32, #tpu.memory_space<vmem>>, vector<16xi32>,
          %gather3A_1017 = tpu.memref_slice %arg10[%mul3A_749] : memref<20480xf32, #tpu.memory_space<vmem>> -> memref<1024xf32, #tpu.memory_space<vmem>>
          %gather3A_1018 = tpu.vector_load_idx %gather3A_1017[%get3A_1016] : memref<1024xf32, #tpu.memory_space<vmem>>[vector<16xi32>], vector<16xf32>,
          %add3A_1019 = arith.addi %get3A_1016, %sub3A_741 : vector<16xi32>
          %gather3A_1020 = tpu.vector_load_idx %arg7[%add3A_1019] : memref<64000xf32, #tpu.memory_space<vmem>>[vector<16xi32>], vector<16xf32>,
          %sub3A_1021 = arith.subf %gather3A_1018, %gather3A_1020 : vector<16xf32>
          %mul3A_1022 = arith.mulf %sub3A_1021, %sub3A_1021 : vector<16xf32>
          %add3A_1023 = arith.addf %add3A_1003, %mul3A_1022 : vector<16xf32>
          %gather3A_1024 = tpu.memref_slice %arg10[%mul3A_755] : memref<20480xf32, #tpu.memory_space<vmem>> -> memref<1024xf32, #tpu.memory_space<vmem>>
          %gather3A_1025 = tpu.vector_load_idx %gather3A_1024[%get3A_1016] : memref<1024xf32, #tpu.memory_space<vmem>>[vector<16xi32>], vector<16xf32>,
          %add3A_1026 = arith.addi %get3A_1016, %sub3A_745 : vector<16xi32>
          %gather3A_1027 = tpu.vector_load_idx %arg7[%add3A_1026] : memref<64000xf32, #tpu.memory_space<vmem>>[vector<16xi32>], vector<16xf32>,
          %sub3A_1028 = arith.subf %gather3A_1025, %gather3A_1027 : vector<16xf32>
          %mul3A_1029 = arith.mulf %sub3A_1028, %sub3A_1028 : vector<16xf32>
          %add3A_1030 = arith.addf %add3A_1010, %mul3A_1029 : vector<16xf32>
          %mul3A_1031 = arith.constant 256 : i32
          %mul3A_1032 = arith.muli %scan3A_848, %mul3A_1031 : i32
          %add3A_1033 = arith.constant 144 : i32
          %add3A_1034 = arith.addi %mul3A_1032, %add3A_1033 : i32
          %get3A_1035 = arith.index_cast %add3A_1034 : i32 to index
          %get3A_1036 = tpu.vector_load %arg15[%get3A_1035] {strides = array<i32>} : memref<1024xi32, #tpu.memory_space<vmem>>, vector<16xi32>,
          %gather3A_1037 = tpu.memref_slice %arg10[%mul3A_749] : memref<20480xf32, #tpu.memory_space<vmem>> -> memref<1024xf32, #tpu.memory_space<vmem>>
          %gather3A_1038 = tpu.vector_load_idx %gather3A_1037[%get3A_1036] : memref<1024xf32, #tpu.memory_space<vmem>>[vector<16xi32>], vector<16xf32>,
          %add3A_1039 = arith.addi %get3A_1036, %sub3A_741 : vector<16xi32>
          %gather3A_1040 = tpu.vector_load_idx %arg7[%add3A_1039] : memref<64000xf32, #tpu.memory_space<vmem>>[vector<16xi32>], vector<16xf32>,
          %sub3A_1041 = arith.subf %gather3A_1038, %gather3A_1040 : vector<16xf32>
          %mul3A_1042 = arith.mulf %sub3A_1041, %sub3A_1041 : vector<16xf32>
          %add3A_1043 = arith.addf %add3A_1023, %mul3A_1042 : vector<16xf32>
          %gather3A_1044 = tpu.memref_slice %arg10[%mul3A_755] : memref<20480xf32, #tpu.memory_space<vmem>> -> memref<1024xf32, #tpu.memory_space<vmem>>
          %gather3A_1045 = tpu.vector_load_idx %gather3A_1044[%get3A_1036] : memref<1024xf32, #tpu.memory_space<vmem>>[vector<16xi32>], vector<16xf32>,
          %add3A_1046 = arith.addi %get3A_1036, %sub3A_745 : vector<16xi32>
          %gather3A_1047 = tpu.vector_load_idx %arg7[%add3A_1046] : memref<64000xf32, #tpu.memory_space<vmem>>[vector<16xi32>], vector<16xf32>,
          %sub3A_1048 = arith.subf %gather3A_1045, %gather3A_1047 : vector<16xf32>
          %mul3A_1049 = arith.mulf %sub3A_1048, %sub3A_1048 : vector<16xf32>
          %add3A_1050 = arith.addf %add3A_1030, %mul3A_1049 : vector<16xf32>
          %mul3A_1051 = arith.constant 256 : i32
          %mul3A_1052 = arith.muli %scan3A_848, %mul3A_1051 : i32
          %add3A_1053 = arith.constant 160 : i32
          %add3A_1054 = arith.addi %mul3A_1052, %add3A_1053 : i32
          %get3A_1055 = arith.index_cast %add3A_1054 : i32 to index
          %get3A_1056 = tpu.vector_load %arg15[%get3A_1055] {strides = array<i32>} : memref<1024xi32, #tpu.memory_space<vmem>>, vector<16xi32>,
          %gather3A_1057 = tpu.memref_slice %arg10[%mul3A_749] : memref<20480xf32, #tpu.memory_space<vmem>> -> memref<1024xf32, #tpu.memory_space<vmem>>
          %gather3A_1058 = tpu.vector_load_idx %gather3A_1057[%get3A_1056] : memref<1024xf32, #tpu.memory_space<vmem>>[vector<16xi32>], vector<16xf32>,
          %add3A_1059 = arith.addi %get3A_1056, %sub3A_741 : vector<16xi32>
          %gather3A_1060 = tpu.vector_load_idx %arg7[%add3A_1059] : memref<64000xf32, #tpu.memory_space<vmem>>[vector<16xi32>], vector<16xf32>,
          %sub3A_1061 = arith.subf %gather3A_1058, %gather3A_1060 : vector<16xf32>
          %mul3A_1062 = arith.mulf %sub3A_1061, %sub3A_1061 : vector<16xf32>
          %add3A_1063 = arith.addf %add3A_1043, %mul3A_1062 : vector<16xf32>
          %gather3A_1064 = tpu.memref_slice %arg10[%mul3A_755] : memref<20480xf32, #tpu.memory_space<vmem>> -> memref<1024xf32, #tpu.memory_space<vmem>>
          %gather3A_1065 = tpu.vector_load_idx %gather3A_1064[%get3A_1056] : memref<1024xf32, #tpu.memory_space<vmem>>[vector<16xi32>], vector<16xf32>,
          %add3A_1066 = arith.addi %get3A_1056, %sub3A_745 : vector<16xi32>
          %gather3A_1067 = tpu.vector_load_idx %arg7[%add3A_1066] : memref<64000xf32, #tpu.memory_space<vmem>>[vector<16xi32>], vector<16xf32>,
          %sub3A_1068 = arith.subf %gather3A_1065, %gather3A_1067 : vector<16xf32>
          %mul3A_1069 = arith.mulf %sub3A_1068, %sub3A_1068 : vector<16xf32>
          %add3A_1070 = arith.addf %add3A_1050, %mul3A_1069 : vector<16xf32>
          %mul3A_1071 = arith.constant 256 : i32
          %mul3A_1072 = arith.muli %scan3A_848, %mul3A_1071 : i32
          %add3A_1073 = arith.constant 176 : i32
          %add3A_1074 = arith.addi %mul3A_1072, %add3A_1073 : i32
          %get3A_1075 = arith.index_cast %add3A_1074 : i32 to index
          %get3A_1076 = tpu.vector_load %arg15[%get3A_1075] {strides = array<i32>} : memref<1024xi32, #tpu.memory_space<vmem>>, vector<16xi32>,
          %gather3A_1077 = tpu.memref_slice %arg10[%mul3A_749] : memref<20480xf32, #tpu.memory_space<vmem>> -> memref<1024xf32, #tpu.memory_space<vmem>>
          %gather3A_1078 = tpu.vector_load_idx %gather3A_1077[%get3A_1076] : memref<1024xf32, #tpu.memory_space<vmem>>[vector<16xi32>], vector<16xf32>,
          %add3A_1079 = arith.addi %get3A_1076, %sub3A_741 : vector<16xi32>
          %gather3A_1080 = tpu.vector_load_idx %arg7[%add3A_1079] : memref<64000xf32, #tpu.memory_space<vmem>>[vector<16xi32>], vector<16xf32>,
          %sub3A_1081 = arith.subf %gather3A_1078, %gather3A_1080 : vector<16xf32>
          %mul3A_1082 = arith.mulf %sub3A_1081, %sub3A_1081 : vector<16xf32>
          %add3A_1083 = arith.addf %add3A_1063, %mul3A_1082 : vector<16xf32>
          %gather3A_1084 = tpu.memref_slice %arg10[%mul3A_755] : memref<20480xf32, #tpu.memory_space<vmem>> -> memref<1024xf32, #tpu.memory_space<vmem>>
          %gather3A_1085 = tpu.vector_load_idx %gather3A_1084[%get3A_1076] : memref<1024xf32, #tpu.memory_space<vmem>>[vector<16xi32>], vector<16xf32>,
          %add3A_1086 = arith.addi %get3A_1076, %sub3A_745 : vector<16xi32>
          %gather3A_1087 = tpu.vector_load_idx %arg7[%add3A_1086] : memref<64000xf32, #tpu.memory_space<vmem>>[vector<16xi32>], vector<16xf32>,
          %sub3A_1088 = arith.subf %gather3A_1085, %gather3A_1087 : vector<16xf32>
          %mul3A_1089 = arith.mulf %sub3A_1088, %sub3A_1088 : vector<16xf32>
          %add3A_1090 = arith.addf %add3A_1070, %mul3A_1089 : vector<16xf32>
          %mul3A_1091 = arith.constant 256 : i32
          %mul3A_1092 = arith.muli %scan3A_848, %mul3A_1091 : i32
          %add3A_1093 = arith.constant 192 : i32
          %add3A_1094 = arith.addi %mul3A_1092, %add3A_1093 : i32
          %get3A_1095 = arith.index_cast %add3A_1094 : i32 to index
          %get3A_1096 = tpu.vector_load %arg15[%get3A_1095] {strides = array<i32>} : memref<1024xi32, #tpu.memory_space<vmem>>, vector<16xi32>,
          %gather3A_1097 = tpu.memref_slice %arg10[%mul3A_749] : memref<20480xf32, #tpu.memory_space<vmem>> -> memref<1024xf32, #tpu.memory_space<vmem>>
          %gather3A_1098 = tpu.vector_load_idx %gather3A_1097[%get3A_1096] : memref<1024xf32, #tpu.memory_space<vmem>>[vector<16xi32>], vector<16xf32>,
          %add3A_1099 = arith.addi %get3A_1096, %sub3A_741 : vector<16xi32>
          %gather3A_1100 = tpu.vector_load_idx %arg7[%add3A_1099] : memref<64000xf32, #tpu.memory_space<vmem>>[vector<16xi32>], vector<16xf32>,
          %sub3A_1101 = arith.subf %gather3A_1098, %gather3A_1100 : vector<16xf32>
          %mul3A_1102 = arith.mulf %sub3A_1101, %sub3A_1101 : vector<16xf32>
          %add3A_1103 = arith.addf %add3A_1083, %mul3A_1102 : vector<16xf32>
          %gather3A_1104 = tpu.memref_slice %arg10[%mul3A_755] : memref<20480xf32, #tpu.memory_space<vmem>> -> memref<1024xf32, #tpu.memory_space<vmem>>
          %gather3A_1105 = tpu.vector_load_idx %gather3A_1104[%get3A_1096] : memref<1024xf32, #tpu.memory_space<vmem>>[vector<16xi32>], vector<16xf32>,
          %add3A_1106 = arith.addi %get3A_1096, %sub3A_745 : vector<16xi32>
          %gather3A_1107 = tpu.vector_load_idx %arg7[%add3A_1106] : memref<64000xf32, #tpu.memory_space<vmem>>[vector<16xi32>], vector<16xf32>,
          %sub3A_1108 = arith.subf %gather3A_1105, %gather3A_1107 : vector<16xf32>
          %mul3A_1109 = arith.mulf %sub3A_1108, %sub3A_1108 : vector<16xf32>
          %add3A_1110 = arith.addf %add3A_1090, %mul3A_1109 : vector<16xf32>
          %mul3A_1111 = arith.constant 256 : i32
          %mul3A_1112 = arith.muli %scan3A_848, %mul3A_1111 : i32
          %add3A_1113 = arith.constant 208 : i32
          %add3A_1114 = arith.addi %mul3A_1112, %add3A_1113 : i32
          %get3A_1115 = arith.index_cast %add3A_1114 : i32 to index
          %get3A_1116 = tpu.vector_load %arg15[%get3A_1115] {strides = array<i32>} : memref<1024xi32, #tpu.memory_space<vmem>>, vector<16xi32>,
          %gather3A_1117 = tpu.memref_slice %arg10[%mul3A_749] : memref<20480xf32, #tpu.memory_space<vmem>> -> memref<1024xf32, #tpu.memory_space<vmem>>
          %gather3A_1118 = tpu.vector_load_idx %gather3A_1117[%get3A_1116] : memref<1024xf32, #tpu.memory_space<vmem>>[vector<16xi32>], vector<16xf32>,
          %add3A_1119 = arith.addi %get3A_1116, %sub3A_741 : vector<16xi32>
          %gather3A_1120 = tpu.vector_load_idx %arg7[%add3A_1119] : memref<64000xf32, #tpu.memory_space<vmem>>[vector<16xi32>], vector<16xf32>,
          %sub3A_1121 = arith.subf %gather3A_1118, %gather3A_1120 : vector<16xf32>
          %mul3A_1122 = arith.mulf %sub3A_1121, %sub3A_1121 : vector<16xf32>
          %add3A_1123 = arith.addf %add3A_1103, %mul3A_1122 : vector<16xf32>
          %gather3A_1124 = tpu.memref_slice %arg10[%mul3A_755] : memref<20480xf32, #tpu.memory_space<vmem>> -> memref<1024xf32, #tpu.memory_space<vmem>>
          %gather3A_1125 = tpu.vector_load_idx %gather3A_1124[%get3A_1116] : memref<1024xf32, #tpu.memory_space<vmem>>[vector<16xi32>], vector<16xf32>,
          %add3A_1126 = arith.addi %get3A_1116, %sub3A_745 : vector<16xi32>
          %gather3A_1127 = tpu.vector_load_idx %arg7[%add3A_1126] : memref<64000xf32, #tpu.memory_space<vmem>>[vector<16xi32>], vector<16xf32>,
          %sub3A_1128 = arith.subf %gather3A_1125, %gather3A_1127 : vector<16xf32>
          %mul3A_1129 = arith.mulf %sub3A_1128, %sub3A_1128 : vector<16xf32>
          %add3A_1130 = arith.addf %add3A_1110, %mul3A_1129 : vector<16xf32>
          %mul3A_1131 = arith.constant 256 : i32
          %mul3A_1132 = arith.muli %scan3A_848, %mul3A_1131 : i32
          %add3A_1133 = arith.constant 224 : i32
          %add3A_1134 = arith.addi %mul3A_1132, %add3A_1133 : i32
          %get3A_1135 = arith.index_cast %add3A_1134 : i32 to index
          %get3A_1136 = tpu.vector_load %arg15[%get3A_1135] {strides = array<i32>} : memref<1024xi32, #tpu.memory_space<vmem>>, vector<16xi32>,
          %gather3A_1137 = tpu.memref_slice %arg10[%mul3A_749] : memref<20480xf32, #tpu.memory_space<vmem>> -> memref<1024xf32, #tpu.memory_space<vmem>>
          %gather3A_1138 = tpu.vector_load_idx %gather3A_1137[%get3A_1136] : memref<1024xf32, #tpu.memory_space<vmem>>[vector<16xi32>], vector<16xf32>,
          %add3A_1139 = arith.addi %get3A_1136, %sub3A_741 : vector<16xi32>
          %gather3A_1140 = tpu.vector_load_idx %arg7[%add3A_1139] : memref<64000xf32, #tpu.memory_space<vmem>>[vector<16xi32>], vector<16xf32>,
          %sub3A_1141 = arith.subf %gather3A_1138, %gather3A_1140 : vector<16xf32>
          %mul3A_1142 = arith.mulf %sub3A_1141, %sub3A_1141 : vector<16xf32>
          %add3A_1143 = arith.addf %add3A_1123, %mul3A_1142 : vector<16xf32>
          %gather3A_1144 = tpu.memref_slice %arg10[%mul3A_755] : memref<20480xf32, #tpu.memory_space<vmem>> -> memref<1024xf32, #tpu.memory_space<vmem>>
          %gather3A_1145 = tpu.vector_load_idx %gather3A_1144[%get3A_1136] : memref<1024xf32, #tpu.memory_space<vmem>>[vector<16xi32>], vector<16xf32>,
          %add3A_1146 = arith.addi %get3A_1136, %sub3A_745 : vector<16xi32>
          %gather3A_1147 = tpu.vector_load_idx %arg7[%add3A_1146] : memref<64000xf32, #tpu.memory_space<vmem>>[vector<16xi32>], vector<16xf32>,
          %sub3A_1148 = arith.subf %gather3A_1145, %gather3A_1147 : vector<16xf32>
          %mul3A_1149 = arith.mulf %sub3A_1148, %sub3A_1148 : vector<16xf32>
          %add3A_1150 = arith.addf %add3A_1130, %mul3A_1149 : vector<16xf32>
          %mul3A_1151 = arith.constant 256 : i32
          %mul3A_1152 = arith.muli %scan3A_848, %mul3A_1151 : i32
          %add3A_1153 = arith.constant 240 : i32
          %add3A_1154 = arith.addi %mul3A_1152, %add3A_1153 : i32
          %get3A_1155 = arith.index_cast %add3A_1154 : i32 to index
          %get3A_1156 = tpu.vector_load %arg15[%get3A_1155] {strides = array<i32>} : memref<1024xi32, #tpu.memory_space<vmem>>, vector<16xi32>,
          %gather3A_1157 = tpu.memref_slice %arg10[%mul3A_749] : memref<20480xf32, #tpu.memory_space<vmem>> -> memref<1024xf32, #tpu.memory_space<vmem>>
          %gather3A_1158 = tpu.vector_load_idx %gather3A_1157[%get3A_1156] : memref<1024xf32, #tpu.memory_space<vmem>>[vector<16xi32>], vector<16xf32>,
          %add3A_1159 = arith.addi %get3A_1156, %sub3A_741 : vector<16xi32>
          %gather3A_1160 = tpu.vector_load_idx %arg7[%add3A_1159] : memref<64000xf32, #tpu.memory_space<vmem>>[vector<16xi32>], vector<16xf32>,
          %sub3A_1161 = arith.subf %gather3A_1158, %gather3A_1160 : vector<16xf32>
          %mul3A_1162 = arith.mulf %sub3A_1161, %sub3A_1161 : vector<16xf32>
          %add3A_1163 = arith.addf %add3A_1143, %mul3A_1162 : vector<16xf32>
          %gather3A_1164 = tpu.memref_slice %arg10[%mul3A_755] : memref<20480xf32, #tpu.memory_space<vmem>> -> memref<1024xf32, #tpu.memory_space<vmem>>
          %gather3A_1165 = tpu.vector_load_idx %gather3A_1164[%get3A_1156] : memref<1024xf32, #tpu.memory_space<vmem>>[vector<16xi32>], vector<16xf32>,
          %add3A_1166 = arith.addi %get3A_1156, %sub3A_745 : vector<16xi32>
          %gather3A_1167 = tpu.vector_load_idx %arg7[%add3A_1166] : memref<64000xf32, #tpu.memory_space<vmem>>[vector<16xi32>], vector<16xf32>,
          %sub3A_1168 = arith.subf %gather3A_1165, %gather3A_1167 : vector<16xf32>
          %mul3A_1169 = arith.mulf %sub3A_1168, %sub3A_1168 : vector<16xf32>
          %add3A_1170 = arith.addf %add3A_1150, %mul3A_1169 : vector<16xf32>
          scf.yield %add3A_1163, %add3A_1170 : vector<16xf32>, vector<16xf32>
        }
        %scan3A_765 = arith.constant 4 : i32
        %max3A_766 = arith.constant 1.000000e-30 : f32
        %max3A_767 = vector.broadcast %max3A_766 : f32 to vector<16xf32>
        %max3A_768 = arith.maximumf %scan3A_764#0, %max3A_767 : vector<16xf32>
        %bitcast3A = vector.bitcast %max3A_768 : vector<16xf32> to vector<16xi32>
        %shift_right_logical3A = arith.constant 1 : i32
        %shift_right_logical3A_769 = vector.broadcast %shift_right_logical3A : i32 to vector<16xi32>
        %shift_right_logical3A_770 = arith.shrui %bitcast3A, %shift_right_logical3A_769 : vector<16xi32>
        %sub3A_771 = arith.constant 1597463007 : i32
        %sub3A_772 = vector.broadcast %sub3A_771 : i32 to vector<16xi32>
        %sub3A_773 = arith.subi %sub3A_772, %shift_right_logical3A_770 : vector<16xi32>
        %bitcast3A_774 = vector.bitcast %sub3A_773 : vector<16xi32> to vector<16xf32>
        %mul3A_775 = vector.broadcast %scan3A_620 : f32 to vector<16xf32>
        %mul3A_776 = arith.mulf %mul3A_775, %max3A_768 : vector<16xf32>
        %mul3A_777 = arith.mulf %mul3A_776, %bitcast3A_774 : vector<16xf32>
        %mul3A_778 = arith.mulf %mul3A_777, %bitcast3A_774 : vector<16xf32>
        %sub3A_779 = vector.broadcast %scan3A_621 : f32 to vector<16xf32>
        %sub3A_780 = arith.subf %sub3A_779, %mul3A_778 : vector<16xf32>
        %mul3A_781 = arith.mulf %bitcast3A_774, %sub3A_780 : vector<16xf32>
        %mul3A_782 = vector.broadcast %scan3A_620 : f32 to vector<16xf32>
        %mul3A_783 = arith.mulf %mul3A_782, %max3A_768 : vector<16xf32>
        %mul3A_784 = arith.mulf %mul3A_783, %mul3A_781 : vector<16xf32>
        %mul3A_785 = arith.mulf %mul3A_784, %mul3A_781 : vector<16xf32>
        %sub3A_786 = vector.broadcast %scan3A_621 : f32 to vector<16xf32>
        %sub3A_787 = arith.subf %sub3A_786, %mul3A_785 : vector<16xf32>
        %mul3A_788 = arith.mulf %mul3A_781, %sub3A_787 : vector<16xf32>
        %mul3A_789 = vector.broadcast %scan3A_620 : f32 to vector<16xf32>
        %mul3A_790 = arith.mulf %mul3A_789, %max3A_768 : vector<16xf32>
        %mul3A_791 = arith.mulf %mul3A_790, %mul3A_788 : vector<16xf32>
        %mul3A_792 = arith.mulf %mul3A_791, %mul3A_788 : vector<16xf32>
        %sub3A_793 = vector.broadcast %scan3A_621 : f32 to vector<16xf32>
        %sub3A_794 = arith.subf %sub3A_793, %mul3A_792 : vector<16xf32>
        %mul3A_795 = arith.mulf %mul3A_788, %sub3A_794 : vector<16xf32>
        %gt3A = arith.constant 0.000000e+00 : f32
        %gt3A_796 = vector.broadcast %gt3A : f32 to vector<16xf32>
        %gt3A_797 = arith.cmpf ogt, %scan3A_764#0, %gt3A_796 : vector<16xf32>
        %mul3A_798 = arith.mulf %max3A_768, %mul3A_795 : vector<16xf32>
        %jit3A = arith.constant 0.000000e+00 : f32
        %broadcast_in_dim3A_799 = vector.broadcast %jit3A : f32 to vector<16xf32>
        %select_n3A = arith.select %gt3A_797, %mul3A_798, %broadcast_in_dim3A_799 : vector<16xi1>, vector<16xf32>
        %div3A = arith.divf %select_n3A, %gather3A : vector<16xf32>
        %jit3A_800 = arith.constant 0.000000e+00 : f32
        %broadcast_in_dim3A_801 = vector.broadcast %jit3A_800 : f32 to vector<16xf32>
        %select_n3A_802 = arith.select %lt3A, %div3A, %broadcast_in_dim3A_801 : vector<16xf32>
        %add3A_803 = arith.addf %scan3A_711, %select_n3A_802 : vector<16xf32>
        %max3A_804 = arith.constant 1.000000e-30 : f32
        %max3A_805 = vector.broadcast %max3A_804 : f32 to vector<16xf32>
        %max3A_806 = arith.maximumf %scan3A_764#1, %max3A_805 : vector<16xf32>
        %bitcast3A_807 = vector.bitcast %max3A_806 : vector<16xf32> to vector<16xi32>
        %shift_right_logical3A_808 = arith.constant 1 : i32
        %shift_right_logical3A_809 = vector.broadcast %shift_right_logical3A_808 : i32 to vector<16xi32>
        %shift_right_logical3A_810 = arith.shrui %bitcast3A_807, %shift_right_logical3A_809 : vector<16xi32>
        %sub3A_811 = arith.constant 1597463007 : i32
        %sub3A_812 = vector.broadcast %sub3A_811 : i32 to vector<16xi32>
        %sub3A_813 = arith.subi %sub3A_812, %shift_right_logical3A_810 : vector<16xi32>
        %bitcast3A_814 = vector.bitcast %sub3A_813 : vector<16xi32> to vector<16xf32>
        %mul3A_815 = vector.broadcast %scan3A_620 : f32 to vector<16xf32>
        %mul3A_816 = arith.mulf %mul3A_815, %max3A_806 : vector<16xf32>
        %mul3A_817 = arith.mulf %mul3A_816, %bitcast3A_814 : vector<16xf32>
        %mul3A_818 = arith.mulf %mul3A_817, %bitcast3A_814 : vector<16xf32>
        %sub3A_819 = vector.broadcast %scan3A_621 : f32 to vector<16xf32>
        %sub3A_820 = arith.subf %sub3A_819, %mul3A_818 : vector<16xf32>
        %mul3A_821 = arith.mulf %bitcast3A_814, %sub3A_820 : vector<16xf32>
        %mul3A_822 = vector.broadcast %scan3A_620 : f32 to vector<16xf32>
        %mul3A_823 = arith.mulf %mul3A_822, %max3A_806 : vector<16xf32>
        %mul3A_824 = arith.mulf %mul3A_823, %mul3A_821 : vector<16xf32>
        %mul3A_825 = arith.mulf %mul3A_824, %mul3A_821 : vector<16xf32>
        %sub3A_826 = vector.broadcast %scan3A_621 : f32 to vector<16xf32>
        %sub3A_827 = arith.subf %sub3A_826, %mul3A_825 : vector<16xf32>
        %mul3A_828 = arith.mulf %mul3A_821, %sub3A_827 : vector<16xf32>
        %mul3A_829 = vector.broadcast %scan3A_620 : f32 to vector<16xf32>
        %mul3A_830 = arith.mulf %mul3A_829, %max3A_806 : vector<16xf32>
        %mul3A_831 = arith.mulf %mul3A_830, %mul3A_828 : vector<16xf32>
        %mul3A_832 = arith.mulf %mul3A_831, %mul3A_828 : vector<16xf32>
        %sub3A_833 = vector.broadcast %scan3A_621 : f32 to vector<16xf32>
        %sub3A_834 = arith.subf %sub3A_833, %mul3A_832 : vector<16xf32>
        %mul3A_835 = arith.mulf %mul3A_828, %sub3A_834 : vector<16xf32>
        %gt3A_836 = arith.constant 0.000000e+00 : f32
        %gt3A_837 = vector.broadcast %gt3A_836 : f32 to vector<16xf32>
        %gt3A_838 = arith.cmpf ogt, %scan3A_764#1, %gt3A_837 : vector<16xf32>
        %mul3A_839 = arith.mulf %max3A_806, %mul3A_835 : vector<16xf32>
        %jit3A_840 = arith.constant 0.000000e+00 : f32
        %broadcast_in_dim3A_841 = vector.broadcast %jit3A_840 : f32 to vector<16xf32>
        %select_n3A_842 = arith.select %gt3A_838, %mul3A_839, %broadcast_in_dim3A_841 : vector<16xi1>, vector<16xf32>
        %div3A_843 = arith.divf %select_n3A_842, %gather3A_737 : vector<16xf32>
        %jit3A_844 = arith.constant 0.000000e+00 : f32
        %broadcast_in_dim3A_845 = vector.broadcast %jit3A_844 : f32 to vector<16xf32>
        %select_n3A_846 = arith.select %lt3A, %div3A_843, %broadcast_in_dim3A_845 : vector<16xf32>
        %add3A_847 = arith.addf %add3A_803, %select_n3A_846 : vector<16xf32>
        scf.yield %add3A_847 : vector<16xf32>
      }
      %scan3A_673 = arith.constant 10 : i32
      %add3A_674 = arith.constant 2 : i32
      %add3A_675 = arith.addi %mul3A_640, %add3A_674 : i32
      %mul3A_676 = arith.constant 32 : i32
      %mul3A_677 = arith.muli %add3A_675, %mul3A_676 : i32
      %add3A_678 = arith.addi %add3A, %mul3A_677 : i32
      %sub3A_679 = arith.constant 1 : i32
      %sub3A_680 = arith.subi %scan3A_619, %sub3A_679 : i32
      %min3A_681 = arith.minsi %add3A_678, %sub3A_680 : i32
      %mul3A_682 = arith.constant 320 : i32
      %mul3A_683 = arith.muli %min3A_681, %mul3A_682 : i32
      %mul3A_684 = arith.constant 64 : i32
      %mul3A_685 = arith.muli %mul3A_683, %mul3A_684 : i32
      %dma_start3A_686 = tpu.memref_slice %arg2[%mul3A_685] : memref<64000000xf32, #tpu.memory_space<hbm>> -> memref<20480xf32, #tpu.memory_space<hbm>>
      %dma_start3A_687 = tpu.memref_slice %arg2[%mul3A_685] : memref<64000000xf32, #tpu.memory_space<hbm>> -> memref<20480xf32, #tpu.memory_space<hbm>>
      tpu.enqueue_dma source(%dma_start3A_687 : memref<20480xf32, #tpu.memory_space<hbm>>) target(%arg10 : memref<20480xf32, #tpu.memory_space<vmem>>) target_semaphore(%arg16 : memref<!tpu.dma_semaphore, #tpu.memory_space<semaphore_mem>>)
      %dma_start3A_688 = tpu.memref_slice %arg3[%mul3A_683] : memref<1000000xf32, #tpu.memory_space<hbm>> -> memref<320xf32, #tpu.memory_space<hbm>>
      %dma_start3A_689 = tpu.memref_slice %arg3[%mul3A_683] : memref<1000000xf32, #tpu.memory_space<hbm>> -> memref<320xf32, #tpu.memory_space<hbm>>
      tpu.enqueue_dma source(%dma_start3A_689 : memref<320xf32, #tpu.memory_space<hbm>>) target(%arg12 : memref<320xf32, #tpu.memory_space<vmem>>) target_semaphore(%arg16 : memref<!tpu.dma_semaphore, #tpu.memory_space<semaphore_mem>>)
      %dma_wait3A_690 = arith.constant 0 : i32
      %dma_wait3A_691 = tpu.memref_slice %arg2[%dma_wait3A_690] : memref<64000000xf32, #tpu.memory_space<hbm>> -> memref<20480xf32, #tpu.memory_space<hbm>>
      %dma_wait3A_692 = arith.constant 0 : i32
      %dma_wait3A_693 = tpu.memref_slice %arg2[%dma_wait3A_692] : memref<64000000xf32, #tpu.memory_space<hbm>> -> memref<20480xf32, #tpu.memory_space<hbm>>
      tpu.wait_dma2 semaphore(%arg17 : memref<!tpu.dma_semaphore, #tpu.memory_space<semaphore_mem>>) src(%dma_wait3A_693 : memref<20480xf32, #tpu.memory_space<hbm>>) dst(%arg11 : memref<20480xf32, #tpu.memory_space<vmem>>)
      %dma_wait3A_694 = arith.constant 0 : i32
      %dma_wait3A_695 = tpu.memref_slice %arg3[%dma_wait3A_694] : memref<1000000xf32, #tpu.memory_space<hbm>> -> memref<320xf32, #tpu.memory_space<hbm>>
      %dma_wait3A_696 = arith.constant 0 : i32
      %dma_wait3A_697 = tpu.memref_slice %arg3[%dma_wait3A_696] : memref<1000000xf32, #tpu.memory_space<hbm>> -> memref<320xf32, #tpu.memory_space<hbm>>
      tpu.wait_dma2 semaphore(%arg17 : memref<!tpu.dma_semaphore, #tpu.memory_space<semaphore_mem>>) src(%dma_wait3A_697 : memref<320xf32, #tpu.memory_space<hbm>>) dst(%arg13 : memref<320xf32, #tpu.memory_space<vmem>>)
      %add3A_698 = arith.constant 1 : i32
      %add3A_699 = arith.addi %mul3A_640, %add3A_698 : i32
      %mul3A_700 = arith.constant 32 : i32
      %mul3A_701 = arith.muli %add3A_699, %mul3A_700 : i32
      %add3A_702 = arith.addi %add3A, %mul3A_701 : i32
      %lt3A_703 = arith.cmpi slt, %add3A_702, %scan3A_619 : i32
      %scan3A_704 = arith.constant 0 : i32
      %scan3A_705 = arith.constant 10 : i32
      %scan3A_706 = arith.addi %scan3A_704, %scan3A_705 : i32
      %scan3A_707 = arith.constant 1 : i32
      %scan3A_708 = scf.for %scan3A_710 = %scan3A_704 to %scan3A_706 step %scan3A_707 iter_args(%scan3A_711 = %scan3A_672) -> (vector<16xf32>)  : i32 {
        %mul3A_712 = arith.constant 2 : i32
        %mul3A_713 = arith.muli %mul3A_712, %scan3A_710 : i32
        %mul3A_714 = arith.constant 16 : i32
        %mul3A_715 = arith.muli %mul3A_713, %mul3A_714 : i32
        %get3A = arith.index_cast %mul3A_715 : i32 to index
        %get3A_716 = tpu.vector_load %arg13[%get3A] {strides = array<i32>} : memref<320xf32, #tpu.memory_space<vmem>>, vector<16xf32>,
        %convert_element_type3A = arith.fptosi %get3A_716 : vector<16xf32> to vector<16xi32>
        %mul3A_717 = arith.constant 2 : i32
        %mul3A_718 = arith.muli %mul3A_717, %scan3A_710 : i32
        %add3A_719 = arith.constant 1 : i32
        %add3A_720 = arith.addi %mul3A_718, %add3A_719 : i32
        %mul3A_721 = arith.constant 16 : i32
        %mul3A_722 = arith.muli %add3A_720, %mul3A_721 : i32
        %get3A_723 = arith.index_cast %mul3A_722 : i32 to index
        %get3A_724 = tpu.vector_load %arg13[%get3A_723] {strides = array<i32>} : memref<320xf32, #tpu.memory_space<vmem>>, vector<16xf32>,
        %convert_element_type3A_725 = arith.fptosi %get3A_724 : vector<16xf32> to vector<16xi32>
        %max3A = arith.constant 0 : i32
        %max3A_726 = vector.broadcast %max3A : i32 to vector<16xi32>
        %max3A_727 = arith.maxsi %convert_element_type3A, %max3A_726 : vector<16xi32>
        %min3A_728 = arith.constant 999 : i32
        %min3A_729 = vector.broadcast %min3A_728 : i32 to vector<16xi32>
        %min3A_730 = arith.minsi %max3A_727, %min3A_729 : vector<16xi32>
        %max3A_731 = arith.constant 0 : i32
        %max3A_732 = vector.broadcast %max3A_731 : i32 to vector<16xi32>
        %max3A_733 = arith.maxsi %convert_element_type3A_725, %max3A_732 : vector<16xi32>
        %min3A_734 = arith.constant 999 : i32
        %min3A_735 = vector.broadcast %min3A_734 : i32 to vector<16xi32>
        %min3A_736 = arith.minsi %max3A_733, %min3A_735 : vector<16xi32>
        %gather3A = tpu.vector_load_idx %arg9[%min3A_730] : memref<1024xf32, #tpu.memory_space<vmem>>[vector<16xi32>], vector<16xf32>,
        %gather3A_737 = tpu.vector_load_idx %arg9[%min3A_736] : memref<1024xf32, #tpu.memory_space<vmem>>[vector<16xi32>], vector<16xf32>,
        %mul3A_738 = arith.constant 64 : i32
        %mul3A_739 = vector.broadcast %mul3A_738 : i32 to vector<16xi32>
        %mul3A_740 = arith.muli %min3A_730, %mul3A_739 : vector<16xi32>
        %sub3A_741 = arith.subi %mul3A_740, %mul3A_30 : vector<16xi32>
        %mul3A_742 = arith.constant 64 : i32
        %mul3A_743 = vector.broadcast %mul3A_742 : i32 to vector<16xi32>
        %mul3A_744 = arith.muli %min3A_736, %mul3A_743 : vector<16xi32>
        %sub3A_745 = arith.subi %mul3A_744, %mul3A_30 : vector<16xi32>
        %mul3A_746 = arith.constant 2 : i32
        %mul3A_747 = arith.muli %mul3A_746, %scan3A_710 : i32
        %mul3A_748 = arith.constant 1024 : i32
        %mul3A_749 = arith.muli %mul3A_747, %mul3A_748 : i32
        %mul3A_750 = arith.constant 2 : i32
        %mul3A_751 = arith.muli %mul3A_750, %scan3A_710 : i32
        %add3A_752 = arith.constant 1 : i32
        %add3A_753 = arith.addi %mul3A_751, %add3A_752 : i32
        %mul3A_754 = arith.constant 1024 : i32
        %mul3A_755 = arith.muli %add3A_753, %mul3A_754 : i32
        %broadcast_in_dim3A_756 = arith.constant 0.000000e+00 : f32
        %broadcast_in_dim3A_757 = vector.broadcast %broadcast_in_dim3A_756 : f32 to vector<16xf32>
        %broadcast_in_dim3A_758 = arith.constant 0.000000e+00 : f32
        %broadcast_in_dim3A_759 = vector.broadcast %broadcast_in_dim3A_758 : f32 to vector<16xf32>
        %scan3A_760 = arith.constant 0 : i32
        %scan3A_761 = arith.constant 4 : i32
        %scan3A_762 = arith.addi %scan3A_760, %scan3A_761 : i32
        %scan3A_763 = arith.constant 1 : i32
        %scan3A_764:2 = scf.for %scan3A_848 = %scan3A_760 to %scan3A_762 step %scan3A_763 iter_args(%scan3A_849 = %broadcast_in_dim3A_757, %scan3A_850 = %broadcast_in_dim3A_759) -> (vector<16xf32>, vector<16xf32>)  : i32 {
          %mul3A_851 = arith.constant 256 : i32
          %mul3A_852 = arith.muli %scan3A_848, %mul3A_851 : i32
          %add3A_853 = arith.constant 0 : i32
          %add3A_854 = arith.addi %mul3A_852, %add3A_853 : i32
          %get3A_855 = arith.index_cast %add3A_854 : i32 to index
          %get3A_856 = tpu.vector_load %arg15[%get3A_855] {strides = array<i32>} : memref<1024xi32, #tpu.memory_space<vmem>>, vector<16xi32>,
          %gather3A_857 = tpu.memref_slice %arg11[%mul3A_749] : memref<20480xf32, #tpu.memory_space<vmem>> -> memref<1024xf32, #tpu.memory_space<vmem>>
          %gather3A_858 = tpu.vector_load_idx %gather3A_857[%get3A_856] : memref<1024xf32, #tpu.memory_space<vmem>>[vector<16xi32>], vector<16xf32>,
          %add3A_859 = arith.addi %get3A_856, %sub3A_741 : vector<16xi32>
          %gather3A_860 = tpu.vector_load_idx %arg7[%add3A_859] : memref<64000xf32, #tpu.memory_space<vmem>>[vector<16xi32>], vector<16xf32>,
          %sub3A_861 = arith.subf %gather3A_858, %gather3A_860 : vector<16xf32>
          %mul3A_862 = arith.mulf %sub3A_861, %sub3A_861 : vector<16xf32>
          %add3A_863 = arith.addf %scan3A_849, %mul3A_862 : vector<16xf32>
          %gather3A_864 = tpu.memref_slice %arg11[%mul3A_755] : memref<20480xf32, #tpu.memory_space<vmem>> -> memref<1024xf32, #tpu.memory_space<vmem>>
          %gather3A_865 = tpu.vector_load_idx %gather3A_864[%get3A_856] : memref<1024xf32, #tpu.memory_space<vmem>>[vector<16xi32>], vector<16xf32>,
          %add3A_866 = arith.addi %get3A_856, %sub3A_745 : vector<16xi32>
          %gather3A_867 = tpu.vector_load_idx %arg7[%add3A_866] : memref<64000xf32, #tpu.memory_space<vmem>>[vector<16xi32>], vector<16xf32>,
          %sub3A_868 = arith.subf %gather3A_865, %gather3A_867 : vector<16xf32>
          %mul3A_869 = arith.mulf %sub3A_868, %sub3A_868 : vector<16xf32>
          %add3A_870 = arith.addf %scan3A_850, %mul3A_869 : vector<16xf32>
          %mul3A_871 = arith.constant 256 : i32
          %mul3A_872 = arith.muli %scan3A_848, %mul3A_871 : i32
          %add3A_873 = arith.constant 16 : i32
          %add3A_874 = arith.addi %mul3A_872, %add3A_873 : i32
          %get3A_875 = arith.index_cast %add3A_874 : i32 to index
          %get3A_876 = tpu.vector_load %arg15[%get3A_875] {strides = array<i32>} : memref<1024xi32, #tpu.memory_space<vmem>>, vector<16xi32>,
          %gather3A_877 = tpu.memref_slice %arg11[%mul3A_749] : memref<20480xf32, #tpu.memory_space<vmem>> -> memref<1024xf32, #tpu.memory_space<vmem>>
          %gather3A_878 = tpu.vector_load_idx %gather3A_877[%get3A_876] : memref<1024xf32, #tpu.memory_space<vmem>>[vector<16xi32>], vector<16xf32>,
          %add3A_879 = arith.addi %get3A_876, %sub3A_741 : vector<16xi32>
          %gather3A_880 = tpu.vector_load_idx %arg7[%add3A_879] : memref<64000xf32, #tpu.memory_space<vmem>>[vector<16xi32>], vector<16xf32>,
          %sub3A_881 = arith.subf %gather3A_878, %gather3A_880 : vector<16xf32>
          %mul3A_882 = arith.mulf %sub3A_881, %sub3A_881 : vector<16xf32>
          %add3A_883 = arith.addf %add3A_863, %mul3A_882 : vector<16xf32>
          %gather3A_884 = tpu.memref_slice %arg11[%mul3A_755] : memref<20480xf32, #tpu.memory_space<vmem>> -> memref<1024xf32, #tpu.memory_space<vmem>>
          %gather3A_885 = tpu.vector_load_idx %gather3A_884[%get3A_876] : memref<1024xf32, #tpu.memory_space<vmem>>[vector<16xi32>], vector<16xf32>,
          %add3A_886 = arith.addi %get3A_876, %sub3A_745 : vector<16xi32>
          %gather3A_887 = tpu.vector_load_idx %arg7[%add3A_886] : memref<64000xf32, #tpu.memory_space<vmem>>[vector<16xi32>], vector<16xf32>,
          %sub3A_888 = arith.subf %gather3A_885, %gather3A_887 : vector<16xf32>
          %mul3A_889 = arith.mulf %sub3A_888, %sub3A_888 : vector<16xf32>
          %add3A_890 = arith.addf %add3A_870, %mul3A_889 : vector<16xf32>
          %mul3A_891 = arith.constant 256 : i32
          %mul3A_892 = arith.muli %scan3A_848, %mul3A_891 : i32
          %add3A_893 = arith.constant 32 : i32
          %add3A_894 = arith.addi %mul3A_892, %add3A_893 : i32
          %get3A_895 = arith.index_cast %add3A_894 : i32 to index
          %get3A_896 = tpu.vector_load %arg15[%get3A_895] {strides = array<i32>} : memref<1024xi32, #tpu.memory_space<vmem>>, vector<16xi32>,
          %gather3A_897 = tpu.memref_slice %arg11[%mul3A_749] : memref<20480xf32, #tpu.memory_space<vmem>> -> memref<1024xf32, #tpu.memory_space<vmem>>
          %gather3A_898 = tpu.vector_load_idx %gather3A_897[%get3A_896] : memref<1024xf32, #tpu.memory_space<vmem>>[vector<16xi32>], vector<16xf32>,
          %add3A_899 = arith.addi %get3A_896, %sub3A_741 : vector<16xi32>
          %gather3A_900 = tpu.vector_load_idx %arg7[%add3A_899] : memref<64000xf32, #tpu.memory_space<vmem>>[vector<16xi32>], vector<16xf32>,
          %sub3A_901 = arith.subf %gather3A_898, %gather3A_900 : vector<16xf32>
          %mul3A_902 = arith.mulf %sub3A_901, %sub3A_901 : vector<16xf32>
          %add3A_903 = arith.addf %add3A_883, %mul3A_902 : vector<16xf32>
          %gather3A_904 = tpu.memref_slice %arg11[%mul3A_755] : memref<20480xf32, #tpu.memory_space<vmem>> -> memref<1024xf32, #tpu.memory_space<vmem>>
          %gather3A_905 = tpu.vector_load_idx %gather3A_904[%get3A_896] : memref<1024xf32, #tpu.memory_space<vmem>>[vector<16xi32>], vector<16xf32>,
          %add3A_906 = arith.addi %get3A_896, %sub3A_745 : vector<16xi32>
          %gather3A_907 = tpu.vector_load_idx %arg7[%add3A_906] : memref<64000xf32, #tpu.memory_space<vmem>>[vector<16xi32>], vector<16xf32>,
          %sub3A_908 = arith.subf %gather3A_905, %gather3A_907 : vector<16xf32>
          %mul3A_909 = arith.mulf %sub3A_908, %sub3A_908 : vector<16xf32>
          %add3A_910 = arith.addf %add3A_890, %mul3A_909 : vector<16xf32>
          %mul3A_911 = arith.constant 256 : i32
          %mul3A_912 = arith.muli %scan3A_848, %mul3A_911 : i32
          %add3A_913 = arith.constant 48 : i32
          %add3A_914 = arith.addi %mul3A_912, %add3A_913 : i32
          %get3A_915 = arith.index_cast %add3A_914 : i32 to index
          %get3A_916 = tpu.vector_load %arg15[%get3A_915] {strides = array<i32>} : memref<1024xi32, #tpu.memory_space<vmem>>, vector<16xi32>,
          %gather3A_917 = tpu.memref_slice %arg11[%mul3A_749] : memref<20480xf32, #tpu.memory_space<vmem>> -> memref<1024xf32, #tpu.memory_space<vmem>>
          %gather3A_918 = tpu.vector_load_idx %gather3A_917[%get3A_916] : memref<1024xf32, #tpu.memory_space<vmem>>[vector<16xi32>], vector<16xf32>,
          %add3A_919 = arith.addi %get3A_916, %sub3A_741 : vector<16xi32>
          %gather3A_920 = tpu.vector_load_idx %arg7[%add3A_919] : memref<64000xf32, #tpu.memory_space<vmem>>[vector<16xi32>], vector<16xf32>,
          %sub3A_921 = arith.subf %gather3A_918, %gather3A_920 : vector<16xf32>
          %mul3A_922 = arith.mulf %sub3A_921, %sub3A_921 : vector<16xf32>
          %add3A_923 = arith.addf %add3A_903, %mul3A_922 : vector<16xf32>
          %gather3A_924 = tpu.memref_slice %arg11[%mul3A_755] : memref<20480xf32, #tpu.memory_space<vmem>> -> memref<1024xf32, #tpu.memory_space<vmem>>
          %gather3A_925 = tpu.vector_load_idx %gather3A_924[%get3A_916] : memref<1024xf32, #tpu.memory_space<vmem>>[vector<16xi32>], vector<16xf32>,
          %add3A_926 = arith.addi %get3A_916, %sub3A_745 : vector<16xi32>
          %gather3A_927 = tpu.vector_load_idx %arg7[%add3A_926] : memref<64000xf32, #tpu.memory_space<vmem>>[vector<16xi32>], vector<16xf32>,
          %sub3A_928 = arith.subf %gather3A_925, %gather3A_927 : vector<16xf32>
          %mul3A_929 = arith.mulf %sub3A_928, %sub3A_928 : vector<16xf32>
          %add3A_930 = arith.addf %add3A_910, %mul3A_929 : vector<16xf32>
          %mul3A_931 = arith.constant 256 : i32
          %mul3A_932 = arith.muli %scan3A_848, %mul3A_931 : i32
          %add3A_933 = arith.constant 64 : i32
          %add3A_934 = arith.addi %mul3A_932, %add3A_933 : i32
          %get3A_935 = arith.index_cast %add3A_934 : i32 to index
          %get3A_936 = tpu.vector_load %arg15[%get3A_935] {strides = array<i32>} : memref<1024xi32, #tpu.memory_space<vmem>>, vector<16xi32>,
          %gather3A_937 = tpu.memref_slice %arg11[%mul3A_749] : memref<20480xf32, #tpu.memory_space<vmem>> -> memref<1024xf32, #tpu.memory_space<vmem>>
          %gather3A_938 = tpu.vector_load_idx %gather3A_937[%get3A_936] : memref<1024xf32, #tpu.memory_space<vmem>>[vector<16xi32>], vector<16xf32>,
          %add3A_939 = arith.addi %get3A_936, %sub3A_741 : vector<16xi32>
          %gather3A_940 = tpu.vector_load_idx %arg7[%add3A_939] : memref<64000xf32, #tpu.memory_space<vmem>>[vector<16xi32>], vector<16xf32>,
          %sub3A_941 = arith.subf %gather3A_938, %gather3A_940 : vector<16xf32>
          %mul3A_942 = arith.mulf %sub3A_941, %sub3A_941 : vector<16xf32>
          %add3A_943 = arith.addf %add3A_923, %mul3A_942 : vector<16xf32>
          %gather3A_944 = tpu.memref_slice %arg11[%mul3A_755] : memref<20480xf32, #tpu.memory_space<vmem>> -> memref<1024xf32, #tpu.memory_space<vmem>>
          %gather3A_945 = tpu.vector_load_idx %gather3A_944[%get3A_936] : memref<1024xf32, #tpu.memory_space<vmem>>[vector<16xi32>], vector<16xf32>,
          %add3A_946 = arith.addi %get3A_936, %sub3A_745 : vector<16xi32>
          %gather3A_947 = tpu.vector_load_idx %arg7[%add3A_946] : memref<64000xf32, #tpu.memory_space<vmem>>[vector<16xi32>], vector<16xf32>,
          %sub3A_948 = arith.subf %gather3A_945, %gather3A_947 : vector<16xf32>
          %mul3A_949 = arith.mulf %sub3A_948, %sub3A_948 : vector<16xf32>
          %add3A_950 = arith.addf %add3A_930, %mul3A_949 : vector<16xf32>
          %mul3A_951 = arith.constant 256 : i32
          %mul3A_952 = arith.muli %scan3A_848, %mul3A_951 : i32
          %add3A_953 = arith.constant 80 : i32
          %add3A_954 = arith.addi %mul3A_952, %add3A_953 : i32
          %get3A_955 = arith.index_cast %add3A_954 : i32 to index
          %get3A_956 = tpu.vector_load %arg15[%get3A_955] {strides = array<i32>} : memref<1024xi32, #tpu.memory_space<vmem>>, vector<16xi32>,
          %gather3A_957 = tpu.memref_slice %arg11[%mul3A_749] : memref<20480xf32, #tpu.memory_space<vmem>> -> memref<1024xf32, #tpu.memory_space<vmem>>
          %gather3A_958 = tpu.vector_load_idx %gather3A_957[%get3A_956] : memref<1024xf32, #tpu.memory_space<vmem>>[vector<16xi32>], vector<16xf32>,
          %add3A_959 = arith.addi %get3A_956, %sub3A_741 : vector<16xi32>
          %gather3A_960 = tpu.vector_load_idx %arg7[%add3A_959] : memref<64000xf32, #tpu.memory_space<vmem>>[vector<16xi32>], vector<16xf32>,
          %sub3A_961 = arith.subf %gather3A_958, %gather3A_960 : vector<16xf32>
          %mul3A_962 = arith.mulf %sub3A_961, %sub3A_961 : vector<16xf32>
          %add3A_963 = arith.addf %add3A_943, %mul3A_962 : vector<16xf32>
          %gather3A_964 = tpu.memref_slice %arg11[%mul3A_755] : memref<20480xf32, #tpu.memory_space<vmem>> -> memref<1024xf32, #tpu.memory_space<vmem>>
          %gather3A_965 = tpu.vector_load_idx %gather3A_964[%get3A_956] : memref<1024xf32, #tpu.memory_space<vmem>>[vector<16xi32>], vector<16xf32>,
          %add3A_966 = arith.addi %get3A_956, %sub3A_745 : vector<16xi32>
          %gather3A_967 = tpu.vector_load_idx %arg7[%add3A_966] : memref<64000xf32, #tpu.memory_space<vmem>>[vector<16xi32>], vector<16xf32>,
          %sub3A_968 = arith.subf %gather3A_965, %gather3A_967 : vector<16xf32>
          %mul3A_969 = arith.mulf %sub3A_968, %sub3A_968 : vector<16xf32>
          %add3A_970 = arith.addf %add3A_950, %mul3A_969 : vector<16xf32>
          %mul3A_971 = arith.constant 256 : i32
          %mul3A_972 = arith.muli %scan3A_848, %mul3A_971 : i32
          %add3A_973 = arith.constant 96 : i32
          %add3A_974 = arith.addi %mul3A_972, %add3A_973 : i32
          %get3A_975 = arith.index_cast %add3A_974 : i32 to index
          %get3A_976 = tpu.vector_load %arg15[%get3A_975] {strides = array<i32>} : memref<1024xi32, #tpu.memory_space<vmem>>, vector<16xi32>,
          %gather3A_977 = tpu.memref_slice %arg11[%mul3A_749] : memref<20480xf32, #tpu.memory_space<vmem>> -> memref<1024xf32, #tpu.memory_space<vmem>>
          %gather3A_978 = tpu.vector_load_idx %gather3A_977[%get3A_976] : memref<1024xf32, #tpu.memory_space<vmem>>[vector<16xi32>], vector<16xf32>,
          %add3A_979 = arith.addi %get3A_976, %sub3A_741 : vector<16xi32>
          %gather3A_980 = tpu.vector_load_idx %arg7[%add3A_979] : memref<64000xf32, #tpu.memory_space<vmem>>[vector<16xi32>], vector<16xf32>,
          %sub3A_981 = arith.subf %gather3A_978, %gather3A_980 : vector<16xf32>
          %mul3A_982 = arith.mulf %sub3A_981, %sub3A_981 : vector<16xf32>
          %add3A_983 = arith.addf %add3A_963, %mul3A_982 : vector<16xf32>
          %gather3A_984 = tpu.memref_slice %arg11[%mul3A_755] : memref<20480xf32, #tpu.memory_space<vmem>> -> memref<1024xf32, #tpu.memory_space<vmem>>
          %gather3A_985 = tpu.vector_load_idx %gather3A_984[%get3A_976] : memref<1024xf32, #tpu.memory_space<vmem>>[vector<16xi32>], vector<16xf32>,
          %add3A_986 = arith.addi %get3A_976, %sub3A_745 : vector<16xi32>
          %gather3A_987 = tpu.vector_load_idx %arg7[%add3A_986] : memref<64000xf32, #tpu.memory_space<vmem>>[vector<16xi32>], vector<16xf32>,
          %sub3A_988 = arith.subf %gather3A_985, %gather3A_987 : vector<16xf32>
          %mul3A_989 = arith.mulf %sub3A_988, %sub3A_988 : vector<16xf32>
          %add3A_990 = arith.addf %add3A_970, %mul3A_989 : vector<16xf32>
          %mul3A_991 = arith.constant 256 : i32
          %mul3A_992 = arith.muli %scan3A_848, %mul3A_991 : i32
          %add3A_993 = arith.constant 112 : i32
          %add3A_994 = arith.addi %mul3A_992, %add3A_993 : i32
          %get3A_995 = arith.index_cast %add3A_994 : i32 to index
          %get3A_996 = tpu.vector_load %arg15[%get3A_995] {strides = array<i32>} : memref<1024xi32, #tpu.memory_space<vmem>>, vector<16xi32>,
          %gather3A_997 = tpu.memref_slice %arg11[%mul3A_749] : memref<20480xf32, #tpu.memory_space<vmem>> -> memref<1024xf32, #tpu.memory_space<vmem>>
          %gather3A_998 = tpu.vector_load_idx %gather3A_997[%get3A_996] : memref<1024xf32, #tpu.memory_space<vmem>>[vector<16xi32>], vector<16xf32>,
          %add3A_999 = arith.addi %get3A_996, %sub3A_741 : vector<16xi32>
          %gather3A_1000 = tpu.vector_load_idx %arg7[%add3A_999] : memref<64000xf32, #tpu.memory_space<vmem>>[vector<16xi32>], vector<16xf32>,
          %sub3A_1001 = arith.subf %gather3A_998, %gather3A_1000 : vector<16xf32>
          %mul3A_1002 = arith.mulf %sub3A_1001, %sub3A_1001 : vector<16xf32>
          %add3A_1003 = arith.addf %add3A_983, %mul3A_1002 : vector<16xf32>
          %gather3A_1004 = tpu.memref_slice %arg11[%mul3A_755] : memref<20480xf32, #tpu.memory_space<vmem>> -> memref<1024xf32, #tpu.memory_space<vmem>>
          %gather3A_1005 = tpu.vector_load_idx %gather3A_1004[%get3A_996] : memref<1024xf32, #tpu.memory_space<vmem>>[vector<16xi32>], vector<16xf32>,
          %add3A_1006 = arith.addi %get3A_996, %sub3A_745 : vector<16xi32>
          %gather3A_1007 = tpu.vector_load_idx %arg7[%add3A_1006] : memref<64000xf32, #tpu.memory_space<vmem>>[vector<16xi32>], vector<16xf32>,
          %sub3A_1008 = arith.subf %gather3A_1005, %gather3A_1007 : vector<16xf32>
          %mul3A_1009 = arith.mulf %sub3A_1008, %sub3A_1008 : vector<16xf32>
          %add3A_1010 = arith.addf %add3A_990, %mul3A_1009 : vector<16xf32>
          %mul3A_1011 = arith.constant 256 : i32
          %mul3A_1012 = arith.muli %scan3A_848, %mul3A_1011 : i32
          %add3A_1013 = arith.constant 128 : i32
          %add3A_1014 = arith.addi %mul3A_1012, %add3A_1013 : i32
          %get3A_1015 = arith.index_cast %add3A_1014 : i32 to index
          %get3A_1016 = tpu.vector_load %arg15[%get3A_1015] {strides = array<i32>} : memref<1024xi32, #tpu.memory_space<vmem>>, vector<16xi32>,
          %gather3A_1017 = tpu.memref_slice %arg11[%mul3A_749] : memref<20480xf32, #tpu.memory_space<vmem>> -> memref<1024xf32, #tpu.memory_space<vmem>>
          %gather3A_1018 = tpu.vector_load_idx %gather3A_1017[%get3A_1016] : memref<1024xf32, #tpu.memory_space<vmem>>[vector<16xi32>], vector<16xf32>,
          %add3A_1019 = arith.addi %get3A_1016, %sub3A_741 : vector<16xi32>
          %gather3A_1020 = tpu.vector_load_idx %arg7[%add3A_1019] : memref<64000xf32, #tpu.memory_space<vmem>>[vector<16xi32>], vector<16xf32>,
          %sub3A_1021 = arith.subf %gather3A_1018, %gather3A_1020 : vector<16xf32>
          %mul3A_1022 = arith.mulf %sub3A_1021, %sub3A_1021 : vector<16xf32>
          %add3A_1023 = arith.addf %add3A_1003, %mul3A_1022 : vector<16xf32>
          %gather3A_1024 = tpu.memref_slice %arg11[%mul3A_755] : memref<20480xf32, #tpu.memory_space<vmem>> -> memref<1024xf32, #tpu.memory_space<vmem>>
          %gather3A_1025 = tpu.vector_load_idx %gather3A_1024[%get3A_1016] : memref<1024xf32, #tpu.memory_space<vmem>>[vector<16xi32>], vector<16xf32>,
          %add3A_1026 = arith.addi %get3A_1016, %sub3A_745 : vector<16xi32>
          %gather3A_1027 = tpu.vector_load_idx %arg7[%add3A_1026] : memref<64000xf32, #tpu.memory_space<vmem>>[vector<16xi32>], vector<16xf32>,
          %sub3A_1028 = arith.subf %gather3A_1025, %gather3A_1027 : vector<16xf32>
          %mul3A_1029 = arith.mulf %sub3A_1028, %sub3A_1028 : vector<16xf32>
          %add3A_1030 = arith.addf %add3A_1010, %mul3A_1029 : vector<16xf32>
          %mul3A_1031 = arith.constant 256 : i32
          %mul3A_1032 = arith.muli %scan3A_848, %mul3A_1031 : i32
          %add3A_1033 = arith.constant 144 : i32
          %add3A_1034 = arith.addi %mul3A_1032, %add3A_1033 : i32
          %get3A_1035 = arith.index_cast %add3A_1034 : i32 to index
          %get3A_1036 = tpu.vector_load %arg15[%get3A_1035] {strides = array<i32>} : memref<1024xi32, #tpu.memory_space<vmem>>, vector<16xi32>,
          %gather3A_1037 = tpu.memref_slice %arg11[%mul3A_749] : memref<20480xf32, #tpu.memory_space<vmem>> -> memref<1024xf32, #tpu.memory_space<vmem>>
          %gather3A_1038 = tpu.vector_load_idx %gather3A_1037[%get3A_1036] : memref<1024xf32, #tpu.memory_space<vmem>>[vector<16xi32>], vector<16xf32>,
          %add3A_1039 = arith.addi %get3A_1036, %sub3A_741 : vector<16xi32>
          %gather3A_1040 = tpu.vector_load_idx %arg7[%add3A_1039] : memref<64000xf32, #tpu.memory_space<vmem>>[vector<16xi32>], vector<16xf32>,
          %sub3A_1041 = arith.subf %gather3A_1038, %gather3A_1040 : vector<16xf32>
          %mul3A_1042 = arith.mulf %sub3A_1041, %sub3A_1041 : vector<16xf32>
          %add3A_1043 = arith.addf %add3A_1023, %mul3A_1042 : vector<16xf32>
          %gather3A_1044 = tpu.memref_slice %arg11[%mul3A_755] : memref<20480xf32, #tpu.memory_space<vmem>> -> memref<1024xf32, #tpu.memory_space<vmem>>
          %gather3A_1045 = tpu.vector_load_idx %gather3A_1044[%get3A_1036] : memref<1024xf32, #tpu.memory_space<vmem>>[vector<16xi32>], vector<16xf32>,
          %add3A_1046 = arith.addi %get3A_1036, %sub3A_745 : vector<16xi32>
          %gather3A_1047 = tpu.vector_load_idx %arg7[%add3A_1046] : memref<64000xf32, #tpu.memory_space<vmem>>[vector<16xi32>], vector<16xf32>,
          %sub3A_1048 = arith.subf %gather3A_1045, %gather3A_1047 : vector<16xf32>
          %mul3A_1049 = arith.mulf %sub3A_1048, %sub3A_1048 : vector<16xf32>
          %add3A_1050 = arith.addf %add3A_1030, %mul3A_1049 : vector<16xf32>
          %mul3A_1051 = arith.constant 256 : i32
          %mul3A_1052 = arith.muli %scan3A_848, %mul3A_1051 : i32
          %add3A_1053 = arith.constant 160 : i32
          %add3A_1054 = arith.addi %mul3A_1052, %add3A_1053 : i32
          %get3A_1055 = arith.index_cast %add3A_1054 : i32 to index
          %get3A_1056 = tpu.vector_load %arg15[%get3A_1055] {strides = array<i32>} : memref<1024xi32, #tpu.memory_space<vmem>>, vector<16xi32>,
          %gather3A_1057 = tpu.memref_slice %arg11[%mul3A_749] : memref<20480xf32, #tpu.memory_space<vmem>> -> memref<1024xf32, #tpu.memory_space<vmem>>
          %gather3A_1058 = tpu.vector_load_idx %gather3A_1057[%get3A_1056] : memref<1024xf32, #tpu.memory_space<vmem>>[vector<16xi32>], vector<16xf32>,
          %add3A_1059 = arith.addi %get3A_1056, %sub3A_741 : vector<16xi32>
          %gather3A_1060 = tpu.vector_load_idx %arg7[%add3A_1059] : memref<64000xf32, #tpu.memory_space<vmem>>[vector<16xi32>], vector<16xf32>,
          %sub3A_1061 = arith.subf %gather3A_1058, %gather3A_1060 : vector<16xf32>
          %mul3A_1062 = arith.mulf %sub3A_1061, %sub3A_1061 : vector<16xf32>
          %add3A_1063 = arith.addf %add3A_1043, %mul3A_1062 : vector<16xf32>
          %gather3A_1064 = tpu.memref_slice %arg11[%mul3A_755] : memref<20480xf32, #tpu.memory_space<vmem>> -> memref<1024xf32, #tpu.memory_space<vmem>>
          %gather3A_1065 = tpu.vector_load_idx %gather3A_1064[%get3A_1056] : memref<1024xf32, #tpu.memory_space<vmem>>[vector<16xi32>], vector<16xf32>,
          %add3A_1066 = arith.addi %get3A_1056, %sub3A_745 : vector<16xi32>
          %gather3A_1067 = tpu.vector_load_idx %arg7[%add3A_1066] : memref<64000xf32, #tpu.memory_space<vmem>>[vector<16xi32>], vector<16xf32>,
          %sub3A_1068 = arith.subf %gather3A_1065, %gather3A_1067 : vector<16xf32>
          %mul3A_1069 = arith.mulf %sub3A_1068, %sub3A_1068 : vector<16xf32>
          %add3A_1070 = arith.addf %add3A_1050, %mul3A_1069 : vector<16xf32>
          %mul3A_1071 = arith.constant 256 : i32
          %mul3A_1072 = arith.muli %scan3A_848, %mul3A_1071 : i32
          %add3A_1073 = arith.constant 176 : i32
          %add3A_1074 = arith.addi %mul3A_1072, %add3A_1073 : i32
          %get3A_1075 = arith.index_cast %add3A_1074 : i32 to index
          %get3A_1076 = tpu.vector_load %arg15[%get3A_1075] {strides = array<i32>} : memref<1024xi32, #tpu.memory_space<vmem>>, vector<16xi32>,
          %gather3A_1077 = tpu.memref_slice %arg11[%mul3A_749] : memref<20480xf32, #tpu.memory_space<vmem>> -> memref<1024xf32, #tpu.memory_space<vmem>>
          %gather3A_1078 = tpu.vector_load_idx %gather3A_1077[%get3A_1076] : memref<1024xf32, #tpu.memory_space<vmem>>[vector<16xi32>], vector<16xf32>,
          %add3A_1079 = arith.addi %get3A_1076, %sub3A_741 : vector<16xi32>
          %gather3A_1080 = tpu.vector_load_idx %arg7[%add3A_1079] : memref<64000xf32, #tpu.memory_space<vmem>>[vector<16xi32>], vector<16xf32>,
          %sub3A_1081 = arith.subf %gather3A_1078, %gather3A_1080 : vector<16xf32>
          %mul3A_1082 = arith.mulf %sub3A_1081, %sub3A_1081 : vector<16xf32>
          %add3A_1083 = arith.addf %add3A_1063, %mul3A_1082 : vector<16xf32>
          %gather3A_1084 = tpu.memref_slice %arg11[%mul3A_755] : memref<20480xf32, #tpu.memory_space<vmem>> -> memref<1024xf32, #tpu.memory_space<vmem>>
          %gather3A_1085 = tpu.vector_load_idx %gather3A_1084[%get3A_1076] : memref<1024xf32, #tpu.memory_space<vmem>>[vector<16xi32>], vector<16xf32>,
          %add3A_1086 = arith.addi %get3A_1076, %sub3A_745 : vector<16xi32>
          %gather3A_1087 = tpu.vector_load_idx %arg7[%add3A_1086] : memref<64000xf32, #tpu.memory_space<vmem>>[vector<16xi32>], vector<16xf32>,
          %sub3A_1088 = arith.subf %gather3A_1085, %gather3A_1087 : vector<16xf32>
          %mul3A_1089 = arith.mulf %sub3A_1088, %sub3A_1088 : vector<16xf32>
          %add3A_1090 = arith.addf %add3A_1070, %mul3A_1089 : vector<16xf32>
          %mul3A_1091 = arith.constant 256 : i32
          %mul3A_1092 = arith.muli %scan3A_848, %mul3A_1091 : i32
          %add3A_1093 = arith.constant 192 : i32
          %add3A_1094 = arith.addi %mul3A_1092, %add3A_1093 : i32
          %get3A_1095 = arith.index_cast %add3A_1094 : i32 to index
          %get3A_1096 = tpu.vector_load %arg15[%get3A_1095] {strides = array<i32>} : memref<1024xi32, #tpu.memory_space<vmem>>, vector<16xi32>,
          %gather3A_1097 = tpu.memref_slice %arg11[%mul3A_749] : memref<20480xf32, #tpu.memory_space<vmem>> -> memref<1024xf32, #tpu.memory_space<vmem>>
          %gather3A_1098 = tpu.vector_load_idx %gather3A_1097[%get3A_1096] : memref<1024xf32, #tpu.memory_space<vmem>>[vector<16xi32>], vector<16xf32>,
          %add3A_1099 = arith.addi %get3A_1096, %sub3A_741 : vector<16xi32>
          %gather3A_1100 = tpu.vector_load_idx %arg7[%add3A_1099] : memref<64000xf32, #tpu.memory_space<vmem>>[vector<16xi32>], vector<16xf32>,
          %sub3A_1101 = arith.subf %gather3A_1098, %gather3A_1100 : vector<16xf32>
          %mul3A_1102 = arith.mulf %sub3A_1101, %sub3A_1101 : vector<16xf32>
          %add3A_1103 = arith.addf %add3A_1083, %mul3A_1102 : vector<16xf32>
          %gather3A_1104 = tpu.memref_slice %arg11[%mul3A_755] : memref<20480xf32, #tpu.memory_space<vmem>> -> memref<1024xf32, #tpu.memory_space<vmem>>
          %gather3A_1105 = tpu.vector_load_idx %gather3A_1104[%get3A_1096] : memref<1024xf32, #tpu.memory_space<vmem>>[vector<16xi32>], vector<16xf32>,
          %add3A_1106 = arith.addi %get3A_1096, %sub3A_745 : vector<16xi32>
          %gather3A_1107 = tpu.vector_load_idx %arg7[%add3A_1106] : memref<64000xf32, #tpu.memory_space<vmem>>[vector<16xi32>], vector<16xf32>,
          %sub3A_1108 = arith.subf %gather3A_1105, %gather3A_1107 : vector<16xf32>
          %mul3A_1109 = arith.mulf %sub3A_1108, %sub3A_1108 : vector<16xf32>
          %add3A_1110 = arith.addf %add3A_1090, %mul3A_1109 : vector<16xf32>
          %mul3A_1111 = arith.constant 256 : i32
          %mul3A_1112 = arith.muli %scan3A_848, %mul3A_1111 : i32
          %add3A_1113 = arith.constant 208 : i32
          %add3A_1114 = arith.addi %mul3A_1112, %add3A_1113 : i32
          %get3A_1115 = arith.index_cast %add3A_1114 : i32 to index
          %get3A_1116 = tpu.vector_load %arg15[%get3A_1115] {strides = array<i32>} : memref<1024xi32, #tpu.memory_space<vmem>>, vector<16xi32>,
          %gather3A_1117 = tpu.memref_slice %arg11[%mul3A_749] : memref<20480xf32, #tpu.memory_space<vmem>> -> memref<1024xf32, #tpu.memory_space<vmem>>
          %gather3A_1118 = tpu.vector_load_idx %gather3A_1117[%get3A_1116] : memref<1024xf32, #tpu.memory_space<vmem>>[vector<16xi32>], vector<16xf32>,
          %add3A_1119 = arith.addi %get3A_1116, %sub3A_741 : vector<16xi32>
          %gather3A_1120 = tpu.vector_load_idx %arg7[%add3A_1119] : memref<64000xf32, #tpu.memory_space<vmem>>[vector<16xi32>], vector<16xf32>,
          %sub3A_1121 = arith.subf %gather3A_1118, %gather3A_1120 : vector<16xf32>
          %mul3A_1122 = arith.mulf %sub3A_1121, %sub3A_1121 : vector<16xf32>
          %add3A_1123 = arith.addf %add3A_1103, %mul3A_1122 : vector<16xf32>
          %gather3A_1124 = tpu.memref_slice %arg11[%mul3A_755] : memref<20480xf32, #tpu.memory_space<vmem>> -> memref<1024xf32, #tpu.memory_space<vmem>>
          %gather3A_1125 = tpu.vector_load_idx %gather3A_1124[%get3A_1116] : memref<1024xf32, #tpu.memory_space<vmem>>[vector<16xi32>], vector<16xf32>,
          %add3A_1126 = arith.addi %get3A_1116, %sub3A_745 : vector<16xi32>
          %gather3A_1127 = tpu.vector_load_idx %arg7[%add3A_1126] : memref<64000xf32, #tpu.memory_space<vmem>>[vector<16xi32>], vector<16xf32>,
          %sub3A_1128 = arith.subf %gather3A_1125, %gather3A_1127 : vector<16xf32>
          %mul3A_1129 = arith.mulf %sub3A_1128, %sub3A_1128 : vector<16xf32>
          %add3A_1130 = arith.addf %add3A_1110, %mul3A_1129 : vector<16xf32>
          %mul3A_1131 = arith.constant 256 : i32
          %mul3A_1132 = arith.muli %scan3A_848, %mul3A_1131 : i32
          %add3A_1133 = arith.constant 224 : i32
          %add3A_1134 = arith.addi %mul3A_1132, %add3A_1133 : i32
          %get3A_1135 = arith.index_cast %add3A_1134 : i32 to index
          %get3A_1136 = tpu.vector_load %arg15[%get3A_1135] {strides = array<i32>} : memref<1024xi32, #tpu.memory_space<vmem>>, vector<16xi32>,
          %gather3A_1137 = tpu.memref_slice %arg11[%mul3A_749] : memref<20480xf32, #tpu.memory_space<vmem>> -> memref<1024xf32, #tpu.memory_space<vmem>>
          %gather3A_1138 = tpu.vector_load_idx %gather3A_1137[%get3A_1136] : memref<1024xf32, #tpu.memory_space<vmem>>[vector<16xi32>], vector<16xf32>,
          %add3A_1139 = arith.addi %get3A_1136, %sub3A_741 : vector<16xi32>
          %gather3A_1140 = tpu.vector_load_idx %arg7[%add3A_1139] : memref<64000xf32, #tpu.memory_space<vmem>>[vector<16xi32>], vector<16xf32>,
          %sub3A_1141 = arith.subf %gather3A_1138, %gather3A_1140 : vector<16xf32>
          %mul3A_1142 = arith.mulf %sub3A_1141, %sub3A_1141 : vector<16xf32>
          %add3A_1143 = arith.addf %add3A_1123, %mul3A_1142 : vector<16xf32>
          %gather3A_1144 = tpu.memref_slice %arg11[%mul3A_755] : memref<20480xf32, #tpu.memory_space<vmem>> -> memref<1024xf32, #tpu.memory_space<vmem>>
          %gather3A_1145 = tpu.vector_load_idx %gather3A_1144[%get3A_1136] : memref<1024xf32, #tpu.memory_space<vmem>>[vector<16xi32>], vector<16xf32>,
          %add3A_1146 = arith.addi %get3A_1136, %sub3A_745 : vector<16xi32>
          %gather3A_1147 = tpu.vector_load_idx %arg7[%add3A_1146] : memref<64000xf32, #tpu.memory_space<vmem>>[vector<16xi32>], vector<16xf32>,
          %sub3A_1148 = arith.subf %gather3A_1145, %gather3A_1147 : vector<16xf32>
          %mul3A_1149 = arith.mulf %sub3A_1148, %sub3A_1148 : vector<16xf32>
          %add3A_1150 = arith.addf %add3A_1130, %mul3A_1149 : vector<16xf32>
          %mul3A_1151 = arith.constant 256 : i32
          %mul3A_1152 = arith.muli %scan3A_848, %mul3A_1151 : i32
          %add3A_1153 = arith.constant 240 : i32
          %add3A_1154 = arith.addi %mul3A_1152, %add3A_1153 : i32
          %get3A_1155 = arith.index_cast %add3A_1154 : i32 to index
          %get3A_1156 = tpu.vector_load %arg15[%get3A_1155] {strides = array<i32>} : memref<1024xi32, #tpu.memory_space<vmem>>, vector<16xi32>,
          %gather3A_1157 = tpu.memref_slice %arg11[%mul3A_749] : memref<20480xf32, #tpu.memory_space<vmem>> -> memref<1024xf32, #tpu.memory_space<vmem>>
          %gather3A_1158 = tpu.vector_load_idx %gather3A_1157[%get3A_1156] : memref<1024xf32, #tpu.memory_space<vmem>>[vector<16xi32>], vector<16xf32>,
          %add3A_1159 = arith.addi %get3A_1156, %sub3A_741 : vector<16xi32>
          %gather3A_1160 = tpu.vector_load_idx %arg7[%add3A_1159] : memref<64000xf32, #tpu.memory_space<vmem>>[vector<16xi32>], vector<16xf32>,
          %sub3A_1161 = arith.subf %gather3A_1158, %gather3A_1160 : vector<16xf32>
          %mul3A_1162 = arith.mulf %sub3A_1161, %sub3A_1161 : vector<16xf32>
          %add3A_1163 = arith.addf %add3A_1143, %mul3A_1162 : vector<16xf32>
          %gather3A_1164 = tpu.memref_slice %arg11[%mul3A_755] : memref<20480xf32, #tpu.memory_space<vmem>> -> memref<1024xf32, #tpu.memory_space<vmem>>
          %gather3A_1165 = tpu.vector_load_idx %gather3A_1164[%get3A_1156] : memref<1024xf32, #tpu.memory_space<vmem>>[vector<16xi32>], vector<16xf32>,
          %add3A_1166 = arith.addi %get3A_1156, %sub3A_745 : vector<16xi32>
          %gather3A_1167 = tpu.vector_load_idx %arg7[%add3A_1166] : memref<64000xf32, #tpu.memory_space<vmem>>[vector<16xi32>], vector<16xf32>,
          %sub3A_1168 = arith.subf %gather3A_1165, %gather3A_1167 : vector<16xf32>
          %mul3A_1169 = arith.mulf %sub3A_1168, %sub3A_1168 : vector<16xf32>
          %add3A_1170 = arith.addf %add3A_1150, %mul3A_1169 : vector<16xf32>
          scf.yield %add3A_1163, %add3A_1170 : vector<16xf32>, vector<16xf32>
        }
        %scan3A_765 = arith.constant 4 : i32
        %max3A_766 = arith.constant 1.000000e-30 : f32
        %max3A_767 = vector.broadcast %max3A_766 : f32 to vector<16xf32>
        %max3A_768 = arith.maximumf %scan3A_764#0, %max3A_767 : vector<16xf32>
        %bitcast3A = vector.bitcast %max3A_768 : vector<16xf32> to vector<16xi32>
        %shift_right_logical3A = arith.constant 1 : i32
        %shift_right_logical3A_769 = vector.broadcast %shift_right_logical3A : i32 to vector<16xi32>
        %shift_right_logical3A_770 = arith.shrui %bitcast3A, %shift_right_logical3A_769 : vector<16xi32>
        %sub3A_771 = arith.constant 1597463007 : i32
        %sub3A_772 = vector.broadcast %sub3A_771 : i32 to vector<16xi32>
        %sub3A_773 = arith.subi %sub3A_772, %shift_right_logical3A_770 : vector<16xi32>
        %bitcast3A_774 = vector.bitcast %sub3A_773 : vector<16xi32> to vector<16xf32>
        %mul3A_775 = vector.broadcast %scan3A_620 : f32 to vector<16xf32>
        %mul3A_776 = arith.mulf %mul3A_775, %max3A_768 : vector<16xf32>
        %mul3A_777 = arith.mulf %mul3A_776, %bitcast3A_774 : vector<16xf32>
        %mul3A_778 = arith.mulf %mul3A_777, %bitcast3A_774 : vector<16xf32>
        %sub3A_779 = vector.broadcast %scan3A_621 : f32 to vector<16xf32>
        %sub3A_780 = arith.subf %sub3A_779, %mul3A_778 : vector<16xf32>
        %mul3A_781 = arith.mulf %bitcast3A_774, %sub3A_780 : vector<16xf32>
        %mul3A_782 = vector.broadcast %scan3A_620 : f32 to vector<16xf32>
        %mul3A_783 = arith.mulf %mul3A_782, %max3A_768 : vector<16xf32>
        %mul3A_784 = arith.mulf %mul3A_783, %mul3A_781 : vector<16xf32>
        %mul3A_785 = arith.mulf %mul3A_784, %mul3A_781 : vector<16xf32>
        %sub3A_786 = vector.broadcast %scan3A_621 : f32 to vector<16xf32>
        %sub3A_787 = arith.subf %sub3A_786, %mul3A_785 : vector<16xf32>
        %mul3A_788 = arith.mulf %mul3A_781, %sub3A_787 : vector<16xf32>
        %mul3A_789 = vector.broadcast %scan3A_620 : f32 to vector<16xf32>
        %mul3A_790 = arith.mulf %mul3A_789, %max3A_768 : vector<16xf32>
        %mul3A_791 = arith.mulf %mul3A_790, %mul3A_788 : vector<16xf32>
        %mul3A_792 = arith.mulf %mul3A_791, %mul3A_788 : vector<16xf32>
        %sub3A_793 = vector.broadcast %scan3A_621 : f32 to vector<16xf32>
        %sub3A_794 = arith.subf %sub3A_793, %mul3A_792 : vector<16xf32>
        %mul3A_795 = arith.mulf %mul3A_788, %sub3A_794 : vector<16xf32>
        %gt3A = arith.constant 0.000000e+00 : f32
        %gt3A_796 = vector.broadcast %gt3A : f32 to vector<16xf32>
        %gt3A_797 = arith.cmpf ogt, %scan3A_764#0, %gt3A_796 : vector<16xf32>
        %mul3A_798 = arith.mulf %max3A_768, %mul3A_795 : vector<16xf32>
        %jit3A = arith.constant 0.000000e+00 : f32
        %broadcast_in_dim3A_799 = vector.broadcast %jit3A : f32 to vector<16xf32>
        %select_n3A = arith.select %gt3A_797, %mul3A_798, %broadcast_in_dim3A_799 : vector<16xi1>, vector<16xf32>
        %div3A = arith.divf %select_n3A, %gather3A : vector<16xf32>
        %jit3A_800 = arith.constant 0.000000e+00 : f32
        %broadcast_in_dim3A_801 = vector.broadcast %jit3A_800 : f32 to vector<16xf32>
        %select_n3A_802 = arith.select %lt3A_703, %div3A, %broadcast_in_dim3A_801 : vector<16xf32>
        %add3A_803 = arith.addf %scan3A_711, %select_n3A_802 : vector<16xf32>
        %max3A_804 = arith.constant 1.000000e-30 : f32
        %max3A_805 = vector.broadcast %max3A_804 : f32 to vector<16xf32>
        %max3A_806 = arith.maximumf %scan3A_764#1, %max3A_805 : vector<16xf32>
        %bitcast3A_807 = vector.bitcast %max3A_806 : vector<16xf32> to vector<16xi32>
        %shift_right_logical3A_808 = arith.constant 1 : i32
        %shift_right_logical3A_809 = vector.broadcast %shift_right_logical3A_808 : i32 to vector<16xi32>
        %shift_right_logical3A_810 = arith.shrui %bitcast3A_807, %shift_right_logical3A_809 : vector<16xi32>
        %sub3A_811 = arith.constant 1597463007 : i32
        %sub3A_812 = vector.broadcast %sub3A_811 : i32 to vector<16xi32>
        %sub3A_813 = arith.subi %sub3A_812, %shift_right_logical3A_810 : vector<16xi32>
        %bitcast3A_814 = vector.bitcast %sub3A_813 : vector<16xi32> to vector<16xf32>
        %mul3A_815 = vector.broadcast %scan3A_620 : f32 to vector<16xf32>
        %mul3A_816 = arith.mulf %mul3A_815, %max3A_806 : vector<16xf32>
        %mul3A_817 = arith.mulf %mul3A_816, %bitcast3A_814 : vector<16xf32>
        %mul3A_818 = arith.mulf %mul3A_817, %bitcast3A_814 : vector<16xf32>
        %sub3A_819 = vector.broadcast %scan3A_621 : f32 to vector<16xf32>
        %sub3A_820 = arith.subf %sub3A_819, %mul3A_818 : vector<16xf32>
        %mul3A_821 = arith.mulf %bitcast3A_814, %sub3A_820 : vector<16xf32>
        %mul3A_822 = vector.broadcast %scan3A_620 : f32 to vector<16xf32>
        %mul3A_823 = arith.mulf %mul3A_822, %max3A_806 : vector<16xf32>
        %mul3A_824 = arith.mulf %mul3A_823, %mul3A_821 : vector<16xf32>
        %mul3A_825 = arith.mulf %mul3A_824, %mul3A_821 : vector<16xf32>
        %sub3A_826 = vector.broadcast %scan3A_621 : f32 to vector<16xf32>
        %sub3A_827 = arith.subf %sub3A_826, %mul3A_825 : vector<16xf32>
        %mul3A_828 = arith.mulf %mul3A_821, %sub3A_827 : vector<16xf32>
        %mul3A_829 = vector.broadcast %scan3A_620 : f32 to vector<16xf32>
        %mul3A_830 = arith.mulf %mul3A_829, %max3A_806 : vector<16xf32>
        %mul3A_831 = arith.mulf %mul3A_830, %mul3A_828 : vector<16xf32>
        %mul3A_832 = arith.mulf %mul3A_831, %mul3A_828 : vector<16xf32>
        %sub3A_833 = vector.broadcast %scan3A_621 : f32 to vector<16xf32>
        %sub3A_834 = arith.subf %sub3A_833, %mul3A_832 : vector<16xf32>
        %mul3A_835 = arith.mulf %mul3A_828, %sub3A_834 : vector<16xf32>
        %gt3A_836 = arith.constant 0.000000e+00 : f32
        %gt3A_837 = vector.broadcast %gt3A_836 : f32 to vector<16xf32>
        %gt3A_838 = arith.cmpf ogt, %scan3A_764#1, %gt3A_837 : vector<16xf32>
        %mul3A_839 = arith.mulf %max3A_806, %mul3A_835 : vector<16xf32>
        %jit3A_840 = arith.constant 0.000000e+00 : f32
        %broadcast_in_dim3A_841 = vector.broadcast %jit3A_840 : f32 to vector<16xf32>
        %select_n3A_842 = arith.select %gt3A_838, %mul3A_839, %broadcast_in_dim3A_841 : vector<16xi1>, vector<16xf32>
        %div3A_843 = arith.divf %select_n3A_842, %gather3A_737 : vector<16xf32>
        %jit3A_844 = arith.constant 0.000000e+00 : f32
        %broadcast_in_dim3A_845 = vector.broadcast %jit3A_844 : f32 to vector<16xf32>
        %select_n3A_846 = arith.select %lt3A_703, %div3A_843, %broadcast_in_dim3A_845 : vector<16xf32>
        %add3A_847 = arith.addf %add3A_803, %select_n3A_846 : vector<16xf32>
        scf.yield %add3A_847 : vector<16xf32>
      }
      %scan3A_709 = arith.constant 10 : i32
      scf.yield %scan3A_708 : vector<16xf32>
    }
    %scan3A_627 = arith.constant 49 : i32
    %dma_wait3A = arith.constant 0 : i32
    %dma_wait3A_628 = tpu.memref_slice %arg2[%dma_wait3A] : memref<64000000xf32, #tpu.memory_space<hbm>> -> memref<20480xf32, #tpu.memory_space<hbm>>
    %dma_wait3A_629 = arith.constant 0 : i32
    %dma_wait3A_630 = tpu.memref_slice %arg2[%dma_wait3A_629] : memref<64000000xf32, #tpu.memory_space<hbm>> -> memref<20480xf32, #tpu.memory_space<hbm>>
    tpu.wait_dma2 semaphore(%arg16 : memref<!tpu.dma_semaphore, #tpu.memory_space<semaphore_mem>>) src(%dma_wait3A_630 : memref<20480xf32, #tpu.memory_space<hbm>>) dst(%arg10 : memref<20480xf32, #tpu.memory_space<vmem>>)
    %dma_wait3A_631 = arith.constant 0 : i32
    %dma_wait3A_632 = tpu.memref_slice %arg3[%dma_wait3A_631] : memref<1000000xf32, #tpu.memory_space<hbm>> -> memref<320xf32, #tpu.memory_space<hbm>>
    %dma_wait3A_633 = arith.constant 0 : i32
    %dma_wait3A_634 = tpu.memref_slice %arg3[%dma_wait3A_633] : memref<1000000xf32, #tpu.memory_space<hbm>> -> memref<320xf32, #tpu.memory_space<hbm>>
    tpu.wait_dma2 semaphore(%arg16 : memref<!tpu.dma_semaphore, #tpu.memory_space<semaphore_mem>>) src(%dma_wait3A_634 : memref<320xf32, #tpu.memory_space<hbm>>) dst(%arg12 : memref<320xf32, #tpu.memory_space<vmem>>)
    %swap3A_635 = arith.constant 0 : index
    %swap3A_636 = tpu.vector_load %arg14[%swap3A_635] {strides = array<i32>} : memref<16xf32, #tpu.memory_space<vmem>>, vector<16xf32>,
    tpu.vector_store %arg14[%swap3A_635], %scan3A_626 {strides = array<i32>} : memref<16xf32, #tpu.memory_space<vmem>>, vector<16xf32>,
    "tpu.region"() ({
      %run_scoped3A = tpu.sem_alloc : memref<!tpu.dma_semaphore, #tpu.memory_space<semaphore_mem>>
      %dma_start3A_637 = arith.constant 0 : i32
      %dma_start3A_638 = tpu.memref_slice %arg6[%add3A, %dma_start3A_637] : memref<32x16xf32, #tpu.memory_space<hbm>> -> memref<1x16xf32, #tpu.memory_space<hbm>>
      %dma_start3A_639 = tpu.memref_squeeze %dma_start3A_638 : memref<1x16xf32, #tpu.memory_space<hbm>> -> memref<16xf32, #tpu.memory_space<hbm>>
      %dma_start3A_640 = arith.constant 0 : i32
      %dma_start3A_641 = tpu.memref_slice %arg6[%add3A, %dma_start3A_640] : memref<32x16xf32, #tpu.memory_space<hbm>> -> memref<1x16xf32, #tpu.memory_space<hbm>>
      %dma_start3A_642 = tpu.memref_squeeze %dma_start3A_641 : memref<1x16xf32, #tpu.memory_space<hbm>> -> memref<16xf32, #tpu.memory_space<hbm>>
      tpu.enqueue_dma source(%arg14 : memref<16xf32, #tpu.memory_space<vmem>>) target(%dma_start3A_642 : memref<16xf32, #tpu.memory_space<hbm>>) target_semaphore(%run_scoped3A : memref<!tpu.dma_semaphore, #tpu.memory_space<semaphore_mem>>)
      %dma_wait3A_643 = arith.constant 0 : i32
      %dma_wait3A_644 = tpu.memref_slice %arg6[%add3A, %dma_wait3A_643] : memref<32x16xf32, #tpu.memory_space<hbm>> -> memref<1x16xf32, #tpu.memory_space<hbm>>
      %dma_wait3A_645 = tpu.memref_squeeze %dma_wait3A_644 : memref<1x16xf32, #tpu.memory_space<hbm>> -> memref<16xf32, #tpu.memory_space<hbm>>
      %dma_wait3A_646 = arith.constant 0 : i32
      %dma_wait3A_647 = tpu.memref_slice %arg6[%add3A, %dma_wait3A_646] : memref<32x16xf32, #tpu.memory_space<hbm>> -> memref<1x16xf32, #tpu.memory_space<hbm>>
      %dma_wait3A_648 = tpu.memref_squeeze %dma_wait3A_647 : memref<1x16xf32, #tpu.memory_space<hbm>> -> memref<16xf32, #tpu.memory_space<hbm>>
      tpu.wait_dma2 semaphore(%run_scoped3A : memref<!tpu.dma_semaphore, #tpu.memory_space<semaphore_mem>>) src(%arg14 : memref<16xf32, #tpu.memory_space<vmem>>) dst(%dma_wait3A_648 : memref<16xf32, #tpu.memory_space<hbm>>)
      tpu.yield
    }) : () -> ()
    return
  }
}

#map = affine_map<(d0, d1) -> (0)>
#map1 = affine_map<(d0, d1) -> (0, 0)>
module attributes {stable_mosaic.version = 14 : i64} {
  func.func @_hist_kernel(%arg0: i32, %arg1: i32, %arg2: memref<1000000xf32, #tpu.memory_space<hbm>>, %arg3: memref<32x1024xf32, #tpu.memory_space<hbm>>, %arg4: memref<31264xf32, #tpu.memory_space<vmem>>, %arg5: memref<16384xf32, #tpu.memory_space<vmem>>, %arg6: memref<1024xf32, #tpu.memory_space<vmem>>) attributes {dimension_semantics = [#tpu.dimension_semantics<core_parallel>, #tpu.dimension_semantics<subcore_parallel>], iteration_bounds = array<i64: 2, 16>, scalar_prefetch = 0 : i64, scratch_operands = 3 : i64, tpu.core_type = #tpu.core_type<sc_vector_subcore>, window_params = [{transform_indices = #map}, {transform_indices = #map1}]} {
    %mul3A = arith.constant 2 : i32
    %mul3A_0 = arith.muli %arg1, %mul3A : i32
    %add3A = arith.addi %mul3A_0, %arg0 : i32
    %broadcast_in_dim3A = arith.constant 0.000000e+00 : f32
    %broadcast_in_dim3A_1 = vector.broadcast %broadcast_in_dim3A : f32 to vector<16xf32>
    %scan3A = arith.constant 0 : i32
    %scan3A_2 = arith.constant 0 : i32
    %scan3A_3 = arith.constant 1024 : i32
    %scan3A_4 = arith.addi %scan3A_2, %scan3A_3 : i32
    %scan3A_5 = arith.constant 1 : i32
    %scan3A_6 = scf.for %scan3A_40 = %scan3A_2 to %scan3A_4 step %scan3A_5 iter_args(%scan3A_41 = %scan3A) -> (i32)  : i32 {
      %mul3A_42 = arith.constant 16 : i32
      %mul3A_43 = arith.muli %scan3A_40, %mul3A_42 : i32
      %swap3A = arith.index_cast %mul3A_43 : i32 to index
      %swap3A_44 = tpu.vector_load %arg5[%swap3A] {strides = array<i32>} : memref<16384xf32, #tpu.memory_space<vmem>>, vector<16xf32>,
      tpu.vector_store %arg5[%swap3A], %broadcast_in_dim3A_1 {strides = array<i32>} : memref<16384xf32, #tpu.memory_space<vmem>>, vector<16xf32>,
      %scan3A_45 = arith.constant 0 : i32
      scf.yield %scan3A_45 : i32
    }
    %scan3A_7 = arith.constant 1024 : i32
    %lt3A = arith.constant 31 : i32
    %lt3A_8 = arith.cmpi slt, %add3A, %lt3A : i32
    %convert_element_type3A = arith.extui %lt3A_8 : i1 to i32
    %cond3A = arith.constant 0 : i32
    %cond3A_9 = arith.cmpi ne, %convert_element_type3A, %cond3A : i32
    scf.if %cond3A_9 {
      %mul3A_40 = arith.constant 31264 : i32
      %mul3A_41 = arith.muli %add3A, %mul3A_40 : i32
      "tpu.region"() ({
        %run_scoped3A = tpu.sem_alloc : memref<!tpu.dma_semaphore, #tpu.memory_space<semaphore_mem>>
        %dma_start3A = tpu.memref_slice %arg2[%mul3A_41] : memref<1000000xf32, #tpu.memory_space<hbm>> -> memref<31264xf32, #tpu.memory_space<hbm>>
        %dma_start3A_42 = tpu.memref_slice %arg2[%mul3A_41] : memref<1000000xf32, #tpu.memory_space<hbm>> -> memref<31264xf32, #tpu.memory_space<hbm>>
        tpu.enqueue_dma source(%dma_start3A_42 : memref<31264xf32, #tpu.memory_space<hbm>>) target(%arg4 : memref<31264xf32, #tpu.memory_space<vmem>>) target_semaphore(%run_scoped3A : memref<!tpu.dma_semaphore, #tpu.memory_space<semaphore_mem>>)
        %dma_wait3A = tpu.memref_slice %arg2[%mul3A_41] : memref<1000000xf32, #tpu.memory_space<hbm>> -> memref<31264xf32, #tpu.memory_space<hbm>>
        %dma_wait3A_43 = tpu.memref_slice %arg2[%mul3A_41] : memref<1000000xf32, #tpu.memory_space<hbm>> -> memref<31264xf32, #tpu.memory_space<hbm>>
        tpu.wait_dma2 semaphore(%run_scoped3A : memref<!tpu.dma_semaphore, #tpu.memory_space<semaphore_mem>>) src(%dma_wait3A_43 : memref<31264xf32, #tpu.memory_space<hbm>>) dst(%arg4 : memref<31264xf32, #tpu.memory_space<vmem>>)
        tpu.yield
      }) : () -> ()
    } else {
    }
    %eq3A = arith.constant 31 : i32
    %eq3A_10 = arith.cmpi eq, %add3A, %eq3A : i32
    %convert_element_type3A_11 = arith.extui %eq3A_10 : i1 to i32
    %cond3A_12 = arith.constant 0 : i32
    %cond3A_13 = arith.cmpi ne, %convert_element_type3A_11, %cond3A_12 : i32
    scf.if %cond3A_13 {
      "tpu.region"() ({
        %run_scoped3A = tpu.sem_alloc : memref<!tpu.dma_semaphore, #tpu.memory_space<semaphore_mem>>
        %dma_start3A = arith.constant 0 : i32
        %dma_start3A_40 = tpu.memref_slice %arg4[%dma_start3A] : memref<31264xf32, #tpu.memory_space<vmem>> -> memref<30816xf32, #tpu.memory_space<vmem>>
        %dma_start3A_41 = arith.constant 969184 : i32
        %dma_start3A_42 = tpu.memref_slice %arg2[%dma_start3A_41] : memref<1000000xf32, #tpu.memory_space<hbm>> -> memref<30816xf32, #tpu.memory_space<hbm>>
        %dma_start3A_43 = arith.constant 0 : i32
        %dma_start3A_44 = tpu.memref_slice %arg4[%dma_start3A_43] : memref<31264xf32, #tpu.memory_space<vmem>> -> memref<30816xf32, #tpu.memory_space<vmem>>
        %dma_start3A_45 = arith.constant 969184 : i32
        %dma_start3A_46 = tpu.memref_slice %arg2[%dma_start3A_45] : memref<1000000xf32, #tpu.memory_space<hbm>> -> memref<30816xf32, #tpu.memory_space<hbm>>
        tpu.enqueue_dma source(%dma_start3A_46 : memref<30816xf32, #tpu.memory_space<hbm>>) target(%dma_start3A_44 : memref<30816xf32, #tpu.memory_space<vmem>>) target_semaphore(%run_scoped3A : memref<!tpu.dma_semaphore, #tpu.memory_space<semaphore_mem>>)
        %dma_wait3A = arith.constant 0 : i32
        %dma_wait3A_47 = tpu.memref_slice %arg4[%dma_wait3A] : memref<31264xf32, #tpu.memory_space<vmem>> -> memref<30816xf32, #tpu.memory_space<vmem>>
        %dma_wait3A_48 = arith.constant 969184 : i32
        %dma_wait3A_49 = tpu.memref_slice %arg2[%dma_wait3A_48] : memref<1000000xf32, #tpu.memory_space<hbm>> -> memref<30816xf32, #tpu.memory_space<hbm>>
        %dma_wait3A_50 = arith.constant 0 : i32
        %dma_wait3A_51 = tpu.memref_slice %arg4[%dma_wait3A_50] : memref<31264xf32, #tpu.memory_space<vmem>> -> memref<30816xf32, #tpu.memory_space<vmem>>
        %dma_wait3A_52 = arith.constant 969184 : i32
        %dma_wait3A_53 = tpu.memref_slice %arg2[%dma_wait3A_52] : memref<1000000xf32, #tpu.memory_space<hbm>> -> memref<30816xf32, #tpu.memory_space<hbm>>
        tpu.wait_dma2 semaphore(%run_scoped3A : memref<!tpu.dma_semaphore, #tpu.memory_space<semaphore_mem>>) src(%dma_wait3A_53 : memref<30816xf32, #tpu.memory_space<hbm>>) dst(%dma_wait3A_51 : memref<30816xf32, #tpu.memory_space<vmem>>)
        tpu.yield
      }) : () -> ()
    } else {
    }
    %iota3A = tpu.iota {dimensions = array<i32: 0>} : vector<16xi32>
    %mul3A_14 = arith.constant 1024 : i32
    %mul3A_15 = vector.broadcast %mul3A_14 : i32 to vector<16xi32>
    %mul3A_16 = arith.muli %iota3A, %mul3A_15 : vector<16xi32>
    %broadcast_in_dim3A_17 = arith.constant 1.000000e+00 : f32
    %broadcast_in_dim3A_18 = vector.broadcast %broadcast_in_dim3A_17 : f32 to vector<16xf32>
    %lt3A_19 = arith.constant 31 : i32
    %lt3A_20 = arith.cmpi slt, %add3A, %lt3A_19 : i32
    %jit3A = arith.constant 1954 : i32
    %jit3A_21 = arith.constant 1926 : i32
    %select_n3A = arith.select %lt3A_20, %jit3A, %jit3A_21 : i32
    %while3A = arith.constant 0 : i32
    %while3A_22 = arith.constant 0 : i32
    %while3A_23 = arith.subi %select_n3A, %while3A : i32
    %while3A_24 = arith.addi %while3A, %while3A_23 : i32
    %while3A_25 = arith.constant 1 : i32
    %while3A_26 = arith.divsi %while3A_23, %while3A_25 : i32
    %while3A_27 = arith.muli %while3A_26, %while3A_25 : i32
    %while3A_28 = arith.addi %while3A, %while3A_27 : i32
    %while3A_29 = arith.constant 1 : i32
    %while3A_30 = scf.for %while3A_40 = %while3A to %while3A_28 step %while3A_29 iter_args(%while3A_41 = %while3A_22) -> (i32)  : i32 {
      %mul3A_42 = arith.constant 16 : i32
      %mul3A_43 = arith.muli %while3A_40, %mul3A_42 : i32
      %get3A = arith.index_cast %mul3A_43 : i32 to index
      %get3A_44 = tpu.vector_load %arg4[%get3A] {strides = array<i32>} : memref<31264xf32, #tpu.memory_space<vmem>>, vector<16xf32>,
      %convert_element_type3A_45 = arith.fptosi %get3A_44 : vector<16xf32> to vector<16xi32>
      %add3A_46 = arith.addi %mul3A_16, %convert_element_type3A_45 : vector<16xi32>
      tpu.vector_store_idx %arg5[%add3A_46], %broadcast_in_dim3A_18 {add = true} : memref<16384xf32, #tpu.memory_space<vmem>>[vector<16xi32>], vector<16xf32>,
      %while3A_47 = arith.constant 0 : i32
      scf.yield %while3A_47 : i32
    }
    %while3A_31 = arith.constant 1 : i32
    %while3A_32 = scf.for %while3A_40 = %while3A_28 to %while3A_24 step %while3A_31 iter_args(%while3A_41 = %while3A_30) -> (i32)  : i32 {
      %mul3A_42 = arith.constant 16 : i32
      %mul3A_43 = arith.muli %while3A_40, %mul3A_42 : i32
      %get3A = arith.index_cast %mul3A_43 : i32 to index
      %get3A_44 = tpu.vector_load %arg4[%get3A] {strides = array<i32>} : memref<31264xf32, #tpu.memory_space<vmem>>, vector<16xf32>,
      %convert_element_type3A_45 = arith.fptosi %get3A_44 : vector<16xf32> to vector<16xi32>
      %add3A_46 = arith.addi %mul3A_16, %convert_element_type3A_45 : vector<16xi32>
      tpu.vector_store_idx %arg5[%add3A_46], %broadcast_in_dim3A_18 {add = true} : memref<16384xf32, #tpu.memory_space<vmem>>[vector<16xi32>], vector<16xf32>,
      %while3A_47 = arith.constant 0 : i32
      scf.yield %while3A_47 : i32
    }
    %scan3A_33 = arith.constant 0 : i32
    %scan3A_34 = arith.constant 0 : i32
    %scan3A_35 = arith.constant 64 : i32
    %scan3A_36 = arith.addi %scan3A_34, %scan3A_35 : i32
    %scan3A_37 = arith.constant 1 : i32
    %scan3A_38 = scf.for %scan3A_40 = %scan3A_34 to %scan3A_36 step %scan3A_37 iter_args(%scan3A_41 = %scan3A_33) -> (i32)  : i32 {
      %mul3A_42 = arith.constant 16 : i32
      %mul3A_43 = arith.muli %scan3A_40, %mul3A_42 : i32
      %get3A = arith.index_cast %mul3A_43 : i32 to index
      %get3A_44 = tpu.vector_load %arg5[%get3A] {strides = array<i32>} : memref<16384xf32, #tpu.memory_space<vmem>>, vector<16xf32>,
      %mul3A_45 = arith.constant 16 : i32
      %mul3A_46 = arith.muli %scan3A_40, %mul3A_45 : i32
      %add3A_47 = arith.constant 1024 : i32
      %add3A_48 = arith.addi %add3A_47, %mul3A_46 : i32
      %get3A_49 = arith.index_cast %add3A_48 : i32 to index
      %get3A_50 = tpu.vector_load %arg5[%get3A_49] {strides = array<i32>} : memref<16384xf32, #tpu.memory_space<vmem>>, vector<16xf32>,
      %add3A_51 = arith.addf %get3A_44, %get3A_50 : vector<16xf32>
      %mul3A_52 = arith.constant 16 : i32
      %mul3A_53 = arith.muli %scan3A_40, %mul3A_52 : i32
      %add3A_54 = arith.constant 2048 : i32
      %add3A_55 = arith.addi %add3A_54, %mul3A_53 : i32
      %get3A_56 = arith.index_cast %add3A_55 : i32 to index
      %get3A_57 = tpu.vector_load %arg5[%get3A_56] {strides = array<i32>} : memref<16384xf32, #tpu.memory_space<vmem>>, vector<16xf32>,
      %add3A_58 = arith.addf %add3A_51, %get3A_57 : vector<16xf32>
      %mul3A_59 = arith.constant 16 : i32
      %mul3A_60 = arith.muli %scan3A_40, %mul3A_59 : i32
      %add3A_61 = arith.constant 3072 : i32
      %add3A_62 = arith.addi %add3A_61, %mul3A_60 : i32
      %get3A_63 = arith.index_cast %add3A_62 : i32 to index
      %get3A_64 = tpu.vector_load %arg5[%get3A_63] {strides = array<i32>} : memref<16384xf32, #tpu.memory_space<vmem>>, vector<16xf32>,
      %add3A_65 = arith.addf %add3A_58, %get3A_64 : vector<16xf32>
      %mul3A_66 = arith.constant 16 : i32
      %mul3A_67 = arith.muli %scan3A_40, %mul3A_66 : i32
      %add3A_68 = arith.constant 4096 : i32
      %add3A_69 = arith.addi %add3A_68, %mul3A_67 : i32
      %get3A_70 = arith.index_cast %add3A_69 : i32 to index
      %get3A_71 = tpu.vector_load %arg5[%get3A_70] {strides = array<i32>} : memref<16384xf32, #tpu.memory_space<vmem>>, vector<16xf32>,
      %add3A_72 = arith.addf %add3A_65, %get3A_71 : vector<16xf32>
      %mul3A_73 = arith.constant 16 : i32
      %mul3A_74 = arith.muli %scan3A_40, %mul3A_73 : i32
      %add3A_75 = arith.constant 5120 : i32
      %add3A_76 = arith.addi %add3A_75, %mul3A_74 : i32
      %get3A_77 = arith.index_cast %add3A_76 : i32 to index
      %get3A_78 = tpu.vector_load %arg5[%get3A_77] {strides = array<i32>} : memref<16384xf32, #tpu.memory_space<vmem>>, vector<16xf32>,
      %add3A_79 = arith.addf %add3A_72, %get3A_78 : vector<16xf32>
      %mul3A_80 = arith.constant 16 : i32
      %mul3A_81 = arith.muli %scan3A_40, %mul3A_80 : i32
      %add3A_82 = arith.constant 6144 : i32
      %add3A_83 = arith.addi %add3A_82, %mul3A_81 : i32
      %get3A_84 = arith.index_cast %add3A_83 : i32 to index
      %get3A_85 = tpu.vector_load %arg5[%get3A_84] {strides = array<i32>} : memref<16384xf32, #tpu.memory_space<vmem>>, vector<16xf32>,
      %add3A_86 = arith.addf %add3A_79, %get3A_85 : vector<16xf32>
      %mul3A_87 = arith.constant 16 : i32
      %mul3A_88 = arith.muli %scan3A_40, %mul3A_87 : i32
      %add3A_89 = arith.constant 7168 : i32
      %add3A_90 = arith.addi %add3A_89, %mul3A_88 : i32
      %get3A_91 = arith.index_cast %add3A_90 : i32 to index
      %get3A_92 = tpu.vector_load %arg5[%get3A_91] {strides = array<i32>} : memref<16384xf32, #tpu.memory_space<vmem>>, vector<16xf32>,
      %add3A_93 = arith.addf %add3A_86, %get3A_92 : vector<16xf32>
      %mul3A_94 = arith.constant 16 : i32
      %mul3A_95 = arith.muli %scan3A_40, %mul3A_94 : i32
      %add3A_96 = arith.constant 8192 : i32
      %add3A_97 = arith.addi %add3A_96, %mul3A_95 : i32
      %get3A_98 = arith.index_cast %add3A_97 : i32 to index
      %get3A_99 = tpu.vector_load %arg5[%get3A_98] {strides = array<i32>} : memref<16384xf32, #tpu.memory_space<vmem>>, vector<16xf32>,
      %add3A_100 = arith.addf %add3A_93, %get3A_99 : vector<16xf32>
      %mul3A_101 = arith.constant 16 : i32
      %mul3A_102 = arith.muli %scan3A_40, %mul3A_101 : i32
      %add3A_103 = arith.constant 9216 : i32
      %add3A_104 = arith.addi %add3A_103, %mul3A_102 : i32
      %get3A_105 = arith.index_cast %add3A_104 : i32 to index
      %get3A_106 = tpu.vector_load %arg5[%get3A_105] {strides = array<i32>} : memref<16384xf32, #tpu.memory_space<vmem>>, vector<16xf32>,
      %add3A_107 = arith.addf %add3A_100, %get3A_106 : vector<16xf32>
      %mul3A_108 = arith.constant 16 : i32
      %mul3A_109 = arith.muli %scan3A_40, %mul3A_108 : i32
      %add3A_110 = arith.constant 10240 : i32
      %add3A_111 = arith.addi %add3A_110, %mul3A_109 : i32
      %get3A_112 = arith.index_cast %add3A_111 : i32 to index
      %get3A_113 = tpu.vector_load %arg5[%get3A_112] {strides = array<i32>} : memref<16384xf32, #tpu.memory_space<vmem>>, vector<16xf32>,
      %add3A_114 = arith.addf %add3A_107, %get3A_113 : vector<16xf32>
      %mul3A_115 = arith.constant 16 : i32
      %mul3A_116 = arith.muli %scan3A_40, %mul3A_115 : i32
      %add3A_117 = arith.constant 11264 : i32
      %add3A_118 = arith.addi %add3A_117, %mul3A_116 : i32
      %get3A_119 = arith.index_cast %add3A_118 : i32 to index
      %get3A_120 = tpu.vector_load %arg5[%get3A_119] {strides = array<i32>} : memref<16384xf32, #tpu.memory_space<vmem>>, vector<16xf32>,
      %add3A_121 = arith.addf %add3A_114, %get3A_120 : vector<16xf32>
      %mul3A_122 = arith.constant 16 : i32
      %mul3A_123 = arith.muli %scan3A_40, %mul3A_122 : i32
      %add3A_124 = arith.constant 12288 : i32
      %add3A_125 = arith.addi %add3A_124, %mul3A_123 : i32
      %get3A_126 = arith.index_cast %add3A_125 : i32 to index
      %get3A_127 = tpu.vector_load %arg5[%get3A_126] {strides = array<i32>} : memref<16384xf32, #tpu.memory_space<vmem>>, vector<16xf32>,
      %add3A_128 = arith.addf %add3A_121, %get3A_127 : vector<16xf32>
      %mul3A_129 = arith.constant 16 : i32
      %mul3A_130 = arith.muli %scan3A_40, %mul3A_129 : i32
      %add3A_131 = arith.constant 13312 : i32
      %add3A_132 = arith.addi %add3A_131, %mul3A_130 : i32
      %get3A_133 = arith.index_cast %add3A_132 : i32 to index
      %get3A_134 = tpu.vector_load %arg5[%get3A_133] {strides = array<i32>} : memref<16384xf32, #tpu.memory_space<vmem>>, vector<16xf32>,
      %add3A_135 = arith.addf %add3A_128, %get3A_134 : vector<16xf32>
      %mul3A_136 = arith.constant 16 : i32
      %mul3A_137 = arith.muli %scan3A_40, %mul3A_136 : i32
      %add3A_138 = arith.constant 14336 : i32
      %add3A_139 = arith.addi %add3A_138, %mul3A_137 : i32
      %get3A_140 = arith.index_cast %add3A_139 : i32 to index
      %get3A_141 = tpu.vector_load %arg5[%get3A_140] {strides = array<i32>} : memref<16384xf32, #tpu.memory_space<vmem>>, vector<16xf32>,
      %add3A_142 = arith.addf %add3A_135, %get3A_141 : vector<16xf32>
      %mul3A_143 = arith.constant 16 : i32
      %mul3A_144 = arith.muli %scan3A_40, %mul3A_143 : i32
      %add3A_145 = arith.constant 15360 : i32
      %add3A_146 = arith.addi %add3A_145, %mul3A_144 : i32
      %get3A_147 = arith.index_cast %add3A_146 : i32 to index
      %get3A_148 = tpu.vector_load %arg5[%get3A_147] {strides = array<i32>} : memref<16384xf32, #tpu.memory_space<vmem>>, vector<16xf32>,
      %add3A_149 = arith.addf %add3A_142, %get3A_148 : vector<16xf32>
      %mul3A_150 = arith.constant 16 : i32
      %mul3A_151 = arith.muli %scan3A_40, %mul3A_150 : i32
      %swap3A = arith.index_cast %mul3A_151 : i32 to index
      %swap3A_152 = tpu.vector_load %arg6[%swap3A] {strides = array<i32>} : memref<1024xf32, #tpu.memory_space<vmem>>, vector<16xf32>,
      tpu.vector_store %arg6[%swap3A], %add3A_149 {strides = array<i32>} : memref<1024xf32, #tpu.memory_space<vmem>>, vector<16xf32>,
      %scan3A_153 = arith.constant 0 : i32
      scf.yield %scan3A_153 : i32
    }
    %scan3A_39 = arith.constant 64 : i32
    "tpu.region"() ({
      %run_scoped3A = tpu.sem_alloc : memref<!tpu.dma_semaphore, #tpu.memory_space<semaphore_mem>>
      %dma_start3A = arith.constant 0 : i32
      %dma_start3A_40 = tpu.memref_slice %arg3[%add3A, %dma_start3A] : memref<32x1024xf32, #tpu.memory_space<hbm>> -> memref<1x1024xf32, #tpu.memory_space<hbm>>
      %dma_start3A_41 = tpu.memref_squeeze %dma_start3A_40 : memref<1x1024xf32, #tpu.memory_space<hbm>> -> memref<1024xf32, #tpu.memory_space<hbm>>
      %dma_start3A_42 = arith.constant 0 : i32
      %dma_start3A_43 = tpu.memref_slice %arg3[%add3A, %dma_start3A_42] : memref<32x1024xf32, #tpu.memory_space<hbm>> -> memref<1x1024xf32, #tpu.memory_space<hbm>>
      %dma_start3A_44 = tpu.memref_squeeze %dma_start3A_43 : memref<1x1024xf32, #tpu.memory_space<hbm>> -> memref<1024xf32, #tpu.memory_space<hbm>>
      tpu.enqueue_dma source(%arg6 : memref<1024xf32, #tpu.memory_space<vmem>>) target(%dma_start3A_44 : memref<1024xf32, #tpu.memory_space<hbm>>) target_semaphore(%run_scoped3A : memref<!tpu.dma_semaphore, #tpu.memory_space<semaphore_mem>>)
      %dma_wait3A = arith.constant 0 : i32
      %dma_wait3A_45 = tpu.memref_slice %arg3[%add3A, %dma_wait3A] : memref<32x1024xf32, #tpu.memory_space<hbm>> -> memref<1x1024xf32, #tpu.memory_space<hbm>>
      %dma_wait3A_46 = tpu.memref_squeeze %dma_wait3A_45 : memref<1x1024xf32, #tpu.memory_space<hbm>> -> memref<1024xf32, #tpu.memory_space<hbm>>
      %dma_wait3A_47 = arith.constant 0 : i32
      %dma_wait3A_48 = tpu.memref_slice %arg3[%add3A, %dma_wait3A_47] : memref<32x1024xf32, #tpu.memory_space<hbm>> -> memref<1x1024xf32, #tpu.memory_space<hbm>>
      %dma_wait3A_49 = tpu.memref_squeeze %dma_wait3A_48 : memref<1x1024xf32, #tpu.memory_space<hbm>> -> memref<1024xf32, #tpu.memory_space<hbm>>
      tpu.wait_dma2 semaphore(%run_scoped3A : memref<!tpu.dma_semaphore, #tpu.memory_space<semaphore_mem>>) src(%arg6 : memref<1024xf32, #tpu.memory_space<vmem>>) dst(%dma_wait3A_49 : memref<1024xf32, #tpu.memory_space<hbm>>)
      tpu.yield
    }) : () -> ()
    return
  }
}

</mosaic_0001>

<sc_bundles>
// kernel: kernel.4.cloned.1.call-start
scs
__scs_entry_jumppad:
0x0: {  	(pc) =	sbr.rel $0x88, $3  }
0x1: {  	(tag) =	ssettag $0x0;
	lr =	simm.s32 $0x1  }
0x2: {  	[smem:$0x3F9E] =	sst lr;
	_ =	strace $0xD0000000  }
0x3: {  	_ = 	snop  }
0x4: {  	_ = 	snop  }
0x5: {  	_ = 	snop  }
0x6: {  	_ = 	snop  }
0x7: {  	_ = 	snop  }
__scs_overlays_trampoline_lowered:
0x8: {  	[smem:$0x3FAD] =	sst s0  }
0x9: {  	[smem:$0x3FAE] =	sst s1  }
0xa: {  	[smem:$0x3FAF] =	sst s2  }
0xb: {  	[smem:$0x3FB0] =	sst s3  }
0xc: {  	[smem:$0x3FB1] =	sst s4  }
0xd: {  	[smem:$0x3FB2] =	sst s5  }
0xe: {  	[smem:$0x3FB3] =	sst s6  }
0xf: {  	[smem:$0x3FB4] =	sst s7  }
0x10: {  	[smem:$0x3FB5] =	sst s8  }
0x11: {  	[smem:$0x3FB6] =	sst s9;
	s0 =	simm.s32 @!p0 $0x0  }
0x12: {  	s1 =	sld [smem:$0x3F9C];
	s0 =	simm.s32 @p0 $0x1  }
0x13: {  	[smem:$0x3FB7] =	sst s0;
	s0 =	simm.s32 @!p1 $0x0  }
0x14: {  	s2 =	sld [smem:$0x3F9B];
	s0 =	simm.s32 @p1 $0x1  }
0x15: {  	[smem:$0x3FB8] =	sst s0;
	s0 =	simm.s32 @!p2 $0x0  }
0x16: {  	s3 =	sld [smem:$0x3FDB];
	s0 =	simm.s32 @p2 $0x1  }
0x17: {  	s4 =	simm.s32 $0x1BF5;
	[smem:$0x3FBA] =	sst s0  }
0x18: {  	s0 =	sld [smem:$0x3F9D];
	_ =	swait.ge [sflag:s4], $0x0  }
0x19: {  	s7 =	sld [smem:$0x3F9E]  }
0x1a: {  	s8 =	sadd.s32 $0xFFFFE003, lr  }
0x1b: {  	s9 =	sadd.s32 $0xFFFFFEF7, lr;
	s5 =	simm.s32 $0xFFFFFFFF;
	p2 =	slt.u32 s8, $0xFFFFF086  }
0x1c: {  	p1 =	slt.u32 s9, $0xF7A;
	s5 =	simm.s32 @!p2 $0x0  }
0x1d: {  	s5 =	simm.s32 @p1 $0x1;
	p0 =	seq.s32 s7, s2  }
0x1e: {  	s7 =	smul.u32 @!p0 $0xF7A, s2;
	p2 =	seq.s32 @!p0 s5, $0x0  }
0x1f: {  	s9 =	smul.u32 $0xF7A, s1;
	s8 =	simm.s32 @!p0 $0x1BF5;
	p2 =	por !p2, p0  }
0x20: {  	[sflag:s8] =	ssyncset.s32 @!p0 $0xFFFFF086;
	s6 =	sadd.s32 @!p0 s3, s7;
	s7 =	simm.s32 @!p0 $0x108  }
0x21: {  	s3 =	sadd.s32 s3, s9;
	s6 =	sadd.s32 @!p0 $0x88, s6;
	s7 =	simm.s32 @p2 $0x1082  }
0x22: {  	[simem:s7], [sflag:s8] =	dma.local @!p0 [hbm:s6], $0xF7A  }
0x23: {  	s9 =	sor.u32 $0xD0000000, s2;
	s6 =	simm.s32 $0x108;
	_ =	swait.ge @!p0 [sflag:s8], $0x0  }
0x24: {  	s3 =	sadd.s32 $0x88, s3;
	s6 =	simm.s32 @!p1 $0x1082;
	[sflag:s4] =	ssyncset.s32 $0xFFFFF086  }
0x25: {  	[simem:s6], [sflag:s4] =	dma.local [hbm:s3], $0xF7A  }
0x26: {  	[smem:$0x3F9E] =	sst s1;
	(tag) =	ssettag s2;
	_ =	strace s9  }
0x27: {  	s1 =	sld [smem:$0x3FAE]  }
0x28: {  	s2 =	sld [smem:$0x3FAF]  }
0x29: {  	s4 =	sld [smem:$0x3FB1]  }
0x2a: {  	p0 =	seq.s32 s5, $0x0;
	s5 =	sld [smem:$0x3FB2]  }
0x2b: {  	s6 =	sld [smem:$0x3FB3]  }
0x2c: {  	s7 =	sld [smem:$0x3FB4]  }
0x2d: {  	s3 =	simm.s32 $0x108;
	s8 =	sld [smem:$0x3FB5]  }
0x2e: {  	s3 =	simm.s32 @!p0 $0x1082;
	s9 =	sld [smem:$0x3FB6]  }
0x2f: {  	lr =	sadd.s32 s0, s3;
	s0 =	sld [smem:$0x3FAD]  }
0x30: {  	s3 =	sld [smem:$0x3FB0]  }
0x31: {  	[smem:$0x3FB9] =	sst s10  }
0x32: {  	s10 =	sld [smem:$0x3FB7];
	_ =	sdelay $0x3  }
0x33: {  	p0 =	seq.s32 s10, $0x1;
	s10 =	sld [smem:$0x3FB9];
	_ =	sdelay $0x3  }
0x34: {  	[smem:$0x3FB9] =	sst s10  }
0x35: {  	s10 =	sld [smem:$0x3FB8];
	_ =	sdelay $0x3  }
0x36: {  	p1 =	seq.s32 s10, $0x1;
	s10 =	sld [smem:$0x3FB9];
	_ =	sdelay $0x3  }
0x37: {  	[smem:$0x3FB9] =	sst s10  }
0x38: {  	s10 =	sld [smem:$0x3FBA]  }
0x39: {  	_ = 	snop;
	(pc) =	sbr.ind lr, $3  }
0x3a: {  	_ = 	snop  }
0x3b: {  	_ = 	snop  }
0x3c: {  	p2 =	seq.s32 s10, $0x1;
	s10 =	sld [smem:$0x3FB9]  }
0x3d: {  	_ =	shalt  }
0x3e: {  	_ =	shalt  }
0x3f: {  	_ =	shalt  }
0x40: {  	_ =	shalt  }
0x41: {  	_ =	shalt  }
0x42: {  	_ =	shalt  }
0x43: {  	_ =	shalt  }
0x44: {  	_ =	shalt  }
0x45: {  	_ =	shalt  }
0x46: {  	_ =	shalt  }
0x47: {  	_ =	shalt  }
0x48: {  	_ =	shalt  }
0x49: {  	_ =	shalt  }
0x4a: {  	_ =	shalt  }
0x4b: {  	_ =	shalt  }
0x4c: {  	_ =	shalt  }
0x4d: {  	_ =	shalt  }
0x4e: {  	_ =	shalt  }
0x4f: {  	_ =	shalt  }
0x50: {  	_ =	shalt  }
0x51: {  	_ =	shalt  }
0x52: {  	_ =	shalt  }
0x53: {  	_ =	shalt  }
0x54: {  	_ =	shalt  }
0x55: {  	_ =	shalt  }
0x56: {  	_ =	shalt  }
0x57: {  	_ =	shalt  }
0x58: {  	_ =	shalt  }
0x59: {  	_ =	shalt  }
0x5a: {  	_ =	shalt  }
0x5b: {  	_ =	shalt  }
0x5c: {  	_ =	shalt  }
0x5d: {  	_ =	shalt  }
0x5e: {  	_ =	shalt  }
0x5f: {  	_ =	shalt  }
0x60: {  	_ =	shalt  }
0x61: {  	_ =	shalt  }
0x62: {  	_ =	shalt  }
0x63: {  	_ =	shalt  }
0x64: {  	_ =	shalt  }
0x65: {  	_ =	shalt  }
0x66: {  	_ =	shalt  }
0x67: {  	_ =	shalt  }
0x68: {  	_ =	shalt  }
0x69: {  	_ =	shalt  }
0x6a: {  	_ =	shalt  }
0x6b: {  	_ =	shalt  }
0x6c: {  	_ =	shalt  }
0x6d: {  	_ =	shalt  }
0x6e: {  	_ =	shalt  }
0x6f: {  	_ =	shalt  }
0x70: {  	_ =	shalt  }
0x71: {  	_ =	shalt  }
0x72: {  	_ =	shalt  }
0x73: {  	_ =	shalt  }
0x74: {  	_ =	shalt  }
0x75: {  	_ =	shalt  }
0x76: {  	_ =	shalt  }
0x77: {  	_ =	shalt  }
0x78: {  	_ =	shalt  }
0x79: {  	_ =	shalt  }
0x7a: {  	_ =	shalt  }
0x7b: {  	_ =	shalt  }
0x7c: {  	_ =	shalt  }
0x7d: {  	_ =	shalt  }
0x7e: {  	_ =	shalt  }
0x7f: {  	_ =	shalt  }
0x80: {  	_ =	shalt  }
0x81: {  	_ =	shalt  }
0x82: {  	_ =	shalt  }
0x83: {  	_ =	shalt  }
0x84: {  	_ =	shalt  }
0x85: {  	_ =	shalt  }
0x86: {  	_ =	shalt  }
0x87: {  	_ =	shalt  }
.Lfunc_end0:
.L_simem_size_0:
called_computation_lowered:
.L_overlay_start_0:
0x88: {  	s2 =	sld [smem:$0x3FD9]  }
0x89: {  	s3 =	sld [smem:$0x3FFE];
	_ =	sdelay $0x1  }
0x8a: {  	s1 =	srdreg.scid  }
0x8b: {  	s0 =	sand.u32 $0x1, s1  }
0x8c: {  	s17 =	sshll.u32 s0, $0xA;
	s2 =	sadd.s32 s3, s2  }
0x8d: {  	s2 =	sadd.s32 s2, s17  }
0x8e: {  	[smem:$0x3FC5] =	sst s2  }
0x8f: {  	_ = 	snop  }
0x90: {  	s2 =	sld [smem:$0x3FC8];
	(tm) =	ssettm $0x1  }
0x91: {  	s18 =	sld [smem:$0x3FFB];
	_ =	sdelay $0x3  }
0x92: {  	_ =	strace s18  }
0x93: {  	s3 =	sld [smem:$0x3FFC];
	_ =	sdelay $0x3  }
0x94: {  	_ =	strace s3  }
0x95: {  	s3 =	sld [smem:$0x3FFD];
	_ =	sdelay $0x3  }
0x96: {  	_ =	strace s3  }
0x97: {  	_ =	strace $0x8FFFFFFF  }
0x98: {  	s19 =	sld [smem:$0x3FDB];
	_ =	sdelay $0x1  }
0x99: {  	s4 =	simm.s32 $_scs_section_size  }
0x9a: {  	s5 =	simm.s32 $_size__tile_overlayer_lowered;
	s6 =	simm.s32 $_tile_overlayer_lowered  }
0x9b: {  	s22 =	simm.s32 $0x1BFF;
	s21 =	sshll.u32 s6, $0x1;
	s3 =	sadd.s32 s4, s19  }
0x9c: {  	s7 =	simm.s32 $0x0;
	s20 =	sshll.u32 s5, $0x1;
	s5 =	sadd.s32 s21, s3  }
0x9d: {  	[timem:s7], [sflag:s22] =	dma.local [hbm:s5], s20  }
0x9e: {  	_ =	swait.ge [sflag:s22], s20  }
0x9f: {  	s4 =	ssub.s32 $0x0, s20;
	[sflag:s22] =	ssyncset.done $0x0  }
0xa0: {  	[sflag:s22] =	ssyncadd.s32 s4;
	_ =	sdelay $0x1  }
0xa1: {  	s23 =	simm.s32 $0x1B8B  }
0xa2: {  	_ =	swait.ge [sflag:s23], $0x1  }
0xa3: {  	[sflag:s23] =	ssyncset.done $0x0  }
0xa4: {  	s25 =	simm.s32 $0x1B8E;
	s24 =	sld [smem:$0x3FFE];
	[sflag:s23] =	ssyncadd.s32 $0xFFFFFFFF  }
0xa5: {  	s26 =	simm.s32 $execute0_lowered;
	[smem:$0x3FD2] =	sst s25  }
0xa6: {  	s5 =	sshll.u32 s26, $0x1;
	_ =	strace $0x80000046;
	[dreg:$0x1] =	wrdreg $0xFFFFFFFF  }
0xa7: {  	s28 =	simm.s32 $_size_execute0_lowered;
	s3 =	sadd.s32 s3, s5;
	[dreg:$0x0] =	wrdreg $0x0  }
0xa8: {  	s5 =	sshll.u32 s28, $0x1;
	[dreg:$0x2] =	wrdreg s3  }
0xa9: {  	[dreg:$0x3] =	wrdreg s5  }
0xaa: {  	[dreg:$0x4] =	wrdreg $0xC0  }
0xab: {  	_ =	task [dreg:s7], $0x5FFFF  }
0xac: {  	[dreg:$0x1] =	wrdreg $0xFFFFFFFF  }
0xad: {  	[dreg:$0x0] =	wrdreg $0x60  }
0xae: {  	[dreg:$0x2] =	wrdreg s2  }
0xaf: {  	[dreg:$0x3] =	wrdreg s24  }
0xb0: {  	[dreg:$0x4] =	wrdreg $0x9  }
0xb1: {  	_ =	task.clear_ibuf [dreg:s7], $0x5FFFF;
	_ =	strace $0x90000046  }
0xb2: {  	s29 =	simm.s32 $0x9;
	_ =	strace $0x80000048  }
0xb3: {  	_ =	swait.ge [sflag:s29], $0x1  }
0xb4: {  	[sflag:s29] =	ssyncadd.s32 $0xFFFFFFFF  }
0xb5: {  	_ =	strace $0x90000048  }
0xb6: {  	_ =	sfence  }
0xb7: {  	s30 =	sld [smem:$0x0];
	_ =	sdelay $0x2  }
0xb8: {  	s31 =	sshll.u32 s1, $0xD;
	s1 =	sshrl.u32 s1, $0x2  }
0xb9: {  	s3 =	sand.u32 $0x4000, s31;
	s1 =	sadd.s32 s1, s30  }
0xba: {  	s0 =	sor.u32 s3, s0;
	s1 =	sshll.u32 s1, $0x11  }
0xbb: {  	s0 =	sor.u32 s1, s0  }
0xbc: {  	s0 =	sadd.s32 $0x8F2B, s0  }
0xbd: {  	[sflag:s0] =	ssyncadd.remote.s32 $0x1  }
0xbe: {  	_ =	sfence.sel $0xFFFF  }
0xbf: {  	[dreg:$0x0] =	wrdreg $0xFFFFFFFF;
	(pc) =	sbr.abs _section_cstart, $3  }
0xc0: {  	[dreg:$0x1] =	wrdreg $0xFFFFFFFF  }
0xc1: {  	_ =	task.clear_ibuf [dreg:s7], $0x2FFFF;
	_ =	strace $0x9FFFFFFF  }
0xc2: {  	(tm) =	ssettm $0x7FFFFFFF  }
0xc3: {  	_ =	shalt  }
tec
execute0_lowered:
.L_overlay_start_1:
0x0: {  	(tag) =	ssettag $0x1  }
0x1: {  	s4 =	rddreg [dreg:$0x0]  }
0x2: {  	s3 =	rddreg [dreg:$0x1]  }
0x3: {  	s0 =	rddreg [dreg:$0x2]  }
0x4: {  	s2 =	simm.s32 $0x0;
	s1 =	stileid.u32;
	s5 =	srdreg.scid  }
0x5: {  	s10 =	simm.s32 $0x1;
	s6 =	sshll.u32 s1, $0x8;
	s5 =	sand.u32 $0x1, s5  }
0x6: {  	s7 =	sshll.u32 s1, $0x1;
	[smem:$0x7FF] =	sst s2;
	s6 =	sand.u32 $0xC00, s6  }
0x7: {  	s7 =	sor.u32 s5, s7;
	s5 =	ssub.s32 $0x2, s5;
	_ =	strace $0x80000047  }
0x8: {  	s3 =	sadd.s32 s6, s3;
	s30 =	sshll.u32 s7, $0x4;
	s8 =	sshrl.u32 s5, $0x1  }
0x9: {  	s9 =	smul.u32 $0xF44, s7;
	p0 =	seq.s32 s7, $0x1F;
	s6 =	sand.u32 $0x70, s30  }
0xa: {  	s7 =	simm.s32 $0x80;
	s8 =	ssub.s32 s5, s8;
	s31 =	sadd.s32 s6, s3  }
0xb: {  	v1 =	vlaneseq.u32;
	s3 =	sadd.s32 s4, s9;
	s4 =	sadd.s32 $0x1D93C, s4;
	s6 =	smax.u32 s8, $0x1  }
0xc: {  	v0 =	vimm.f32 $0.0e+00;
	v2 =	vimm.f32 $1.000000000e+00;
	v1 =	vmul.u32 $0x400, v1;
	s8 =	simm.s32 $0x400;
	s9 =	simm.s32 $0xBA80;
	s5 =	sadd.s32 $0x600, s31  }
.LBB2_1:
0xd: {  	s11 =	simm.s32 $0x40;
	s12 =	simm.s32 $0x0  }
.LBB2_2:
0xe: {  	p1 =	sne.s32 s11, $0xFFC0;
	[tilespmem:s12+$0x7A80] =	vst v0;
	s12 =	smov.u32 s11;
	s11 =	sadd.s32 $0x40, s11  }
.Ltmp0:
0xf: {  	(pc) =	sbr.rel @p1 .LBB2_2-.Ltmp0, $2  }
0x10: {  	_ =	sdelay $0x2  }
0x11: {  	s12 =	sshra.s32 s12, $0x2  }
0x12: {  	[tilespmem:s12+$0x7A80] =	vst v0;
	s11 =	simm.s32 @p0 $0x0  }
0x13: {  	[tilespmem:s11], [sflag:$0x1] =	stream.linear.gather @p0 [hbm4b:s4+s11], $0x7860, $0x38;
	[tilespmem:$0xBE80] =	vst v63  }
0x14: {  	s11 =	simm.s32 @p0 $0x1  }
0x15: {  	_ =	swait.ge @p0 [sflag:s11], $0x7860  }
0x16: {  	[sflag:s11] =	ssyncset.done @p0 $0x0  }
0x17: {  	[sflag:s11] =	ssyncadd.s32 @p0 $0xFFFF87A0;
	s11 =	simm.s32 @!p0 $0x0  }
0x18: {  	[tilespmem:s11], [sflag:$0x1] =	stream.linear.gather @!p0 [hbm4b:s3+s11], $0x7A20, $0x38;
	[tilespmem:$0xBE80] =	vst v63  }
0x19: {  	s11 =	simm.s32 @!p0 $0x1  }
0x1a: {  	_ =	swait.ge @!p0 [sflag:s11], $0x7A20  }
0x1b: {  	[sflag:s11] =	ssyncset.done @!p0 $0x0  }
0x1c: {  	[sflag:s11] =	ssyncadd.s32 @!p0 $0xFFFF85E0;
	s11 =	simm.s32 @!p0 $0x7A2  }
0x1d: {  	s12 =	simm.s32 $0x0;
	s13 =	simm.s32 $0x0;
	s11 =	simm.s32 @p0 $0x786  }
.LBB2_4:
0x1e: {  	v3 =	vld [tilespmem:s13+$0x0];
	_ =	sdelay $0x4  }
0x1f: {  	v3 =	vtrunc.f32 v3  }
0x20: {  	v3 =	vcvt.f32.s32 v3;
	_ =	sdelay $0x1  }
0x21: {  	p1 =	sne.s32 s11, $0x1;
	v3 =	vadd.s32 v1, v3  }
.Ltmp1:
0x22: {  	_ = 	snop;
	(pc) =	sbr.rel @p1 .LBB2_4-.Ltmp1, $3  }
0x23: {  	_ =	sdelay $0x1  }
0x24: {  	s14 =	simm.s32 $0x7A80  }
0x25: {  	s13 =	sadd.s32 $0x10, s13;
	s11 =	sadd.s32 $0xFFFFFFFF, s11;
	[tilespmem:v3+s14+$0x0] =	vst.idx.add.f32.msk $0xffff, v2  }
0x26: {  	s11 =	sand.u32 $0x3F0, s12;
	v4 =	vld [tilespmem:s14+$0x0]  }
0x27: {  	v3 =	vld [tilespmem:s11+$0x7E80];
	_ =	sdelay $0x1  }
0x28: {  	v5 =	vld [tilespmem:s11+$0x8280];
	_ =	sdelay $0x1  }
0x29: {  	v6 =	vld [tilespmem:s11+$0x8680]  }
0x2a: {  	v3 =	vadd.f32 v3, v4  }
0x2b: {  	v4 =	vld [tilespmem:s11+$0x8A80]  }
0x2c: {  	v3 =	vadd.f32 v5, v3  }
0x2d: {  	v5 =	vld [tilespmem:s11+$0x8E80]  }
0x2e: {  	v3 =	vadd.f32 v6, v3  }
0x2f: {  	v60 =	vld [tilespmem:s11+$0x9280]  }
0x30: {  	v3 =	vadd.f32 v4, v3  }
0x31: {  	v4 =	vld [tilespmem:s11+$0x9680]  }
0x32: {  	v3 =	vadd.f32 v5, v3  }
0x33: {  	v5 =	vld [tilespmem:s11+$0x9A80]  }
0x34: {  	v3 =	vadd.f32 v60, v3  }
0x35: {  	v61 =	vld [tilespmem:s11+$0x9E80]  }
0x36: {  	v3 =	vadd.f32 v4, v3  }
0x37: {  	v4 =	vld [tilespmem:s11+$0xA280]  }
0x38: {  	v3 =	vadd.f32 v5, v3  }
0x39: {  	v5 =	vld [tilespmem:s11+$0xA680]  }
0x3a: {  	v3 =	vadd.f32 v61, v3  }
0x3b: {  	v62 =	vld [tilespmem:s11+$0xAA80]  }
0x3c: {  	v3 =	vadd.f32 v4, v3  }
0x3d: {  	v4 =	vld [tilespmem:s11+$0xAE80]  }
0x3e: {  	v3 =	vadd.f32 v5, v3  }
0x3f: {  	v5 =	vld [tilespmem:s11+$0xB280]  }
0x40: {  	v3 =	vadd.f32 v62, v3  }
0x41: {  	v63 =	vld [tilespmem:s11+$0xB680]  }
0x42: {  	v3 =	vadd.f32 v4, v3;
	_ =	sdelay $0x1  }
0x43: {  	v3 =	vadd.f32 v5, v3;
	_ =	sdelay $0x1  }
0x44: {  	v3 =	vadd.f32 v63, v3  }
0x45: {  	s31 =	simm.s32 $0x10;
	s11 =	simm.s32 $0xBA80  }
0x46: {  	s12 =	sand.u32 $0x3F0, s31;
	[tilespmem:s11+$0x0] =	vst v3  }
0x47: {  	s14 =	simm.s32 $0x20;
	s13 =	simm.s32 $0x7A90;
	v3 =	vld [tilespmem:s12+$0x7E80]  }
.LBB2_6:
0x48: {  	p1 =	sne.s32 s14, $0x3F0;
	v4 =	vld [tilespmem:s13+$0x0];
	_ =	sdelay $0x1  }
0x49: {  	v5 =	vld [tilespmem:s12+$0x8280];
	_ =	sdelay $0x1  }
0x4a: {  	v6 =	vld [tilespmem:s12+$0x8680]  }
0x4b: {  	v3 =	vadd.f32 v3, v4  }
0x4c: {  	v4 =	vld [tilespmem:s12+$0x8A80]  }
0x4d: {  	v3 =	vadd.f32 v5, v3  }
0x4e: {  	v5 =	vld [tilespmem:s12+$0x8E80]  }
0x4f: {  	v3 =	vadd.f32 v6, v3  }
0x50: {  	v6 =	vld [tilespmem:s12+$0x9280]  }
0x51: {  	v3 =	vadd.f32 v4, v3  }
0x52: {  	v4 =	vld [tilespmem:s12+$0x9680]  }
0x53: {  	v3 =	vadd.f32 v5, v3  }
0x54: {  	v5 =	vld [tilespmem:s12+$0x9A80]  }
0x55: {  	v3 =	vadd.f32 v6, v3  }
0x56: {  	v6 =	vld [tilespmem:s12+$0x9E80]  }
0x57: {  	v3 =	vadd.f32 v4, v3  }
0x58: {  	v4 =	vld [tilespmem:s12+$0xA280]  }
0x59: {  	v3 =	vadd.f32 v5, v3  }
0x5a: {  	v5 =	vld [tilespmem:s12+$0xA680]  }
0x5b: {  	v3 =	vadd.f32 v6, v3  }
0x5c: {  	v6 =	vld [tilespmem:s12+$0xAA80]  }
0x5d: {  	v3 =	vadd.f32 v4, v3  }
0x5e: {  	v4 =	vld [tilespmem:s12+$0xAE80]  }
0x5f: {  	v3 =	vadd.f32 v5, v3  }
0x60: {  	v5 =	vld [tilespmem:s12+$0xB280]  }
0x61: {  	v3 =	vadd.f32 v6, v3  }
0x62: {  	v6 =	vld [tilespmem:s12+$0xB680]  }
0x63: {  	v3 =	vadd.f32 v4, v3;
	_ =	sdelay $0x1  }
0x64: {  	v3 =	vadd.f32 v5, v3  }
.Ltmp2:
0x65: {  	(pc) =	sbr.rel @p1 .LBB2_6-.Ltmp2, $4  }
0x66: {  	v3 =	vadd.f32 v6, v3  }
0x67: {  	s11 =	sadd.s32 $0x10, s11  }
0x68: {  	s12 =	sand.u32 $0x3F0, s14;
	[tilespmem:s11+$0x0] =	vst v3  }
0x69: {  	s13 =	sadd.s32 $0x10, s13;
	s14 =	sadd.s32 $0x10, s14;
	v3 =	vld [tilespmem:s12+$0x7E80]  }
0x6a: {  	v4 =	vld [tilespmem:s13+$0x0];
	_ =	sdelay $0x1  }
0x6b: {  	v5 =	vld [tilespmem:s12+$0x8280];
	_ =	sdelay $0x1  }
0x6c: {  	v6 =	vld [tilespmem:s12+$0x8680]  }
0x6d: {  	v3 =	vadd.f32 v3, v4  }
0x6e: {  	v52 =	vld [tilespmem:s12+$0x8A80]  }
0x6f: {  	v3 =	vadd.f32 v5, v3  }
0x70: {  	v53 =	vld [tilespmem:s12+$0x8E80]  }
0x71: {  	v3 =	vadd.f32 v6, v3  }
0x72: {  	v54 =	vld [tilespmem:s12+$0x9280]  }
0x73: {  	v3 =	vadd.f32 v52, v3  }
0x74: {  	v55 =	vld [tilespmem:s12+$0x9680]  }
0x75: {  	v3 =	vadd.f32 v53, v3  }
0x76: {  	v56 =	vld [tilespmem:s12+$0x9A80]  }
0x77: {  	v3 =	vadd.f32 v54, v3  }
0x78: {  	v57 =	vld [tilespmem:s12+$0x9E80]  }
0x79: {  	v3 =	vadd.f32 v55, v3  }
0x7a: {  	v58 =	vld [tilespmem:s12+$0xA280]  }
0x7b: {  	v3 =	vadd.f32 v56, v3  }
0x7c: {  	v59 =	vld [tilespmem:s12+$0xA680]  }
0x7d: {  	v3 =	vadd.f32 v57, v3  }
0x7e: {  	v60 =	vld [tilespmem:s12+$0xAA80]  }
0x7f: {  	v3 =	vadd.f32 v58, v3  }
0x80: {  	v61 =	vld [tilespmem:s12+$0xAE80]  }
0x81: {  	v3 =	vadd.f32 v59, v3  }
0x82: {  	v62 =	vld [tilespmem:s12+$0xB280]  }
0x83: {  	v3 =	vadd.f32 v60, v3  }
0x84: {  	v63 =	vld [tilespmem:s12+$0xB680]  }
0x85: {  	v3 =	vadd.f32 v61, v3;
	_ =	sdelay $0x1  }
0x86: {  	v3 =	vadd.f32 v62, v3;
	_ =	sdelay $0x1  }
0x87: {  	s2 =	sadd.s32 $0x1, s2;
	v3 =	vadd.f32 v63, v3  }
0x88: {  	s11 =	sadd.s32 $0x10, s11;
	p1 =	sne.s32 s2, s6  }
.Ltmp3:
0x89: {  	[tilespmem:s11+$0x0] =	vst v3;
	(pc) =	sbr.rel @p1 .LBB2_1-.Ltmp3, $4  }
0x8a: {  	[hbm4b:s5+s7] =	stream.strided.scatter [tilespmem:s9], [sflag:$0x1], $0x400, s8, s7, $0x38;
	[tilespmem:$0xBE80] =	vst v63  }
0x8b: {  	_ =	swait.ge [sflag:s10], $0x400  }
0x8c: {  	[sflag:s10] =	ssyncset.done $0x0  }
0x8d: {  	[sflag:s10] =	ssyncadd.s32 $0xFFFFFC00  }
0x8e: {  	_ =	sfence.sel $0x180000  }
0x8f: {  	[bflag:$0x0] =	sbarrier.arrive $0xFFFF  }
0x90: {  	p0 =	sne.s32 s1, $0x0;
	_ =	strace $0x90000047  }
0x91: {  	s0 =	sadd.s32 @!p0 $0x100000, s0;
	[bflag:$0x2] =	sbarrier.arrive $0xFFFF  }
0x92: {  	[sflag:s0] =	ssyncadd.tile.s32 @!p0 $0x1;
	_ =	shalt  }
.Lfunc_end2:
_tile_overlayer_lowered:
.L_overlay_start_2:
0x93: {  	(tag) =	ssettag $0x2  }
0x94: {  	s0 =	rddreg [dreg:$0x0];
	s2 =	stileid.u32  }
0x95: {  	s1 =	rddreg [dreg:$0x1];
	p0 =	sne.s32 s2, $0x0  }
0x96: {  	s3 =	rddreg [dreg:$0x2];
	[bflag:$0x3] =	sbarrier.arrive $0xFFFF;
	s2 =	simm.s32 @!p0 $0x1C01  }
0x97: {  	[timem:s3], [sflag:s2] =	dma.local @!p0 [hbm:s0], s1  }
0x98: {  	s0 =	simm.s32 @!p0 $0x1  }
0x99: {  	_ =	swait.ge @!p0 [sflag:s0], s1  }
0x9a: {  	s1 =	ssub.s32 @!p0 $0x0, s1;
	[sflag:s0] =	ssyncset.done @!p0 $0x0  }
0x9b: {  	[sflag:s0] =	ssyncadd.s32 @!p0 s1  }
0x9c: {  	[bflag:$0x3] =	sbarrier.arrive $0xFFFF  }
0x9d: {  	_ =	shalt  }

// kernel: kernel.7.cloned.1.call-start
scs
__scs_entry_jumppad:
0x0: {  	(pc) =	sbr.rel $0x88, $3  }
0x1: {  	(tag) =	ssettag $0x0;
	lr =	simm.s32 $0x1  }
0x2: {  	[smem:$0x3F9E] =	sst lr;
	_ =	strace $0xD0000000  }
0x3: {  	_ = 	snop  }
0x4: {  	_ = 	snop  }
0x5: {  	_ = 	snop  }
0x6: {  	_ = 	snop  }
0x7: {  	_ = 	snop  }
__scs_overlays_trampoline_lowered:
0x8: {  	[smem:$0x3FAD] =	sst s0  }
0x9: {  	[smem:$0x3FAE] =	sst s1  }
0xa: {  	[smem:$0x3FAF] =	sst s2  }
0xb: {  	[smem:$0x3FB0] =	sst s3  }
0xc: {  	[smem:$0x3FB1] =	sst s4  }
0xd: {  	[smem:$0x3FB2] =	sst s5  }
0xe: {  	[smem:$0x3FB3] =	sst s6  }
0xf: {  	[smem:$0x3FB4] =	sst s7  }
0x10: {  	[smem:$0x3FB5] =	sst s8  }
0x11: {  	[smem:$0x3FB6] =	sst s9;
	s0 =	simm.s32 @!p0 $0x0  }
0x12: {  	s1 =	sld [smem:$0x3F9C];
	s0 =	simm.s32 @p0 $0x1  }
0x13: {  	[smem:$0x3FB7] =	sst s0;
	s0 =	simm.s32 @!p1 $0x0  }
0x14: {  	s2 =	sld [smem:$0x3F9B];
	s0 =	simm.s32 @p1 $0x1  }
0x15: {  	[smem:$0x3FB8] =	sst s0;
	s0 =	simm.s32 @!p2 $0x0  }
0x16: {  	s3 =	sld [smem:$0x3FDB];
	s0 =	simm.s32 @p2 $0x1  }
0x17: {  	s4 =	simm.s32 $0x1BF5;
	[smem:$0x3FBA] =	sst s0  }
0x18: {  	s0 =	sld [smem:$0x3F9D];
	_ =	swait.ge [sflag:s4], $0x0  }
0x19: {  	s7 =	sld [smem:$0x3F9E]  }
0x1a: {  	s8 =	sadd.s32 $0xFFFFE003, lr  }
0x1b: {  	s9 =	sadd.s32 $0xFFFFFEF7, lr;
	s5 =	simm.s32 $0xFFFFFFFF;
	p2 =	slt.u32 s8, $0xFFFFF086  }
0x1c: {  	p1 =	slt.u32 s9, $0xF7A;
	s5 =	simm.s32 @!p2 $0x0  }
0x1d: {  	s5 =	simm.s32 @p1 $0x1;
	p0 =	seq.s32 s7, s2  }
0x1e: {  	s7 =	smul.u32 @!p0 $0xF7A, s2;
	p2 =	seq.s32 @!p0 s5, $0x0  }
0x1f: {  	s9 =	smul.u32 $0xF7A, s1;
	s8 =	simm.s32 @!p0 $0x1BF5;
	p2 =	por !p2, p0  }
0x20: {  	[sflag:s8] =	ssyncset.s32 @!p0 $0xFFFFF086;
	s6 =	sadd.s32 @!p0 s3, s7;
	s7 =	simm.s32 @!p0 $0x108  }
0x21: {  	s3 =	sadd.s32 s3, s9;
	s6 =	sadd.s32 @!p0 $0x88, s6;
	s7 =	simm.s32 @p2 $0x1082  }
0x22: {  	[simem:s7], [sflag:s8] =	dma.local @!p0 [hbm:s6], $0xF7A  }
0x23: {  	s9 =	sor.u32 $0xD0000000, s2;
	s6 =	simm.s32 $0x108;
	_ =	swait.ge @!p0 [sflag:s8], $0x0  }
0x24: {  	s3 =	sadd.s32 $0x88, s3;
	s6 =	simm.s32 @!p1 $0x1082;
	[sflag:s4] =	ssyncset.s32 $0xFFFFF086  }
0x25: {  	[simem:s6], [sflag:s4] =	dma.local [hbm:s3], $0xF7A  }
0x26: {  	[smem:$0x3F9E] =	sst s1;
	(tag) =	ssettag s2;
	_ =	strace s9  }
0x27: {  	s1 =	sld [smem:$0x3FAE]  }
0x28: {  	s2 =	sld [smem:$0x3FAF]  }
0x29: {  	s4 =	sld [smem:$0x3FB1]  }
0x2a: {  	p0 =	seq.s32 s5, $0x0;
	s5 =	sld [smem:$0x3FB2]  }
0x2b: {  	s6 =	sld [smem:$0x3FB3]  }
0x2c: {  	s7 =	sld [smem:$0x3FB4]  }
0x2d: {  	s3 =	simm.s32 $0x108;
	s8 =	sld [smem:$0x3FB5]  }
0x2e: {  	s3 =	simm.s32 @!p0 $0x1082;
	s9 =	sld [smem:$0x3FB6]  }
0x2f: {  	lr =	sadd.s32 s0, s3;
	s0 =	sld [smem:$0x3FAD]  }
0x30: {  	s3 =	sld [smem:$0x3FB0]  }
0x31: {  	[smem:$0x3FB9] =	sst s10  }
0x32: {  	s10 =	sld [smem:$0x3FB7];
	_ =	sdelay $0x3  }
0x33: {  	p0 =	seq.s32 s10, $0x1;
	s10 =	sld [smem:$0x3FB9];
	_ =	sdelay $0x3  }
0x34: {  	[smem:$0x3FB9] =	sst s10  }
0x35: {  	s10 =	sld [smem:$0x3FB8];
	_ =	sdelay $0x3  }
0x36: {  	p1 =	seq.s32 s10, $0x1;
	s10 =	sld [smem:$0x3FB9];
	_ =	sdelay $0x3  }
0x37: {  	[smem:$0x3FB9] =	sst s10  }
0x38: {  	s10 =	sld [smem:$0x3FBA]  }
0x39: {  	_ = 	snop;
	(pc) =	sbr.ind lr, $3  }
0x3a: {  	_ = 	snop  }
0x3b: {  	_ = 	snop  }
0x3c: {  	p2 =	seq.s32 s10, $0x1;
	s10 =	sld [smem:$0x3FB9]  }
0x3d: {  	_ =	shalt  }
0x3e: {  	_ =	shalt  }
0x3f: {  	_ =	shalt  }
0x40: {  	_ =	shalt  }
0x41: {  	_ =	shalt  }
0x42: {  	_ =	shalt  }
0x43: {  	_ =	shalt  }
0x44: {  	_ =	shalt  }
0x45: {  	_ =	shalt  }
0x46: {  	_ =	shalt  }
0x47: {  	_ =	shalt  }
0x48: {  	_ =	shalt  }
0x49: {  	_ =	shalt  }
0x4a: {  	_ =	shalt  }
0x4b: {  	_ =	shalt  }
0x4c: {  	_ =	shalt  }
0x4d: {  	_ =	shalt  }
0x4e: {  	_ =	shalt  }
0x4f: {  	_ =	shalt  }
0x50: {  	_ =	shalt  }
0x51: {  	_ =	shalt  }
0x52: {  	_ =	shalt  }
0x53: {  	_ =	shalt  }
0x54: {  	_ =	shalt  }
0x55: {  	_ =	shalt  }
0x56: {  	_ =	shalt  }
0x57: {  	_ =	shalt  }
0x58: {  	_ =	shalt  }
0x59: {  	_ =	shalt  }
0x5a: {  	_ =	shalt  }
0x5b: {  	_ =	shalt  }
0x5c: {  	_ =	shalt  }
0x5d: {  	_ =	shalt  }
0x5e: {  	_ =	shalt  }
0x5f: {  	_ =	shalt  }
0x60: {  	_ =	shalt  }
0x61: {  	_ =	shalt  }
0x62: {  	_ =	shalt  }
0x63: {  	_ =	shalt  }
0x64: {  	_ =	shalt  }
0x65: {  	_ =	shalt  }
0x66: {  	_ =	shalt  }
0x67: {  	_ =	shalt  }
0x68: {  	_ =	shalt  }
0x69: {  	_ =	shalt  }
0x6a: {  	_ =	shalt  }
0x6b: {  	_ =	shalt  }
0x6c: {  	_ =	shalt  }
0x6d: {  	_ =	shalt  }
0x6e: {  	_ =	shalt  }
0x6f: {  	_ =	shalt  }
0x70: {  	_ =	shalt  }
0x71: {  	_ =	shalt  }
0x72: {  	_ =	shalt  }
0x73: {  	_ =	shalt  }
0x74: {  	_ =	shalt  }
0x75: {  	_ =	shalt  }
0x76: {  	_ =	shalt  }
0x77: {  	_ =	shalt  }
0x78: {  	_ =	shalt  }
0x79: {  	_ =	shalt  }
0x7a: {  	_ =	shalt  }
0x7b: {  	_ =	shalt  }
0x7c: {  	_ =	shalt  }
0x7d: {  	_ =	shalt  }
0x7e: {  	_ =	shalt  }
0x7f: {  	_ =	shalt  }
0x80: {  	_ =	shalt  }
0x81: {  	_ =	shalt  }
0x82: {  	_ =	shalt  }
0x83: {  	_ =	shalt  }
0x84: {  	_ =	shalt  }
0x85: {  	_ =	shalt  }
0x86: {  	_ =	shalt  }
0x87: {  	_ =	shalt  }
.Lfunc_end0:
.L_simem_size_0:
called_computation.1_lowered:
.L_overlay_start_0:
0x88: {  	s2 =	sld [smem:$0x3FD9]  }
0x89: {  	s3 =	sld [smem:$0x3FFE];
	_ =	sdelay $0x1  }
0x8a: {  	s1 =	srdreg.scid  }
0x8b: {  	s0 =	sand.u32 $0x1, s1  }
0x8c: {  	s17 =	sshll.u32 s0, $0xA;
	s2 =	sadd.s32 s3, s2  }
0x8d: {  	s2 =	sadd.s32 s2, s17  }
0x8e: {  	[smem:$0x3FC5] =	sst s2  }
0x8f: {  	_ = 	snop  }
0x90: {  	s2 =	sld [smem:$0x3FC8];
	(tm) =	ssettm $0x1  }
0x91: {  	s18 =	sld [smem:$0x3FFB];
	_ =	sdelay $0x3  }
0x92: {  	_ =	strace s18  }
0x93: {  	s3 =	sld [smem:$0x3FFC];
	_ =	sdelay $0x3  }
0x94: {  	_ =	strace s3  }
0x95: {  	s3 =	sld [smem:$0x3FFD];
	_ =	sdelay $0x3  }
0x96: {  	_ =	strace s3  }
0x97: {  	_ =	strace $0x8FFFFFFF  }
0x98: {  	s19 =	sld [smem:$0x3FDB];
	_ =	sdelay $0x1  }
0x99: {  	s4 =	simm.s32 $_scs_section_size  }
0x9a: {  	s5 =	simm.s32 $_size__tile_overlayer_lowered;
	s6 =	simm.s32 $_tile_overlayer_lowered  }
0x9b: {  	s22 =	simm.s32 $0x1BFF;
	s21 =	sshll.u32 s6, $0x1;
	s3 =	sadd.s32 s4, s19  }
0x9c: {  	s7 =	simm.s32 $0x0;
	s20 =	sshll.u32 s5, $0x1;
	s5 =	sadd.s32 s21, s3  }
0x9d: {  	[timem:s7], [sflag:s22] =	dma.local [hbm:s5], s20  }
0x9e: {  	_ =	swait.ge [sflag:s22], s20  }
0x9f: {  	s4 =	ssub.s32 $0x0, s20;
	[sflag:s22] =	ssyncset.done $0x0  }
0xa0: {  	[sflag:s22] =	ssyncadd.s32 s4;
	_ =	sdelay $0x1  }
0xa1: {  	s23 =	simm.s32 $0x1B8B  }
0xa2: {  	_ =	swait.ge [sflag:s23], $0x1  }
0xa3: {  	[sflag:s23] =	ssyncset.done $0x0  }
0xa4: {  	s25 =	simm.s32 $0x1B8E;
	s24 =	sld [smem:$0x3FFE];
	[sflag:s23] =	ssyncadd.s32 $0xFFFFFFFF  }
0xa5: {  	s26 =	simm.s32 $execute0_lowered;
	[smem:$0x3FD2] =	sst s25  }
0xa6: {  	s5 =	sshll.u32 s26, $0x1;
	_ =	strace $0x80000049;
	[dreg:$0x1] =	wrdreg $0xFFFFFFFF  }
0xa7: {  	s28 =	simm.s32 $_size_execute0_lowered;
	s3 =	sadd.s32 s3, s5;
	[dreg:$0x0] =	wrdreg $0x0  }
0xa8: {  	s5 =	sshll.u32 s28, $0x1;
	[dreg:$0x2] =	wrdreg s3  }
0xa9: {  	[dreg:$0x3] =	wrdreg s5  }
0xaa: {  	[dreg:$0x4] =	wrdreg $0xC0  }
0xab: {  	_ =	task [dreg:s7], $0x5FFFF  }
0xac: {  	[dreg:$0x1] =	wrdreg $0xFFFFFFFF  }
0xad: {  	[dreg:$0x0] =	wrdreg $0x60  }
0xae: {  	[dreg:$0x2] =	wrdreg s24  }
0xaf: {  	[dreg:$0x3] =	wrdreg s2  }
0xb0: {  	[dreg:$0x4] =	wrdreg $0x9  }
0xb1: {  	_ =	task.clear_ibuf [dreg:s7], $0x5FFFF;
	_ =	strace $0x90000049  }
0xb2: {  	s29 =	simm.s32 $0x9;
	_ =	strace $0x8000004B  }
0xb3: {  	_ =	swait.ge [sflag:s29], $0x1  }
0xb4: {  	[sflag:s29] =	ssyncadd.s32 $0xFFFFFFFF  }
0xb5: {  	_ =	strace $0x9000004B  }
0xb6: {  	_ =	sfence  }
0xb7: {  	s30 =	sld [smem:$0x0];
	_ =	sdelay $0x2  }
0xb8: {  	s31 =	sshll.u32 s1, $0xD;
	s1 =	sshrl.u32 s1, $0x2  }
0xb9: {  	s3 =	sand.u32 $0x4000, s31;
	s1 =	sadd.s32 s1, s30  }
0xba: {  	s0 =	sor.u32 s3, s0;
	s1 =	sshll.u32 s1, $0x11  }
0xbb: {  	s0 =	sor.u32 s1, s0  }
0xbc: {  	s0 =	sadd.s32 $0x8F2B, s0  }
0xbd: {  	[sflag:s0] =	ssyncadd.remote.s32 $0x1  }
0xbe: {  	_ =	sfence.sel $0xFFFF  }
0xbf: {  	[dreg:$0x0] =	wrdreg $0xFFFFFFFF;
	(pc) =	sbr.abs _section_cstart, $3  }
0xc0: {  	[dreg:$0x1] =	wrdreg $0xFFFFFFFF  }
0xc1: {  	_ =	task.clear_ibuf [dreg:s7], $0x2FFFF;
	_ =	strace $0x9FFFFFFF  }
0xc2: {  	(tm) =	ssettm $0x7FFFFFFF  }
0xc3: {  	_ =	shalt  }
tec
execute0_lowered:
.L_overlay_start_1:
0x0: {  	(tag) =	ssettag $0x1  }
0x1: {  	v0 =	vlaneseq.u32;
	v2 =	vimm.s32 $0xF4B37231  }
0x2: {  	vm11 =	vcmask $0xF00;
	vm10 =	vcmask $0x1310;
	vm9 =	vcmask $0x1714  }
0x3: {  	vm8 =	vcmask $0x1B18;
	vm7 =	vcmask $0x1F1C;
	vm6 =	vcmask $0x2320  }
0x4: {  	v3 =	vimm.s32 $0xF5B47332;
	vm4 =	vcmask $0x2724;
	vm1 =	vcmask $0x2B28  }
0x5: {  	vm0 =	vcmask $0x2F2C;
	vm2 =	vcmask $0x3330;
	vm3 =	vcmask $0x3734  }
0x6: {  	vm5 =	vcmask $0x3B38;
	v17 =	vimm.s32 $0xF7B67534;
	v0 =	vmul.u32 $0x41, v0  }
0x7: {  	v22 =	vimm.s32 $0xF9B87736;
	v27 =	vimm.s32 $0xFAB97837;
	v2 =	vunpack.c.0.s8.s32 v2  }
0x8: {  	v3 =	vunpack.c.0.s8.s32 v3;
	v1 =	vadd.s32 $0x1, v0;
	v28 =	vadd.s32 $0x2, v0  }
0x9: {  	v29 =	vadd.s32 $0x3, v0;
	v30 =	vadd.s32 $0x4, v0;
	v31 =	vadd.s32 $0x5, v0  }
0xa: {  	v32 =	vadd.s32 $0x6, v0;
	v33 =	vadd.s32 $0x7, v0;
	v34 =	vadd.s32 $0x8, v0  }
0xb: {  	v35 =	vadd.s32 $0x9, v0;
	v36 =	vadd.s32 $0xA, v0;
	v37 =	vadd.s32 $0xB, v0  }
0xc: {  	v38 =	vadd.s32 $0xC, v0;
	v39 =	vadd.s32 $0xD, v0;
	v40 =	vadd.s32 $0xE, v0  }
0xd: {  	v41 =	vadd.s32 $0xF, v0;
	v42 =	vadd.s32 $0x10, v0;
	v43 =	vadd.s32 $0x11, v0  }
0xe: {  	v44 =	vadd.s32 $0x12, v0;
	v45 =	vadd.s32 $0x13, v0;
	v46 =	vadd.s32 $0x14, v0  }
0xf: {  	v47 =	vadd.s32 $0x15, v0;
	v48 =	vadd.s32 $0x16, v0;
	v49 =	vadd.s32 $0x17, v0  }
0x10: {  	v50 =	vadd.s32 $0x18, v0;
	v51 =	vadd.s32 $0x19, v0;
	v52 =	vadd.s32 $0x1A, v0  }
0x11: {  	v53 =	vadd.s32 $0x1B, v0;
	v54 =	vadd.s32 $0x1C, v0;
	v55 =	vadd.s32 $0x1D, v0;
	[tilespmem:$0x1FC50] =	vst v32  }
0x12: {  	v56 =	vadd.s32 $0x1E, v0;
	v57 =	vadd.s32 $0x1F, v0;
	v58 =	vadd.s32 $0x20, v0;
	[tilespmem:$0x1FC60] =	vst v33  }
0x13: {  	v59 =	vadd.s32 $0x21, v0;
	v60 =	vadd.s32 $0x22, v0;
	v61 =	vadd.s32 $0x23, v0;
	[tilespmem:$0x1FCE0] =	vst v41  }
0x14: {  	v62 =	vadd.s32 $0x24, v0;
	v63 =	vadd.s32 $0x25, v0;
	v4 =	vadd.s32 $0x26, v0;
	[tilespmem:$0x1FD10] =	vst v44  }
0x15: {  	v5 =	vadd.s32 $0x27, v0;
	v6 =	vadd.s32 $0x28, v0;
	v7 =	vadd.s32 $0x29, v0;
	[tilespmem:$0x1FD20] =	vst v45  }
0x16: {  	v2 =	vand.u32 $0xFF, v2;
	v8 =	vadd.s32 $0x2A, v0;
	v9 =	vadd.s32 $0x2B, v0;
	[tilespmem:$0x1FD90] =	vst v52  }
0x17: {  	v10 =	vadd.s32 $0x2C, v0;
	v11 =	vadd.s32 $0x2D, v0;
	v12 =	vadd.s32 $0x2E, v0;
	[tilespmem:$0x1FDA0] =	vst v53  }
0x18: {  	v3 =	vand.u32 $0xFF, v3;
	v13 =	vadd.s32 $0x2F, v0;
	[tilespmem:$0x1FE50] =	vst v4;
	v2 =	vnsel vm11, $0x3C0, v2  }
0x19: {  	[tilespmem:$0x1FE60] =	vst v5;
	v4 =	vimm.s32 $0xF6B57433;
	v3 =	vnsel vm11, $0x3C1, v3;
	v5 =	vimm.s32 $0xF8B77635  }
0x1a: {  	v32 =	vimm.s32 $0xFBBA7938;
	v33 =	vimm.s32 $0xFCBB7A39;
	v41 =	vimm.s32 $0xFDBC7B3A  }
0x1b: {  	v44 =	vimm.s32 $0xFEBD7C3B;
	v45 =	vimm.s32 $0xFFBE7D3C;
	v52 =	vimm.s32 $0xC0BF7E3D  }
0x1c: {  	[tilespmem:$0x1FE70] =	vst v6;
	v53 =	vimm.s32 $0xC1807F3E;
	v6 =	vimm.s32 $0xC281403F;
	v2 =	vsel vm10, $0x135, v2  }
0x1d: {  	v4 =	vunpack.c.0.s8.s32 v4;
	v3 =	vsel vm10, $0x136, v3;
	v5 =	vunpack.c.0.s8.s32 v5  }
0x1e: {  	v6 =	vunpack.c.0.s8.s32 v6;
	v2 =	vsel vm9, $0x176, v2;
	v3 =	vsel vm9, $0x177, v3  }
0x1f: {  	v2 =	vsel vm8, $0x1B7, v2;
	v4 =	vand.u32 $0xFF, v4;
	v3 =	vsel vm8, $0x1B8, v3  }
0x20: {  	[tilespmem:$0x1FDF0] =	vst v58;
	v21 =	vand.u32 $0xFF, v5;
	v5 =	vunpack.c.0.s8.s32 v22;
	v58 =	vand.u32 $0xFF, v6  }
0x21: {  	v2 =	vsel vm7, $0x1F8, v2;
	v4 =	vnsel vm11, $0x3C2, v4;
	v3 =	vsel vm7, $0x1F9, v3  }
0x22: {  	v2 =	vsel vm6, $0x239, v2;
	v4 =	vsel vm10, $0x137, v4;
	v3 =	vsel vm6, $0x23A, v3  }
0x23: {  	v26 =	vand.u32 $0xFF, v5;
	v5 =	vunpack.c.0.s8.s32 v27;
	v2 =	vsel vm4, $0x27A, v2  }
0x24: {  	v4 =	vsel vm9, $0x178, v4;
	v3 =	vsel vm4, $0x27B, v3;
	v2 =	vsel vm1, $0x2BB, v2  }
0x25: {  	[tilespmem:$0x1FC40] =	vst v31;
	v4 =	vsel vm8, $0x1B9, v4;
	v15 =	vsel vm1, $0x2BC, v3;
	v31 =	vand.u32 $0xFF, v5  }
0x26: {  	v5 =	vunpack.c.0.s8.s32 v33;
	v2 =	vsel vm0, $0x2FC, v2;
	v16 =	vsel vm7, $0x1FA, v4  }
0x27: {  	v4 =	vunpack.c.0.s8.s32 v17;
	v2 =	vsel vm2, $0x33D, v2;
	v3 =	vsel vm6, $0x23B, v16  }
0x28: {  	[tilespmem:$0x1FCA0] =	vst v37;
	v37 =	vand.u32 $0xFF, v5;
	v5 =	vunpack.c.0.s8.s32 v45;
	v2 =	vsel vm3, $0x37E, v2  }
0x29: {  	v3 =	vsel vm4, $0x27C, v3;
	v4 =	vand.u32 $0xFF, v4;
	v14 =	vsel vm5, $0x3BF, v2  }
0x2a: {  	v2 =	vsel vm0, $0x2FD, v15;
	v3 =	vsel vm1, $0x2BD, v3;
	v20 =	vnsel vm11, $0x3C3, v4  }
0x2b: {  	v4 =	vnsel vm11, $0x3C4, v21;
	v2 =	vsel vm2, $0x33E, v2;
	v3 =	vsel vm0, $0x2FE, v3  }
0x2c: {  	v4 =	vsel vm10, $0x139, v4;
	v2 =	vsel vm3, $0x37F, v2;
	v19 =	vsel vm2, $0x33F, v3  }
0x2d: {  	v3 =	vsel vm10, $0x138, v20;
	v25 =	vsel vm9, $0x17A, v4;
	v4 =	vnsel vm11, $0x3C5, v26  }
0x2e: {  	v18 =	vsel vm5, $0x380, v2;
	v2 =	vsel vm3, $0x340, v19;
	v3 =	vsel vm9, $0x179, v3  }
0x2f: {  	[tilespmem:$0x1FC00] =	vst v1;
	v4 =	vsel vm10, $0x13A, v4;
	v3 =	vsel vm8, $0x1BA, v3;
	v23 =	vsel vm5, $0x381, v2  }
0x30: {  	[tilespmem:$0x1FC10] =	vst v28;
	v4 =	vsel vm9, $0x17B, v4;
	v24 =	vsel vm7, $0x1FB, v3;
	v3 =	vsel vm8, $0x1BB, v25  }
0x31: {  	[tilespmem:$0x1FC20] =	vst v29;
	v4 =	vsel vm8, $0x1BC, v4;
	v2 =	vsel vm6, $0x23C, v24;
	v3 =	vsel vm7, $0x1FC, v3  }
0x32: {  	[tilespmem:$0x1FC30] =	vst v30;
	v4 =	vsel vm7, $0x1FD, v4;
	v2 =	vsel vm4, $0x27D, v2;
	v3 =	vsel vm6, $0x23D, v3  }
0x33: {  	[tilespmem:$0x1FC70] =	vst v34;
	v4 =	vsel vm6, $0x23E, v4;
	v2 =	vsel vm1, $0x2BE, v2;
	v3 =	vsel vm4, $0x27E, v3  }
0x34: {  	[tilespmem:$0x1FC80] =	vst v35;
	v4 =	vsel vm4, $0x27F, v4;
	v2 =	vsel vm0, $0x2FF, v2;
	v3 =	vsel vm1, $0x2BF, v3  }
0x35: {  	[tilespmem:$0x1FC90] =	vst v36;
	v30 =	vsel vm1, $0x280, v4;
	v4 =	vunpack.c.0.s8.s32 v32;
	v3 =	vsel vm0, $0x2C0, v3  }
0x36: {  	[tilespmem:$0x1FD50] =	vst v48;
	v48 =	vand.u32 $0xFF, v5;
	v2 =	vsel vm2, $0x300, v2;
	v3 =	vsel vm2, $0x301, v3  }
0x37: {  	[tilespmem:$0x1FCB0] =	vst v38;
	v2 =	vsel vm3, $0x341, v2;
	v4 =	vand.u32 $0xFF, v4;
	v3 =	vsel vm3, $0x342, v3  }
0x38: {  	[tilespmem:$0x1FCC0] =	vst v39;
	v28 =	vsel vm5, $0x382, v2;
	v2 =	vsel vm0, $0x2C1, v30;
	v36 =	vnsel vm11, $0x3C7, v4  }
0x39: {  	[tilespmem:$0x1FCD0] =	vst v40;
	v4 =	vnsel vm11, $0x3C8, v37;
	v29 =	vsel vm5, $0x383, v3;
	v3 =	vnsel vm11, $0x3C6, v31  }
0x3a: {  	[tilespmem:$0x1FCF0] =	vst v42;
	v2 =	vsel vm2, $0x302, v2;
	v4 =	vsel vm10, $0x13D, v4;
	v3 =	vsel vm10, $0x13B, v3  }
0x3b: {  	[tilespmem:$0x1FD00] =	vst v43;
	v2 =	vsel vm3, $0x343, v2;
	v4 =	vsel vm9, $0x17E, v4;
	v3 =	vsel vm9, $0x17C, v3  }
0x3c: {  	[tilespmem:$0x1FD30] =	vst v46;
	v34 =	vsel vm5, $0x384, v2;
	v4 =	vsel vm8, $0x1BF, v4;
	v35 =	vsel vm8, $0x1BD, v3  }
0x3d: {  	[tilespmem:$0x1FD40] =	vst v47;
	v3 =	vsel vm10, $0x13C, v36;
	v4 =	vsel vm7, $0x1C0, v4;
	v2 =	vsel vm7, $0x1FE, v35  }
0x3e: {  	[tilespmem:$0x1FD60] =	vst v49;
	v3 =	vsel vm9, $0x17D, v3;
	v4 =	vsel vm6, $0x201, v4;
	v2 =	vsel vm6, $0x23F, v2  }
0x3f: {  	[tilespmem:$0x1FD70] =	vst v50;
	v3 =	vsel vm8, $0x1BE, v3;
	v40 =	vsel vm4, $0x242, v4;
	v4 =	vunpack.c.0.s8.s32 v41  }
0x40: {  	[tilespmem:$0x1FD80] =	vst v51;
	v5 =	vunpack.c.0.s8.s32 v53;
	v2 =	vsel vm4, $0x240, v2;
	v3 =	vsel vm7, $0x1FF, v3  }
0x41: {  	[tilespmem:$0x1FDB0] =	vst v54;
	v2 =	vsel vm1, $0x281, v2;
	v3 =	vsel vm6, $0x200, v3;
	v4 =	vand.u32 $0xFF, v4  }
0x42: {  	[tilespmem:$0x1FDC0] =	vst v55;
	v2 =	vsel vm0, $0x2C2, v2;
	v3 =	vsel vm4, $0x241, v3;
	v4 =	vnsel vm11, $0x3C9, v4  }
0x43: {  	[tilespmem:$0x1FDD0] =	vst v56;
	v2 =	vsel vm2, $0x303, v2;
	v3 =	vsel vm1, $0x282, v3;
	v47 =	vsel vm10, $0x13E, v4  }
0x44: {  	[tilespmem:$0x1FDE0] =	vst v57;
	v4 =	vnsel vm11, $0x3CB, v48;
	v2 =	vsel vm3, $0x344, v2;
	v39 =	vsel vm0, $0x2C3, v3  }
0x45: {  	[tilespmem:$0x1FE00] =	vst v59;
	v3 =	vsel vm1, $0x283, v40;
	v4 =	vsel vm10, $0x100, v4;
	v38 =	vsel vm5, $0x385, v2  }
0x46: {  	[tilespmem:$0x1FE10] =	vst v60;
	v2 =	vsel vm2, $0x304, v39;
	v3 =	vsel vm0, $0x2C4, v3;
	v4 =	vsel vm9, $0x141, v4  }
0x47: {  	[tilespmem:$0x1FE20] =	vst v61;
	v2 =	vsel vm3, $0x345, v2;
	v43 =	vsel vm2, $0x305, v3;
	v3 =	vunpack.c.0.s8.s32 v44  }
0x48: {  	[tilespmem:$0x1FE30] =	vst v62;
	v4 =	vsel vm8, $0x182, v4;
	v42 =	vsel vm5, $0x386, v2;
	v2 =	vsel vm3, $0x346, v43  }
0x49: {  	[tilespmem:$0x1FE40] =	vst v63;
	v4 =	vsel vm7, $0x1C3, v4;
	v46 =	vsel vm5, $0x387, v2;
	v3 =	vand.u32 $0xFF, v3  }
0x4a: {  	[tilespmem:$0x1FE80] =	vst v7;
	v2 =	vsel vm9, $0x17F, v47;
	v4 =	vsel vm6, $0x204, v4;
	v3 =	vnsel vm11, $0x3CA, v3  }
0x4b: {  	[tilespmem:$0x1FE90] =	vst v8;
	v2 =	vsel vm8, $0x180, v2;
	v4 =	vsel vm4, $0x245, v4;
	v3 =	vsel vm10, $0x13F, v3  }
0x4c: {  	[tilespmem:$0x1FEA0] =	vst v9;
	v2 =	vsel vm7, $0x1C1, v2;
	v4 =	vsel vm1, $0x286, v4;
	v3 =	vsel vm9, $0x140, v3  }
0x4d: {  	[tilespmem:$0x1FEB0] =	vst v10;
	v2 =	vsel vm6, $0x202, v2;
	v51 =	vsel vm0, $0x2C7, v4;
	v3 =	vsel vm8, $0x181, v3  }
0x4e: {  	[tilespmem:$0x1FEC0] =	vst v11;
	v4 =	vunpack.c.0.s8.s32 v52;
	v2 =	vsel vm4, $0x243, v2;
	v3 =	vsel vm7, $0x1C2, v3  }
0x4f: {  	[tilespmem:$0x1FED0] =	vst v12;
	v57 =	vand.u32 $0xFF, v5;
	v2 =	vsel vm1, $0x284, v2;
	v3 =	vsel vm6, $0x203, v3  }
0x50: {  	[tilespmem:$0x1FEE0] =	vst v13;
	v56 =	vand.u32 $0xFF, v4;
	v4 =	vnsel vm11, $0x3CE, v58;
	v3 =	vsel vm4, $0x244, v3  }
0x51: {  	[tilespmem:$0x1FEF0] =	vst v14;
	v2 =	vsel vm0, $0x2C5, v2;
	v4 =	vsel vm10, $0x103, v4;
	v3 =	vsel vm1, $0x285, v3  }
0x52: {  	[tilespmem:$0x1FF00] =	vst v18;
	v2 =	vsel vm2, $0x306, v2;
	v4 =	vsel vm9, $0x144, v4;
	v3 =	vsel vm0, $0x2C6, v3  }
0x53: {  	[tilespmem:$0x1FF10] =	vst v23;
	v2 =	vsel vm3, $0x347, v2;
	v4 =	vsel vm8, $0x185, v4;
	v50 =	vsel vm2, $0x307, v3  }
0x54: {  	[tilespmem:$0x1FF20] =	vst v28;
	v49 =	vsel vm5, $0x388, v2;
	v3 =	vsel vm2, $0x308, v51;
	v2 =	vsel vm3, $0x348, v50  }
0x55: {  	s0 =	rddreg [dreg:$0x0];
	[tilespmem:$0x1FF30] =	vst v29;
	v3 =	vsel vm3, $0x349, v3;
	v54 =	vsel vm5, $0x389, v2;
	v2 =	vnsel vm11, $0x3CC, v56  }
0x56: {  	s1 =	rddreg [dreg:$0x1];
	s2 =	simm.s32 $0x0;
	s3 =	srdreg.scid;
	[tilespmem:$0x1FF40] =	vst v34;
	v55 =	vsel vm5, $0x38A, v3;
	v3 =	vnsel vm11, $0x3CD, v57;
	v2 =	vsel vm10, $0x101, v2  }
0x57: {  	s4 =	stileid.u32;
	s17 =	simm.s32 $0x11E00;
	s18 =	simm.s32 $0x1BE00;
	[tilespmem:$0x1FF50] =	vst v38;
	v4 =	vsel vm7, $0x1C6, v4;
	v3 =	vsel vm10, $0x102, v3;
	v2 =	vsel vm9, $0x142, v2  }
0x58: {  	s16 =	simm.s32 $0x3;
	s19 =	simm.s32 $0x16E00;
	s20 =	simm.s32 $0x1BF80;
	[tilespmem:$0x1FF60] =	vst v42;
	v4 =	vsel vm6, $0x207, v4;
	v3 =	vsel vm9, $0x143, v3;
	v2 =	vsel vm8, $0x183, v2  }
0x59: {  	s21 =	simm.s32 $0x1;
	s22 =	simm.s32 $0x11A00;
	s23 =	simm.s32 $0x2;
	[tilespmem:$0x1FF70] =	vst v46;
	v4 =	vsel vm4, $0x248, v4;
	v3 =	vsel vm8, $0x184, v3;
	v2 =	vsel vm7, $0x1C4, v2  }
0x5a: {  	s25 =	simm.s32 $0x0;
	s5 =	sshll.u32 s4, $0x1;
	s4 =	sadd.s32 $0xF43A00, s0;
	[tilespmem:$0x1FF80] =	vst v49;
	v4 =	vsel vm1, $0x289, v4;
	v3 =	vsel vm7, $0x1C5, v3;
	v2 =	vsel vm6, $0x205, v2  }
0x5b: {  	s26 =	simm.s32 $0x0;
	[smem:$0x7FF] =	sst s2;
	s6 =	sadd.s32 $0x1600, s0;
	[tilespmem:$0x1FF90] =	vst v54;
	v4 =	vsel vm0, $0x2CA, v4;
	v3 =	vsel vm6, $0x206, v3;
	v2 =	vsel vm4, $0x246, v2  }
0x5c: {  	s3 =	sand.u32 $0x1, s3;
	s8 =	sadd.s32 $0x3E00, s0;
	s9 =	sadd.s32 $0x4200, s0;
	[tilespmem:$0x1FFA0] =	vst v55;
	v4 =	vsel vm2, $0x30B, v4;
	v3 =	vsel vm4, $0x247, v3;
	v2 =	vsel vm1, $0x287, v2  }
0x5d: {  	s5 =	sor.u32 s3, s5;
	s3 =	ssub.s32 $0x2, s3;
	_ =	strace $0x8000004A;
	[tilespmem:$0x1FFE0] =	vst v0;
	v0 =	vadd.s32 $0x30, v0;
	v3 =	vsel vm1, $0x288, v3;
	v2 =	vsel vm0, $0x2C8, v2  }
0x5e: {  	s7 =	sshll.u32 s5, $0x4;
	s31 =	sshrl.u32 s3, $0x1;
	s10 =	smul.u32 $0xA00, s5;
	v61 =	vsel vm3, $0x34C, v4;
	v3 =	vsel vm0, $0x2C9, v3;
	v2 =	vsel vm2, $0x309, v2  }
0x5f: {  	s11 =	smul.u32 $0x28, s5;
	s12 =	sor.u32 $0x40, s5;
	s15 =	sor.u32 $0x20, s5;
	[tilespmem:$0x1FFF0] =	vst v0;
	v63 =	vsel vm5, $0x38D, v61;
	v3 =	vsel vm2, $0x30A, v3;
	v2 =	vsel vm3, $0x34A, v2  }
0x60: {  	s13 =	sadd.s32 s7, s0;
	s3 =	ssub.s32 s3, s31;
	s7 =	sadd.s32 $0x3A00, s0;
	[tilespmem:$0x1FFD0] =	vst v63;
	v60 =	vsel vm3, $0x34B, v3;
	v59 =	vsel vm5, $0x38B, v2  }
0x61: {  	s10 =	sadd.s32 s4, s10;
	s11 =	sadd.s32 s1, s11;
	s13 =	sadd.s32 $0x600, s13;
	v62 =	vsel vm5, $0x38C, v60;
	[tilespmem:$0x1FFB0] =	vst v59  }
0x62: {  	s14 =	smax.u32 s3, $0x1;
	[dreg:$0x3] =	wrdreg s6;
	s6 =	sadd.s32 $0x3600, s0;
	[tilespmem:$0x1FFC0] =	vst v62  }
.LBB2_1:
0x63: {  	s0 =	rddreg [dreg:$0x3]  }
0x64: {  	[tilespmem:s2], [sflag:$0x3] =	stream.linear.gather [hbm4b:s0+s2], $0xFA00, $0x38;
	[tilespmem:$0x1C580] =	vst v63  }
0x65: {  	_ =	swait.ge [sflag:s16], $0xFA00  }
0x66: {  	[sflag:s16] =	ssyncset.done $0x0  }
0x67: {  	s30 =	simm.s32 $0xFA00;
	[sflag:s16] =	ssyncadd.s32 $0xFFFF0600  }
0x68: {  	[tilespmem:s30], [sflag:$0x3] =	stream.linear.gather [hbm4b:s6+s2], $0x2000, $0x38;
	[tilespmem:$0x1C580] =	vst v63  }
0x69: {  	_ =	swait.ge [sflag:s16], $0x2000  }
0x6a: {  	[sflag:s16] =	ssyncset.done $0x0  }
0x6b: {  	s3 =	sand.u32 $0x3F0, s2;
	[sflag:s16] =	ssyncadd.s32 $0xFFFFE000  }
0x6c: {  	v3 =	vld [tilespmem:s3+$0xFE00]  }
0x6d: {  	v4 =	vld [tilespmem:s30+$0x0];
	_ =	sdelay $0x1  }
0x6e: {  	v5 =	vld [tilespmem:s3+$0x10200];
	_ =	sdelay $0x1  }
0x6f: {  	v6 =	vld [tilespmem:s3+$0x10600]  }
0x70: {  	v3 =	vadd.f32 v3, v4  }
0x71: {  	v4 =	vld [tilespmem:s3+$0x10A00]  }
0x72: {  	v3 =	vadd.f32 v5, v3  }
0x73: {  	v5 =	vld [tilespmem:s3+$0x10E00]  }
0x74: {  	v3 =	vadd.f32 v6, v3  }
0x75: {  	v63 =	vld [tilespmem:s3+$0x11200]  }
0x76: {  	v3 =	vadd.f32 v4, v3  }
0x77: {  	v4 =	vld [tilespmem:s3+$0x11600]  }
0x78: {  	v3 =	vadd.f32 v5, v3;
	_ =	sdelay $0x1  }
0x79: {  	v3 =	vadd.f32 v63, v3;
	_ =	sdelay $0x1  }
0x7a: {  	v3 =	vadd.f32 v4, v3  }
0x7b: {  	s31 =	simm.s32 $0x10  }
0x7c: {  	s3 =	sand.u32 $0x3F0, s31;
	[tilespmem:s22+$0x0] =	vst v3  }
0x7d: {  	s24 =	simm.s32 $0x20;
	s5 =	simm.s32 $0xFA10;
	s0 =	simm.s32 $0x11A00;
	v3 =	vld [tilespmem:s3+$0xFE00]  }
.LBB2_2:
0x7e: {  	p0 =	sne.s32 s24, $0x3F0;
	v4 =	vld [tilespmem:s5+$0x0];
	_ =	sdelay $0x1  }
0x7f: {  	v5 =	vld [tilespmem:s3+$0x10200];
	_ =	sdelay $0x1  }
0x80: {  	v6 =	vld [tilespmem:s3+$0x10600]  }
0x81: {  	v3 =	vadd.f32 v3, v4  }
0x82: {  	v4 =	vld [tilespmem:s3+$0x10A00]  }
0x83: {  	v3 =	vadd.f32 v5, v3  }
0x84: {  	v5 =	vld [tilespmem:s3+$0x10E00]  }
0x85: {  	v3 =	vadd.f32 v6, v3  }
0x86: {  	v6 =	vld [tilespmem:s3+$0x11200]  }
0x87: {  	v3 =	vadd.f32 v4, v3  }
0x88: {  	v4 =	vld [tilespmem:s3+$0x11600]  }
0x89: {  	v3 =	vadd.f32 v5, v3;
	_ =	sdelay $0x1  }
0x8a: {  	v3 =	vadd.f32 v6, v3  }
.Ltmp0:
0x8b: {  	(pc) =	sbr.rel @p0 .LBB2_2-.Ltmp0, $4  }
0x8c: {  	v3 =	vadd.f32 v4, v3  }
0x8d: {  	s0 =	sadd.s32 $0x10, s0  }
0x8e: {  	s3 =	sand.u32 $0x3F0, s24;
	[tilespmem:s0+$0x0] =	vst v3  }
0x8f: {  	s5 =	sadd.s32 $0x10, s5;
	s24 =	sadd.s32 $0x10, s24;
	v3 =	vld [tilespmem:s3+$0xFE00]  }
0x90: {  	v4 =	vld [tilespmem:s5+$0x0];
	_ =	sdelay $0x1  }
0x91: {  	v5 =	vld [tilespmem:s3+$0x10200];
	_ =	sdelay $0x1  }
0x92: {  	v6 =	vld [tilespmem:s3+$0x10600]  }
0x93: {  	v3 =	vadd.f32 v3, v4  }
0x94: {  	v4 =	vld [tilespmem:s3+$0x10A00]  }
0x95: {  	v3 =	vadd.f32 v5, v3  }
0x96: {  	v5 =	vld [tilespmem:s3+$0x10E00]  }
0x97: {  	v3 =	vadd.f32 v6, v3  }
0x98: {  	v61 =	vld [tilespmem:s3+$0x11200]  }
0x99: {  	v3 =	vadd.f32 v4, v3  }
0x9a: {  	v4 =	vld [tilespmem:s3+$0x11600]  }
0x9b: {  	v3 =	vadd.f32 v5, v3;
	_ =	sdelay $0x1  }
0x9c: {  	v3 =	vadd.f32 v61, v3;
	_ =	sdelay $0x1  }
0x9d: {  	v3 =	vadd.f32 v4, v3  }
0x9e: {  	s0 =	sadd.s32 $0x10, s0  }
0x9f: {  	s29 =	simm.s32 $0x0;
	s30 =	simm.s32 $0xFA00;
	[tilespmem:s0+$0x0] =	vst v3  }
0xa0: {  	[tilespmem:s30], [sflag:$0x3] =	stream.linear.gather [hbm4b:s7+s29], $0x2000, $0x38;
	[tilespmem:$0x1C580] =	vst v63  }
0xa1: {  	_ =	swait.ge [sflag:s16], $0x2000  }
0xa2: {  	[sflag:s16] =	ssyncset.done $0x0  }
0xa3: {  	s0 =	sand.u32 $0x3F0, s29;
	[sflag:s16] =	ssyncadd.s32 $0xFFFFE000  }
0xa4: {  	v3 =	vld [tilespmem:s0+$0xFE00]  }
0xa5: {  	v4 =	vld [tilespmem:s30+$0x0];
	_ =	sdelay $0x1  }
0xa6: {  	v5 =	vld [tilespmem:s0+$0x10200];
	_ =	sdelay $0x1  }
0xa7: {  	v62 =	vld [tilespmem:s0+$0x10600]  }
0xa8: {  	v3 =	vadd.f32 v3, v4  }
0xa9: {  	v4 =	vld [tilespmem:s0+$0x10A00]  }
0xaa: {  	v3 =	vadd.f32 v5, v3  }
0xab: {  	v5 =	vld [tilespmem:s0+$0x10E00]  }
0xac: {  	v3 =	vadd.f32 v62, v3  }
0xad: {  	v63 =	vld [tilespmem:s0+$0x11200]  }
0xae: {  	v3 =	vadd.f32 v4, v3  }
0xaf: {  	v4 =	vld [tilespmem:s0+$0x11600]  }
0xb0: {  	s0 =	simm.s32 $0x11A00;
	v3 =	vadd.f32 v5, v3  }
0xb1: {  	v5 =	vld [tilespmem:s0+$0x0]  }
0xb2: {  	v3 =	vadd.f32 v63, v3;
	_ =	sdelay $0x1  }
0xb3: {  	v3 =	vadd.f32 v4, v3;
	_ =	sdelay $0x1  }
0xb4: {  	v3 =	vadd.f32 v3, v5  }
0xb5: {  	s31 =	simm.s32 $0x10  }
0xb6: {  	s24 =	sand.u32 $0x3F0, s31;
	[tilespmem:s0+$0x0] =	vst v3  }
0xb7: {  	s5 =	simm.s32 $0x20;
	s3 =	simm.s32 $0xFA10;
	v3 =	vld [tilespmem:s24+$0xFE00]  }
.LBB2_4:
0xb8: {  	p0 =	sne.s32 s5, $0x3F0;
	v4 =	vld [tilespmem:s3+$0x0];
	_ =	sdelay $0x1  }
0xb9: {  	v5 =	vld [tilespmem:s24+$0x10200];
	_ =	sdelay $0x1  }
0xba: {  	v6 =	vld [tilespmem:s24+$0x10600]  }
0xbb: {  	v3 =	vadd.f32 v3, v4  }
0xbc: {  	v4 =	vld [tilespmem:s24+$0x10A00]  }
0xbd: {  	v3 =	vadd.f32 v5, v3  }
0xbe: {  	v5 =	vld [tilespmem:s24+$0x10E00]  }
0xbf: {  	v3 =	vadd.f32 v6, v3  }
0xc0: {  	v6 =	vld [tilespmem:s24+$0x11200]  }
0xc1: {  	v3 =	vadd.f32 v4, v3  }
0xc2: {  	v4 =	vld [tilespmem:s24+$0x11600]  }
0xc3: {  	s0 =	sadd.s32 $0x10, s0;
	v3 =	vadd.f32 v5, v3  }
0xc4: {  	v5 =	vld [tilespmem:s0+$0x0]  }
0xc5: {  	v3 =	vadd.f32 v6, v3;
	_ =	sdelay $0x1  }
0xc6: {  	v3 =	vadd.f32 v4, v3  }
.Ltmp1:
0xc7: {  	(pc) =	sbr.rel @p0 .LBB2_4-.Ltmp1, $3  }
0xc8: {  	v3 =	vadd.f32 v3, v5;
	_ =	sdelay $0x1  }
0xc9: {  	s24 =	sand.u32 $0x3F0, s5;
	[tilespmem:s0+$0x0] =	vst v3  }
0xca: {  	s3 =	sadd.s32 $0x10, s3;
	s5 =	sadd.s32 $0x10, s5;
	v3 =	vld [tilespmem:s24+$0xFE00]  }
0xcb: {  	v4 =	vld [tilespmem:s3+$0x0];
	_ =	sdelay $0x1  }
0xcc: {  	v5 =	vld [tilespmem:s24+$0x10200];
	_ =	sdelay $0x1  }
0xcd: {  	v6 =	vld [tilespmem:s24+$0x10600]  }
0xce: {  	v3 =	vadd.f32 v3, v4  }
0xcf: {  	v4 =	vld [tilespmem:s24+$0x10A00]  }
0xd0: {  	v3 =	vadd.f32 v5, v3  }
0xd1: {  	v5 =	vld [tilespmem:s24+$0x10E00]  }
0xd2: {  	v3 =	vadd.f32 v6, v3  }
0xd3: {  	v61 =	vld [tilespmem:s24+$0x11200]  }
0xd4: {  	v3 =	vadd.f32 v4, v3  }
0xd5: {  	v4 =	vld [tilespmem:s24+$0x11600]  }
0xd6: {  	s0 =	sadd.s32 $0x10, s0;
	v3 =	vadd.f32 v5, v3  }
0xd7: {  	v5 =	vld [tilespmem:s0+$0x0]  }
0xd8: {  	v3 =	vadd.f32 v61, v3;
	_ =	sdelay $0x1  }
0xd9: {  	v3 =	vadd.f32 v4, v3;
	_ =	sdelay $0x1  }
0xda: {  	v3 =	vadd.f32 v3, v5;
	_ =	sdelay $0x1  }
0xdb: {  	s29 =	simm.s32 $0x0;
	s30 =	simm.s32 $0xFA00;
	[tilespmem:s0+$0x0] =	vst v3  }
0xdc: {  	[tilespmem:s30], [sflag:$0x3] =	stream.linear.gather [hbm4b:s8+s29], $0x2000, $0x38;
	[tilespmem:$0x1C580] =	vst v63  }
0xdd: {  	_ =	swait.ge [sflag:s16], $0x2000  }
0xde: {  	[sflag:s16] =	ssyncset.done $0x0  }
0xdf: {  	s0 =	sand.u32 $0x3F0, s29;
	[sflag:s16] =	ssyncadd.s32 $0xFFFFE000  }
0xe0: {  	v3 =	vld [tilespmem:s0+$0xFE00]  }
0xe1: {  	v4 =	vld [tilespmem:s30+$0x0];
	_ =	sdelay $0x1  }
0xe2: {  	v5 =	vld [tilespmem:s0+$0x10200];
	_ =	sdelay $0x1  }
0xe3: {  	v62 =	vld [tilespmem:s0+$0x10600]  }
0xe4: {  	v3 =	vadd.f32 v3, v4  }
0xe5: {  	v4 =	vld [tilespmem:s0+$0x10A00]  }
0xe6: {  	v3 =	vadd.f32 v5, v3  }
0xe7: {  	v5 =	vld [tilespmem:s0+$0x10E00]  }
0xe8: {  	v3 =	vadd.f32 v62, v3  }
0xe9: {  	v63 =	vld [tilespmem:s0+$0x11200]  }
0xea: {  	v3 =	vadd.f32 v4, v3  }
0xeb: {  	v4 =	vld [tilespmem:s0+$0x11600]  }
0xec: {  	s0 =	simm.s32 $0x11A00;
	v3 =	vadd.f32 v5, v3  }
0xed: {  	v5 =	vld [tilespmem:s0+$0x0]  }
0xee: {  	v3 =	vadd.f32 v63, v3;
	_ =	sdelay $0x1  }
0xef: {  	v3 =	vadd.f32 v4, v3;
	_ =	sdelay $0x1  }
0xf0: {  	v3 =	vadd.f32 v3, v5  }
0xf1: {  	s31 =	simm.s32 $0x10  }
0xf2: {  	s24 =	sand.u32 $0x3F0, s31;
	[tilespmem:s0+$0x0] =	vst v3  }
0xf3: {  	s5 =	simm.s32 $0x20;
	s3 =	simm.s32 $0xFA10;
	v3 =	vld [tilespmem:s24+$0xFE00]  }
.LBB2_6:
0xf4: {  	p0 =	sne.s32 s5, $0x3F0;
	v4 =	vld [tilespmem:s3+$0x0];
	_ =	sdelay $0x1  }
0xf5: {  	v5 =	vld [tilespmem:s24+$0x10200];
	_ =	sdelay $0x1  }
0xf6: {  	v6 =	vld [tilespmem:s24+$0x10600]  }
0xf7: {  	v3 =	vadd.f32 v3, v4  }
0xf8: {  	v4 =	vld [tilespmem:s24+$0x10A00]  }
0xf9: {  	v3 =	vadd.f32 v5, v3  }
0xfa: {  	v5 =	vld [tilespmem:s24+$0x10E00]  }
0xfb: {  	v3 =	vadd.f32 v6, v3  }
0xfc: {  	v6 =	vld [tilespmem:s24+$0x11200]  }
0xfd: {  	v3 =	vadd.f32 v4, v3  }
0xfe: {  	v4 =	vld [tilespmem:s24+$0x11600]  }
0xff: {  	s0 =	sadd.s32 $0x10, s0;
	v3 =	vadd.f32 v5, v3  }
0x100: {  	v5 =	vld [tilespmem:s0+$0x0]  }
0x101: {  	v3 =	vadd.f32 v6, v3;
	_ =	sdelay $0x1  }
0x102: {  	v3 =	vadd.f32 v4, v3  }
.Ltmp2:
0x103: {  	(pc) =	sbr.rel @p0 .LBB2_6-.Ltmp2, $3  }
0x104: {  	v3 =	vadd.f32 v3, v5;
	_ =	sdelay $0x1  }
0x105: {  	s24 =	sand.u32 $0x3F0, s5;
	[tilespmem:s0+$0x0] =	vst v3  }
0x106: {  	s3 =	sadd.s32 $0x10, s3;
	s5 =	sadd.s32 $0x10, s5;
	v3 =	vld [tilespmem:s24+$0xFE00]  }
0x107: {  	v4 =	vld [tilespmem:s3+$0x0];
	_ =	sdelay $0x1  }
0x108: {  	v5 =	vld [tilespmem:s24+$0x10200];
	_ =	sdelay $0x1  }
0x109: {  	v6 =	vld [tilespmem:s24+$0x10600]  }
0x10a: {  	v3 =	vadd.f32 v3, v4  }
0x10b: {  	v4 =	vld [tilespmem:s24+$0x10A00]  }
0x10c: {  	v3 =	vadd.f32 v5, v3  }
0x10d: {  	v5 =	vld [tilespmem:s24+$0x10E00]  }
0x10e: {  	v3 =	vadd.f32 v6, v3  }
0x10f: {  	v61 =	vld [tilespmem:s24+$0x11200]  }
0x110: {  	v3 =	vadd.f32 v4, v3  }
0x111: {  	v4 =	vld [tilespmem:s24+$0x11600]  }
0x112: {  	s0 =	sadd.s32 $0x10, s0;
	v3 =	vadd.f32 v5, v3  }
0x113: {  	v5 =	vld [tilespmem:s0+$0x0]  }
0x114: {  	v3 =	vadd.f32 v61, v3;
	_ =	sdelay $0x1  }
0x115: {  	v3 =	vadd.f32 v4, v3;
	_ =	sdelay $0x1  }
0x116: {  	v3 =	vadd.f32 v3, v5;
	_ =	sdelay $0x1  }
0x117: {  	s29 =	simm.s32 $0x0;
	s30 =	simm.s32 $0xFA00;
	[tilespmem:s0+$0x0] =	vst v3  }
0x118: {  	[tilespmem:s30], [sflag:$0x3] =	stream.linear.gather [hbm4b:s9+s29], $0x2000, $0x38;
	[tilespmem:$0x1C580] =	vst v63  }
0x119: {  	_ =	swait.ge [sflag:s16], $0x2000  }
0x11a: {  	[sflag:s16] =	ssyncset.done $0x0  }
0x11b: {  	s0 =	sand.u32 $0x3F0, s29;
	[sflag:s16] =	ssyncadd.s32 $0xFFFFE000  }
0x11c: {  	v3 =	vld [tilespmem:s0+$0xFE00]  }
0x11d: {  	v4 =	vld [tilespmem:s30+$0x0];
	_ =	sdelay $0x1  }
0x11e: {  	v5 =	vld [tilespmem:s0+$0x10200];
	_ =	sdelay $0x1  }
0x11f: {  	v62 =	vld [tilespmem:s0+$0x10600]  }
0x120: {  	v3 =	vadd.f32 v3, v4  }
0x121: {  	v4 =	vld [tilespmem:s0+$0x10A00]  }
0x122: {  	v3 =	vadd.f32 v5, v3  }
0x123: {  	v5 =	vld [tilespmem:s0+$0x10E00]  }
0x124: {  	v3 =	vadd.f32 v62, v3  }
0x125: {  	v63 =	vld [tilespmem:s0+$0x11200]  }
0x126: {  	v3 =	vadd.f32 v4, v3  }
0x127: {  	v4 =	vld [tilespmem:s0+$0x11600]  }
0x128: {  	s0 =	simm.s32 $0x11A00;
	v3 =	vadd.f32 v5, v3  }
0x129: {  	v5 =	vld [tilespmem:s0+$0x0]  }
0x12a: {  	v3 =	vadd.f32 v63, v3;
	_ =	sdelay $0x1  }
0x12b: {  	v3 =	vadd.f32 v4, v3;
	_ =	sdelay $0x1  }
0x12c: {  	v3 =	vadd.f32 v3, v5  }
0x12d: {  	s31 =	simm.s32 $0x10  }
0x12e: {  	s24 =	sand.u32 $0x3F0, s31;
	[tilespmem:s0+$0x0] =	vst v3  }
0x12f: {  	s5 =	simm.s32 $0x20;
	s3 =	simm.s32 $0xFA10;
	v3 =	vld [tilespmem:s24+$0xFE00]  }
.LBB2_8:
0x130: {  	p0 =	sne.s32 s5, $0x3F0;
	v4 =	vld [tilespmem:s3+$0x0];
	_ =	sdelay $0x1  }
0x131: {  	v5 =	vld [tilespmem:s24+$0x10200];
	_ =	sdelay $0x1  }
0x132: {  	v6 =	vld [tilespmem:s24+$0x10600]  }
0x133: {  	v3 =	vadd.f32 v3, v4  }
0x134: {  	v4 =	vld [tilespmem:s24+$0x10A00]  }
0x135: {  	v3 =	vadd.f32 v5, v3  }
0x136: {  	v5 =	vld [tilespmem:s24+$0x10E00]  }
0x137: {  	v3 =	vadd.f32 v6, v3  }
0x138: {  	v6 =	vld [tilespmem:s24+$0x11200]  }
0x139: {  	v3 =	vadd.f32 v4, v3  }
0x13a: {  	v4 =	vld [tilespmem:s24+$0x11600]  }
0x13b: {  	s0 =	sadd.s32 $0x10, s0;
	v3 =	vadd.f32 v5, v3  }
0x13c: {  	v5 =	vld [tilespmem:s0+$0x0]  }
0x13d: {  	v3 =	vadd.f32 v6, v3;
	_ =	sdelay $0x1  }
0x13e: {  	v3 =	vadd.f32 v4, v3  }
.Ltmp3:
0x13f: {  	(pc) =	sbr.rel @p0 .LBB2_8-.Ltmp3, $3  }
0x140: {  	v3 =	vadd.f32 v3, v5;
	_ =	sdelay $0x1  }
0x141: {  	s24 =	sand.u32 $0x3F0, s5;
	[tilespmem:s0+$0x0] =	vst v3  }
0x142: {  	s3 =	sadd.s32 $0x10, s3;
	s5 =	sadd.s32 $0x10, s5;
	v3 =	vld [tilespmem:s24+$0xFE00]  }
0x143: {  	v4 =	vld [tilespmem:s3+$0x0];
	_ =	sdelay $0x1  }
0x144: {  	v5 =	vld [tilespmem:s24+$0x10200];
	_ =	sdelay $0x1  }
0x145: {  	v6 =	vld [tilespmem:s24+$0x10600]  }
0x146: {  	v3 =	vadd.f32 v3, v4  }
0x147: {  	v59 =	vld [tilespmem:s24+$0x10A00]  }
0x148: {  	v3 =	vadd.f32 v5, v3  }
0x149: {  	v60 =	vld [tilespmem:s24+$0x10E00]  }
0x14a: {  	v3 =	vadd.f32 v6, v3  }
0x14b: {  	v61 =	vld [tilespmem:s24+$0x11200]  }
0x14c: {  	v3 =	vadd.f32 v59, v3  }
0x14d: {  	v62 =	vld [tilespmem:s24+$0x11600]  }
0x14e: {  	s0 =	sadd.s32 $0x10, s0;
	v3 =	vadd.f32 v60, v3  }
0x14f: {  	v63 =	vld [tilespmem:s0+$0x0]  }
0x150: {  	v3 =	vadd.f32 v61, v3;
	_ =	sdelay $0x1  }
0x151: {  	v0 =	vld [tilespmem:$0x1FFE0];
	v3 =	vadd.f32 v62, v3;
	_ =	sdelay $0x1  }
0x152: {  	v3 =	vadd.f32 v3, v63;
	_ =	sdelay $0x1  }
0x153: {  	[tilespmem:s0+$0x0] =	vst v3  }
0x154: {  	[tilespmem:$0x1C180] =	vst v0;
	v0 =	vld [tilespmem:$0x1FC00];
	_ =	sdelay $0x4  }
0x155: {  	[tilespmem:$0x1C190] =	vst v0;
	v0 =	vld [tilespmem:$0x1FC10];
	_ =	sdelay $0x4  }
0x156: {  	[tilespmem:$0x1C1A0] =	vst v0;
	v0 =	vld [tilespmem:$0x1FC20];
	_ =	sdelay $0x4  }
0x157: {  	[tilespmem:$0x1C1B0] =	vst v0;
	v0 =	vld [tilespmem:$0x1FC30];
	_ =	sdelay $0x4  }
0x158: {  	[tilespmem:$0x1C1C0] =	vst v0;
	v0 =	vld [tilespmem:$0x1FC40];
	_ =	sdelay $0x4  }
0x159: {  	[tilespmem:$0x1C1D0] =	vst v0;
	v0 =	vld [tilespmem:$0x1FC50];
	_ =	sdelay $0x4  }
0x15a: {  	[tilespmem:$0x1C1E0] =	vst v0;
	v0 =	vld [tilespmem:$0x1FC60];
	_ =	sdelay $0x4  }
0x15b: {  	[tilespmem:$0x1C1F0] =	vst v0;
	v0 =	vld [tilespmem:$0x1FC70];
	_ =	sdelay $0x4  }
0x15c: {  	[tilespmem:$0x1C200] =	vst v0;
	v0 =	vld [tilespmem:$0x1FC80];
	_ =	sdelay $0x4  }
0x15d: {  	[tilespmem:$0x1C210] =	vst v0;
	v0 =	vld [tilespmem:$0x1FC90];
	_ =	sdelay $0x4  }
0x15e: {  	[tilespmem:$0x1C220] =	vst v0;
	v0 =	vld [tilespmem:$0x1FCA0];
	_ =	sdelay $0x4  }
0x15f: {  	[tilespmem:$0x1C230] =	vst v0;
	v0 =	vld [tilespmem:$0x1FCB0];
	_ =	sdelay $0x4  }
0x160: {  	[tilespmem:$0x1C240] =	vst v0;
	v0 =	vld [tilespmem:$0x1FCC0];
	_ =	sdelay $0x4  }
0x161: {  	[tilespmem:$0x1C250] =	vst v0;
	v0 =	vld [tilespmem:$0x1FCD0];
	_ =	sdelay $0x4  }
0x162: {  	[tilespmem:$0x1C260] =	vst v0;
	v0 =	vld [tilespmem:$0x1FCE0];
	_ =	sdelay $0x4  }
0x163: {  	[tilespmem:$0x1C270] =	vst v0;
	v0 =	vld [tilespmem:$0x1FCF0];
	_ =	sdelay $0x4  }
0x164: {  	[tilespmem:$0x1C280] =	vst v0;
	v0 =	vld [tilespmem:$0x1FD00];
	_ =	sdelay $0x4  }
0x165: {  	[tilespmem:$0x1C290] =	vst v0;
	v0 =	vld [tilespmem:$0x1FD10];
	_ =	sdelay $0x4  }
0x166: {  	[tilespmem:$0x1C2A0] =	vst v0;
	v0 =	vld [tilespmem:$0x1FD20];
	_ =	sdelay $0x4  }
0x167: {  	[tilespmem:$0x1C2B0] =	vst v0;
	v0 =	vld [tilespmem:$0x1FD30];
	_ =	sdelay $0x4  }
0x168: {  	[tilespmem:$0x1C2C0] =	vst v0;
	v0 =	vld [tilespmem:$0x1FD40];
	_ =	sdelay $0x4  }
0x169: {  	[tilespmem:$0x1C2D0] =	vst v0;
	v0 =	vld [tilespmem:$0x1FD50];
	_ =	sdelay $0x4  }
0x16a: {  	[tilespmem:$0x1C2E0] =	vst v0;
	v0 =	vld [tilespmem:$0x1FD60];
	_ =	sdelay $0x4  }
0x16b: {  	[tilespmem:$0x1C2F0] =	vst v0;
	v0 =	vld [tilespmem:$0x1FD70];
	_ =	sdelay $0x4  }
0x16c: {  	[tilespmem:$0x1C300] =	vst v0;
	v0 =	vld [tilespmem:$0x1FD80];
	_ =	sdelay $0x4  }
0x16d: {  	[tilespmem:$0x1C310] =	vst v0;
	v0 =	vld [tilespmem:$0x1FD90];
	_ =	sdelay $0x4  }
0x16e: {  	[tilespmem:$0x1C320] =	vst v0;
	v0 =	vld [tilespmem:$0x1FDA0];
	_ =	sdelay $0x4  }
0x16f: {  	[tilespmem:$0x1C330] =	vst v0;
	v0 =	vld [tilespmem:$0x1FDB0];
	_ =	sdelay $0x4  }
0x170: {  	[tilespmem:$0x1C340] =	vst v0;
	v0 =	vld [tilespmem:$0x1FDC0];
	_ =	sdelay $0x4  }
0x171: {  	[tilespmem:$0x1C350] =	vst v0;
	v0 =	vld [tilespmem:$0x1FDD0];
	_ =	sdelay $0x4  }
0x172: {  	[tilespmem:$0x1C360] =	vst v0;
	v0 =	vld [tilespmem:$0x1FDE0];
	_ =	sdelay $0x4  }
0x173: {  	[tilespmem:$0x1C370] =	vst v0;
	v0 =	vld [tilespmem:$0x1FDF0];
	_ =	sdelay $0x4  }
0x174: {  	[tilespmem:$0x1C380] =	vst v0;
	v0 =	vld [tilespmem:$0x1FE00];
	_ =	sdelay $0x4  }
0x175: {  	[tilespmem:$0x1C390] =	vst v0;
	v0 =	vld [tilespmem:$0x1FE10];
	_ =	sdelay $0x4  }
0x176: {  	[tilespmem:$0x1C3A0] =	vst v0;
	v0 =	vld [tilespmem:$0x1FE20];
	_ =	sdelay $0x4  }
0x177: {  	[tilespmem:$0x1C3B0] =	vst v0;
	v0 =	vld [tilespmem:$0x1FE30];
	_ =	sdelay $0x4  }
0x178: {  	[tilespmem:$0x1C3C0] =	vst v0;
	v0 =	vld [tilespmem:$0x1FE40];
	_ =	sdelay $0x4  }
0x179: {  	[tilespmem:$0x1C3D0] =	vst v0;
	v0 =	vld [tilespmem:$0x1FE50];
	_ =	sdelay $0x4  }
0x17a: {  	[tilespmem:$0x1C3E0] =	vst v0;
	v0 =	vld [tilespmem:$0x1FE60];
	_ =	sdelay $0x4  }
0x17b: {  	[tilespmem:$0x1C3F0] =	vst v0;
	v0 =	vld [tilespmem:$0x1FE70];
	_ =	sdelay $0x4  }
0x17c: {  	[tilespmem:$0x1C400] =	vst v0;
	v0 =	vld [tilespmem:$0x1FE80];
	_ =	sdelay $0x4  }
0x17d: {  	[tilespmem:$0x1C410] =	vst v0;
	v0 =	vld [tilespmem:$0x1FE90];
	_ =	sdelay $0x4  }
0x17e: {  	[tilespmem:$0x1C420] =	vst v0;
	v0 =	vld [tilespmem:$0x1FEA0];
	_ =	sdelay $0x4  }
0x17f: {  	[tilespmem:$0x1C430] =	vst v0;
	v0 =	vld [tilespmem:$0x1FEB0];
	_ =	sdelay $0x4  }
0x180: {  	[tilespmem:$0x1C440] =	vst v0;
	v0 =	vld [tilespmem:$0x1FEC0];
	_ =	sdelay $0x4  }
0x181: {  	[tilespmem:$0x1C450] =	vst v0;
	v0 =	vld [tilespmem:$0x1FED0];
	_ =	sdelay $0x4  }
0x182: {  	[tilespmem:$0x1C460] =	vst v0;
	v0 =	vld [tilespmem:$0x1FEE0];
	_ =	sdelay $0x4  }
0x183: {  	[tilespmem:$0x1C470] =	vst v0;
	v0 =	vld [tilespmem:$0x1FFF0];
	_ =	sdelay $0x4  }
0x184: {  	[tilespmem:$0x1C480] =	vst v0;
	v0 =	vld [tilespmem:$0x1FEF0];
	_ =	sdelay $0x4  }
0x185: {  	[tilespmem:$0x1C490] =	vst v0;
	v0 =	vld [tilespmem:$0x1FF00];
	_ =	sdelay $0x4  }
0x186: {  	[tilespmem:$0x1C4A0] =	vst v0;
	v0 =	vld [tilespmem:$0x1FF10];
	_ =	sdelay $0x4  }
0x187: {  	[tilespmem:$0x1C4B0] =	vst v0;
	v0 =	vld [tilespmem:$0x1FF20];
	_ =	sdelay $0x4  }
0x188: {  	[tilespmem:$0x1C4C0] =	vst v0;
	v0 =	vld [tilespmem:$0x1FF30];
	_ =	sdelay $0x4  }
0x189: {  	[tilespmem:$0x1C4D0] =	vst v0;
	v0 =	vld [tilespmem:$0x1FF40];
	_ =	sdelay $0x4  }
0x18a: {  	[tilespmem:$0x1C4E0] =	vst v0;
	v0 =	vld [tilespmem:$0x1FF50];
	_ =	sdelay $0x4  }
0x18b: {  	[tilespmem:$0x1C4F0] =	vst v0;
	v0 =	vld [tilespmem:$0x1FF60];
	_ =	sdelay $0x4  }
0x18c: {  	[tilespmem:$0x1C500] =	vst v0;
	v0 =	vld [tilespmem:$0x1FF70];
	_ =	sdelay $0x4  }
0x18d: {  	[tilespmem:$0x1C510] =	vst v0;
	v0 =	vld [tilespmem:$0x1FF80];
	_ =	sdelay $0x4  }
0x18e: {  	[tilespmem:$0x1C520] =	vst v0;
	v0 =	vld [tilespmem:$0x1FF90];
	_ =	sdelay $0x4  }
0x18f: {  	[tilespmem:$0x1C530] =	vst v0;
	v0 =	vld [tilespmem:$0x1FFA0];
	_ =	sdelay $0x4  }
0x190: {  	[tilespmem:$0x1C540] =	vst v0;
	v0 =	vld [tilespmem:$0x1FFB0];
	_ =	sdelay $0x4  }
0x191: {  	[tilespmem:$0x1C550] =	vst v0;
	v0 =	vld [tilespmem:$0x1FFC0];
	_ =	sdelay $0x4  }
0x192: {  	[tilespmem:$0x1C560] =	vst v0;
	v0 =	vld [tilespmem:$0x1FFD0];
	_ =	sdelay $0x4  }
0x193: {  	[tilespmem:$0x1C570] =	vst v0  }
0x194: {  	[tilespmem:s17], [sflag:$0x1] =	stream.linear.gather [hbm4b:s10+s26], $0x5000, $0x38;
	[tilespmem:$0x1C580] =	vst v63  }
0x195: {  	s28 =	simm.s32 $0x0  }
0x196: {  	v0 =	vimm.f32 $0.0e+00;
	[tilespmem:s18], [sflag:$0x1] =	stream.linear.gather [hbm4b:s11+s26], $0x140, $0x38;
	[tilespmem:$0x1C580] =	vst v63  }
.LBB2_10:
0x197: {  	s30 =	sshll.u32 s28, $0x6  }
0x198: {  	s29 =	sor.u32 s15, s30  }
0x199: {  	s0 =	smin.u32 s29, $0xC34  }
0x19a: {  	s3 =	smul.u32 $0xA00, s0;
	_ =	sdelay $0x1  }
0x19b: {  	s0 =	smul.u32 $0x28, s0;
	s3 =	sadd.s32 s4, s3  }
0x19c: {  	[tilespmem:s19], [sflag:$0x2] =	stream.linear.gather [hbm4b:s3+s26], $0x5000, $0x38;
	[tilespmem:$0x1C580] =	vst v63  }
0x19d: {  	s0 =	sadd.s32 s1, s0  }
0x19e: {  	[tilespmem:s20], [sflag:$0x2] =	stream.linear.gather [hbm4b:s0+s26], $0x140, $0x38;
	[tilespmem:$0x1C580] =	vst v63  }
0x19f: {  	_ =	swait.ge [sflag:s21], $0x5000  }
0x1a0: {  	[sflag:s21] =	ssyncset.done $0x0  }
0x1a1: {  	[sflag:s21] =	ssyncadd.s32 $0xFFFFB000  }
0x1a2: {  	_ =	swait.ge [sflag:s21], $0x140  }
0x1a3: {  	[sflag:s21] =	ssyncset.done $0x0  }
0x1a4: {  	s31 =	simm.s32 $0x0;
	[sflag:s21] =	ssyncadd.s32 $0xFFFFFEC0  }
.LBB2_11:
0x1a5: {  	s0 =	sshll.u32 s31, $0x5;
	s3 =	sshllo.u32 s31, $0x1  }
0x1a6: {  	s0 =	sand.u32 $0x3FFFFFE0, s0;
	s5 =	sshll.u32 s3, $0x4  }
0x1a7: {  	v4 =	vld [tilespmem:s0+$0x1BE00];
	s5 =	sand.u32 $0x3FFFFFF0, s5  }
0x1a8: {  	s0 =	simm.s32 $0x0;
	v5 =	vld [tilespmem:s5+$0x1BE00]  }
0x1a9: {  	v42 =	vld [tilespmem:s0+$0x1C270]  }
0x1aa: {  	v41 =	vld [tilespmem:s0+$0x1C260]  }
0x1ab: {  	v37 =	vld [tilespmem:s0+$0x1C250]  }
0x1ac: {  	v35 =	vld [tilespmem:s0+$0x1C240]  }
0x1ad: {  	v34 =	vld [tilespmem:s0+$0x1C230]  }
0x1ae: {  	v33 =	vld [tilespmem:s0+$0x1C220]  }
0x1af: {  	v31 =	vld [tilespmem:s0+$0x1C210]  }
0x1b0: {  	v30 =	vld [tilespmem:s0+$0x1C200]  }
0x1b1: {  	v27 =	vld [tilespmem:s0+$0x1C1F0]  }
0x1b2: {  	v32 =	vld [tilespmem:s0+$0x1C1E0]  }
0x1b3: {  	v43 =	vld [tilespmem:s0+$0x1C1D0]  }
0x1b4: {  	v46 =	vld [tilespmem:s0+$0x1C1C0]  }
0x1b5: {  	v47 =	vld [tilespmem:s0+$0x1C1B0]  }
0x1b6: {  	s24 =	sshll.u32 s31, $0xB;
	v48 =	vld [tilespmem:s0+$0x1C1A0]  }
0x1b7: {  	s5 =	sand.u32 $0x3FFFF800, s24;
	s24 =	sshll.u32 s3, $0xA;
	v49 =	vld [tilespmem:s0+$0x1C190]  }
0x1b8: {  	v50 =	vld [tilespmem:s0+$0x1C180];
	s3 =	sadd.s32 $0x11E00, s5;
	s24 =	sand.u32 $0x3FFFFC00, s24  }
0x1b9: {  	s0 =	sadd.s32 $0x11E00, s24;
	v61 =	vld.idx.msk [tilespmem:v42+s3+$0x0], $0xffff  }
0x1ba: {  	v10 =	vld.idx.msk [tilespmem:v42+s0+$0x0], $0xffff  }
0x1bb: {  	v11 =	vld.idx.msk [tilespmem:v41+s3+$0x0], $0xffff  }
0x1bc: {  	v62 =	vld.idx.msk [tilespmem:v41+s0+$0x0], $0xffff  }
0x1bd: {  	v12 =	vld.idx.msk [tilespmem:v37+s3+$0x0], $0xffff  }
0x1be: {  	v63 =	vld.idx.msk [tilespmem:v37+s0+$0x0], $0xffff  }
0x1bf: {  	v14 =	vld.idx.msk [tilespmem:v35+s3+$0x0], $0xffff  }
0x1c0: {  	v13 =	vld.idx.msk [tilespmem:v35+s0+$0x0], $0xffff  }
0x1c1: {  	v16 =	vld.idx.msk [tilespmem:v34+s3+$0x0], $0xffff  }
0x1c2: {  	v4 =	vtrunc.f32 v4;
	v15 =	vld.idx.msk [tilespmem:v34+s0+$0x0], $0xffff  }
0x1c3: {  	v4 =	vcvt.f32.s32 v4;
	v5 =	vtrunc.f32 v5;
	v20 =	vld.idx.msk [tilespmem:v33+s3+$0x0], $0xffff  }
0x1c4: {  	v5 =	vcvt.f32.s32 v5;
	v19 =	vld.idx.msk [tilespmem:v33+s0+$0x0], $0xffff  }
0x1c5: {  	vm0 =	vgt.s32 v4, $0x0;
	v22 =	vld.idx.msk [tilespmem:v31+s3+$0x0], $0xffff  }
0x1c6: {  	v4 =	vnsel vm0, $0x0, v4;
	vm15 =	vgt.s32 v5, $0x0;
	v21 =	vld.idx.msk [tilespmem:v31+s0+$0x0], $0xffff  }
0x1c7: {  	v24 =	vld.idx.msk [tilespmem:v30+s3+$0x0], $0xffff;
	v17 =	vmin.u32 v4, $0x3E7;
	v57 =	vnsel vm15, $0x0, v5  }
0x1c8: {  	v23 =	vld.idx.msk [tilespmem:v30+s0+$0x0], $0xffff;
	v18 =	vmin.u32 v57, $0x3E7  }
0x1c9: {  	v26 =	vld.idx.msk [tilespmem:v27+s3+$0x0], $0xffff  }
0x1ca: {  	v25 =	vld.idx.msk [tilespmem:v27+s0+$0x0], $0xffff  }
0x1cb: {  	v29 =	vld.idx.msk [tilespmem:v32+s3+$0x0], $0xffff  }
0x1cc: {  	v58 =	vld.idx.msk [tilespmem:v17+s22+$0x0], $0xffff  }
0x1cd: {  	v60 =	vlaneseq.u32;
	v59 =	vld.idx.msk [tilespmem:v18+s22+$0x0], $0xffff  }
0x1ce: {  	[tilespmem:$0x1FBC0] =	vst v0;
	v0 =	vmul.u32 $0xFFFFFFC0, v60;
	v28 =	vld.idx.msk [tilespmem:v32+s0+$0x0], $0xffff  }
0x1cf: {  	v38 =	vld.idx.msk [tilespmem:v43+s3+$0x0], $0xffff  }
0x1d0: {  	[tilespmem:$0x1FBF0] =	vst v0;
	v36 =	vld.idx.msk [tilespmem:v43+s0+$0x0], $0xffff  }
0x1d1: {  	v40 =	vimm.f32 $0.0e+00;
	v44 =	vld.idx.msk [tilespmem:v46+s3+$0x0], $0xffff;
	v17 =	vshll.u32 v17, $0x6;
	v18 =	vshll.u32 v18, $0x6;
	[tilespmem:$0x1FBD0] =	vst v58  }
0x1d2: {  	v39 =	vimm.f32 $0.0e+00;
	s24 =	simm.s32 $0x400;
	v45 =	vld.idx.msk [tilespmem:v46+s0+$0x0], $0xffff;
	v17 =	vadd.s32 v0, v17;
	v18 =	vadd.s32 v0, v18;
	[tilespmem:$0x1FBE0] =	vst v59  }
.LBB2_12:
0x1d3: {  	v51 =	vld.idx.msk [tilespmem:v47+s3+$0x0], $0xffff  }
0x1d4: {  	v52 =	vld.idx.msk [tilespmem:v47+s0+$0x0], $0xffff  }
0x1d5: {  	v53 =	vld.idx.msk [tilespmem:v48+s3+$0x0], $0xffff  }
0x1d6: {  	v0 =	vadd.s32 v17, v46;
	v55 =	vld.idx.msk [tilespmem:v48+s0+$0x0], $0xffff  }
0x1d7: {  	v46 =	vadd.s32 v18, v46;
	v57 =	vld.idx.msk [tilespmem:v49+s3+$0x0], $0xffff  }
0x1d8: {  	v4 =	vadd.s32 v17, v43;
	v59 =	vld.idx.msk [tilespmem:v49+s0+$0x0], $0xffff  }
0x1d9: {  	v43 =	vadd.s32 v18, v43;
	v60 =	vld.idx.msk [tilespmem:v50+s3+$0x0], $0xffff  }
0x1da: {  	v8 =	vadd.s32 v17, v32;
	v56 =	vadd.s32 v17, v50;
	v58 =	vadd.s32 v18, v50;
	v50 =	vld.idx.msk [tilespmem:v50+s0+$0x0], $0xffff  }
0x1db: {  	v9 =	vadd.s32 v17, v30;
	v0 =	vld.idx.msk [tilespmem:v0+s2+$0x0], $0xffff  }
0x1dc: {  	v30 =	vadd.s32 v18, v30;
	v46 =	vld.idx.msk [tilespmem:v46+s2+$0x0], $0xffff  }
0x1dd: {  	v3 =	vadd.s32 v17, v33;
	v4 =	vld.idx.msk [tilespmem:v4+s2+$0x0], $0xffff  }
0x1de: {  	v6 =	vadd.s32 v17, v34;
	v43 =	vld.idx.msk [tilespmem:v43+s2+$0x0], $0xffff  }
0x1df: {  	v5 =	vadd.s32 v17, v35;
	v8 =	vld.idx.msk [tilespmem:v8+s2+$0x0], $0xffff  }
0x1e0: {  	v1 =	vadd.s32 v17, v37;
	v9 =	vld.idx.msk [tilespmem:v9+s2+$0x0], $0xffff  }
0x1e1: {  	v54 =	vadd.s32 v17, v48;
	v30 =	vld.idx.msk [tilespmem:v30+s2+$0x0], $0xffff  }
0x1e2: {  	v3 =	vld.idx.msk [tilespmem:v3+s2+$0x0], $0xffff  }
0x1e3: {  	v6 =	vld.idx.msk [tilespmem:v6+s2+$0x0], $0xffff  }
0x1e4: {  	v7 =	vadd.s32 v17, v49;
	v5 =	vld.idx.msk [tilespmem:v5+s2+$0x0], $0xffff  }
0x1e5: {  	[tilespmem:$0x1FB90] =	vst v62;
	v62 =	vadd.s32 v18, v49;
	v1 =	vld.idx.msk [tilespmem:v1+s2+$0x0], $0xffff  }
0x1e6: {  	[tilespmem:$0x1FBB0] =	vst v10;
	v10 =	vmov v63;
	v63 =	vadd.s32 v18, v48;
	v54 =	vld.idx.msk [tilespmem:v54+s2+$0x0], $0xffff  }
0x1e7: {  	v2 =	vadd.s32 v17, v47;
	v56 =	vld.idx.msk [tilespmem:v56+s2+$0x0], $0xffff  }
0x1e8: {  	v47 =	vadd.s32 v18, v47;
	v58 =	vld.idx.msk [tilespmem:v58+s2+$0x0], $0xffff  }
0x1e9: {  	v34 =	vadd.s32 v18, v34;
	[tilespmem:$0x1FBA0] =	vst v61;
	v61 =	vld.idx.msk [tilespmem:v7+s2+$0x0], $0xffff  }
0x1ea: {  	v37 =	vadd.s32 v18, v37;
	v62 =	vld.idx.msk [tilespmem:v62+s2+$0x0], $0xffff  }
0x1eb: {  	v48 =	vadd.s32 v17, v42;
	v42 =	vadd.s32 v18, v42;
	v63 =	vld.idx.msk [tilespmem:v63+s2+$0x0], $0xffff  }
0x1ec: {  	v2 =	vld.idx.msk [tilespmem:v2+s2+$0x0], $0xffff  }
0x1ed: {  	v47 =	vld.idx.msk [tilespmem:v47+s2+$0x0], $0xffff  }
0x1ee: {  	v9 =	vsub.f32 v24, v9;
	v24 =	vld.idx.msk [tilespmem:v34+s2+$0x0], $0xffff  }
0x1ef: {  	v3 =	vsub.f32 v20, v3;
	v20 =	vld.idx.msk [tilespmem:v37+s2+$0x0], $0xffff  }
0x1f0: {  	s5 =	sshra.s32 s24, $0x2;
	v7 =	vadd.s32 v17, v31;
	v5 =	vsub.f32 v14, v5;
	v14 =	vld.idx.msk [tilespmem:v42+s2+$0x0], $0xffff  }
0x1f1: {  	v31 =	vadd.s32 v18, v31;
	v42 =	vld [tilespmem:s5+$0x1C270]  }
0x1f2: {  	v37 =	vld [tilespmem:s5+$0x1C250]  }
0x1f3: {  	v34 =	vld [tilespmem:s5+$0x1C230]  }
0x1f4: {  	v23 =	vsub.f32 v23, v30;
	v30 =	vld [tilespmem:s5+$0x1C200];
	v50 =	vsub.f32 v50, v58  }
0x1f5: {  	v7 =	vld.idx.msk [tilespmem:v7+s2+$0x0], $0xffff  }
0x1f6: {  	v35 =	vadd.s32 v18, v35;
	v8 =	vsub.f32 v29, v8;
	v29 =	vld.idx.msk [tilespmem:v31+s2+$0x0], $0xffff;
	v50 =	vmul.f32 v50, v50  }
0x1f7: {  	v56 =	vsub.f32 v60, v56;
	v60 =	vadd.s32 v18, v32;
	v57 =	vsub.f32 v57, v61;
	v58 =	vld [tilespmem:$0x1FBA0]  }
0x1f8: {  	v61 =	vadd.s32 v17, v27;
	v27 =	vadd.s32 v18, v27;
	v39 =	vadd.f32 v50, v39;
	v50 =	vld.idx.msk [tilespmem:v48+s2+$0x0], $0xffff  }
0x1f9: {  	v0 =	vsub.f32 v44, v0;
	v6 =	vsub.f32 v16, v6;
	v56 =	vmul.f32 v56, v56;
	v48 =	vld [tilespmem:s5+$0x1C1A0]  }
0x1fa: {  	v33 =	vadd.s32 v18, v33;
	v1 =	vsub.f32 v12, v1;
	v59 =	vsub.f32 v59, v62;
	v12 =	vld.idx.msk [tilespmem:v37+s3+$0x0], $0xffff  }
0x1fb: {  	v53 =	vsub.f32 v53, v54;
	v57 =	vmul.f32 v57, v57;
	v40 =	vadd.f32 v56, v40;
	v16 =	vld.idx.msk [tilespmem:v34+s3+$0x0], $0xffff  }
0x1fc: {  	v36 =	vsub.f32 v36, v43;
	v63 =	vsub.f32 v55, v63;
	v56 =	vmul.f32 v59, v59;
	v32 =	vld.idx.msk [tilespmem:v60+s2+$0x0], $0xffff  }
0x1fd: {  	v2 =	vsub.f32 v51, v2;
	v53 =	vmul.f32 v53, v53;
	v27 =	vld.idx.msk [tilespmem:v27+s2+$0x0], $0xffff;
	v40 =	vadd.f32 v57, v40  }
0x1fe: {  	v47 =	vsub.f32 v52, v47;
	v59 =	vld.idx.msk [tilespmem:v61+s2+$0x0], $0xffff;
	v39 =	vadd.f32 v56, v39;
	v57 =	vmul.f32 v63, v63  }
0x1ff: {  	v60 =	vsub.f32 v45, v46;
	v46 =	vmul.f32 v23, v23;
	v23 =	vld.idx.msk [tilespmem:v30+s0+$0x0], $0xffff;
	v40 =	vadd.f32 v53, v40  }
0x200: {  	v61 =	vmul.f32 v47, v47;
	v39 =	vadd.f32 v57, v39;
	v53 =	vsub.f32 v10, v20;
	v10 =	vld.idx.msk [tilespmem:v42+s0+$0x0], $0xffff  }
0x201: {  	v52 =	vmul.f32 v5, v5;
	v2 =	vmul.f32 v2, v2;
	v5 =	vsub.f32 v58, v50;
	v50 =	vld [tilespmem:s5+$0x1C180]  }
0x202: {  	v63 =	vmul.f32 v60, v60;
	v62 =	vadd.f32 v61, v39;
	v25 =	vsub.f32 v25, v27;
	v27 =	vld.idx.msk [tilespmem:v33+s2+$0x0], $0xffff  }
0x203: {  	v4 =	vsub.f32 v38, v4;
	v0 =	vmul.f32 v0, v0;
	v2 =	vadd.f32 v2, v40;
	v33 =	vld [tilespmem:s5+$0x1C220]  }
0x204: {  	v31 =	vmul.f32 v36, v36;
	v26 =	vsub.f32 v26, v59;
	v59 =	vld [tilespmem:$0x1FBB0];
	v43 =	vadd.f32 v63, v62  }
0x205: {  	v4 =	vmul.f32 v4, v4;
	v28 =	vsub.f32 v28, v32;
	v32 =	vld [tilespmem:s5+$0x1C1E0];
	v0 =	vadd.f32 v0, v2  }
0x206: {  	v49 =	vadd.s32 v17, v41;
	v41 =	vadd.s32 v18, v41;
	v2 =	vadd.f32 v31, v43;
	v31 =	vld [tilespmem:s5+$0x1C210]  }
0x207: {  	v8 =	vmul.f32 v8, v8;
	v0 =	vadd.f32 v4, v0;
	v43 =	vld [tilespmem:s5+$0x1C1D0]  }
0x208: {  	v19 =	vsub.f32 v19, v27;
	v27 =	vld [tilespmem:s5+$0x1C1F0]  }
0x209: {  	v0 =	vadd.f32 v8, v0;
	v8 =	vmul.f32 v9, v9;
	v9 =	vsub.f32 v21, v29;
	v21 =	vld.idx.msk [tilespmem:v35+s2+$0x0], $0xffff  }
0x20a: {  	v35 =	vld [tilespmem:s5+$0x1C240]  }
0x20b: {  	v47 =	vmul.f32 v9, v9;
	v9 =	vsub.f32 v15, v24;
	v15 =	vld.idx.msk [tilespmem:v41+s2+$0x0], $0xffff  }
0x20c: {  	v44 =	vmul.f32 v28, v28;
	v41 =	vld [tilespmem:s5+$0x1C260]  }
0x20d: {  	v26 =	vmul.f32 v26, v26;
	v20 =	vld.idx.msk [tilespmem:v33+s3+$0x0], $0xffff  }
0x20e: {  	v45 =	vmul.f32 v25, v25;
	v2 =	vadd.f32 v44, v2;
	v24 =	vld.idx.msk [tilespmem:v30+s3+$0x0], $0xffff  }
0x20f: {  	v0 =	vadd.f32 v26, v0;
	v29 =	vld.idx.msk [tilespmem:v32+s3+$0x0], $0xffff  }
0x210: {  	v2 =	vadd.f32 v45, v2;
	v28 =	vld.idx.msk [tilespmem:v32+s0+$0x0], $0xffff  }
0x211: {  	v0 =	vadd.f32 v8, v0;
	v8 =	vld.idx.msk [tilespmem:v49+s2+$0x0], $0xffff  }
0x212: {  	v2 =	vadd.f32 v46, v2;
	v46 =	vld [tilespmem:s5+$0x1C1C0]  }
0x213: {  	v49 =	vmul.f32 v19, v19;
	v19 =	vld.idx.msk [tilespmem:v33+s0+$0x0], $0xffff  }
0x214: {  	v7 =	vsub.f32 v22, v7;
	v2 =	vadd.f32 v47, v2;
	v47 =	vld [tilespmem:s5+$0x1C1B0]  }
0x215: {  	v22 =	vld.idx.msk [tilespmem:v31+s3+$0x0], $0xffff  }
0x216: {  	v7 =	vmul.f32 v7, v7;
	v13 =	vsub.f32 v13, v21;
	v21 =	vld.idx.msk [tilespmem:v31+s0+$0x0], $0xffff  }
0x217: {  	v38 =	vld.idx.msk [tilespmem:v43+s3+$0x0], $0xffff  }
0x218: {  	v3 =	vmul.f32 v3, v3;
	v0 =	vadd.f32 v7, v0;
	v36 =	vld.idx.msk [tilespmem:v43+s0+$0x0], $0xffff  }
0x219: {  	v26 =	vld.idx.msk [tilespmem:v27+s3+$0x0], $0xffff  }
0x21a: {  	v6 =	vmul.f32 v6, v6;
	v0 =	vadd.f32 v3, v0;
	v55 =	vsub.f32 v11, v8;
	v8 =	vld [tilespmem:$0x1FB90]  }
0x21b: {  	v51 =	vmul.f32 v9, v9;
	v25 =	vld.idx.msk [tilespmem:v27+s0+$0x0], $0xffff;
	v2 =	vadd.f32 v49, v2  }
0x21c: {  	v49 =	vld [tilespmem:s5+$0x1C190];
	v0 =	vadd.f32 v6, v0  }
0x21d: {  	v54 =	vmul.f32 v13, v13;
	v13 =	vld.idx.msk [tilespmem:v35+s0+$0x0], $0xffff;
	v2 =	vadd.f32 v51, v2  }
0x21e: {  	v1 =	vmul.f32 v1, v1;
	v6 =	vsub.f32 v59, v14;
	v11 =	vld.idx.msk [tilespmem:v41+s3+$0x0], $0xffff;
	v0 =	vadd.f32 v52, v0  }
0x21f: {  	v56 =	vmul.f32 v53, v53;
	v14 =	vld.idx.msk [tilespmem:v35+s3+$0x0], $0xffff;
	v2 =	vadd.f32 v54, v2;
	v8 =	vsub.f32 v8, v15  }
0x220: {  	p0 =	sne.s32 s24, $0xC00;
	v57 =	vmul.f32 v55, v55;
	v44 =	vld.idx.msk [tilespmem:v46+s3+$0x0], $0xffff;
	v0 =	vadd.f32 v1, v0  }
.Ltmp4:
0x221: {  	v45 =	vld.idx.msk [tilespmem:v46+s0+$0x0], $0xffff;
	v60 =	vadd.f32 v56, v2;
	v61 =	vmul.f32 v8, v8;
	(pc) =	sbr.rel @p0 .LBB2_12-.Ltmp4, $4  }
0x222: {  	v62 =	vmul.f32 v5, v5;
	v15 =	vld.idx.msk [tilespmem:v34+s0+$0x0], $0xffff;
	v0 =	vadd.f32 v57, v0  }
0x223: {  	v63 =	vmul.f32 v6, v6;
	v1 =	vadd.f32 v61, v60;
	v61 =	vld.idx.msk [tilespmem:v42+s3+$0x0], $0xffff  }
0x224: {  	v40 =	vadd.f32 v62, v0;
	v62 =	vld.idx.msk [tilespmem:v41+s0+$0x0], $0xffff  }
0x225: {  	s24 =	sadd.s32 $0x400, s24;
	v39 =	vadd.f32 v63, v1;
	v63 =	vld.idx.msk [tilespmem:v37+s0+$0x0], $0xffff  }
0x226: {  	_ =	sdelay $0x3  }
0x227: {  	v0 =	vld.idx.msk [tilespmem:v47+s3+$0x0], $0xffff  }
0x228: {  	v2 =	vld.idx.msk [tilespmem:v47+s0+$0x0], $0xffff  }
0x229: {  	v4 =	vld.idx.msk [tilespmem:v49+s3+$0x0], $0xffff  }
0x22a: {  	v1 =	vadd.s32 v17, v50;
	v6 =	vld.idx.msk [tilespmem:v50+s3+$0x0], $0xffff  }
0x22b: {  	v3 =	vadd.s32 v18, v50;
	v7 =	vld.idx.msk [tilespmem:v50+s0+$0x0], $0xffff  }
0x22c: {  	v5 =	vadd.s32 v17, v49;
	v54 =	vld.idx.msk [tilespmem:v48+s3+$0x0], $0xffff  }
0x22d: {  	v8 =	vadd.s32 v17, v48;
	v9 =	vadd.s32 v18, v49;
	v51 =	vadd.s32 v18, v48;
	v48 =	vld.idx.msk [tilespmem:v48+s0+$0x0], $0xffff  }
0x22e: {  	v49 =	vld.idx.msk [tilespmem:v49+s0+$0x0], $0xffff  }
0x22f: {  	v50 =	vadd.s32 v17, v42;
	v52 =	vadd.s32 v17, v47;
	v47 =	vadd.s32 v18, v47;
	v1 =	vld.idx.msk [tilespmem:v1+s2+$0x0], $0xffff  }
0x230: {  	v42 =	vadd.s32 v18, v42;
	v53 =	vadd.s32 v17, v41;
	v41 =	vadd.s32 v18, v41;
	v3 =	vld.idx.msk [tilespmem:v3+s2+$0x0], $0xffff  }
0x231: {  	v55 =	vadd.s32 v17, v37;
	v37 =	vadd.s32 v18, v37;
	v56 =	vadd.s32 v17, v46;
	v5 =	vld.idx.msk [tilespmem:v5+s2+$0x0], $0xffff  }
0x232: {  	v57 =	vadd.s32 v17, v35;
	v35 =	vadd.s32 v18, v35;
	v46 =	vadd.s32 v18, v46;
	v9 =	vld.idx.msk [tilespmem:v9+s2+$0x0], $0xffff  }
0x233: {  	v58 =	vadd.s32 v17, v31;
	v31 =	vadd.s32 v18, v31;
	v59 =	vadd.s32 v17, v30;
	v8 =	vld.idx.msk [tilespmem:v8+s2+$0x0], $0xffff  }
0x234: {  	v30 =	vadd.s32 v18, v30;
	v60 =	vadd.s32 v17, v32;
	v32 =	vadd.s32 v18, v32;
	v47 =	vld.idx.msk [tilespmem:v47+s2+$0x0], $0xffff  }
0x235: {  	v51 =	vld.idx.msk [tilespmem:v51+s2+$0x0], $0xffff;
	v1 =	vsub.f32 v6, v1;
	v6 =	vadd.s32 v17, v34;
	v34 =	vadd.s32 v18, v34  }
0x236: {  	v52 =	vld.idx.msk [tilespmem:v52+s2+$0x0], $0xffff;
	v3 =	vsub.f32 v7, v3;
	v7 =	vadd.s32 v17, v43;
	v4 =	vsub.f32 v4, v5  }
0x237: {  	v5 =	vadd.s32 v17, v33;
	v43 =	vadd.s32 v18, v43;
	v9 =	vsub.f32 v49, v9;
	v49 =	vld.idx.msk [tilespmem:v56+s2+$0x0], $0xffff  }
0x238: {  	v33 =	vadd.s32 v18, v33;
	v8 =	vsub.f32 v54, v8;
	v54 =	vld.idx.msk [tilespmem:v46+s2+$0x0], $0xffff;
	v1 =	vmul.f32 v1, v1  }
0x239: {  	v17 =	vadd.s32 v17, v27;
	v2 =	vsub.f32 v2, v47;
	v47 =	vld.idx.msk [tilespmem:v60+s2+$0x0], $0xffff;
	v3 =	vmul.f32 v3, v3  }
0x23a: {  	v18 =	vadd.s32 v18, v27;
	v60 =	vld.idx.msk [tilespmem:v31+s2+$0x0], $0xffff;
	v4 =	vmul.f32 v4, v4;
	v1 =	vadd.f32 v1, v40  }
0x23b: {  	v56 =	vsub.f32 v48, v51;
	v9 =	vmul.f32 v9, v9;
	v3 =	vadd.f32 v3, v39;
	v7 =	vld.idx.msk [tilespmem:v7+s2+$0x0], $0xffff  }
0x23c: {  	v0 =	vsub.f32 v0, v52;
	v8 =	vmul.f32 v8, v8;
	v43 =	vld.idx.msk [tilespmem:v43+s2+$0x0], $0xffff;
	v1 =	vadd.f32 v4, v1  }
0x23d: {  	v48 =	vmul.f32 v56, v56;
	v56 =	vld.idx.msk [tilespmem:v30+s2+$0x0], $0xffff;
	v27 =	vsub.f32 v44, v49;
	v3 =	vadd.f32 v9, v3  }
0x23e: {  	v0 =	vmul.f32 v0, v0;
	v49 =	vld.idx.msk [tilespmem:v32+s2+$0x0], $0xffff;
	v51 =	vsub.f32 v45, v54;
	v1 =	vadd.f32 v8, v1  }
0x23f: {  	v2 =	vmul.f32 v2, v2;
	v17 =	vld.idx.msk [tilespmem:v17+s2+$0x0], $0xffff;
	v9 =	vsub.f32 v29, v47;
	v3 =	vadd.f32 v48, v3  }
0x240: {  	v52 =	vmul.f32 v27, v27;
	v7 =	vsub.f32 v38, v7;
	v0 =	vadd.f32 v0, v1;
	v1 =	vld.idx.msk [tilespmem:v18+s2+$0x0], $0xffff  }
0x241: {  	v54 =	vmul.f32 v51, v51;
	v4 =	vsub.f32 v36, v43;
	v2 =	vadd.f32 v2, v3;
	v3 =	vld.idx.msk [tilespmem:v59+s2+$0x0], $0xffff  }
0x242: {  	v32 =	vld.idx.msk [tilespmem:v6+s2+$0x0], $0xffff;
	v31 =	vsub.f32 v23, v56;
	v0 =	vadd.f32 v52, v0;
	v7 =	vmul.f32 v7, v7  }
0x243: {  	v8 =	vsub.f32 v28, v49;
	v59 =	vld.idx.msk [tilespmem:v58+s2+$0x0], $0xffff;
	v2 =	vadd.f32 v54, v2;
	v4 =	vmul.f32 v4, v4  }
0x244: {  	v9 =	vmul.f32 v9, v9;
	v17 =	vsub.f32 v26, v17;
	v0 =	vadd.f32 v7, v0  }
0x245: {  	v26 =	vld.idx.msk [tilespmem:v5+s2+$0x0], $0xffff;
	v28 =	vmul.f32 v8, v8;
	v2 =	vadd.f32 v4, v2;
	v1 =	vsub.f32 v25, v1  }
0x246: {  	v29 =	vld.idx.msk [tilespmem:v33+s2+$0x0], $0xffff;
	v30 =	vmul.f32 v17, v17;
	v3 =	vsub.f32 v24, v3;
	v0 =	vadd.f32 v9, v0  }
0x247: {  	v38 =	vld.idx.msk [tilespmem:v55+s2+$0x0], $0xffff;
	v5 =	vsub.f32 v16, v32;
	v2 =	vadd.f32 v28, v2;
	v1 =	vmul.f32 v1, v1  }
0x248: {  	v36 =	vld.idx.msk [tilespmem:v34+s2+$0x0], $0xffff;
	v33 =	vsub.f32 v22, v59;
	v3 =	vmul.f32 v3, v3;
	v0 =	vadd.f32 v30, v0  }
0x249: {  	v17 =	vmul.f32 v31, v31;
	v7 =	vsub.f32 v21, v60;
	v1 =	vadd.f32 v1, v2;
	v2 =	vld.idx.msk [tilespmem:v57+s2+$0x0], $0xffff  }
0x24a: {  	v39 =	vld.idx.msk [tilespmem:v37+s2+$0x0], $0xffff;
	v4 =	vsub.f32 v20, v26;
	v6 =	vmul.f32 v33, v33;
	v0 =	vadd.f32 v3, v0  }
0x24b: {  	v8 =	vsub.f32 v19, v29;
	v7 =	vmul.f32 v7, v7;
	v3 =	vld.idx.msk [tilespmem:v35+s2+$0x0], $0xffff;
	v1 =	vadd.f32 v17, v1  }
0x24c: {  	v40 =	vld.idx.msk [tilespmem:v53+s2+$0x0], $0xffff;
	v12 =	vsub.f32 v12, v38;
	v4 =	vmul.f32 v4, v4;
	v0 =	vadd.f32 v6, v0  }
0x24d: {  	v44 =	vld.idx.msk [tilespmem:v50+s2+$0x0], $0xffff;
	v8 =	vmul.f32 v8, v8;
	v9 =	vsub.f32 v15, v36;
	v1 =	vadd.f32 v7, v1  }
0x24e: {  	v43 =	vld.idx.msk [tilespmem:v41+s2+$0x0], $0xffff;
	v5 =	vmul.f32 v5, v5;
	v2 =	vsub.f32 v14, v2;
	v0 =	vadd.f32 v4, v0  }
0x24f: {  	v9 =	vmul.f32 v9, v9;
	v6 =	vsub.f32 v63, v39;
	v1 =	vadd.f32 v8, v1  }
0x250: {  	v45 =	vld.idx.msk [tilespmem:v42+s2+$0x0], $0xffff;
	v3 =	vsub.f32 v13, v3;
	v0 =	vadd.f32 v5, v0;
	v2 =	vmul.f32 v2, v2  }
0x251: {  	v7 =	vsub.f32 v11, v40;
	v1 =	vadd.f32 v9, v1  }
0x252: {  	v3 =	vmul.f32 v3, v3;
	v0 =	vadd.f32 v2, v0;
	v2 =	vmul.f32 v12, v12  }
0x253: {  	v47 =	vsub.f32 v61, v44;
	v4 =	vsub.f32 v62, v43;
	v46 =	vmul.f32 v7, v7  }
0x254: {  	v1 =	vadd.f32 v3, v1;
	v3 =	vmul.f32 v6, v6;
	v0 =	vadd.f32 v2, v0  }
0x255: {  	v48 =	vmul.f32 v47, v47;
	v2 =	vsub.f32 v10, v45  }
0x256: {  	v1 =	vadd.f32 v3, v1;
	v3 =	vmul.f32 v4, v4;
	v0 =	vadd.f32 v46, v0;
	_ =	sdelay $0x1  }
0x257: {  	v2 =	vmul.f32 v2, v2;
	v1 =	vadd.f32 v3, v1;
	v0 =	vadd.f32 v48, v0;
	_ =	sdelay $0x1  }
0x258: {  	v1 =	vadd.f32 v2, v1;
	v2 =	vmax.f32 v0, $1.000000000e-30  }
0x259: {  	v3 =	vshrl.u32 v2, $0x1;
	v49 =	vmul.f32 $5.000000000e-01, v2  }
0x25a: {  	v50 =	vmax.f32 v1, $1.000000000e-30;
	v3 =	vsub.s32 $0x5F3759DF, v3  }
0x25b: {  	v52 =	vshrl.u32 v50, $0x1;
	v53 =	vmul.f32 $5.000000000e-01, v50;
	v51 =	vmul.f32 v3, v49  }
0x25c: {  	v7 =	vsub.s32 $0x5F3759DF, v52  }
0x25d: {  	v54 =	vmul.f32 v7, v53;
	v6 =	vmul.f32 v3, v51;
	_ =	sdelay $0x1  }
0x25e: {  	v9 =	vmul.f32 v7, v54;
	v6 =	vsub.f32 $1.500000000e+00, v6;
	_ =	sdelay $0x1  }
0x25f: {  	v55 =	vsub.f32 $1.500000000e+00, v9;
	v3 =	vmul.f32 v3, v6;
	_ =	sdelay $0x1  }
0x260: {  	v6 =	vmul.f32 v7, v55;
	v56 =	vmul.f32 v3, v49;
	_ =	sdelay $0x1  }
0x261: {  	v58 =	vmul.f32 v6, v53;
	v57 =	vmul.f32 v56, v3;
	_ =	sdelay $0x1  }
0x262: {  	v9 =	vmul.f32 v58, v6;
	v7 =	vsub.f32 $1.500000000e+00, v57;
	_ =	sdelay $0x1  }
0x263: {  	v60 =	vld [tilespmem:$0x1FBD0];
	v59 =	vsub.f32 $1.500000000e+00, v9;
	v3 =	vmul.f32 v7, v3;
	_ =	sdelay $0x1  }
0x264: {  	v6 =	vmul.f32 v59, v6;
	v4 =	vmul.f32 v3, v49;
	_ =	sdelay $0x1  }
0x265: {  	v62 =	vld [tilespmem:$0x1FBE0];
	v61 =	vmul.f32 v6, v53;
	v4 =	vmul.f32 v4, v3  }
0x266: {  	(erf) = vrcp.f32 v60  }
0x267: {  	v7 =	vmul.f32 v61, v6;
	v4 =	vsub.f32 $1.500000000e+00, v4;
	_ =	sdelay $0x1  }
0x268: {  	v63 =	vsub.f32 $1.500000000e+00, v7;
	v3 =	vmul.f32 v4, v3  }
0x269: {  	(erf) = vrcp.f32 v62  }
0x26a: {  	v2 =	vmul.f32 v3, v2;
	v3 =	vmul.f32 v63, v6;
	_ =	sdelay $0x2  }
0x26b: {  	vm0 =	vgt.f32 v0, $0.0e+00  }
0x26c: {  	v0 =	vmul.f32 v3, v50;
	v2 =	vnsel vm0, $0x0, v2;
	v3 =	vpop (erf)  }
0x26d: {  	v2 =	vmul.f32 v2, v3;
	v3 =	vld [tilespmem:$0x1FBC0]  }
0x26e: {  	s31 =	sadd.s32 $0x1, s31  }
0x26f: {  	p0 =	sne.s32 s31, $0xA  }
.Ltmp5:
0x270: {  	vm15 =	vgt.f32 v1, $0.0e+00;
	(pc) =	sbr.rel @p0 .LBB2_11-.Ltmp5, $3  }
0x271: {  	v0 =	vnsel vm15, $0x0, v0;
	v1 =	vpop (erf)  }
0x272: {  	v0 =	vmul.f32 v0, v1;
	v2 =	vadd.f32 v2, v3;
	_ =	sdelay $0x1  }
0x273: {  	v0 =	vadd.f32 v0, v2  }
0x274: {  	s0 =	sadd.s32 s12, s30  }
0x275: {  	s0 =	smin.u32 s0, $0xC34  }
0x276: {  	s3 =	smul.u32 $0xA00, s0;
	_ =	sdelay $0x1  }
0x277: {  	s30 =	simm.s32 $0x0;
	s0 =	smul.u32 $0x28, s0;
	s3 =	sadd.s32 s4, s3  }
0x278: {  	[tilespmem:s17], [sflag:$0x1] =	stream.linear.gather [hbm4b:s3+s30], $0x5000, $0x38;
	[tilespmem:$0x1C580] =	vst v63  }
0x279: {  	s0 =	sadd.s32 s1, s0  }
0x27a: {  	[tilespmem:s18], [sflag:$0x1] =	stream.linear.gather [hbm4b:s0+s30], $0x140, $0x38;
	[tilespmem:$0x1C580] =	vst v63  }
0x27b: {  	_ =	swait.ge [sflag:s23], $0x5000  }
0x27c: {  	[sflag:s23] =	ssyncset.done $0x0  }
0x27d: {  	[sflag:s23] =	ssyncadd.s32 $0xFFFFB000  }
0x27e: {  	_ =	swait.ge [sflag:s23], $0x140  }
0x27f: {  	[sflag:s23] =	ssyncset.done $0x0  }
0x280: {  	p0 =	slt.u32 s29, $0xC35;
	[sflag:s23] =	ssyncadd.s32 $0xFFFFFEC0  }
.LBB2_15:
0x281: {  	s0 =	sshll.u32 s30, $0x5;
	s3 =	sshllo.u32 s30, $0x1  }
0x282: {  	v59 =	vld [tilespmem:$0x1FBF0];
	s0 =	sand.u32 $0x3FFFFFE0, s0;
	s5 =	sshll.u32 s3, $0x4  }
0x283: {  	v57 =	vld [tilespmem:s0+$0x1BF80];
	s24 =	sand.u32 $0x3FFFFFF0, s5  }
0x284: {  	s0 =	simm.s32 $0x0;
	v1 =	vld [tilespmem:s24+$0x1BF80]  }
0x285: {  	v42 =	vld [tilespmem:s0+$0x1C270]  }
0x286: {  	v41 =	vld [tilespmem:s0+$0x1C260]  }
0x287: {  	v38 =	vld [tilespmem:s0+$0x1C250]  }
0x288: {  	v35 =	vld [tilespmem:s0+$0x1C240]  }
0x289: {  	v34 =	vld [tilespmem:s0+$0x1C230]  }
0x28a: {  	v33 =	vld [tilespmem:s0+$0x1C220]  }
0x28b: {  	v31 =	vld [tilespmem:s0+$0x1C210]  }
0x28c: {  	v30 =	vld [tilespmem:s0+$0x1C200]  }
0x28d: {  	v27 =	vld [tilespmem:s0+$0x1C1F0]  }
0x28e: {  	v32 =	vld [tilespmem:s0+$0x1C1E0]  }
0x28f: {  	v43 =	vld [tilespmem:s0+$0x1C1D0]  }
0x290: {  	v46 =	vld [tilespmem:s0+$0x1C1C0]  }
0x291: {  	v47 =	vld [tilespmem:s0+$0x1C1B0]  }
0x292: {  	s29 =	sshll.u32 s30, $0xB;
	v48 =	vld [tilespmem:s0+$0x1C1A0]  }
0x293: {  	s5 =	sand.u32 $0x3FFFF800, s29;
	s24 =	sshll.u32 s3, $0xA;
	v49 =	vld [tilespmem:s0+$0x1C190]  }
0x294: {  	s3 =	sadd.s32 $0x16E00, s5;
	v50 =	vld [tilespmem:s0+$0x1C180];
	s31 =	sand.u32 $0x3FFFFC00, s24  }
0x295: {  	s0 =	sadd.s32 $0x16E00, s31;
	v61 =	vld.idx.msk [tilespmem:v42+s3+$0x0], $0xffff  }
0x296: {  	v10 =	vld.idx.msk [tilespmem:v42+s0+$0x0], $0xffff  }
0x297: {  	v62 =	vld.idx.msk [tilespmem:v41+s3+$0x0], $0xffff  }
0x298: {  	v11 =	vld.idx.msk [tilespmem:v41+s0+$0x0], $0xffff  }
0x299: {  	v12 =	vld.idx.msk [tilespmem:v38+s3+$0x0], $0xffff  }
0x29a: {  	v14 =	vld.idx.msk [tilespmem:v38+s0+$0x0], $0xffff  }
0x29b: {  	v13 =	vld.idx.msk [tilespmem:v35+s3+$0x0], $0xffff  }
0x29c: {  	v63 =	vld.idx.msk [tilespmem:v35+s0+$0x0], $0xffff  }
0x29d: {  	v16 =	vld.idx.msk [tilespmem:v34+s3+$0x0], $0xffff  }
0x29e: {  	[tilespmem:$0x1FBC0] =	vst v0;
	v0 =	vtrunc.f32 v57;
	v15 =	vld.idx.msk [tilespmem:v34+s0+$0x0], $0xffff  }
0x29f: {  	v0 =	vcvt.f32.s32 v0;
	v1 =	vtrunc.f32 v1;
	v20 =	vld.idx.msk [tilespmem:v33+s3+$0x0], $0xffff  }
0x2a0: {  	v1 =	vcvt.f32.s32 v1;
	v19 =	vld.idx.msk [tilespmem:v33+s0+$0x0], $0xffff  }
0x2a1: {  	vm0 =	vgt.s32 v0, $0x0;
	v22 =	vld.idx.msk [tilespmem:v31+s3+$0x0], $0xffff  }
0x2a2: {  	v0 =	vnsel vm0, $0x0, v0;
	vm15 =	vgt.s32 v1, $0x0;
	v21 =	vld.idx.msk [tilespmem:v31+s0+$0x0], $0xffff  }
0x2a3: {  	v24 =	vld.idx.msk [tilespmem:v30+s3+$0x0], $0xffff;
	v0 =	vmin.u32 v0, $0x3E7;
	v1 =	vnsel vm15, $0x0, v1  }
0x2a4: {  	v23 =	vld.idx.msk [tilespmem:v30+s0+$0x0], $0xffff;
	v1 =	vmin.u32 v1, $0x3E7  }
0x2a5: {  	v26 =	vld.idx.msk [tilespmem:v27+s3+$0x0], $0xffff  }
0x2a6: {  	v25 =	vld.idx.msk [tilespmem:v27+s0+$0x0], $0xffff  }
0x2a7: {  	v29 =	vld.idx.msk [tilespmem:v32+s3+$0x0], $0xffff  }
0x2a8: {  	v2 =	vld.idx.msk [tilespmem:v0+s22+$0x0], $0xffff  }
0x2a9: {  	v58 =	vld.idx.msk [tilespmem:v1+s22+$0x0], $0xffff  }
0x2aa: {  	v28 =	vld.idx.msk [tilespmem:v32+s0+$0x0], $0xffff  }
0x2ab: {  	v37 =	vld.idx.msk [tilespmem:v43+s3+$0x0], $0xffff  }
0x2ac: {  	v36 =	vld.idx.msk [tilespmem:v43+s0+$0x0], $0xffff  }
0x2ad: {  	v40 =	vimm.f32 $0.0e+00;
	v44 =	vld.idx.msk [tilespmem:v46+s3+$0x0], $0xffff;
	v60 =	vshll.u32 v1, $0x6;
	v0 =	vshll.u32 v0, $0x6;
	[tilespmem:$0x1FB70] =	vst v2  }
0x2ae: {  	v39 =	vimm.f32 $0.0e+00;
	s24 =	simm.s32 $0x400;
	v45 =	vld.idx.msk [tilespmem:v46+s0+$0x0], $0xffff;
	v18 =	vadd.s32 v59, v60;
	v17 =	vadd.s32 v59, v0;
	[tilespmem:$0x1FB80] =	vst v58  }
.LBB2_16:
0x2af: {  	v0 =	vld.idx.msk [tilespmem:v47+s3+$0x0], $0xffff  }
0x2b0: {  	v1 =	vld.idx.msk [tilespmem:v47+s0+$0x0], $0xffff  }
0x2b1: {  	v2 =	vld.idx.msk [tilespmem:v48+s3+$0x0], $0xffff  }
0x2b2: {  	v5 =	vadd.s32 v17, v43;
	v4 =	vld.idx.msk [tilespmem:v48+s0+$0x0], $0xffff  }
0x2b3: {  	v8 =	vadd.s32 v17, v32;
	v52 =	vld.idx.msk [tilespmem:v49+s3+$0x0], $0xffff  }
0x2b4: {  	v32 =	vadd.s32 v18, v32;
	v54 =	vld.idx.msk [tilespmem:v49+s0+$0x0], $0xffff  }
0x2b5: {  	v9 =	vadd.s32 v17, v30;
	v55 =	vld.idx.msk [tilespmem:v50+s3+$0x0], $0xffff  }
0x2b6: {  	v30 =	vadd.s32 v18, v30;
	v51 =	vadd.s32 v17, v50;
	v53 =	vadd.s32 v18, v50;
	v50 =	vld.idx.msk [tilespmem:v50+s0+$0x0], $0xffff  }
0x2b7: {  	v3 =	vadd.s32 v17, v48;
	v5 =	vld.idx.msk [tilespmem:v5+s2+$0x0], $0xffff  }
0x2b8: {  	v8 =	vld.idx.msk [tilespmem:v8+s2+$0x0], $0xffff  }
0x2b9: {  	v32 =	vld.idx.msk [tilespmem:v32+s2+$0x0], $0xffff  }
0x2ba: {  	v56 =	vadd.s32 v17, v49;
	v9 =	vld.idx.msk [tilespmem:v9+s2+$0x0], $0xffff  }
0x2bb: {  	v57 =	vadd.s32 v18, v49;
	v30 =	vld.idx.msk [tilespmem:v30+s2+$0x0], $0xffff  }
0x2bc: {  	v59 =	vadd.s32 v17, v47;
	v3 =	vld.idx.msk [tilespmem:v3+s2+$0x0], $0xffff  }
0x2bd: {  	v58 =	vadd.s32 v18, v48;
	v51 =	vld.idx.msk [tilespmem:v51+s2+$0x0], $0xffff  }
0x2be: {  	v47 =	vadd.s32 v18, v47;
	v53 =	vld.idx.msk [tilespmem:v53+s2+$0x0], $0xffff  }
0x2bf: {  	[tilespmem:$0x1FB50] =	vst v61;
	v61 =	vadd.s32 v17, v46;
	v46 =	vadd.s32 v18, v46;
	v56 =	vld.idx.msk [tilespmem:v56+s2+$0x0], $0xffff  }
0x2c0: {  	v57 =	vld.idx.msk [tilespmem:v57+s2+$0x0], $0xffff  }
0x2c1: {  	v43 =	vadd.s32 v18, v43;
	v59 =	vld.idx.msk [tilespmem:v59+s2+$0x0], $0xffff  }
0x2c2: {  	v7 =	vadd.s32 v17, v31;
	v31 =	vadd.s32 v18, v31;
	v58 =	vld.idx.msk [tilespmem:v58+s2+$0x0], $0xffff  }
0x2c3: {  	v6 =	vadd.s32 v17, v33;
	v47 =	vld.idx.msk [tilespmem:v47+s2+$0x0], $0xffff  }
0x2c4: {  	v60 =	vadd.s32 v17, v38;
	v46 =	vld.idx.msk [tilespmem:v46+s2+$0x0], $0xffff  }
0x2c5: {  	v50 =	vsub.f32 v50, v53;
	v53 =	vld.idx.msk [tilespmem:v61+s2+$0x0], $0xffff  }
0x2c6: {  	v61 =	vld.idx.msk [tilespmem:v43+s2+$0x0], $0xffff;
	v0 =	vsub.f32 v0, v59  }
0x2c7: {  	v59 =	vsub.f32 v29, v8;
	v8 =	vsub.f32 v28, v32;
	v28 =	vld.idx.msk [tilespmem:v31+s2+$0x0], $0xffff  }
0x2c8: {  	v48 =	vadd.s32 v17, v42;
	v32 =	vld.idx.msk [tilespmem:v6+s2+$0x0], $0xffff  }
0x2c9: {  	v45 =	vsub.f32 v45, v46;
	v46 =	vld.idx.msk [tilespmem:v60+s2+$0x0], $0xffff  }
0x2ca: {  	s5 =	sshra.s32 s24, $0x2;
	v51 =	vsub.f32 v55, v51;
	v55 =	vadd.s32 v17, v27;
	v58 =	vsub.f32 v4, v58;
	v60 =	vld [tilespmem:$0x1FB50]  }
0x2cb: {  	v27 =	vadd.s32 v18, v27;
	v31 =	vld [tilespmem:s5+$0x1C210];
	v50 =	vmul.f32 v50, v50  }
0x2cc: {  	[tilespmem:$0x1FB40] =	vst v11;
	v11 =	vmov v62;
	v2 =	vsub.f32 v2, v3;
	v3 =	vmul.f32 v58, v58;
	v58 =	vld.idx.msk [tilespmem:v7+s2+$0x0], $0xffff  }
0x2cd: {  	v62 =	vadd.s32 v17, v35;
	v52 =	vsub.f32 v52, v56;
	v39 =	vadd.f32 v50, v39;
	v50 =	vld.idx.msk [tilespmem:v48+s2+$0x0], $0xffff  }
0x2ce: {  	[tilespmem:$0x1FB60] =	vst v10;
	v10 =	vmov v63;
	v54 =	vsub.f32 v54, v57;
	v51 =	vmul.f32 v51, v51;
	v48 =	vld [tilespmem:s5+$0x1C1A0]  }
0x2cf: {  	v63 =	vadd.s32 v17, v34;
	v34 =	vadd.s32 v18, v34;
	v52 =	vmul.f32 v52, v52;
	v55 =	vld.idx.msk [tilespmem:v55+s2+$0x0], $0xffff  }
0x2d0: {  	v54 =	vmul.f32 v54, v54;
	v40 =	vadd.f32 v51, v40;
	v44 =	vsub.f32 v44, v53;
	v27 =	vld.idx.msk [tilespmem:v27+s2+$0x0], $0xffff  }
0x2d1: {  	v2 =	vmul.f32 v2, v2;
	v4 =	vsub.f32 v36, v61;
	v53 =	vsub.f32 v12, v46;
	v46 =	vld [tilespmem:s5+$0x1C1C0]  }
0x2d2: {  	v40 =	vadd.f32 v52, v40;
	v39 =	vadd.f32 v54, v39;
	v56 =	vmul.f32 v44, v44;
	v44 =	vld.idx.msk [tilespmem:v62+s2+$0x0], $0xffff  }
0x2d3: {  	v33 =	vadd.s32 v18, v33;
	v61 =	vmul.f32 v4, v4;
	v4 =	vsub.f32 v20, v32;
	v32 =	vld [tilespmem:s5+$0x1C1E0]  }
0x2d4: {  	v35 =	vadd.s32 v18, v35;
	v2 =	vadd.f32 v2, v40;
	v3 =	vadd.f32 v3, v39;
	v40 =	vld.idx.msk [tilespmem:v63+s2+$0x0], $0xffff  }
0x2d5: {  	v39 =	vmul.f32 v8, v8;
	v8 =	vsub.f32 v24, v9;
	v9 =	vsub.f32 v23, v30;
	v23 =	vld.idx.msk [tilespmem:v34+s2+$0x0], $0xffff  }
0x2d6: {  	v1 =	vsub.f32 v1, v47;
	v21 =	vsub.f32 v21, v28;
	v34 =	vld [tilespmem:s5+$0x1C230]  }
0x2d7: {  	v30 =	vld [tilespmem:s5+$0x1C200]  }
0x2d8: {  	v1 =	vmul.f32 v1, v1;
	v47 =	vmul.f32 v21, v21;
	v21 =	vld.idx.msk [tilespmem:v31+s0+$0x0], $0xffff  }
0x2d9: {  	v42 =	vadd.s32 v18, v42;
	v5 =	vsub.f32 v37, v5;
	v37 =	vsub.f32 v26, v55;
	v26 =	vld.idx.msk [tilespmem:v33+s2+$0x0], $0xffff  }
0x2da: {  	v1 =	vadd.f32 v1, v3;
	v3 =	vsub.f32 v22, v58;
	v22 =	vld.idx.msk [tilespmem:v35+s2+$0x0], $0xffff  }
0x2db: {  	v0 =	vmul.f32 v0, v0;
	v35 =	vld [tilespmem:s5+$0x1C240]  }
0x2dc: {  	v49 =	vadd.s32 v17, v41;
	v41 =	vadd.s32 v18, v41;
	v33 =	vld [tilespmem:s5+$0x1C220]  }
0x2dd: {  	v0 =	vadd.f32 v0, v2;
	v25 =	vsub.f32 v25, v27;
	v27 =	vld [tilespmem:s5+$0x1C1F0]  }
0x2de: {  	v57 =	vmul.f32 v45, v45;
	v6 =	vsub.f32 v13, v44;
	v13 =	vld.idx.msk [tilespmem:v42+s2+$0x0], $0xffff  }
0x2df: {  	v38 =	vadd.s32 v18, v38;
	v5 =	vmul.f32 v5, v5;
	v0 =	vadd.f32 v56, v0;
	v42 =	vld [tilespmem:s5+$0x1C270]  }
0x2e0: {  	v1 =	vadd.f32 v57, v1;
	v44 =	vld.idx.msk [tilespmem:v46+s3+$0x0], $0xffff  }
0x2e1: {  	v0 =	vadd.f32 v5, v0;
	v5 =	vsub.f32 v16, v40;
	v16 =	vld.idx.msk [tilespmem:v41+s2+$0x0], $0xffff  }
0x2e2: {  	v41 =	vld [tilespmem:s5+$0x1C260]  }
0x2e3: {  	v1 =	vadd.f32 v61, v1;
	v61 =	vld [tilespmem:$0x1FB60]  }
0x2e4: {  	v45 =	vmul.f32 v9, v9;
	v9 =	vsub.f32 v19, v26;
	v19 =	vld.idx.msk [tilespmem:v38+s2+$0x0], $0xffff  }
0x2e5: {  	v38 =	vld [tilespmem:s5+$0x1C250]  }
0x2e6: {  	v15 =	vsub.f32 v15, v23;
	v29 =	vld.idx.msk [tilespmem:v32+s3+$0x0], $0xffff  }
0x2e7: {  	v28 =	vld.idx.msk [tilespmem:v32+s0+$0x0], $0xffff  }
0x2e8: {  	v51 =	vmul.f32 v15, v15;
	v15 =	vld.idx.msk [tilespmem:v34+s0+$0x0], $0xffff  }
0x2e9: {  	v43 =	vmul.f32 v25, v25;
	v1 =	vadd.f32 v39, v1;
	v24 =	vld.idx.msk [tilespmem:v30+s3+$0x0], $0xffff  }
0x2ea: {  	v36 =	vmul.f32 v59, v59;
	v23 =	vld.idx.msk [tilespmem:v30+s0+$0x0], $0xffff  }
0x2eb: {  	v1 =	vadd.f32 v43, v1;
	v43 =	vld [tilespmem:s5+$0x1C1D0]  }
0x2ec: {  	v7 =	vmul.f32 v37, v37;
	v0 =	vadd.f32 v36, v0;
	v20 =	vld.idx.msk [tilespmem:v33+s3+$0x0], $0xffff  }
0x2ed: {  	v26 =	vld.idx.msk [tilespmem:v27+s3+$0x0], $0xffff  }
0x2ee: {  	v8 =	vmul.f32 v8, v8;
	v0 =	vadd.f32 v7, v0;
	v25 =	vld.idx.msk [tilespmem:v27+s0+$0x0], $0xffff  }
0x2ef: {  	v52 =	vmul.f32 v6, v6;
	v6 =	vsub.f32 v61, v13;
	v13 =	vld.idx.msk [tilespmem:v35+s3+$0x0], $0xffff  }
0x2f0: {  	v0 =	vadd.f32 v8, v0;
	v8 =	vld.idx.msk [tilespmem:v49+s2+$0x0], $0xffff  }
0x2f1: {  	v61 =	vld.idx.msk [tilespmem:v42+s3+$0x0], $0xffff  }
0x2f2: {  	v3 =	vmul.f32 v3, v3;
	v49 =	vmul.f32 v9, v9;
	v9 =	vsub.f32 v10, v22;
	v10 =	vld.idx.msk [tilespmem:v42+s0+$0x0], $0xffff  }
0x2f3: {  	v1 =	vadd.f32 v45, v1;
	v54 =	vsub.f32 v14, v19;
	v19 =	vld.idx.msk [tilespmem:v33+s0+$0x0], $0xffff  }
0x2f4: {  	v4 =	vmul.f32 v4, v4;
	v22 =	vld.idx.msk [tilespmem:v31+s3+$0x0], $0xffff;
	v0 =	vadd.f32 v3, v0  }
0x2f5: {  	v45 =	vld.idx.msk [tilespmem:v46+s0+$0x0], $0xffff;
	v1 =	vadd.f32 v47, v1  }
0x2f6: {  	v5 =	vmul.f32 v5, v5;
	v0 =	vadd.f32 v4, v0;
	v57 =	vsub.f32 v11, v8;
	v8 =	vld [tilespmem:$0x1FB40]  }
0x2f7: {  	v47 =	vld [tilespmem:s5+$0x1C1B0];
	v1 =	vadd.f32 v49, v1  }
0x2f8: {  	v3 =	vsub.f32 v60, v50;
	v50 =	vld [tilespmem:s5+$0x1C180];
	v0 =	vadd.f32 v5, v0  }
0x2f9: {  	v55 =	vmul.f32 v9, v9;
	v12 =	vld.idx.msk [tilespmem:v38+s3+$0x0], $0xffff;
	v1 =	vadd.f32 v51, v1  }
0x2fa: {  	v56 =	vmul.f32 v53, v53;
	v14 =	vld.idx.msk [tilespmem:v38+s0+$0x0], $0xffff;
	v0 =	vadd.f32 v52, v0  }
0x2fb: {  	v58 =	vmul.f32 v54, v54;
	v49 =	vld [tilespmem:s5+$0x1C190];
	v1 =	vadd.f32 v55, v1;
	v8 =	vsub.f32 v8, v16  }
0x2fc: {  	p1 =	sne.s32 s24, $0xC00;
	v11 =	vld.idx.msk [tilespmem:v41+s0+$0x0], $0xffff;
	v59 =	vmul.f32 v57, v57  }
.Ltmp6:
0x2fd: {  	v37 =	vld.idx.msk [tilespmem:v43+s3+$0x0], $0xffff;
	v0 =	vadd.f32 v56, v0;
	v1 =	vadd.f32 v58, v1;
	v62 =	vmul.f32 v8, v8;
	(pc) =	sbr.rel @p1 .LBB2_16-.Ltmp6, $4  }
0x2fe: {  	v63 =	vmul.f32 v6, v6;
	v36 =	vld.idx.msk [tilespmem:v43+s0+$0x0], $0xffff  }
0x2ff: {  	v3 =	vmul.f32 v3, v3;
	v16 =	vld.idx.msk [tilespmem:v34+s3+$0x0], $0xffff;
	v0 =	vadd.f32 v59, v0;
	v1 =	vadd.f32 v62, v1  }
0x300: {  	v62 =	vld.idx.msk [tilespmem:v41+s3+$0x0], $0xffff  }
0x301: {  	s24 =	sadd.s32 $0x400, s24;
	v40 =	vadd.f32 v3, v0;
	v39 =	vadd.f32 v63, v1;
	v63 =	vld.idx.msk [tilespmem:v35+s0+$0x0], $0xffff  }
0x302: {  	_ =	sdelay $0x3  }
0x303: {  	v0 =	vld.idx.msk [tilespmem:v47+s3+$0x0], $0xffff  }
0x304: {  	v2 =	vld.idx.msk [tilespmem:v47+s0+$0x0], $0xffff  }
0x305: {  	v4 =	vld.idx.msk [tilespmem:v49+s3+$0x0], $0xffff  }
0x306: {  	v1 =	vadd.s32 v17, v50;
	v6 =	vld.idx.msk [tilespmem:v50+s3+$0x0], $0xffff  }
0x307: {  	v3 =	vadd.s32 v18, v50;
	v7 =	vld.idx.msk [tilespmem:v50+s0+$0x0], $0xffff  }
0x308: {  	v5 =	vadd.s32 v17, v49;
	v54 =	vld.idx.msk [tilespmem:v48+s3+$0x0], $0xffff  }
0x309: {  	v8 =	vadd.s32 v17, v48;
	v9 =	vadd.s32 v18, v49;
	v51 =	vadd.s32 v18, v48;
	v48 =	vld.idx.msk [tilespmem:v48+s0+$0x0], $0xffff  }
0x30a: {  	v49 =	vld.idx.msk [tilespmem:v49+s0+$0x0], $0xffff  }
0x30b: {  	v50 =	vadd.s32 v17, v42;
	v52 =	vadd.s32 v17, v47;
	v47 =	vadd.s32 v18, v47;
	v1 =	vld.idx.msk [tilespmem:v1+s2+$0x0], $0xffff  }
0x30c: {  	v42 =	vadd.s32 v18, v42;
	v53 =	vadd.s32 v17, v41;
	v41 =	vadd.s32 v18, v41;
	v3 =	vld.idx.msk [tilespmem:v3+s2+$0x0], $0xffff  }
0x30d: {  	v55 =	vadd.s32 v17, v38;
	v38 =	vadd.s32 v18, v38;
	v56 =	vadd.s32 v17, v46;
	v5 =	vld.idx.msk [tilespmem:v5+s2+$0x0], $0xffff  }
0x30e: {  	v57 =	vadd.s32 v17, v35;
	v35 =	vadd.s32 v18, v35;
	v46 =	vadd.s32 v18, v46;
	v9 =	vld.idx.msk [tilespmem:v9+s2+$0x0], $0xffff  }
0x30f: {  	v58 =	vadd.s32 v17, v31;
	v31 =	vadd.s32 v18, v31;
	v59 =	vadd.s32 v17, v30;
	v8 =	vld.idx.msk [tilespmem:v8+s2+$0x0], $0xffff  }
0x310: {  	v30 =	vadd.s32 v18, v30;
	v60 =	vadd.s32 v17, v32;
	v32 =	vadd.s32 v18, v32;
	v47 =	vld.idx.msk [tilespmem:v47+s2+$0x0], $0xffff  }
0x311: {  	v51 =	vld.idx.msk [tilespmem:v51+s2+$0x0], $0xffff;
	v1 =	vsub.f32 v6, v1;
	v6 =	vadd.s32 v17, v34;
	v34 =	vadd.s32 v18, v34  }
0x312: {  	v52 =	vld.idx.msk [tilespmem:v52+s2+$0x0], $0xffff;
	v3 =	vsub.f32 v7, v3;
	v7 =	vadd.s32 v17, v43;
	v4 =	vsub.f32 v4, v5  }
0x313: {  	v5 =	vadd.s32 v17, v33;
	v43 =	vadd.s32 v18, v43;
	v9 =	vsub.f32 v49, v9;
	v49 =	vld.idx.msk [tilespmem:v56+s2+$0x0], $0xffff  }
0x314: {  	v33 =	vadd.s32 v18, v33;
	v8 =	vsub.f32 v54, v8;
	v54 =	vld.idx.msk [tilespmem:v46+s2+$0x0], $0xffff;
	v1 =	vmul.f32 v1, v1  }
0x315: {  	v17 =	vadd.s32 v17, v27;
	v2 =	vsub.f32 v2, v47;
	v47 =	vld.idx.msk [tilespmem:v60+s2+$0x0], $0xffff;
	v3 =	vmul.f32 v3, v3  }
0x316: {  	v18 =	vadd.s32 v18, v27;
	v60 =	vld.idx.msk [tilespmem:v31+s2+$0x0], $0xffff;
	v4 =	vmul.f32 v4, v4;
	v1 =	vadd.f32 v1, v40  }
0x317: {  	v56 =	vsub.f32 v48, v51;
	v9 =	vmul.f32 v9, v9;
	v3 =	vadd.f32 v3, v39;
	v7 =	vld.idx.msk [tilespmem:v7+s2+$0x0], $0xffff  }
0x318: {  	v0 =	vsub.f32 v0, v52;
	v8 =	vmul.f32 v8, v8;
	v43 =	vld.idx.msk [tilespmem:v43+s2+$0x0], $0xffff;
	v1 =	vadd.f32 v4, v1  }
0x319: {  	v48 =	vmul.f32 v56, v56;
	v56 =	vld.idx.msk [tilespmem:v30+s2+$0x0], $0xffff;
	v27 =	vsub.f32 v44, v49;
	v3 =	vadd.f32 v9, v3  }
0x31a: {  	v0 =	vmul.f32 v0, v0;
	v49 =	vld.idx.msk [tilespmem:v32+s2+$0x0], $0xffff;
	v51 =	vsub.f32 v45, v54;
	v1 =	vadd.f32 v8, v1  }
0x31b: {  	v2 =	vmul.f32 v2, v2;
	v17 =	vld.idx.msk [tilespmem:v17+s2+$0x0], $0xffff;
	v9 =	vsub.f32 v29, v47;
	v3 =	vadd.f32 v48, v3  }
0x31c: {  	v52 =	vmul.f32 v27, v27;
	v7 =	vsub.f32 v37, v7;
	v0 =	vadd.f32 v0, v1;
	v1 =	vld.idx.msk [tilespmem:v18+s2+$0x0], $0xffff  }
0x31d: {  	v54 =	vmul.f32 v51, v51;
	v4 =	vsub.f32 v36, v43;
	v2 =	vadd.f32 v2, v3;
	v3 =	vld.idx.msk [tilespmem:v59+s2+$0x0], $0xffff  }
0x31e: {  	v32 =	vld.idx.msk [tilespmem:v6+s2+$0x0], $0xffff;
	v31 =	vsub.f32 v23, v56;
	v0 =	vadd.f32 v52, v0;
	v7 =	vmul.f32 v7, v7  }
0x31f: {  	v8 =	vsub.f32 v28, v49;
	v59 =	vld.idx.msk [tilespmem:v58+s2+$0x0], $0xffff;
	v2 =	vadd.f32 v54, v2;
	v4 =	vmul.f32 v4, v4  }
0x320: {  	v9 =	vmul.f32 v9, v9;
	v17 =	vsub.f32 v26, v17;
	v0 =	vadd.f32 v7, v0  }
0x321: {  	v26 =	vld.idx.msk [tilespmem:v5+s2+$0x0], $0xffff;
	v28 =	vmul.f32 v8, v8;
	v2 =	vadd.f32 v4, v2;
	v1 =	vsub.f32 v25, v1  }
0x322: {  	v29 =	vld.idx.msk [tilespmem:v33+s2+$0x0], $0xffff;
	v30 =	vmul.f32 v17, v17;
	v3 =	vsub.f32 v24, v3;
	v0 =	vadd.f32 v9, v0  }
0x323: {  	v37 =	vld.idx.msk [tilespmem:v55+s2+$0x0], $0xffff;
	v5 =	vsub.f32 v16, v32;
	v2 =	vadd.f32 v28, v2;
	v1 =	vmul.f32 v1, v1  }
0x324: {  	v36 =	vld.idx.msk [tilespmem:v34+s2+$0x0], $0xffff;
	v33 =	vsub.f32 v22, v59;
	v3 =	vmul.f32 v3, v3;
	v0 =	vadd.f32 v30, v0  }
0x325: {  	v17 =	vmul.f32 v31, v31;
	v7 =	vsub.f32 v21, v60;
	v1 =	vadd.f32 v1, v2;
	v2 =	vld.idx.msk [tilespmem:v57+s2+$0x0], $0xffff  }
0x326: {  	v39 =	vld.idx.msk [tilespmem:v38+s2+$0x0], $0xffff;
	v4 =	vsub.f32 v20, v26;
	v6 =	vmul.f32 v33, v33;
	v0 =	vadd.f32 v3, v0  }
0x327: {  	v8 =	vsub.f32 v19, v29;
	v7 =	vmul.f32 v7, v7;
	v3 =	vld.idx.msk [tilespmem:v35+s2+$0x0], $0xffff;
	v1 =	vadd.f32 v17, v1  }
0x328: {  	v40 =	vld.idx.msk [tilespmem:v53+s2+$0x0], $0xffff;
	v12 =	vsub.f32 v12, v37;
	v4 =	vmul.f32 v4, v4;
	v0 =	vadd.f32 v6, v0  }
0x329: {  	v44 =	vld.idx.msk [tilespmem:v50+s2+$0x0], $0xffff;
	v8 =	vmul.f32 v8, v8;
	v9 =	vsub.f32 v15, v36;
	v1 =	vadd.f32 v7, v1  }
0x32a: {  	v43 =	vld.idx.msk [tilespmem:v41+s2+$0x0], $0xffff;
	v5 =	vmul.f32 v5, v5;
	v2 =	vsub.f32 v13, v2;
	v0 =	vadd.f32 v4, v0  }
0x32b: {  	v9 =	vmul.f32 v9, v9;
	v6 =	vsub.f32 v14, v39;
	v1 =	vadd.f32 v8, v1  }
0x32c: {  	v45 =	vld.idx.msk [tilespmem:v42+s2+$0x0], $0xffff;
	v3 =	vsub.f32 v63, v3;
	v0 =	vadd.f32 v5, v0;
	v2 =	vmul.f32 v2, v2  }
0x32d: {  	v7 =	vsub.f32 v62, v40;
	v1 =	vadd.f32 v9, v1  }
0x32e: {  	v3 =	vmul.f32 v3, v3;
	v0 =	vadd.f32 v2, v0;
	v2 =	vmul.f32 v12, v12  }
0x32f: {  	v47 =	vsub.f32 v61, v44;
	v4 =	vsub.f32 v11, v43;
	v46 =	vmul.f32 v7, v7  }
0x330: {  	v1 =	vadd.f32 v3, v1;
	v3 =	vmul.f32 v6, v6;
	v0 =	vadd.f32 v2, v0  }
0x331: {  	v48 =	vmul.f32 v47, v47;
	v2 =	vsub.f32 v10, v45  }
0x332: {  	v1 =	vadd.f32 v3, v1;
	v3 =	vmul.f32 v4, v4;
	v0 =	vadd.f32 v46, v0;
	_ =	sdelay $0x1  }
0x333: {  	v2 =	vmul.f32 v2, v2;
	v1 =	vadd.f32 v3, v1;
	v0 =	vadd.f32 v48, v0;
	_ =	sdelay $0x1  }
0x334: {  	v1 =	vadd.f32 v2, v1;
	v2 =	vmax.f32 v0, $1.000000000e-30  }
0x335: {  	v3 =	vshrl.u32 v2, $0x1;
	v49 =	vmul.f32 $5.000000000e-01, v2  }
0x336: {  	v50 =	vmax.f32 v1, $1.000000000e-30;
	v3 =	vsub.s32 $0x5F3759DF, v3  }
0x337: {  	v52 =	vshrl.u32 v50, $0x1;
	v53 =	vmul.f32 $5.000000000e-01, v50;
	v51 =	vmul.f32 v3, v49  }
0x338: {  	v7 =	vsub.s32 $0x5F3759DF, v52  }
0x339: {  	v54 =	vmul.f32 v7, v53;
	v6 =	vmul.f32 v3, v51;
	_ =	sdelay $0x1  }
0x33a: {  	v9 =	vmul.f32 v7, v54;
	v6 =	vsub.f32 $1.500000000e+00, v6;
	_ =	sdelay $0x1  }
0x33b: {  	v55 =	vsub.f32 $1.500000000e+00, v9;
	v3 =	vmul.f32 v3, v6;
	_ =	sdelay $0x1  }
0x33c: {  	v6 =	vmul.f32 v7, v55;
	v56 =	vmul.f32 v3, v49;
	_ =	sdelay $0x1  }
0x33d: {  	v58 =	vmul.f32 v6, v53;
	v57 =	vmul.f32 v56, v3;
	_ =	sdelay $0x1  }
0x33e: {  	v9 =	vmul.f32 v58, v6;
	v7 =	vsub.f32 $1.500000000e+00, v57;
	_ =	sdelay $0x1  }
0x33f: {  	v60 =	vld [tilespmem:$0x1FB70];
	v59 =	vsub.f32 $1.500000000e+00, v9;
	v3 =	vmul.f32 v7, v3;
	_ =	sdelay $0x1  }
0x340: {  	v62 =	vld [tilespmem:$0x1FB80];
	v6 =	vmul.f32 v59, v6;
	v4 =	vmul.f32 v3, v49;
	_ =	sdelay $0x1  }
0x341: {  	v61 =	vmul.f32 v6, v53;
	v4 =	vmul.f32 v4, v3  }
0x342: {  	(erf) = vrcp.f32 v60  }
0x343: {  	v7 =	vmul.f32 v61, v6;
	v4 =	vsub.f32 $1.500000000e+00, v4  }
0x344: {  	(erf) = vrcp.f32 v62  }
0x345: {  	v63 =	vsub.f32 $1.500000000e+00, v7;
	v3 =	vmul.f32 v4, v3;
	_ =	sdelay $0x1  }
0x346: {  	v2 =	vmul.f32 v3, v2;
	v3 =	vmul.f32 v63, v6;
	_ =	sdelay $0x2  }
0x347: {  	vm0 =	vgt.f32 v0, $0.0e+00  }
0x348: {  	v0 =	vmul.f32 v3, v50;
	v2 =	vnsel vm0, $0x0, v2;
	v3 =	vpop (erf)  }
0x349: {  	vm15 =	vgt.f32 v1, $0.0e+00;
	v2 =	vmul.f32 v2, v3  }
0x34a: {  	v0 =	vnsel vm15, $0x0, v0;
	v1 =	vpop (erf)  }
0x34b: {  	v0 =	vmul.f32 v0, v1;
	v1 =	vpsel !p0, $0x0, v2;
	v2 =	vld [tilespmem:$0x1FBC0]  }
0x34c: {  	s30 =	sadd.s32 $0x1, s30  }
0x34d: {  	p1 =	sne.s32 s30, $0xA  }
.Ltmp7:
0x34e: {  	_ = 	snop;
	(pc) =	sbr.rel @p1 .LBB2_15-.Ltmp7, $4  }
0x34f: {  	_ = 	snop  }
0x350: {  	v1 =	vadd.f32 v1, v2  }
0x351: {  	v0 =	vpsel !p0, $0x0, v0  }
0x352: {  	v0 =	vadd.f32 v0, v1  }
0x353: {  	s28 =	sadd.s32 $0x1, s28  }
0x354: {  	p0 =	sne.s32 s28, $0x31  }
.Ltmp8:
0x355: {  	_ = 	snop;
	(pc) =	sbr.rel @p0 .LBB2_10-.Ltmp8, $1  }
0x356: {  	_ =	sdelay $0x3  }
0x357: {  	_ =	swait.ge [sflag:s21], $0x5000  }
0x358: {  	[sflag:s21] =	ssyncset.done $0x0  }
0x359: {  	[sflag:s21] =	ssyncadd.s32 $0xFFFFB000  }
0x35a: {  	_ =	swait.ge [sflag:s21], $0x140  }
0x35b: {  	s25 =	sadd.s32 $0x1, s25;
	[sflag:s21] =	ssyncset.done $0x0  }
0x35c: {  	p0 =	sne.s32 s25, s14;
	[sflag:s21] =	ssyncadd.s32 $0xFFFFFEC0  }
.Ltmp9:
0x35d: {  	s0 =	simm.s32 $0x1C100;
	[tilespmem:$0x1C100] =	vst v0;
	(pc) =	sbr.rel @p0 .LBB2_1-.Ltmp9, $4  }
0x35e: {  	[hbm4b:s13+s2] =	stream.linear.scatter [tilespmem:s0], [sflag:$0x3], $0x80, $0x38;
	[tilespmem:$0x1C580] =	vst v63  }
0x35f: {  	_ =	swait.ge [sflag:s16], $0x80  }
0x360: {  	[sflag:s16] =	ssyncset.done $0x0  }
0x361: {  	[sflag:s16] =	ssyncadd.s32 $0xFFFFFF80  }
0x362: {  	_ =	sfence.sel $0x180000  }
0x363: {  	[bflag:$0x0] =	sbarrier.arrive $0xFFFF  }
0x364: {  	_ =	strace $0x9000004A  }
0x365: {  	s0 =	stileid.u32;
	[bflag:$0x2] =	sbarrier.arrive $0xFFFF  }
0x366: {  	p0 =	sne.s32 s0, $0x0;
	s0 =	rddreg [dreg:$0x2]  }
0x367: {  	s0 =	sadd.s32 @!p0 $0x100000, s0  }
0x368: {  	[sflag:s0] =	ssyncadd.tile.s32 @!p0 $0x1;
	_ =	shalt  }
.Lfunc_end2:
_tile_overlayer_lowered:
.L_overlay_start_2:
0x369: {  	(tag) =	ssettag $0x2  }
0x36a: {  	s0 =	rddreg [dreg:$0x0];
	s2 =	stileid.u32  }
0x36b: {  	s1 =	rddreg [dreg:$0x1];
	p0 =	sne.s32 s2, $0x0  }
0x36c: {  	s3 =	rddreg [dreg:$0x2];
	[bflag:$0x3] =	sbarrier.arrive $0xFFFF;
	s2 =	simm.s32 @!p0 $0x1C03  }
0x36d: {  	[timem:s3], [sflag:s2] =	dma.local @!p0 [hbm:s0], s1  }
0x36e: {  	s0 =	simm.s32 @!p0 $0x3  }
0x36f: {  	_ =	swait.ge @!p0 [sflag:s0], s1  }
0x370: {  	s1 =	ssub.s32 @!p0 $0x0, s1;
	[sflag:s0] =	ssyncset.done @!p0 $0x0  }
0x371: {  	[sflag:s0] =	ssyncadd.s32 @!p0 s1  }
0x372: {  	[bflag:$0x3] =	sbarrier.arrive $0xFFFF  }
0x373: {  	_ =	shalt  }

</sc_bundles>
